<compile_context>
chip_gen: v7x
topology: tpu7x:2x2x1
jax: 0.10.2.dev20260603
libtpu: 0.0.44.dev20260713+nightly
codegen_flags: <defaults>
</compile_context>

<pallas_src>
import functools

import jax
import jax.numpy as jnp
from jax import lax
from jax.experimental import pallas as pl
from jax.experimental.pallas import tpu as pltpu
from jax.experimental.pallas import tpu_sc as plsc

_NC = 2
_NS = 16
_NT = _NC * _NS
_L = 16
_CHUNK = 128
_D = 128


def _mesh():
    return plsc.VectorSubcoreMesh(core_axis_name="c", subcore_axis_name="s")


def _zero_vmem(ref, rows, width):
    def body(r, _):
        for k in range(width // _L):
            ref[r, pl.ds(k * _L, _L)] = jnp.zeros((_L,), jnp.float32)
        return 0
    lax.fori_loop(0, rows, body, 0)


def _sc_count(idx_arr, s_pad):
    nnz_pad = idx_arr.shape[0]
    per_tile = nnz_pad // _NT
    n_chunks = per_tile // _CHUNK
    s_rows = s_pad // _NS
    zrows = 160

    @functools.partial(
        pl.kernel,
        out_type=jax.ShapeDtypeStruct((_NC, s_pad, _D), jnp.float32),
        mesh=_mesh(),
        scratch_types=[
            pltpu.VMEM((_CHUNK,), jnp.int32),
            pltpu.VMEM((_CHUNK,), jnp.int32),
            pltpu.VMEM((_CHUNK, _D), jnp.float32),
            pltpu.VMEM((zrows, _D), jnp.float32),
            pltpu.VMEM_SHARED((s_pad, _D), jnp.float32),
            pltpu.SemaphoreType.DMA,
            pltpu.SemaphoreType.DMA,
            pltpu.SemaphoreType.DMA,
        ],
    )
    def k(i_hbm, o_hbm, idx0, idx1, ones, zbuf, acc, i0, i1, ssem):
        cid = lax.axis_index("c")
        sid = lax.axis_index("s")
        wid = sid * _NC + cid

        def fill_ones(r, _):
            for kk in range(_D // _L):
                ones[r, pl.ds(kk * _L, _L)] = jnp.ones((_L,), jnp.float32)
            return 0
        lax.fori_loop(0, _CHUNK, fill_ones, 0)
        _zero_vmem(zbuf, zrows, _D)
        base = sid * s_rows
        for t in range(s_rows // zrows):
            pltpu.sync_copy(zbuf, acc.at[pl.ds(base + t * zrows, zrows)])
        plsc.subcore_barrier()

        nbase = wid * per_tile
        idx = (idx0, idx1)
        isem = (i0, i1)

        def issue_idx(j, b):
            pltpu.async_copy(i_hbm.at[pl.ds(nbase + j * _CHUNK, _CHUNK)],
                             idx[b], isem[b])

        def step(j, b, prefetch, wait_sct):
            pltpu.make_async_copy(
                i_hbm.at[pl.ds(nbase + j * _CHUNK, _CHUNK)], idx[b],
                isem[b]).wait()
            if wait_sct:
                pltpu.make_async_copy(ones, acc.at[idx[1 - b]], ssem).wait()
            if prefetch:
                issue_idx(j + 1, 1 - b)
            pltpu.async_copy(ones, acc.at[idx[b]], ssem, add=True)

        issue_idx(0, 0)
        step(0, 0, True, False)

        def body(k2, _):
            for bb in range(2):
                j = 1 + k2 * 2 + bb
                step(j, (1 + bb) % 2, True, True)
            return 0
        lax.fori_loop(0, (n_chunks - 3) // 2, body, 0)
        step(n_chunks - 2, (n_chunks - 2) % 2, True, True)
        step(n_chunks - 1, (n_chunks - 1) % 2, False, True)
        pltpu.make_async_copy(ones, acc.at[idx[(n_chunks - 1) % 2]],
                              ssem).wait()

        plsc.subcore_barrier()
        pltpu.sync_copy(acc.at[pl.ds(base, s_rows)],
                        o_hbm.at[cid, pl.ds(base, s_rows)])

    return k(idx_arr)


def _tc_rcp(parts):
    s_pad = parts.shape[1]

    def body(a_ref, b_ref, o_ref):
        o_ref[...] = 1.0 / jnp.maximum(a_ref[...] + b_ref[...], 1.0)

    out = pl.pallas_call(
        body,
        out_shape=jax.ShapeDtypeStruct((s_pad, _D), jnp.float32),
    )(parts[0], parts[1])
    return out[:, :1]


def _tc_combine(parts, rcp_col, mode, mol=None):
    s_pad = parts.shape[1]
    block = 1280
    grid = s_pad // block
    row_spec = pl.BlockSpec((block, _D), lambda i: (i, 0))
    col_spec = pl.BlockSpec((block, 1), lambda i: (i, 0))

    def body(*refs):
        if mode == 2:
            a_ref, b_ref, r_ref, m_ref, o_ref = refs
        else:
            a_ref, b_ref, r_ref, o_ref = refs
        y = (a_ref[...] + b_ref[...]) * r_ref[...]
        if mode == 1:
            y = jnp.maximum(y, 0.0)
        if mode == 2:
            y = y + m_ref[...]
        o_ref[...] = y

    args = [parts[0], parts[1], rcp_col]
    in_specs = [row_spec, row_spec, col_spec]
    if mode == 2:
        args.append(mol)
        in_specs.append(row_spec)
    return pl.pallas_call(
        body,
        grid=(grid,),
        in_specs=in_specs,
        out_specs=row_spec,
        out_shape=jax.ShapeDtypeStruct((s_pad, _D), jnp.float32),
    )(*args)


def _sc_gather_rows(table, idx):
    n = idx.shape[0]
    rows_per_tile = n // _NT
    gchunk = 80
    n_chunks = rows_per_tile // gchunk

    @functools.partial(
        pl.kernel,
        out_type=jax.ShapeDtypeStruct((n, _D), jnp.float32),
        mesh=_mesh(),
        scratch_types=[
            pltpu.VMEM((gchunk,), jnp.int32),
            pltpu.VMEM((rows_per_tile, _D), jnp.float32),
            pltpu.SemaphoreType.DMA,
        ],
    )
    def k(t_hbm, i_hbm, o_hbm, gidx, rows, sem):
        cid = lax.axis_index("c")
        sid = lax.axis_index("s")
        wid = sid * _NC + cid
        base = wid * rows_per_tile

        def body(t, _):
            pltpu.sync_copy(i_hbm.at[pl.ds(base + t * gchunk, gchunk)], gidx)
            pltpu.async_copy(t_hbm.at[gidx], rows.at[pl.ds(t * gchunk, gchunk)],
                             sem).wait()
            return 0
        lax.fori_loop(0, n_chunks, body, 0)
        pltpu.sync_copy(rows, o_hbm.at[pl.ds(base, rows_per_tile)])

    return k(table, idx)


def _sc_segsum(x, src_idx, dst_idx, s_pad):
    nnz_pad = src_idx.shape[0]
    per_tile = nnz_pad // _NT
    n_chunks = per_tile // _CHUNK
    rows_per_tile = s_pad // _NS
    zrows = 40

    @functools.partial(
        pl.kernel,
        out_type=jax.ShapeDtypeStruct((_NC, s_pad, _D), jnp.float32),
        mesh=_mesh(),
        scratch_types=[
            pltpu.VMEM((_CHUNK,), jnp.int32),
            pltpu.VMEM((_CHUNK,), jnp.int32),
            pltpu.VMEM((_CHUNK,), jnp.int32),
            pltpu.VMEM((_CHUNK,), jnp.int32),
            pltpu.VMEM((_CHUNK, _D), jnp.float32),
            pltpu.VMEM((_CHUNK, _D), jnp.float32),
            pltpu.VMEM((zrows, _D), jnp.float32),
            pltpu.VMEM_SHARED((s_pad, _D), jnp.float32),
            pltpu.SemaphoreType.DMA,
            pltpu.SemaphoreType.DMA,
            pltpu.SemaphoreType.DMA,
            pltpu.SemaphoreType.DMA,
            pltpu.SemaphoreType.DMA,
        ],
    )
    def k(x_hbm, src_hbm, dst_hbm, out_hbm, sidx0, sidx1, didx0, didx1, rows0,
          rows1, zbuf, acc, g0, g1, isem0, isem1, ssem):
        cid = lax.axis_index("c")
        sid = lax.axis_index("s")
        wid = sid * _NC + cid
        _zero_vmem(zbuf, zrows, _D)
        base = sid * rows_per_tile
        for t in range(rows_per_tile // zrows):
            pltpu.sync_copy(zbuf, acc.at[pl.ds(base + t * zrows, zrows)])
        plsc.subcore_barrier()

        nbase = wid * per_tile
        sidx = (sidx0, sidx1)
        didx = (didx0, didx1)
        isem = (isem0, isem1)

        def issue_idx(j, b):
            off = nbase + j * _CHUNK
            pltpu.async_copy(src_hbm.at[pl.ds(off, _CHUNK)], sidx[b], isem[b])
            pltpu.async_copy(dst_hbm.at[pl.ds(off, _CHUNK)], didx[b], isem[b])

        def wait_idx(j, b):
            off = nbase + j * _CHUNK
            pltpu.make_async_copy(src_hbm.at[pl.ds(off, _CHUNK)], sidx[b],
                                  isem[b]).wait()
            pltpu.make_async_copy(dst_hbm.at[pl.ds(off, _CHUNK)], didx[b],
                                  isem[b]).wait()

        rows = (rows0, rows1)
        gsem = (g0, g1)

        def step(j, b, prefetch, wait_sct):
            wait_idx(j, b)
            if wait_sct:
                pltpu.make_async_copy(rows[b], acc.at[didx[b]], ssem).wait()
            pltpu.async_copy(x_hbm.at[sidx[b]], rows[b], gsem[b])
            if prefetch:
                issue_idx(j + 1, 1 - b)
            pltpu.make_async_copy(x_hbm.at[sidx[b]], rows[b], gsem[b]).wait()
            pltpu.async_copy(rows[b], acc.at[didx[b]], ssem, add=True)

        issue_idx(0, 0)
        step(0, 0, True, False)
        step(1, 1, True, False)

        def body(k2, _):
            for b in range(2):
                step(k2 * 2 + 2 + b, b, True, True)
            return 0
        lax.fori_loop(0, (n_chunks - 3) // 2, body, 0)
        step(n_chunks - 1, (n_chunks - 1) % 2, False, True)
        pltpu.make_async_copy(rows[0], acc.at[didx[0]], ssem).wait()
        pltpu.make_async_copy(rows[1], acc.at[didx[1]], ssem).wait()

        plsc.subcore_barrier()
        pltpu.sync_copy(acc.at[pl.ds(base, rows_per_tile)],
                        out_hbm.at[cid, pl.ds(base, rows_per_tile)])

    return k(x, src_idx, dst_idx)


def _tc_linear_relu(x, w, b):
    n, din = x.shape
    dout = w.shape[1]
    block = 1280
    grid = n // block

    def body(x_ref, w_ref, b_ref, o_ref):
        y = jnp.dot(x_ref[...], w_ref[...],
                    preferred_element_type=jnp.float32,
                    precision=lax.Precision.HIGHEST)
        o_ref[...] = jnp.maximum(y + b_ref[...], 0.0)

    return pl.pallas_call(
        body,
        grid=(grid,),
        in_specs=[
            pl.BlockSpec((block, din), lambda i: (i, 0)),
            pl.BlockSpec((din, dout), lambda i: (0, 0)),
            pl.BlockSpec((1, dout), lambda i: (0, 0)),
        ],
        out_specs=pl.BlockSpec((block, dout), lambda i: (i, 0)),
        out_shape=jax.ShapeDtypeStruct((n, dout), jnp.float32),
    )(x, w, b[None, :])


def _tc_tail(ft, yb, Wmu, bmu, Wlv, blv, W3, b3, gamma, beta, Wc, bc, Wd, bd):
    n = ft.shape[0]
    nl = yb.shape[1]
    zdim = Wmu.shape[1]
    block = 1000
    grid = n // block
    dotf = functools.partial(jnp.dot, preferred_element_type=jnp.float32,
                             precision=lax.Precision.HIGHEST)
    g2 = (gamma / jnp.sqrt(1.0 + 1e-5))[None, :]
    Wmu_x, Wmu_y = Wmu[:_D], Wmu[_D:]
    Wlv_x, Wlv_y = Wlv[:_D], Wlv[_D:]
    Wd_z, Wd_y = Wd[:zdim], Wd[zdim:]

    def body(ft_ref, yb_ref, wmux, wmuy, bmu_r, wlvx, wlvy, blv_r, w3, b3_r,
             g2_r, beta_r, wc, bc_r, wdz, wdy, bd_r,
             mu_o, lv_o, lg_o, xr_o):
        ftb = ft_ref[...]
        ybb = yb_ref[...]
        mu = dotf(ftb, wmux[...]) + dotf(ybb, wmuy[...]) + bmu_r[...]
        lv = dotf(ftb, wlvx[...]) + dotf(ybb, wlvy[...]) + blv_r[...]
        h = dotf(mu, w3[...]) + b3_r[...]
        h = jnp.maximum(g2_r[...] * h + beta_r[...], 0.0)
        lg = dotf(h, wc[...]) + bc_r[...]
        xr = dotf(mu, wdz[...]) + dotf(ybb, wdy[...]) + bd_r[...]
        mu_o[...] = mu
        lv_o[...] = lv
        lg_o[...] = lg
        xr_o[...] = xr

    row_spec = lambda d: pl.BlockSpec((block, d), lambda i: (i, 0))
    full = lambda a: pl.BlockSpec(a.shape, lambda i: (0,) * a.ndim)
    args = (ft, yb, Wmu_x, Wmu_y, bmu[None, :], Wlv_x, Wlv_y, blv[None, :],
            W3, b3[None, :], g2, beta[None, :], Wc, bc[None, :],
            Wd_z, Wd_y, bd[None, :])
    in_specs = [row_spec(_D), row_spec(nl)] + [full(a) for a in args[2:]]
    return pl.pallas_call(
        body,
        grid=(grid,),
        in_specs=in_specs,
        out_specs=(row_spec(zdim), row_spec(zdim), row_spec(nl), row_spec(_D)),
        out_shape=(
            jax.ShapeDtypeStruct((n, zdim), jnp.float32),
            jax.ShapeDtypeStruct((n, zdim), jnp.float32),
            jax.ShapeDtypeStruct((n, nl), jnp.float32),
            jax.ShapeDtypeStruct((n, _D), jnp.float32),
        ),
    )(*args)


def kernel(feature, v_idx, e_idx, y_bin, y_target, drug_matrix, new_data_idx,
           W1, b1, W2, b2, Wmu, bmu, Wlv, blv, W3, b3, gamma, beta, Wc, bc,
           Wd, bd):
    n_nodes, d = feature.shape
    nnz = v_idx.shape[0]
    n_he = 5000
    train = n_nodes - y_bin.shape[0]

    unit = _NT * _CHUNK
    nnz_pad = ((nnz + unit - 1) // unit) * unit
    e_pad = ((n_he + 1 + 255) // 256) * 256
    v_pad = ((n_nodes + 1 + 255) // 256) * 256

    v_idx = v_idx.astype(jnp.int32)
    e_idx = e_idx.astype(jnp.int32)
    v_idx_p = jnp.concatenate(
        [v_idx, jnp.full((nnz_pad - nnz,), n_nodes, jnp.int32)])
    e_idx_p = jnp.concatenate(
        [e_idx, jnp.full((nnz_pad - nnz,), n_he, jnp.int32)])
    nidx_p = jnp.concatenate(
        [new_data_idx.astype(jnp.int32),
         jnp.zeros((v_pad - n_nodes,), jnp.int32)])
    feat_in = jnp.pad(feature, ((0, v_pad - n_nodes), (0, 0)))

    e_rcp = _tc_rcp(_sc_count(e_idx_p, e_pad))
    v_rcp = _tc_rcp(_sc_count(v_idx_p, v_pad))
    mol = _sc_gather_rows(drug_matrix, nidx_p)

    x1 = _tc_linear_relu(feat_in, W1, b1)
    ep = _sc_segsum(x1, v_idx_p, e_idx_p, e_pad)
    e_feat = _tc_combine(ep, e_rcp, mode=0)
    vp = _sc_segsum(e_feat, e_idx_p, v_idx_p, v_pad)
    x1m = _tc_combine(vp, v_rcp, mode=1)

    x2 = _tc_linear_relu(x1m, W2, b2)
    ep2 = _sc_segsum(x2, v_idx_p, e_idx_p, e_pad)
    e_feat2 = _tc_combine(ep2, e_rcp, mode=0)
    vp2 = _sc_segsum(e_feat2, e_idx_p, v_idx_p, v_pad)
    feat_full = _tc_combine(vp2, v_rcp, mode=2, mol=mol)

    feat = feat_full[:n_nodes]
    ft = feat_full[train:n_nodes]
    mu, logvar, logits, x_reconst = _tc_tail(
        ft, y_bin, Wmu, bmu, Wlv, blv, W3, b3, gamma, beta, Wc, bc, Wd, bd)
    return (mu, logvar, mu, logits, x_reconst, y_target, feat)

# --- scband reference (transcript-rebuilt; emitter-appended) ---
"""Pipeline reference for scband-hgnnp-11914239279533 (READ-ONLY COPY).

The authoritative reference and input builder live on the scoring server;
editing this copy changes nothing except your own understanding.
"""

import jax, jax.numpy as jnp
import numpy as np

N_NODES = 10000
N_HE = 5000
NNZ = 320000
D = 128
ZDIM = 64
NUM_LABEL = 3
N_DRUGS = 500
TRAIN = 5000


def _lin_init(key, fan_in, fan_out):
    kw, kb = jax.random.split(key)
    bound = 1.0 / np.sqrt(fan_in)
    W = jax.random.uniform(kw, (fan_in, fan_out), minval=-bound, maxval=bound, dtype=jnp.float32)
    b = jax.random.uniform(kb, (fan_out,), minval=-bound, maxval=bound, dtype=jnp.float32)
    return W, b


def setup_inputs(seed: int = 0):
    key = jax.random.key(seed)
    ks = jax.random.split(key, 16)
    feature = jax.random.normal(ks[0], (N_NODES, D), dtype=jnp.float32)
    v_idx = jax.random.randint(ks[1], (NNZ,), 0, N_NODES, dtype=jnp.int64 if jax.config.read('jax_enable_x64') else jnp.int32)
    e_idx = jax.random.randint(ks[2], (NNZ,), 0, N_HE, dtype=v_idx.dtype)
    y_bin = jax.random.uniform(ks[3], (N_NODES - TRAIN, NUM_LABEL), dtype=jnp.float32)
    y_target = jax.random.randint(ks[4], (N_NODES - TRAIN,), 0, NUM_LABEL, dtype=v_idx.dtype)
    drug_matrix = jax.random.normal(ks[5], (N_DRUGS, D), dtype=jnp.float32)
    new_data_idx = jax.random.randint(ks[6], (N_NODES,), 0, N_DRUGS, dtype=v_idx.dtype)
    W1, b1 = _lin_init(ks[7], D, D)
    W2, b2 = _lin_init(ks[8], D, D)
    Wmu, bmu = _lin_init(ks[9], D + NUM_LABEL, ZDIM)
    Wlv, blv = _lin_init(ks[10], D + NUM_LABEL, ZDIM)
    W3, b3 = _lin_init(ks[11], ZDIM, 64)
    gamma = jnp.ones((64,), dtype=jnp.float32)
    beta = jnp.zeros((64,), dtype=jnp.float32)
    Wc, bc = _lin_init(ks[12], 64, 3)
    Wd, bd = _lin_init(ks[13], ZDIM + NUM_LABEL, D)
    return {
        'feature': feature, 'v_idx': v_idx, 'e_idx': e_idx, 'y_bin': y_bin,
        'y_target': y_target, 'drug_matrix': drug_matrix, 'new_data_idx': new_data_idx,
        'W1': W1, 'b1': b1, 'W2': W2, 'b2': b2, 'Wmu': Wmu, 'bmu': bmu,
        'Wlv': Wlv, 'blv': blv, 'W3': W3, 'b3': b3, 'gamma': gamma, 'beta': beta,
        'Wc': Wc, 'bc': bc, 'Wd': Wd, 'bd': bd,
    }


def _v2v_mean(X, v_idx, e_idx):
    # HGNN+ two-stage message passing: vertex->hyperedge mean, hyperedge->vertex mean
    ones = jnp.ones((v_idx.shape[0], 1), dtype=X.dtype)
    e_sum = jax.ops.segment_sum(jnp.take(X, v_idx, axis=0), e_idx, num_segments=N_HE)
    e_cnt = jax.ops.segment_sum(ones, e_idx, num_segments=N_HE)
    e_feat = e_sum / jnp.clip(e_cnt, 1.0, None)
    v_sum = jax.ops.segment_sum(jnp.take(e_feat, e_idx, axis=0), v_idx, num_segments=N_NODES)
    v_cnt = jax.ops.segment_sum(ones, v_idx, num_segments=N_NODES)
    return v_sum / jnp.clip(v_cnt, 1.0, None)


def _hgnnp_conv(X, W, b, v_idx, e_idx, is_last):
    X = jax.nn.relu(X @ W + b)
    X = jax.lax.stop_gradient(X)  # .detach() in torch forward
    X = _v2v_mean(X, v_idx, e_idx)
    if not is_last:
        X = jax.nn.relu(X)  # dropout is identity in eval / drop_rate=0
    return X


def reference(feature, v_idx, e_idx, y_bin, y_target, drug_matrix, new_data_idx,
              W1, b1, W2, b2, Wmu, bmu, Wlv, blv, W3, b3, gamma, beta, Wc, bc, Wd, bd):
    X = _hgnnp_conv(feature, W1, b1, v_idx, e_idx, False)
    X = _hgnnp_conv(X, W2, b2, v_idx, e_idx, True)
    molecular_feats = jnp.take(drug_matrix, new_data_idx, axis=0)
    feat = X + molecular_feats
    features_test = feat[TRAIN:]
    x = jnp.concatenate([features_test, y_bin], axis=-1)  # generative=True
    mu = x @ Wmu + bmu
    logvar = x @ Wlv + blv
    z1 = mu  # reparameterize returns mu in eval (iftrain=False)
    h = z1 @ W3 + b3
    h = gamma * (h / jnp.sqrt(1.0 + 1e-5)) + beta  # BatchNorm1d eval, running mean 0 var 1
    h = jax.nn.relu(h)
    logits = h @ Wc + bc
    x_reconst = jnp.concatenate([z1, y_bin], axis=-1) @ Wd + bd
    return (mu, logvar, z1, logits, x_reconst, y_target, feat)

if __name__ == "__main__":
    import jax
    _d = setup_inputs()
    print(jax.jit(kernel)(*tuple(_d.values())))

</pallas_src>

<mosaic_0001>
#map = affine_map<(d0, d1) -> (0)>
#map1 = affine_map<(d0, d1) -> (0, 0, 0)>
module attributes {stable_mosaic.version = 14 : i64} {
  func.func @k(%arg0: i32, %arg1: i32, %arg2: memref<323584xi32, #tpu.memory_space<hbm>>, %arg3: memref<2x5120x128xf32, #tpu.memory_space<hbm>>, %arg4: memref<128xi32, #tpu.memory_space<vmem>>, %arg5: memref<128xi32, #tpu.memory_space<vmem>>, %arg6: memref<128x128xf32, #tpu.memory_space<vmem>>, %arg7: memref<160x128xf32, #tpu.memory_space<vmem>>, %arg8: memref<5120x128xf32, #tpu.memory_space<vmem_shared>>, %arg9: memref<!tpu.dma_semaphore, #tpu.memory_space<semaphore_mem>>, %arg10: memref<!tpu.dma_semaphore, #tpu.memory_space<semaphore_mem>>, %arg11: memref<!tpu.dma_semaphore, #tpu.memory_space<semaphore_mem>>) attributes {dimension_semantics = [#tpu.dimension_semantics<core_parallel>, #tpu.dimension_semantics<subcore_parallel>], iteration_bounds = array<i64: 2, 16>, scalar_prefetch = 0 : i64, scratch_operands = 8 : i64, tpu.core_type = #tpu.core_type<sc_vector_subcore>, window_params = [{transform_indices = #map}, {transform_indices = #map1}]} {
    %mul3A = arith.constant 2 : i32
    %mul3A_0 = arith.muli %arg1, %mul3A : i32
    %add3A = arith.addi %mul3A_0, %arg0 : i32
    %scan3A = arith.constant 0 : i32
    %scan3A_1 = arith.constant 0 : i32
    %scan3A_2 = arith.constant 128 : i32
    %scan3A_3 = arith.addi %scan3A_1, %scan3A_2 : i32
    %scan3A_4 = arith.constant 1 : i32
    %scan3A_5 = scf.for %scan3A_70 = %scan3A_1 to %scan3A_3 step %scan3A_4 iter_args(%scan3A_71 = %scan3A) -> (i32)  : i32 {
      %broadcast_in_dim3A = arith.constant 1.000000e+00 : f32
      %broadcast_in_dim3A_72 = vector.broadcast %broadcast_in_dim3A : f32 to vector<16xf32>
      %swap3A = arith.index_cast %scan3A_70 : i32 to index
      %swap3A_73 = arith.constant 0 : index
      %swap3A_74 = tpu.vector_load %arg6[%swap3A, %swap3A_73] {strides = array<i32>} : memref<128x128xf32, #tpu.memory_space<vmem>>, vector<1x16xf32>,
      %swap3A_75 = vector.shape_cast %swap3A_74 : vector<1x16xf32> to vector<16xf32>
      %swap3A_76 = vector.shape_cast %broadcast_in_dim3A_72 : vector<16xf32> to vector<1x16xf32>
      tpu.vector_store %arg6[%swap3A, %swap3A_73], %swap3A_76 {strides = array<i32>} : memref<128x128xf32, #tpu.memory_space<vmem>>, vector<1x16xf32>,
      %broadcast_in_dim3A_77 = arith.constant 1.000000e+00 : f32
      %broadcast_in_dim3A_78 = vector.broadcast %broadcast_in_dim3A_77 : f32 to vector<16xf32>
      %swap3A_79 = arith.index_cast %scan3A_70 : i32 to index
      %swap3A_80 = arith.constant 16 : index
      %swap3A_81 = tpu.vector_load %arg6[%swap3A_79, %swap3A_80] {strides = array<i32>} : memref<128x128xf32, #tpu.memory_space<vmem>>, vector<1x16xf32>,
      %swap3A_82 = vector.shape_cast %swap3A_81 : vector<1x16xf32> to vector<16xf32>
      %swap3A_83 = vector.shape_cast %broadcast_in_dim3A_78 : vector<16xf32> to vector<1x16xf32>
      tpu.vector_store %arg6[%swap3A_79, %swap3A_80], %swap3A_83 {strides = array<i32>} : memref<128x128xf32, #tpu.memory_space<vmem>>, vector<1x16xf32>,
      %broadcast_in_dim3A_84 = arith.constant 1.000000e+00 : f32
      %broadcast_in_dim3A_85 = vector.broadcast %broadcast_in_dim3A_84 : f32 to vector<16xf32>
      %swap3A_86 = arith.index_cast %scan3A_70 : i32 to index
      %swap3A_87 = arith.constant 32 : index
      %swap3A_88 = tpu.vector_load %arg6[%swap3A_86, %swap3A_87] {strides = array<i32>} : memref<128x128xf32, #tpu.memory_space<vmem>>, vector<1x16xf32>,
      %swap3A_89 = vector.shape_cast %swap3A_88 : vector<1x16xf32> to vector<16xf32>
      %swap3A_90 = vector.shape_cast %broadcast_in_dim3A_85 : vector<16xf32> to vector<1x16xf32>
      tpu.vector_store %arg6[%swap3A_86, %swap3A_87], %swap3A_90 {strides = array<i32>} : memref<128x128xf32, #tpu.memory_space<vmem>>, vector<1x16xf32>,
      %broadcast_in_dim3A_91 = arith.constant 1.000000e+00 : f32
      %broadcast_in_dim3A_92 = vector.broadcast %broadcast_in_dim3A_91 : f32 to vector<16xf32>
      %swap3A_93 = arith.index_cast %scan3A_70 : i32 to index
      %swap3A_94 = arith.constant 48 : index
      %swap3A_95 = tpu.vector_load %arg6[%swap3A_93, %swap3A_94] {strides = array<i32>} : memref<128x128xf32, #tpu.memory_space<vmem>>, vector<1x16xf32>,
      %swap3A_96 = vector.shape_cast %swap3A_95 : vector<1x16xf32> to vector<16xf32>
      %swap3A_97 = vector.shape_cast %broadcast_in_dim3A_92 : vector<16xf32> to vector<1x16xf32>
      tpu.vector_store %arg6[%swap3A_93, %swap3A_94], %swap3A_97 {strides = array<i32>} : memref<128x128xf32, #tpu.memory_space<vmem>>, vector<1x16xf32>,
      %broadcast_in_dim3A_98 = arith.constant 1.000000e+00 : f32
      %broadcast_in_dim3A_99 = vector.broadcast %broadcast_in_dim3A_98 : f32 to vector<16xf32>
      %swap3A_100 = arith.index_cast %scan3A_70 : i32 to index
      %swap3A_101 = arith.constant 64 : index
      %swap3A_102 = tpu.vector_load %arg6[%swap3A_100, %swap3A_101] {strides = array<i32>} : memref<128x128xf32, #tpu.memory_space<vmem>>, vector<1x16xf32>,
      %swap3A_103 = vector.shape_cast %swap3A_102 : vector<1x16xf32> to vector<16xf32>
      %swap3A_104 = vector.shape_cast %broadcast_in_dim3A_99 : vector<16xf32> to vector<1x16xf32>
      tpu.vector_store %arg6[%swap3A_100, %swap3A_101], %swap3A_104 {strides = array<i32>} : memref<128x128xf32, #tpu.memory_space<vmem>>, vector<1x16xf32>,
      %broadcast_in_dim3A_105 = arith.constant 1.000000e+00 : f32
      %broadcast_in_dim3A_106 = vector.broadcast %broadcast_in_dim3A_105 : f32 to vector<16xf32>
      %swap3A_107 = arith.index_cast %scan3A_70 : i32 to index
      %swap3A_108 = arith.constant 80 : index
      %swap3A_109 = tpu.vector_load %arg6[%swap3A_107, %swap3A_108] {strides = array<i32>} : memref<128x128xf32, #tpu.memory_space<vmem>>, vector<1x16xf32>,
      %swap3A_110 = vector.shape_cast %swap3A_109 : vector<1x16xf32> to vector<16xf32>
      %swap3A_111 = vector.shape_cast %broadcast_in_dim3A_106 : vector<16xf32> to vector<1x16xf32>
      tpu.vector_store %arg6[%swap3A_107, %swap3A_108], %swap3A_111 {strides = array<i32>} : memref<128x128xf32, #tpu.memory_space<vmem>>, vector<1x16xf32>,
      %broadcast_in_dim3A_112 = arith.constant 1.000000e+00 : f32
      %broadcast_in_dim3A_113 = vector.broadcast %broadcast_in_dim3A_112 : f32 to vector<16xf32>
      %swap3A_114 = arith.index_cast %scan3A_70 : i32 to index
      %swap3A_115 = arith.constant 96 : index
      %swap3A_116 = tpu.vector_load %arg6[%swap3A_114, %swap3A_115] {strides = array<i32>} : memref<128x128xf32, #tpu.memory_space<vmem>>, vector<1x16xf32>,
      %swap3A_117 = vector.shape_cast %swap3A_116 : vector<1x16xf32> to vector<16xf32>
      %swap3A_118 = vector.shape_cast %broadcast_in_dim3A_113 : vector<16xf32> to vector<1x16xf32>
      tpu.vector_store %arg6[%swap3A_114, %swap3A_115], %swap3A_118 {strides = array<i32>} : memref<128x128xf32, #tpu.memory_space<vmem>>, vector<1x16xf32>,
      %broadcast_in_dim3A_119 = arith.constant 1.000000e+00 : f32
      %broadcast_in_dim3A_120 = vector.broadcast %broadcast_in_dim3A_119 : f32 to vector<16xf32>
      %swap3A_121 = arith.index_cast %scan3A_70 : i32 to index
      %swap3A_122 = arith.constant 112 : index
      %swap3A_123 = tpu.vector_load %arg6[%swap3A_121, %swap3A_122] {strides = array<i32>} : memref<128x128xf32, #tpu.memory_space<vmem>>, vector<1x16xf32>,
      %swap3A_124 = vector.shape_cast %swap3A_123 : vector<1x16xf32> to vector<16xf32>
      %swap3A_125 = vector.shape_cast %broadcast_in_dim3A_120 : vector<16xf32> to vector<1x16xf32>
      tpu.vector_store %arg6[%swap3A_121, %swap3A_122], %swap3A_125 {strides = array<i32>} : memref<128x128xf32, #tpu.memory_space<vmem>>, vector<1x16xf32>,
      %scan3A_126 = arith.constant 0 : i32
      scf.yield %scan3A_126 : i32
    }
    %scan3A_6 = arith.constant 128 : i32
    %scan3A_7 = arith.constant 0 : i32
    %scan3A_8 = arith.constant 0 : i32
    %scan3A_9 = arith.constant 160 : i32
    %scan3A_10 = arith.addi %scan3A_8, %scan3A_9 : i32
    %scan3A_11 = arith.constant 1 : i32
    %scan3A_12 = scf.for %scan3A_70 = %scan3A_8 to %scan3A_10 step %scan3A_11 iter_args(%scan3A_71 = %scan3A_7) -> (i32)  : i32 {
      %broadcast_in_dim3A = arith.constant 0.000000e+00 : f32
      %broadcast_in_dim3A_72 = vector.broadcast %broadcast_in_dim3A : f32 to vector<16xf32>
      %swap3A = arith.index_cast %scan3A_70 : i32 to index
      %swap3A_73 = arith.constant 0 : index
      %swap3A_74 = tpu.vector_load %arg7[%swap3A, %swap3A_73] {strides = array<i32>} : memref<160x128xf32, #tpu.memory_space<vmem>>, vector<1x16xf32>,
      %swap3A_75 = vector.shape_cast %swap3A_74 : vector<1x16xf32> to vector<16xf32>
      %swap3A_76 = vector.shape_cast %broadcast_in_dim3A_72 : vector<16xf32> to vector<1x16xf32>
      tpu.vector_store %arg7[%swap3A, %swap3A_73], %swap3A_76 {strides = array<i32>} : memref<160x128xf32, #tpu.memory_space<vmem>>, vector<1x16xf32>,
      %broadcast_in_dim3A_77 = arith.constant 0.000000e+00 : f32
      %broadcast_in_dim3A_78 = vector.broadcast %broadcast_in_dim3A_77 : f32 to vector<16xf32>
      %swap3A_79 = arith.index_cast %scan3A_70 : i32 to index
      %swap3A_80 = arith.constant 16 : index
      %swap3A_81 = tpu.vector_load %arg7[%swap3A_79, %swap3A_80] {strides = array<i32>} : memref<160x128xf32, #tpu.memory_space<vmem>>, vector<1x16xf32>,
      %swap3A_82 = vector.shape_cast %swap3A_81 : vector<1x16xf32> to vector<16xf32>
      %swap3A_83 = vector.shape_cast %broadcast_in_dim3A_78 : vector<16xf32> to vector<1x16xf32>
      tpu.vector_store %arg7[%swap3A_79, %swap3A_80], %swap3A_83 {strides = array<i32>} : memref<160x128xf32, #tpu.memory_space<vmem>>, vector<1x16xf32>,
      %broadcast_in_dim3A_84 = arith.constant 0.000000e+00 : f32
      %broadcast_in_dim3A_85 = vector.broadcast %broadcast_in_dim3A_84 : f32 to vector<16xf32>
      %swap3A_86 = arith.index_cast %scan3A_70 : i32 to index
      %swap3A_87 = arith.constant 32 : index
      %swap3A_88 = tpu.vector_load %arg7[%swap3A_86, %swap3A_87] {strides = array<i32>} : memref<160x128xf32, #tpu.memory_space<vmem>>, vector<1x16xf32>,
      %swap3A_89 = vector.shape_cast %swap3A_88 : vector<1x16xf32> to vector<16xf32>
      %swap3A_90 = vector.shape_cast %broadcast_in_dim3A_85 : vector<16xf32> to vector<1x16xf32>
      tpu.vector_store %arg7[%swap3A_86, %swap3A_87], %swap3A_90 {strides = array<i32>} : memref<160x128xf32, #tpu.memory_space<vmem>>, vector<1x16xf32>,
      %broadcast_in_dim3A_91 = arith.constant 0.000000e+00 : f32
      %broadcast_in_dim3A_92 = vector.broadcast %broadcast_in_dim3A_91 : f32 to vector<16xf32>
      %swap3A_93 = arith.index_cast %scan3A_70 : i32 to index
      %swap3A_94 = arith.constant 48 : index
      %swap3A_95 = tpu.vector_load %arg7[%swap3A_93, %swap3A_94] {strides = array<i32>} : memref<160x128xf32, #tpu.memory_space<vmem>>, vector<1x16xf32>,
      %swap3A_96 = vector.shape_cast %swap3A_95 : vector<1x16xf32> to vector<16xf32>
      %swap3A_97 = vector.shape_cast %broadcast_in_dim3A_92 : vector<16xf32> to vector<1x16xf32>
      tpu.vector_store %arg7[%swap3A_93, %swap3A_94], %swap3A_97 {strides = array<i32>} : memref<160x128xf32, #tpu.memory_space<vmem>>, vector<1x16xf32>,
      %broadcast_in_dim3A_98 = arith.constant 0.000000e+00 : f32
      %broadcast_in_dim3A_99 = vector.broadcast %broadcast_in_dim3A_98 : f32 to vector<16xf32>
      %swap3A_100 = arith.index_cast %scan3A_70 : i32 to index
      %swap3A_101 = arith.constant 64 : index
      %swap3A_102 = tpu.vector_load %arg7[%swap3A_100, %swap3A_101] {strides = array<i32>} : memref<160x128xf32, #tpu.memory_space<vmem>>, vector<1x16xf32>,
      %swap3A_103 = vector.shape_cast %swap3A_102 : vector<1x16xf32> to vector<16xf32>
      %swap3A_104 = vector.shape_cast %broadcast_in_dim3A_99 : vector<16xf32> to vector<1x16xf32>
      tpu.vector_store %arg7[%swap3A_100, %swap3A_101], %swap3A_104 {strides = array<i32>} : memref<160x128xf32, #tpu.memory_space<vmem>>, vector<1x16xf32>,
      %broadcast_in_dim3A_105 = arith.constant 0.000000e+00 : f32
      %broadcast_in_dim3A_106 = vector.broadcast %broadcast_in_dim3A_105 : f32 to vector<16xf32>
      %swap3A_107 = arith.index_cast %scan3A_70 : i32 to index
      %swap3A_108 = arith.constant 80 : index
      %swap3A_109 = tpu.vector_load %arg7[%swap3A_107, %swap3A_108] {strides = array<i32>} : memref<160x128xf32, #tpu.memory_space<vmem>>, vector<1x16xf32>,
      %swap3A_110 = vector.shape_cast %swap3A_109 : vector<1x16xf32> to vector<16xf32>
      %swap3A_111 = vector.shape_cast %broadcast_in_dim3A_106 : vector<16xf32> to vector<1x16xf32>
      tpu.vector_store %arg7[%swap3A_107, %swap3A_108], %swap3A_111 {strides = array<i32>} : memref<160x128xf32, #tpu.memory_space<vmem>>, vector<1x16xf32>,
      %broadcast_in_dim3A_112 = arith.constant 0.000000e+00 : f32
      %broadcast_in_dim3A_113 = vector.broadcast %broadcast_in_dim3A_112 : f32 to vector<16xf32>
      %swap3A_114 = arith.index_cast %scan3A_70 : i32 to index
      %swap3A_115 = arith.constant 96 : index
      %swap3A_116 = tpu.vector_load %arg7[%swap3A_114, %swap3A_115] {strides = array<i32>} : memref<160x128xf32, #tpu.memory_space<vmem>>, vector<1x16xf32>,
      %swap3A_117 = vector.shape_cast %swap3A_116 : vector<1x16xf32> to vector<16xf32>
      %swap3A_118 = vector.shape_cast %broadcast_in_dim3A_113 : vector<16xf32> to vector<1x16xf32>
      tpu.vector_store %arg7[%swap3A_114, %swap3A_115], %swap3A_118 {strides = array<i32>} : memref<160x128xf32, #tpu.memory_space<vmem>>, vector<1x16xf32>,
      %broadcast_in_dim3A_119 = arith.constant 0.000000e+00 : f32
      %broadcast_in_dim3A_120 = vector.broadcast %broadcast_in_dim3A_119 : f32 to vector<16xf32>
      %swap3A_121 = arith.index_cast %scan3A_70 : i32 to index
      %swap3A_122 = arith.constant 112 : index
      %swap3A_123 = tpu.vector_load %arg7[%swap3A_121, %swap3A_122] {strides = array<i32>} : memref<160x128xf32, #tpu.memory_space<vmem>>, vector<1x16xf32>,
      %swap3A_124 = vector.shape_cast %swap3A_123 : vector<1x16xf32> to vector<16xf32>
      %swap3A_125 = vector.shape_cast %broadcast_in_dim3A_120 : vector<16xf32> to vector<1x16xf32>
      tpu.vector_store %arg7[%swap3A_121, %swap3A_122], %swap3A_125 {strides = array<i32>} : memref<160x128xf32, #tpu.memory_space<vmem>>, vector<1x16xf32>,
      %scan3A_126 = arith.constant 0 : i32
      scf.yield %scan3A_126 : i32
    }
    %scan3A_13 = arith.constant 160 : i32
    %mul3A_14 = arith.constant 320 : i32
    %mul3A_15 = arith.muli %arg1, %mul3A_14 : i32
    %add3A_16 = arith.constant 0 : i32
    %add3A_17 = arith.addi %mul3A_15, %add3A_16 : i32
    "tpu.region"() ({
      %run_scoped3A = tpu.sem_alloc : memref<!tpu.dma_semaphore, #tpu.memory_space<semaphore_mem>>
      %dma_start3A_70 = arith.constant 0 : i32
      %dma_start3A_71 = tpu.memref_slice %arg8[%add3A_17, %dma_start3A_70] : memref<5120x128xf32, #tpu.memory_space<vmem_shared>> -> memref<160x128xf32, #tpu.memory_space<vmem_shared>>
      %dma_start3A_72 = arith.constant 0 : i32
      %dma_start3A_73 = tpu.memref_slice %arg8[%add3A_17, %dma_start3A_72] : memref<5120x128xf32, #tpu.memory_space<vmem_shared>> -> memref<160x128xf32, #tpu.memory_space<vmem_shared>>
      tpu.enqueue_dma source(%arg7 : memref<160x128xf32, #tpu.memory_space<vmem>>) target(%dma_start3A_73 : memref<160x128xf32, #tpu.memory_space<vmem_shared>>) target_semaphore(%run_scoped3A : memref<!tpu.dma_semaphore, #tpu.memory_space<semaphore_mem>>)
      %dma_wait3A_74 = arith.constant 0 : i32
      %dma_wait3A_75 = tpu.memref_slice %arg8[%add3A_17, %dma_wait3A_74] : memref<5120x128xf32, #tpu.memory_space<vmem_shared>> -> memref<160x128xf32, #tpu.memory_space<vmem_shared>>
      %dma_wait3A_76 = arith.constant 0 : i32
      %dma_wait3A_77 = tpu.memref_slice %arg8[%add3A_17, %dma_wait3A_76] : memref<5120x128xf32, #tpu.memory_space<vmem_shared>> -> memref<160x128xf32, #tpu.memory_space<vmem_shared>>
      tpu.wait_dma2 semaphore(%run_scoped3A : memref<!tpu.dma_semaphore, #tpu.memory_space<semaphore_mem>>) src(%arg7 : memref<160x128xf32, #tpu.memory_space<vmem>>) dst(%dma_wait3A_77 : memref<160x128xf32, #tpu.memory_space<vmem_shared>>)
      tpu.yield
    }) : () -> ()
    %add3A_18 = arith.constant 160 : i32
    %add3A_19 = arith.addi %mul3A_15, %add3A_18 : i32
    "tpu.region"() ({
      %run_scoped3A = tpu.sem_alloc : memref<!tpu.dma_semaphore, #tpu.memory_space<semaphore_mem>>
      %dma_start3A_70 = arith.constant 0 : i32
      %dma_start3A_71 = tpu.memref_slice %arg8[%add3A_19, %dma_start3A_70] : memref<5120x128xf32, #tpu.memory_space<vmem_shared>> -> memref<160x128xf32, #tpu.memory_space<vmem_shared>>
      %dma_start3A_72 = arith.constant 0 : i32
      %dma_start3A_73 = tpu.memref_slice %arg8[%add3A_19, %dma_start3A_72] : memref<5120x128xf32, #tpu.memory_space<vmem_shared>> -> memref<160x128xf32, #tpu.memory_space<vmem_shared>>
      tpu.enqueue_dma source(%arg7 : memref<160x128xf32, #tpu.memory_space<vmem>>) target(%dma_start3A_73 : memref<160x128xf32, #tpu.memory_space<vmem_shared>>) target_semaphore(%run_scoped3A : memref<!tpu.dma_semaphore, #tpu.memory_space<semaphore_mem>>)
      %dma_wait3A_74 = arith.constant 0 : i32
      %dma_wait3A_75 = tpu.memref_slice %arg8[%add3A_19, %dma_wait3A_74] : memref<5120x128xf32, #tpu.memory_space<vmem_shared>> -> memref<160x128xf32, #tpu.memory_space<vmem_shared>>
      %dma_wait3A_76 = arith.constant 0 : i32
      %dma_wait3A_77 = tpu.memref_slice %arg8[%add3A_19, %dma_wait3A_76] : memref<5120x128xf32, #tpu.memory_space<vmem_shared>> -> memref<160x128xf32, #tpu.memory_space<vmem_shared>>
      tpu.wait_dma2 semaphore(%run_scoped3A : memref<!tpu.dma_semaphore, #tpu.memory_space<semaphore_mem>>) src(%arg7 : memref<160x128xf32, #tpu.memory_space<vmem>>) dst(%dma_wait3A_77 : memref<160x128xf32, #tpu.memory_space<vmem_shared>>)
      tpu.yield
    }) : () -> ()
    %barrier3A = arith.constant 0 : index
    tpu.barrier barrier_id(%barrier3A)
    %mul3A_20 = arith.constant 10112 : i32
    %mul3A_21 = arith.muli %add3A, %mul3A_20 : i32
    %add3A_22 = arith.constant 0 : i32
    %add3A_23 = arith.addi %mul3A_21, %add3A_22 : i32
    %dma_start3A = tpu.memref_slice %arg2[%add3A_23] : memref<323584xi32, #tpu.memory_space<hbm>> -> memref<128xi32, #tpu.memory_space<hbm>>
    %dma_start3A_24 = tpu.memref_slice %arg2[%add3A_23] : memref<323584xi32, #tpu.memory_space<hbm>> -> memref<128xi32, #tpu.memory_space<hbm>>
    tpu.enqueue_dma source(%dma_start3A_24 : memref<128xi32, #tpu.memory_space<hbm>>) target(%arg4 : memref<128xi32, #tpu.memory_space<vmem>>) target_semaphore(%arg9 : memref<!tpu.dma_semaphore, #tpu.memory_space<semaphore_mem>>)
    %add3A_25 = arith.constant 0 : i32
    %add3A_26 = arith.addi %mul3A_21, %add3A_25 : i32
    %dma_wait3A = tpu.memref_slice %arg2[%add3A_26] : memref<323584xi32, #tpu.memory_space<hbm>> -> memref<128xi32, #tpu.memory_space<hbm>>
    %dma_wait3A_27 = tpu.memref_slice %arg2[%add3A_26] : memref<323584xi32, #tpu.memory_space<hbm>> -> memref<128xi32, #tpu.memory_space<hbm>>
    tpu.wait_dma2 semaphore(%arg9 : memref<!tpu.dma_semaphore, #tpu.memory_space<semaphore_mem>>) src(%dma_wait3A_27 : memref<128xi32, #tpu.memory_space<hbm>>) dst(%arg4 : memref<128xi32, #tpu.memory_space<vmem>>)
    %add3A_28 = arith.constant 128 : i32
    %add3A_29 = arith.addi %mul3A_21, %add3A_28 : i32
    %dma_start3A_30 = tpu.memref_slice %arg2[%add3A_29] : memref<323584xi32, #tpu.memory_space<hbm>> -> memref<128xi32, #tpu.memory_space<hbm>>
    %dma_start3A_31 = tpu.memref_slice %arg2[%add3A_29] : memref<323584xi32, #tpu.memory_space<hbm>> -> memref<128xi32, #tpu.memory_space<hbm>>
    tpu.enqueue_dma source(%dma_start3A_31 : memref<128xi32, #tpu.memory_space<hbm>>) target(%arg5 : memref<128xi32, #tpu.memory_space<vmem>>) target_semaphore(%arg10 : memref<!tpu.dma_semaphore, #tpu.memory_space<semaphore_mem>>)
    %dma_start3A_32 = arith.constant 0 : i32
    %dma_start3A_33 = arith.constant 0 : i32
    %dma_start3A_34 = tpu.memref_slice %arg8[%dma_start3A_32, %dma_start3A_33] : memref<5120x128xf32, #tpu.memory_space<vmem_shared>> -> memref<5120x128xf32, #tpu.memory_space<vmem_shared>>
    tpu.enqueue_indirect_dma source(%arg6 : memref<128x128xf32, #tpu.memory_space<vmem>>) target(%dma_start3A_34 : memref<5120x128xf32, #tpu.memory_space<vmem_shared>>) offsets(%arg4 : memref<128xi32, #tpu.memory_space<vmem>>) semaphore(%arg11 : memref<!tpu.dma_semaphore, #tpu.memory_space<semaphore_mem>>) {add = true}
    %scan3A_35 = arith.constant 0 : i32
    %scan3A_36 = arith.constant 0 : i32
    %scan3A_37 = arith.constant 38 : i32
    %scan3A_38 = arith.addi %scan3A_36, %scan3A_37 : i32
    %scan3A_39 = arith.constant 1 : i32
    %scan3A_40 = scf.for %scan3A_70 = %scan3A_36 to %scan3A_38 step %scan3A_39 iter_args(%scan3A_71 = %scan3A_35) -> (i32)  : i32 {
      %mul3A_72 = arith.constant 2 : i32
      %mul3A_73 = arith.muli %scan3A_70, %mul3A_72 : i32
      %add3A_74 = arith.constant 1 : i32
      %add3A_75 = arith.addi %add3A_74, %mul3A_73 : i32
      %add3A_76 = arith.constant 0 : i32
      %add3A_77 = arith.addi %add3A_75, %add3A_76 : i32
      %mul3A_78 = arith.constant 128 : i32
      %mul3A_79 = arith.muli %add3A_77, %mul3A_78 : i32
      %add3A_80 = arith.addi %mul3A_21, %mul3A_79 : i32
      %dma_wait3A_81 = tpu.memref_slice %arg2[%add3A_80] : memref<323584xi32, #tpu.memory_space<hbm>> -> memref<128xi32, #tpu.memory_space<hbm>>
      %dma_wait3A_82 = tpu.memref_slice %arg2[%add3A_80] : memref<323584xi32, #tpu.memory_space<hbm>> -> memref<128xi32, #tpu.memory_space<hbm>>
      tpu.wait_dma2 semaphore(%arg10 : memref<!tpu.dma_semaphore, #tpu.memory_space<semaphore_mem>>) src(%dma_wait3A_82 : memref<128xi32, #tpu.memory_space<hbm>>) dst(%arg5 : memref<128xi32, #tpu.memory_space<vmem>>)
      %dma_wait3A_83 = arith.constant 0 : i32
      %dma_wait3A_84 = arith.constant 0 : i32
      %dma_wait3A_85 = tpu.memref_slice %arg8[%dma_wait3A_83, %dma_wait3A_84] : memref<5120x128xf32, #tpu.memory_space<vmem_shared>> -> memref<5120x128xf32, #tpu.memory_space<vmem_shared>>
      tpu.wait_indirect_dma semaphore(%arg11 : memref<!tpu.dma_semaphore, #tpu.memory_space<semaphore_mem>>) src(%arg6 : memref<128x128xf32, #tpu.memory_space<vmem>>) dst(%dma_wait3A_85 : memref<5120x128xf32, #tpu.memory_space<vmem_shared>>)
      %add3A_86 = arith.constant 1 : i32
      %add3A_87 = arith.addi %add3A_77, %add3A_86 : i32
      %mul3A_88 = arith.constant 128 : i32
      %mul3A_89 = arith.muli %add3A_87, %mul3A_88 : i32
      %add3A_90 = arith.addi %mul3A_21, %mul3A_89 : i32
      %dma_start3A_91 = tpu.memref_slice %arg2[%add3A_90] : memref<323584xi32, #tpu.memory_space<hbm>> -> memref<128xi32, #tpu.memory_space<hbm>>
      %dma_start3A_92 = tpu.memref_slice %arg2[%add3A_90] : memref<323584xi32, #tpu.memory_space<hbm>> -> memref<128xi32, #tpu.memory_space<hbm>>
      tpu.enqueue_dma source(%dma_start3A_92 : memref<128xi32, #tpu.memory_space<hbm>>) target(%arg4 : memref<128xi32, #tpu.memory_space<vmem>>) target_semaphore(%arg9 : memref<!tpu.dma_semaphore, #tpu.memory_space<semaphore_mem>>)
      %dma_start3A_93 = arith.constant 0 : i32
      %dma_start3A_94 = arith.constant 0 : i32
      %dma_start3A_95 = tpu.memref_slice %arg8[%dma_start3A_93, %dma_start3A_94] : memref<5120x128xf32, #tpu.memory_space<vmem_shared>> -> memref<5120x128xf32, #tpu.memory_space<vmem_shared>>
      tpu.enqueue_indirect_dma source(%arg6 : memref<128x128xf32, #tpu.memory_space<vmem>>) target(%dma_start3A_95 : memref<5120x128xf32, #tpu.memory_space<vmem_shared>>) offsets(%arg5 : memref<128xi32, #tpu.memory_space<vmem>>) semaphore(%arg11 : memref<!tpu.dma_semaphore, #tpu.memory_space<semaphore_mem>>) {add = true}
      %mul3A_96 = arith.constant 2 : i32
      %mul3A_97 = arith.muli %scan3A_70, %mul3A_96 : i32
      %add3A_98 = arith.constant 1 : i32
      %add3A_99 = arith.addi %add3A_98, %mul3A_97 : i32
      %add3A_100 = arith.constant 1 : i32
      %add3A_101 = arith.addi %add3A_99, %add3A_100 : i32
      %mul3A_102 = arith.constant 128 : i32
      %mul3A_103 = arith.muli %add3A_101, %mul3A_102 : i32
      %add3A_104 = arith.addi %mul3A_21, %mul3A_103 : i32
      %dma_wait3A_105 = tpu.memref_slice %arg2[%add3A_104] : memref<323584xi32, #tpu.memory_space<hbm>> -> memref<128xi32, #tpu.memory_space<hbm>>
      %dma_wait3A_106 = tpu.memref_slice %arg2[%add3A_104] : memref<323584xi32, #tpu.memory_space<hbm>> -> memref<128xi32, #tpu.memory_space<hbm>>
      tpu.wait_dma2 semaphore(%arg9 : memref<!tpu.dma_semaphore, #tpu.memory_space<semaphore_mem>>) src(%dma_wait3A_106 : memref<128xi32, #tpu.memory_space<hbm>>) dst(%arg4 : memref<128xi32, #tpu.memory_space<vmem>>)
      %dma_wait3A_107 = arith.constant 0 : i32
      %dma_wait3A_108 = arith.constant 0 : i32
      %dma_wait3A_109 = tpu.memref_slice %arg8[%dma_wait3A_107, %dma_wait3A_108] : memref<5120x128xf32, #tpu.memory_space<vmem_shared>> -> memref<5120x128xf32, #tpu.memory_space<vmem_shared>>
      tpu.wait_indirect_dma semaphore(%arg11 : memref<!tpu.dma_semaphore, #tpu.memory_space<semaphore_mem>>) src(%arg6 : memref<128x128xf32, #tpu.memory_space<vmem>>) dst(%dma_wait3A_109 : memref<5120x128xf32, #tpu.memory_space<vmem_shared>>)
      %add3A_110 = arith.constant 1 : i32
      %add3A_111 = arith.addi %add3A_101, %add3A_110 : i32
      %mul3A_112 = arith.constant 128 : i32
      %mul3A_113 = arith.muli %add3A_111, %mul3A_112 : i32
      %add3A_114 = arith.addi %mul3A_21, %mul3A_113 : i32
      %dma_start3A_115 = tpu.memref_slice %arg2[%add3A_114] : memref<323584xi32, #tpu.memory_space<hbm>> -> memref<128xi32, #tpu.memory_space<hbm>>
      %dma_start3A_116 = tpu.memref_slice %arg2[%add3A_114] : memref<323584xi32, #tpu.memory_space<hbm>> -> memref<128xi32, #tpu.memory_space<hbm>>
      tpu.enqueue_dma source(%dma_start3A_116 : memref<128xi32, #tpu.memory_space<hbm>>) target(%arg5 : memref<128xi32, #tpu.memory_space<vmem>>) target_semaphore(%arg10 : memref<!tpu.dma_semaphore, #tpu.memory_space<semaphore_mem>>)
      %dma_start3A_117 = arith.constant 0 : i32
      %dma_start3A_118 = arith.constant 0 : i32
      %dma_start3A_119 = tpu.memref_slice %arg8[%dma_start3A_117, %dma_start3A_118] : memref<5120x128xf32, #tpu.memory_space<vmem_shared>> -> memref<5120x128xf32, #tpu.memory_space<vmem_shared>>
      tpu.enqueue_indirect_dma source(%arg6 : memref<128x128xf32, #tpu.memory_space<vmem>>) target(%dma_start3A_119 : memref<5120x128xf32, #tpu.memory_space<vmem_shared>>) offsets(%arg4 : memref<128xi32, #tpu.memory_space<vmem>>) semaphore(%arg11 : memref<!tpu.dma_semaphore, #tpu.memory_space<semaphore_mem>>) {add = true}
      %scan3A_120 = arith.constant 0 : i32
      scf.yield %scan3A_120 : i32
    }
    %scan3A_41 = arith.constant 38 : i32
    %add3A_42 = arith.constant 9856 : i32
    %add3A_43 = arith.addi %mul3A_21, %add3A_42 : i32
    %dma_wait3A_44 = tpu.memref_slice %arg2[%add3A_43] : memref<323584xi32, #tpu.memory_space<hbm>> -> memref<128xi32, #tpu.memory_space<hbm>>
    %dma_wait3A_45 = tpu.memref_slice %arg2[%add3A_43] : memref<323584xi32, #tpu.memory_space<hbm>> -> memref<128xi32, #tpu.memory_space<hbm>>
    tpu.wait_dma2 semaphore(%arg10 : memref<!tpu.dma_semaphore, #tpu.memory_space<semaphore_mem>>) src(%dma_wait3A_45 : memref<128xi32, #tpu.memory_space<hbm>>) dst(%arg5 : memref<128xi32, #tpu.memory_space<vmem>>)
    %dma_wait3A_46 = arith.constant 0 : i32
    %dma_wait3A_47 = arith.constant 0 : i32
    %dma_wait3A_48 = tpu.memref_slice %arg8[%dma_wait3A_46, %dma_wait3A_47] : memref<5120x128xf32, #tpu.memory_space<vmem_shared>> -> memref<5120x128xf32, #tpu.memory_space<vmem_shared>>
    tpu.wait_indirect_dma semaphore(%arg11 : memref<!tpu.dma_semaphore, #tpu.memory_space<semaphore_mem>>) src(%arg6 : memref<128x128xf32, #tpu.memory_space<vmem>>) dst(%dma_wait3A_48 : memref<5120x128xf32, #tpu.memory_space<vmem_shared>>)
    %add3A_49 = arith.constant 9984 : i32
    %add3A_50 = arith.addi %mul3A_21, %add3A_49 : i32
    %dma_start3A_51 = tpu.memref_slice %arg2[%add3A_50] : memref<323584xi32, #tpu.memory_space<hbm>> -> memref<128xi32, #tpu.memory_space<hbm>>
    %dma_start3A_52 = tpu.memref_slice %arg2[%add3A_50] : memref<323584xi32, #tpu.memory_space<hbm>> -> memref<128xi32, #tpu.memory_space<hbm>>
    tpu.enqueue_dma source(%dma_start3A_52 : memref<128xi32, #tpu.memory_space<hbm>>) target(%arg4 : memref<128xi32, #tpu.memory_space<vmem>>) target_semaphore(%arg9 : memref<!tpu.dma_semaphore, #tpu.memory_space<semaphore_mem>>)
    %dma_start3A_53 = arith.constant 0 : i32
    %dma_start3A_54 = arith.constant 0 : i32
    %dma_start3A_55 = tpu.memref_slice %arg8[%dma_start3A_53, %dma_start3A_54] : memref<5120x128xf32, #tpu.memory_space<vmem_shared>> -> memref<5120x128xf32, #tpu.memory_space<vmem_shared>>
    tpu.enqueue_indirect_dma source(%arg6 : memref<128x128xf32, #tpu.memory_space<vmem>>) target(%dma_start3A_55 : memref<5120x128xf32, #tpu.memory_space<vmem_shared>>) offsets(%arg5 : memref<128xi32, #tpu.memory_space<vmem>>) semaphore(%arg11 : memref<!tpu.dma_semaphore, #tpu.memory_space<semaphore_mem>>) {add = true}
    %add3A_56 = arith.constant 9984 : i32
    %add3A_57 = arith.addi %mul3A_21, %add3A_56 : i32
    %dma_wait3A_58 = tpu.memref_slice %arg2[%add3A_57] : memref<323584xi32, #tpu.memory_space<hbm>> -> memref<128xi32, #tpu.memory_space<hbm>>
    %dma_wait3A_59 = tpu.memref_slice %arg2[%add3A_57] : memref<323584xi32, #tpu.memory_space<hbm>> -> memref<128xi32, #tpu.memory_space<hbm>>
    tpu.wait_dma2 semaphore(%arg9 : memref<!tpu.dma_semaphore, #tpu.memory_space<semaphore_mem>>) src(%dma_wait3A_59 : memref<128xi32, #tpu.memory_space<hbm>>) dst(%arg4 : memref<128xi32, #tpu.memory_space<vmem>>)
    %dma_wait3A_60 = arith.constant 0 : i32
    %dma_wait3A_61 = arith.constant 0 : i32
    %dma_wait3A_62 = tpu.memref_slice %arg8[%dma_wait3A_60, %dma_wait3A_61] : memref<5120x128xf32, #tpu.memory_space<vmem_shared>> -> memref<5120x128xf32, #tpu.memory_space<vmem_shared>>
    tpu.wait_indirect_dma semaphore(%arg11 : memref<!tpu.dma_semaphore, #tpu.memory_space<semaphore_mem>>) src(%arg6 : memref<128x128xf32, #tpu.memory_space<vmem>>) dst(%dma_wait3A_62 : memref<5120x128xf32, #tpu.memory_space<vmem_shared>>)
    %dma_start3A_63 = arith.constant 0 : i32
    %dma_start3A_64 = arith.constant 0 : i32
    %dma_start3A_65 = tpu.memref_slice %arg8[%dma_start3A_63, %dma_start3A_64] : memref<5120x128xf32, #tpu.memory_space<vmem_shared>> -> memref<5120x128xf32, #tpu.memory_space<vmem_shared>>
    tpu.enqueue_indirect_dma source(%arg6 : memref<128x128xf32, #tpu.memory_space<vmem>>) target(%dma_start3A_65 : memref<5120x128xf32, #tpu.memory_space<vmem_shared>>) offsets(%arg4 : memref<128xi32, #tpu.memory_space<vmem>>) semaphore(%arg11 : memref<!tpu.dma_semaphore, #tpu.memory_space<semaphore_mem>>) {add = true}
    %dma_wait3A_66 = arith.constant 0 : i32
    %dma_wait3A_67 = arith.constant 0 : i32
    %dma_wait3A_68 = tpu.memref_slice %arg8[%dma_wait3A_66, %dma_wait3A_67] : memref<5120x128xf32, #tpu.memory_space<vmem_shared>> -> memref<5120x128xf32, #tpu.memory_space<vmem_shared>>
    tpu.wait_indirect_dma semaphore(%arg11 : memref<!tpu.dma_semaphore, #tpu.memory_space<semaphore_mem>>) src(%arg6 : memref<128x128xf32, #tpu.memory_space<vmem>>) dst(%dma_wait3A_68 : memref<5120x128xf32, #tpu.memory_space<vmem_shared>>)
    %barrier3A_69 = arith.constant 0 : index
    tpu.barrier barrier_id(%barrier3A_69)
    "tpu.region"() ({
      %run_scoped3A = tpu.sem_alloc : memref<!tpu.dma_semaphore, #tpu.memory_space<semaphore_mem>>
      %dma_start3A_70 = arith.constant 0 : i32
      %dma_start3A_71 = tpu.memref_slice %arg3[%arg0, %mul3A_15, %dma_start3A_70] : memref<2x5120x128xf32, #tpu.memory_space<hbm>> -> memref<1x320x128xf32, #tpu.memory_space<hbm>>
      %dma_start3A_72 = tpu.memref_squeeze %dma_start3A_71 : memref<1x320x128xf32, #tpu.memory_space<hbm>> -> memref<320x128xf32, #tpu.memory_space<hbm>>
      %dma_start3A_73 = arith.constant 0 : i32
      %dma_start3A_74 = tpu.memref_slice %arg8[%mul3A_15, %dma_start3A_73] : memref<5120x128xf32, #tpu.memory_space<vmem_shared>> -> memref<320x128xf32, #tpu.memory_space<vmem_shared>>
      tpu.enqueue_dma source(%dma_start3A_74 : memref<320x128xf32, #tpu.memory_space<vmem_shared>>) target(%dma_start3A_72 : memref<320x128xf32, #tpu.memory_space<hbm>>) target_semaphore(%run_scoped3A : memref<!tpu.dma_semaphore, #tpu.memory_space<semaphore_mem>>)
      %dma_wait3A_75 = arith.constant 0 : i32
      %dma_wait3A_76 = tpu.memref_slice %arg3[%arg0, %mul3A_15, %dma_wait3A_75] : memref<2x5120x128xf32, #tpu.memory_space<hbm>> -> memref<1x320x128xf32, #tpu.memory_space<hbm>>
      %dma_wait3A_77 = tpu.memref_squeeze %dma_wait3A_76 : memref<1x320x128xf32, #tpu.memory_space<hbm>> -> memref<320x128xf32, #tpu.memory_space<hbm>>
      %dma_wait3A_78 = arith.constant 0 : i32
      %dma_wait3A_79 = tpu.memref_slice %arg8[%mul3A_15, %dma_wait3A_78] : memref<5120x128xf32, #tpu.memory_space<vmem_shared>> -> memref<320x128xf32, #tpu.memory_space<vmem_shared>>
      tpu.wait_dma2 semaphore(%run_scoped3A : memref<!tpu.dma_semaphore, #tpu.memory_space<semaphore_mem>>) src(%dma_wait3A_79 : memref<320x128xf32, #tpu.memory_space<vmem_shared>>) dst(%dma_wait3A_77 : memref<320x128xf32, #tpu.memory_space<hbm>>)
      tpu.yield
    }) : () -> ()
    return
  }
}

#map = affine_map<(d0, d1) -> (0, 0)>
#map1 = affine_map<(d0, d1) -> (0)>
#map2 = affine_map<(d0, d1) -> (0, 0, 0)>
module attributes {stable_mosaic.version = 14 : i64} {
  func.func @k(%arg0: i32, %arg1: i32, %arg2: memref<10240x128xf32, #tpu.memory_space<hbm>>, %arg3: memref<323584xi32, #tpu.memory_space<hbm>>, %arg4: memref<323584xi32, #tpu.memory_space<hbm>>, %arg5: memref<2x5120x128xf32, #tpu.memory_space<hbm>>, %arg6: memref<128xi32, #tpu.memory_space<vmem>>, %arg7: memref<128xi32, #tpu.memory_space<vmem>>, %arg8: memref<128xi32, #tpu.memory_space<vmem>>, %arg9: memref<128xi32, #tpu.memory_space<vmem>>, %arg10: memref<128x128xf32, #tpu.memory_space<vmem>>, %arg11: memref<128x128xf32, #tpu.memory_space<vmem>>, %arg12: memref<40x128xf32, #tpu.memory_space<vmem>>, %arg13: memref<5120x128xf32, #tpu.memory_space<vmem_shared>>, %arg14: memref<!tpu.dma_semaphore, #tpu.memory_space<semaphore_mem>>, %arg15: memref<!tpu.dma_semaphore, #tpu.memory_space<semaphore_mem>>, %arg16: memref<!tpu.dma_semaphore, #tpu.memory_space<semaphore_mem>>, %arg17: memref<!tpu.dma_semaphore, #tpu.memory_space<semaphore_mem>>, %arg18: memref<!tpu.dma_semaphore, #tpu.memory_space<semaphore_mem>>) attributes {dimension_semantics = [#tpu.dimension_semantics<core_parallel>, #tpu.dimension_semantics<subcore_parallel>], iteration_bounds = array<i64: 2, 16>, scalar_prefetch = 0 : i64, scratch_operands = 13 : i64, tpu.core_type = #tpu.core_type<sc_vector_subcore>, window_params = [{transform_indices = #map}, {transform_indices = #map1}, {transform_indices = #map1}, {transform_indices = #map2}]} {
    %mul3A = arith.constant 2 : i32
    %mul3A_0 = arith.muli %arg1, %mul3A : i32
    %add3A = arith.addi %mul3A_0, %arg0 : i32
    %scan3A = arith.constant 0 : i32
    %scan3A_1 = arith.constant 0 : i32
    %scan3A_2 = arith.constant 40 : i32
    %scan3A_3 = arith.addi %scan3A_1, %scan3A_2 : i32
    %scan3A_4 = arith.constant 1 : i32
    %scan3A_5 = scf.for %scan3A_105 = %scan3A_1 to %scan3A_3 step %scan3A_4 iter_args(%scan3A_106 = %scan3A) -> (i32)  : i32 {
      %broadcast_in_dim3A = arith.constant 0.000000e+00 : f32
      %broadcast_in_dim3A_107 = vector.broadcast %broadcast_in_dim3A : f32 to vector<16xf32>
      %swap3A = arith.index_cast %scan3A_105 : i32 to index
      %swap3A_108 = arith.constant 0 : index
      %swap3A_109 = tpu.vector_load %arg12[%swap3A, %swap3A_108] {strides = array<i32>} : memref<40x128xf32, #tpu.memory_space<vmem>>, vector<1x16xf32>,
      %swap3A_110 = vector.shape_cast %swap3A_109 : vector<1x16xf32> to vector<16xf32>
      %swap3A_111 = vector.shape_cast %broadcast_in_dim3A_107 : vector<16xf32> to vector<1x16xf32>
      tpu.vector_store %arg12[%swap3A, %swap3A_108], %swap3A_111 {strides = array<i32>} : memref<40x128xf32, #tpu.memory_space<vmem>>, vector<1x16xf32>,
      %broadcast_in_dim3A_112 = arith.constant 0.000000e+00 : f32
      %broadcast_in_dim3A_113 = vector.broadcast %broadcast_in_dim3A_112 : f32 to vector<16xf32>
      %swap3A_114 = arith.index_cast %scan3A_105 : i32 to index
      %swap3A_115 = arith.constant 16 : index
      %swap3A_116 = tpu.vector_load %arg12[%swap3A_114, %swap3A_115] {strides = array<i32>} : memref<40x128xf32, #tpu.memory_space<vmem>>, vector<1x16xf32>,
      %swap3A_117 = vector.shape_cast %swap3A_116 : vector<1x16xf32> to vector<16xf32>
      %swap3A_118 = vector.shape_cast %broadcast_in_dim3A_113 : vector<16xf32> to vector<1x16xf32>
      tpu.vector_store %arg12[%swap3A_114, %swap3A_115], %swap3A_118 {strides = array<i32>} : memref<40x128xf32, #tpu.memory_space<vmem>>, vector<1x16xf32>,
      %broadcast_in_dim3A_119 = arith.constant 0.000000e+00 : f32
      %broadcast_in_dim3A_120 = vector.broadcast %broadcast_in_dim3A_119 : f32 to vector<16xf32>
      %swap3A_121 = arith.index_cast %scan3A_105 : i32 to index
      %swap3A_122 = arith.constant 32 : index
      %swap3A_123 = tpu.vector_load %arg12[%swap3A_121, %swap3A_122] {strides = array<i32>} : memref<40x128xf32, #tpu.memory_space<vmem>>, vector<1x16xf32>,
      %swap3A_124 = vector.shape_cast %swap3A_123 : vector<1x16xf32> to vector<16xf32>
      %swap3A_125 = vector.shape_cast %broadcast_in_dim3A_120 : vector<16xf32> to vector<1x16xf32>
      tpu.vector_store %arg12[%swap3A_121, %swap3A_122], %swap3A_125 {strides = array<i32>} : memref<40x128xf32, #tpu.memory_space<vmem>>, vector<1x16xf32>,
      %broadcast_in_dim3A_126 = arith.constant 0.000000e+00 : f32
      %broadcast_in_dim3A_127 = vector.broadcast %broadcast_in_dim3A_126 : f32 to vector<16xf32>
      %swap3A_128 = arith.index_cast %scan3A_105 : i32 to index
      %swap3A_129 = arith.constant 48 : index
      %swap3A_130 = tpu.vector_load %arg12[%swap3A_128, %swap3A_129] {strides = array<i32>} : memref<40x128xf32, #tpu.memory_space<vmem>>, vector<1x16xf32>,
      %swap3A_131 = vector.shape_cast %swap3A_130 : vector<1x16xf32> to vector<16xf32>
      %swap3A_132 = vector.shape_cast %broadcast_in_dim3A_127 : vector<16xf32> to vector<1x16xf32>
      tpu.vector_store %arg12[%swap3A_128, %swap3A_129], %swap3A_132 {strides = array<i32>} : memref<40x128xf32, #tpu.memory_space<vmem>>, vector<1x16xf32>,
      %broadcast_in_dim3A_133 = arith.constant 0.000000e+00 : f32
      %broadcast_in_dim3A_134 = vector.broadcast %broadcast_in_dim3A_133 : f32 to vector<16xf32>
      %swap3A_135 = arith.index_cast %scan3A_105 : i32 to index
      %swap3A_136 = arith.constant 64 : index
      %swap3A_137 = tpu.vector_load %arg12[%swap3A_135, %swap3A_136] {strides = array<i32>} : memref<40x128xf32, #tpu.memory_space<vmem>>, vector<1x16xf32>,
      %swap3A_138 = vector.shape_cast %swap3A_137 : vector<1x16xf32> to vector<16xf32>
      %swap3A_139 = vector.shape_cast %broadcast_in_dim3A_134 : vector<16xf32> to vector<1x16xf32>
      tpu.vector_store %arg12[%swap3A_135, %swap3A_136], %swap3A_139 {strides = array<i32>} : memref<40x128xf32, #tpu.memory_space<vmem>>, vector<1x16xf32>,
      %broadcast_in_dim3A_140 = arith.constant 0.000000e+00 : f32
      %broadcast_in_dim3A_141 = vector.broadcast %broadcast_in_dim3A_140 : f32 to vector<16xf32>
      %swap3A_142 = arith.index_cast %scan3A_105 : i32 to index
      %swap3A_143 = arith.constant 80 : index
      %swap3A_144 = tpu.vector_load %arg12[%swap3A_142, %swap3A_143] {strides = array<i32>} : memref<40x128xf32, #tpu.memory_space<vmem>>, vector<1x16xf32>,
      %swap3A_145 = vector.shape_cast %swap3A_144 : vector<1x16xf32> to vector<16xf32>
      %swap3A_146 = vector.shape_cast %broadcast_in_dim3A_141 : vector<16xf32> to vector<1x16xf32>
      tpu.vector_store %arg12[%swap3A_142, %swap3A_143], %swap3A_146 {strides = array<i32>} : memref<40x128xf32, #tpu.memory_space<vmem>>, vector<1x16xf32>,
      %broadcast_in_dim3A_147 = arith.constant 0.000000e+00 : f32
      %broadcast_in_dim3A_148 = vector.broadcast %broadcast_in_dim3A_147 : f32 to vector<16xf32>
      %swap3A_149 = arith.index_cast %scan3A_105 : i32 to index
      %swap3A_150 = arith.constant 96 : index
      %swap3A_151 = tpu.vector_load %arg12[%swap3A_149, %swap3A_150] {strides = array<i32>} : memref<40x128xf32, #tpu.memory_space<vmem>>, vector<1x16xf32>,
      %swap3A_152 = vector.shape_cast %swap3A_151 : vector<1x16xf32> to vector<16xf32>
      %swap3A_153 = vector.shape_cast %broadcast_in_dim3A_148 : vector<16xf32> to vector<1x16xf32>
      tpu.vector_store %arg12[%swap3A_149, %swap3A_150], %swap3A_153 {strides = array<i32>} : memref<40x128xf32, #tpu.memory_space<vmem>>, vector<1x16xf32>,
      %broadcast_in_dim3A_154 = arith.constant 0.000000e+00 : f32
      %broadcast_in_dim3A_155 = vector.broadcast %broadcast_in_dim3A_154 : f32 to vector<16xf32>
      %swap3A_156 = arith.index_cast %scan3A_105 : i32 to index
      %swap3A_157 = arith.constant 112 : index
      %swap3A_158 = tpu.vector_load %arg12[%swap3A_156, %swap3A_157] {strides = array<i32>} : memref<40x128xf32, #tpu.memory_space<vmem>>, vector<1x16xf32>,
      %swap3A_159 = vector.shape_cast %swap3A_158 : vector<1x16xf32> to vector<16xf32>
      %swap3A_160 = vector.shape_cast %broadcast_in_dim3A_155 : vector<16xf32> to vector<1x16xf32>
      tpu.vector_store %arg12[%swap3A_156, %swap3A_157], %swap3A_160 {strides = array<i32>} : memref<40x128xf32, #tpu.memory_space<vmem>>, vector<1x16xf32>,
      %scan3A_161 = arith.constant 0 : i32
      scf.yield %scan3A_161 : i32
    }
    %scan3A_6 = arith.constant 40 : i32
    %mul3A_7 = arith.constant 320 : i32
    %mul3A_8 = arith.muli %arg1, %mul3A_7 : i32
    %add3A_9 = arith.constant 0 : i32
    %add3A_10 = arith.addi %mul3A_8, %add3A_9 : i32
    "tpu.region"() ({
      %run_scoped3A = tpu.sem_alloc : memref<!tpu.dma_semaphore, #tpu.memory_space<semaphore_mem>>
      %dma_start3A_105 = arith.constant 0 : i32
      %dma_start3A_106 = tpu.memref_slice %arg13[%add3A_10, %dma_start3A_105] : memref<5120x128xf32, #tpu.memory_space<vmem_shared>> -> memref<40x128xf32, #tpu.memory_space<vmem_shared>>
      %dma_start3A_107 = arith.constant 0 : i32
      %dma_start3A_108 = tpu.memref_slice %arg13[%add3A_10, %dma_start3A_107] : memref<5120x128xf32, #tpu.memory_space<vmem_shared>> -> memref<40x128xf32, #tpu.memory_space<vmem_shared>>
      tpu.enqueue_dma source(%arg12 : memref<40x128xf32, #tpu.memory_space<vmem>>) target(%dma_start3A_108 : memref<40x128xf32, #tpu.memory_space<vmem_shared>>) target_semaphore(%run_scoped3A : memref<!tpu.dma_semaphore, #tpu.memory_space<semaphore_mem>>)
      %dma_wait3A_109 = arith.constant 0 : i32
      %dma_wait3A_110 = tpu.memref_slice %arg13[%add3A_10, %dma_wait3A_109] : memref<5120x128xf32, #tpu.memory_space<vmem_shared>> -> memref<40x128xf32, #tpu.memory_space<vmem_shared>>
      %dma_wait3A_111 = arith.constant 0 : i32
      %dma_wait3A_112 = tpu.memref_slice %arg13[%add3A_10, %dma_wait3A_111] : memref<5120x128xf32, #tpu.memory_space<vmem_shared>> -> memref<40x128xf32, #tpu.memory_space<vmem_shared>>
      tpu.wait_dma2 semaphore(%run_scoped3A : memref<!tpu.dma_semaphore, #tpu.memory_space<semaphore_mem>>) src(%arg12 : memref<40x128xf32, #tpu.memory_space<vmem>>) dst(%dma_wait3A_112 : memref<40x128xf32, #tpu.memory_space<vmem_shared>>)
      tpu.yield
    }) : () -> ()
    %add3A_11 = arith.constant 40 : i32
    %add3A_12 = arith.addi %mul3A_8, %add3A_11 : i32
    "tpu.region"() ({
      %run_scoped3A = tpu.sem_alloc : memref<!tpu.dma_semaphore, #tpu.memory_space<semaphore_mem>>
      %dma_start3A_105 = arith.constant 0 : i32
      %dma_start3A_106 = tpu.memref_slice %arg13[%add3A_12, %dma_start3A_105] : memref<5120x128xf32, #tpu.memory_space<vmem_shared>> -> memref<40x128xf32, #tpu.memory_space<vmem_shared>>
      %dma_start3A_107 = arith.constant 0 : i32
      %dma_start3A_108 = tpu.memref_slice %arg13[%add3A_12, %dma_start3A_107] : memref<5120x128xf32, #tpu.memory_space<vmem_shared>> -> memref<40x128xf32, #tpu.memory_space<vmem_shared>>
      tpu.enqueue_dma source(%arg12 : memref<40x128xf32, #tpu.memory_space<vmem>>) target(%dma_start3A_108 : memref<40x128xf32, #tpu.memory_space<vmem_shared>>) target_semaphore(%run_scoped3A : memref<!tpu.dma_semaphore, #tpu.memory_space<semaphore_mem>>)
      %dma_wait3A_109 = arith.constant 0 : i32
      %dma_wait3A_110 = tpu.memref_slice %arg13[%add3A_12, %dma_wait3A_109] : memref<5120x128xf32, #tpu.memory_space<vmem_shared>> -> memref<40x128xf32, #tpu.memory_space<vmem_shared>>
      %dma_wait3A_111 = arith.constant 0 : i32
      %dma_wait3A_112 = tpu.memref_slice %arg13[%add3A_12, %dma_wait3A_111] : memref<5120x128xf32, #tpu.memory_space<vmem_shared>> -> memref<40x128xf32, #tpu.memory_space<vmem_shared>>
      tpu.wait_dma2 semaphore(%run_scoped3A : memref<!tpu.dma_semaphore, #tpu.memory_space<semaphore_mem>>) src(%arg12 : memref<40x128xf32, #tpu.memory_space<vmem>>) dst(%dma_wait3A_112 : memref<40x128xf32, #tpu.memory_space<vmem_shared>>)
      tpu.yield
    }) : () -> ()
    %add3A_13 = arith.constant 80 : i32
    %add3A_14 = arith.addi %mul3A_8, %add3A_13 : i32
    "tpu.region"() ({
      %run_scoped3A = tpu.sem_alloc : memref<!tpu.dma_semaphore, #tpu.memory_space<semaphore_mem>>
      %dma_start3A_105 = arith.constant 0 : i32
      %dma_start3A_106 = tpu.memref_slice %arg13[%add3A_14, %dma_start3A_105] : memref<5120x128xf32, #tpu.memory_space<vmem_shared>> -> memref<40x128xf32, #tpu.memory_space<vmem_shared>>
      %dma_start3A_107 = arith.constant 0 : i32
      %dma_start3A_108 = tpu.memref_slice %arg13[%add3A_14, %dma_start3A_107] : memref<5120x128xf32, #tpu.memory_space<vmem_shared>> -> memref<40x128xf32, #tpu.memory_space<vmem_shared>>
      tpu.enqueue_dma source(%arg12 : memref<40x128xf32, #tpu.memory_space<vmem>>) target(%dma_start3A_108 : memref<40x128xf32, #tpu.memory_space<vmem_shared>>) target_semaphore(%run_scoped3A : memref<!tpu.dma_semaphore, #tpu.memory_space<semaphore_mem>>)
      %dma_wait3A_109 = arith.constant 0 : i32
      %dma_wait3A_110 = tpu.memref_slice %arg13[%add3A_14, %dma_wait3A_109] : memref<5120x128xf32, #tpu.memory_space<vmem_shared>> -> memref<40x128xf32, #tpu.memory_space<vmem_shared>>
      %dma_wait3A_111 = arith.constant 0 : i32
      %dma_wait3A_112 = tpu.memref_slice %arg13[%add3A_14, %dma_wait3A_111] : memref<5120x128xf32, #tpu.memory_space<vmem_shared>> -> memref<40x128xf32, #tpu.memory_space<vmem_shared>>
      tpu.wait_dma2 semaphore(%run_scoped3A : memref<!tpu.dma_semaphore, #tpu.memory_space<semaphore_mem>>) src(%arg12 : memref<40x128xf32, #tpu.memory_space<vmem>>) dst(%dma_wait3A_112 : memref<40x128xf32, #tpu.memory_space<vmem_shared>>)
      tpu.yield
    }) : () -> ()
    %add3A_15 = arith.constant 120 : i32
    %add3A_16 = arith.addi %mul3A_8, %add3A_15 : i32
    "tpu.region"() ({
      %run_scoped3A = tpu.sem_alloc : memref<!tpu.dma_semaphore, #tpu.memory_space<semaphore_mem>>
      %dma_start3A_105 = arith.constant 0 : i32
      %dma_start3A_106 = tpu.memref_slice %arg13[%add3A_16, %dma_start3A_105] : memref<5120x128xf32, #tpu.memory_space<vmem_shared>> -> memref<40x128xf32, #tpu.memory_space<vmem_shared>>
      %dma_start3A_107 = arith.constant 0 : i32
      %dma_start3A_108 = tpu.memref_slice %arg13[%add3A_16, %dma_start3A_107] : memref<5120x128xf32, #tpu.memory_space<vmem_shared>> -> memref<40x128xf32, #tpu.memory_space<vmem_shared>>
      tpu.enqueue_dma source(%arg12 : memref<40x128xf32, #tpu.memory_space<vmem>>) target(%dma_start3A_108 : memref<40x128xf32, #tpu.memory_space<vmem_shared>>) target_semaphore(%run_scoped3A : memref<!tpu.dma_semaphore, #tpu.memory_space<semaphore_mem>>)
      %dma_wait3A_109 = arith.constant 0 : i32
      %dma_wait3A_110 = tpu.memref_slice %arg13[%add3A_16, %dma_wait3A_109] : memref<5120x128xf32, #tpu.memory_space<vmem_shared>> -> memref<40x128xf32, #tpu.memory_space<vmem_shared>>
      %dma_wait3A_111 = arith.constant 0 : i32
      %dma_wait3A_112 = tpu.memref_slice %arg13[%add3A_16, %dma_wait3A_111] : memref<5120x128xf32, #tpu.memory_space<vmem_shared>> -> memref<40x128xf32, #tpu.memory_space<vmem_shared>>
      tpu.wait_dma2 semaphore(%run_scoped3A : memref<!tpu.dma_semaphore, #tpu.memory_space<semaphore_mem>>) src(%arg12 : memref<40x128xf32, #tpu.memory_space<vmem>>) dst(%dma_wait3A_112 : memref<40x128xf32, #tpu.memory_space<vmem_shared>>)
      tpu.yield
    }) : () -> ()
    %add3A_17 = arith.constant 160 : i32
    %add3A_18 = arith.addi %mul3A_8, %add3A_17 : i32
    "tpu.region"() ({
      %run_scoped3A = tpu.sem_alloc : memref<!tpu.dma_semaphore, #tpu.memory_space<semaphore_mem>>
      %dma_start3A_105 = arith.constant 0 : i32
      %dma_start3A_106 = tpu.memref_slice %arg13[%add3A_18, %dma_start3A_105] : memref<5120x128xf32, #tpu.memory_space<vmem_shared>> -> memref<40x128xf32, #tpu.memory_space<vmem_shared>>
      %dma_start3A_107 = arith.constant 0 : i32
      %dma_start3A_108 = tpu.memref_slice %arg13[%add3A_18, %dma_start3A_107] : memref<5120x128xf32, #tpu.memory_space<vmem_shared>> -> memref<40x128xf32, #tpu.memory_space<vmem_shared>>
      tpu.enqueue_dma source(%arg12 : memref<40x128xf32, #tpu.memory_space<vmem>>) target(%dma_start3A_108 : memref<40x128xf32, #tpu.memory_space<vmem_shared>>) target_semaphore(%run_scoped3A : memref<!tpu.dma_semaphore, #tpu.memory_space<semaphore_mem>>)
      %dma_wait3A_109 = arith.constant 0 : i32
      %dma_wait3A_110 = tpu.memref_slice %arg13[%add3A_18, %dma_wait3A_109] : memref<5120x128xf32, #tpu.memory_space<vmem_shared>> -> memref<40x128xf32, #tpu.memory_space<vmem_shared>>
      %dma_wait3A_111 = arith.constant 0 : i32
      %dma_wait3A_112 = tpu.memref_slice %arg13[%add3A_18, %dma_wait3A_111] : memref<5120x128xf32, #tpu.memory_space<vmem_shared>> -> memref<40x128xf32, #tpu.memory_space<vmem_shared>>
      tpu.wait_dma2 semaphore(%run_scoped3A : memref<!tpu.dma_semaphore, #tpu.memory_space<semaphore_mem>>) src(%arg12 : memref<40x128xf32, #tpu.memory_space<vmem>>) dst(%dma_wait3A_112 : memref<40x128xf32, #tpu.memory_space<vmem_shared>>)
      tpu.yield
    }) : () -> ()
    %add3A_19 = arith.constant 200 : i32
    %add3A_20 = arith.addi %mul3A_8, %add3A_19 : i32
    "tpu.region"() ({
      %run_scoped3A = tpu.sem_alloc : memref<!tpu.dma_semaphore, #tpu.memory_space<semaphore_mem>>
      %dma_start3A_105 = arith.constant 0 : i32
      %dma_start3A_106 = tpu.memref_slice %arg13[%add3A_20, %dma_start3A_105] : memref<5120x128xf32, #tpu.memory_space<vmem_shared>> -> memref<40x128xf32, #tpu.memory_space<vmem_shared>>
      %dma_start3A_107 = arith.constant 0 : i32
      %dma_start3A_108 = tpu.memref_slice %arg13[%add3A_20, %dma_start3A_107] : memref<5120x128xf32, #tpu.memory_space<vmem_shared>> -> memref<40x128xf32, #tpu.memory_space<vmem_shared>>
      tpu.enqueue_dma source(%arg12 : memref<40x128xf32, #tpu.memory_space<vmem>>) target(%dma_start3A_108 : memref<40x128xf32, #tpu.memory_space<vmem_shared>>) target_semaphore(%run_scoped3A : memref<!tpu.dma_semaphore, #tpu.memory_space<semaphore_mem>>)
      %dma_wait3A_109 = arith.constant 0 : i32
      %dma_wait3A_110 = tpu.memref_slice %arg13[%add3A_20, %dma_wait3A_109] : memref<5120x128xf32, #tpu.memory_space<vmem_shared>> -> memref<40x128xf32, #tpu.memory_space<vmem_shared>>
      %dma_wait3A_111 = arith.constant 0 : i32
      %dma_wait3A_112 = tpu.memref_slice %arg13[%add3A_20, %dma_wait3A_111] : memref<5120x128xf32, #tpu.memory_space<vmem_shared>> -> memref<40x128xf32, #tpu.memory_space<vmem_shared>>
      tpu.wait_dma2 semaphore(%run_scoped3A : memref<!tpu.dma_semaphore, #tpu.memory_space<semaphore_mem>>) src(%arg12 : memref<40x128xf32, #tpu.memory_space<vmem>>) dst(%dma_wait3A_112 : memref<40x128xf32, #tpu.memory_space<vmem_shared>>)
      tpu.yield
    }) : () -> ()
    %add3A_21 = arith.constant 240 : i32
    %add3A_22 = arith.addi %mul3A_8, %add3A_21 : i32
    "tpu.region"() ({
      %run_scoped3A = tpu.sem_alloc : memref<!tpu.dma_semaphore, #tpu.memory_space<semaphore_mem>>
      %dma_start3A_105 = arith.constant 0 : i32
      %dma_start3A_106 = tpu.memref_slice %arg13[%add3A_22, %dma_start3A_105] : memref<5120x128xf32, #tpu.memory_space<vmem_shared>> -> memref<40x128xf32, #tpu.memory_space<vmem_shared>>
      %dma_start3A_107 = arith.constant 0 : i32
      %dma_start3A_108 = tpu.memref_slice %arg13[%add3A_22, %dma_start3A_107] : memref<5120x128xf32, #tpu.memory_space<vmem_shared>> -> memref<40x128xf32, #tpu.memory_space<vmem_shared>>
      tpu.enqueue_dma source(%arg12 : memref<40x128xf32, #tpu.memory_space<vmem>>) target(%dma_start3A_108 : memref<40x128xf32, #tpu.memory_space<vmem_shared>>) target_semaphore(%run_scoped3A : memref<!tpu.dma_semaphore, #tpu.memory_space<semaphore_mem>>)
      %dma_wait3A_109 = arith.constant 0 : i32
      %dma_wait3A_110 = tpu.memref_slice %arg13[%add3A_22, %dma_wait3A_109] : memref<5120x128xf32, #tpu.memory_space<vmem_shared>> -> memref<40x128xf32, #tpu.memory_space<vmem_shared>>
      %dma_wait3A_111 = arith.constant 0 : i32
      %dma_wait3A_112 = tpu.memref_slice %arg13[%add3A_22, %dma_wait3A_111] : memref<5120x128xf32, #tpu.memory_space<vmem_shared>> -> memref<40x128xf32, #tpu.memory_space<vmem_shared>>
      tpu.wait_dma2 semaphore(%run_scoped3A : memref<!tpu.dma_semaphore, #tpu.memory_space<semaphore_mem>>) src(%arg12 : memref<40x128xf32, #tpu.memory_space<vmem>>) dst(%dma_wait3A_112 : memref<40x128xf32, #tpu.memory_space<vmem_shared>>)
      tpu.yield
    }) : () -> ()
    %add3A_23 = arith.constant 280 : i32
    %add3A_24 = arith.addi %mul3A_8, %add3A_23 : i32
    "tpu.region"() ({
      %run_scoped3A = tpu.sem_alloc : memref<!tpu.dma_semaphore, #tpu.memory_space<semaphore_mem>>
      %dma_start3A_105 = arith.constant 0 : i32
      %dma_start3A_106 = tpu.memref_slice %arg13[%add3A_24, %dma_start3A_105] : memref<5120x128xf32, #tpu.memory_space<vmem_shared>> -> memref<40x128xf32, #tpu.memory_space<vmem_shared>>
      %dma_start3A_107 = arith.constant 0 : i32
      %dma_start3A_108 = tpu.memref_slice %arg13[%add3A_24, %dma_start3A_107] : memref<5120x128xf32, #tpu.memory_space<vmem_shared>> -> memref<40x128xf32, #tpu.memory_space<vmem_shared>>
      tpu.enqueue_dma source(%arg12 : memref<40x128xf32, #tpu.memory_space<vmem>>) target(%dma_start3A_108 : memref<40x128xf32, #tpu.memory_space<vmem_shared>>) target_semaphore(%run_scoped3A : memref<!tpu.dma_semaphore, #tpu.memory_space<semaphore_mem>>)
      %dma_wait3A_109 = arith.constant 0 : i32
      %dma_wait3A_110 = tpu.memref_slice %arg13[%add3A_24, %dma_wait3A_109] : memref<5120x128xf32, #tpu.memory_space<vmem_shared>> -> memref<40x128xf32, #tpu.memory_space<vmem_shared>>
      %dma_wait3A_111 = arith.constant 0 : i32
      %dma_wait3A_112 = tpu.memref_slice %arg13[%add3A_24, %dma_wait3A_111] : memref<5120x128xf32, #tpu.memory_space<vmem_shared>> -> memref<40x128xf32, #tpu.memory_space<vmem_shared>>
      tpu.wait_dma2 semaphore(%run_scoped3A : memref<!tpu.dma_semaphore, #tpu.memory_space<semaphore_mem>>) src(%arg12 : memref<40x128xf32, #tpu.memory_space<vmem>>) dst(%dma_wait3A_112 : memref<40x128xf32, #tpu.memory_space<vmem_shared>>)
      tpu.yield
    }) : () -> ()
    %barrier3A = arith.constant 0 : index
    tpu.barrier barrier_id(%barrier3A)
    %mul3A_25 = arith.constant 10112 : i32
    %mul3A_26 = arith.muli %add3A, %mul3A_25 : i32
    %add3A_27 = arith.constant 0 : i32
    %add3A_28 = arith.addi %mul3A_26, %add3A_27 : i32
    %dma_start3A = tpu.memref_slice %arg3[%add3A_28] : memref<323584xi32, #tpu.memory_space<hbm>> -> memref<128xi32, #tpu.memory_space<hbm>>
    %dma_start3A_29 = tpu.memref_slice %arg3[%add3A_28] : memref<323584xi32, #tpu.memory_space<hbm>> -> memref<128xi32, #tpu.memory_space<hbm>>
    tpu.enqueue_dma source(%dma_start3A_29 : memref<128xi32, #tpu.memory_space<hbm>>) target(%arg6 : memref<128xi32, #tpu.memory_space<vmem>>) target_semaphore(%arg16 : memref<!tpu.dma_semaphore, #tpu.memory_space<semaphore_mem>>)
    %dma_start3A_30 = tpu.memref_slice %arg4[%add3A_28] : memref<323584xi32, #tpu.memory_space<hbm>> -> memref<128xi32, #tpu.memory_space<hbm>>
    %dma_start3A_31 = tpu.memref_slice %arg4[%add3A_28] : memref<323584xi32, #tpu.memory_space<hbm>> -> memref<128xi32, #tpu.memory_space<hbm>>
    tpu.enqueue_dma source(%dma_start3A_31 : memref<128xi32, #tpu.memory_space<hbm>>) target(%arg8 : memref<128xi32, #tpu.memory_space<vmem>>) target_semaphore(%arg16 : memref<!tpu.dma_semaphore, #tpu.memory_space<semaphore_mem>>)
    %add3A_32 = arith.constant 0 : i32
    %add3A_33 = arith.addi %mul3A_26, %add3A_32 : i32
    %dma_wait3A = tpu.memref_slice %arg3[%add3A_33] : memref<323584xi32, #tpu.memory_space<hbm>> -> memref<128xi32, #tpu.memory_space<hbm>>
    %dma_wait3A_34 = tpu.memref_slice %arg3[%add3A_33] : memref<323584xi32, #tpu.memory_space<hbm>> -> memref<128xi32, #tpu.memory_space<hbm>>
    tpu.wait_dma2 semaphore(%arg16 : memref<!tpu.dma_semaphore, #tpu.memory_space<semaphore_mem>>) src(%dma_wait3A_34 : memref<128xi32, #tpu.memory_space<hbm>>) dst(%arg6 : memref<128xi32, #tpu.memory_space<vmem>>)
    %dma_wait3A_35 = tpu.memref_slice %arg4[%add3A_33] : memref<323584xi32, #tpu.memory_space<hbm>> -> memref<128xi32, #tpu.memory_space<hbm>>
    %dma_wait3A_36 = tpu.memref_slice %arg4[%add3A_33] : memref<323584xi32, #tpu.memory_space<hbm>> -> memref<128xi32, #tpu.memory_space<hbm>>
    tpu.wait_dma2 semaphore(%arg16 : memref<!tpu.dma_semaphore, #tpu.memory_space<semaphore_mem>>) src(%dma_wait3A_36 : memref<128xi32, #tpu.memory_space<hbm>>) dst(%arg8 : memref<128xi32, #tpu.memory_space<vmem>>)
    %dma_start3A_37 = arith.constant 0 : i32
    %dma_start3A_38 = arith.constant 0 : i32
    %dma_start3A_39 = tpu.memref_slice %arg2[%dma_start3A_37, %dma_start3A_38] : memref<10240x128xf32, #tpu.memory_space<hbm>> -> memref<10240x128xf32, #tpu.memory_space<hbm>>
    tpu.enqueue_indirect_dma source(%dma_start3A_39 : memref<10240x128xf32, #tpu.memory_space<hbm>>) target(%arg10 : memref<128x128xf32, #tpu.memory_space<vmem>>) offsets(%arg6 : memref<128xi32, #tpu.memory_space<vmem>>) semaphore(%arg14 : memref<!tpu.dma_semaphore, #tpu.memory_space<semaphore_mem>>)
    %add3A_40 = arith.constant 128 : i32
    %add3A_41 = arith.addi %mul3A_26, %add3A_40 : i32
    %dma_start3A_42 = tpu.memref_slice %arg3[%add3A_41] : memref<323584xi32, #tpu.memory_space<hbm>> -> memref<128xi32, #tpu.memory_space<hbm>>
    %dma_start3A_43 = tpu.memref_slice %arg3[%add3A_41] : memref<323584xi32, #tpu.memory_space<hbm>> -> memref<128xi32, #tpu.memory_space<hbm>>
    tpu.enqueue_dma source(%dma_start3A_43 : memref<128xi32, #tpu.memory_space<hbm>>) target(%arg7 : memref<128xi32, #tpu.memory_space<vmem>>) target_semaphore(%arg17 : memref<!tpu.dma_semaphore, #tpu.memory_space<semaphore_mem>>)
    %dma_start3A_44 = tpu.memref_slice %arg4[%add3A_41] : memref<323584xi32, #tpu.memory_space<hbm>> -> memref<128xi32, #tpu.memory_space<hbm>>
    %dma_start3A_45 = tpu.memref_slice %arg4[%add3A_41] : memref<323584xi32, #tpu.memory_space<hbm>> -> memref<128xi32, #tpu.memory_space<hbm>>
    tpu.enqueue_dma source(%dma_start3A_45 : memref<128xi32, #tpu.memory_space<hbm>>) target(%arg9 : memref<128xi32, #tpu.memory_space<vmem>>) target_semaphore(%arg17 : memref<!tpu.dma_semaphore, #tpu.memory_space<semaphore_mem>>)
    %dma_wait3A_46 = arith.constant 0 : i32
    %dma_wait3A_47 = arith.constant 0 : i32
    %dma_wait3A_48 = tpu.memref_slice %arg2[%dma_wait3A_46, %dma_wait3A_47] : memref<10240x128xf32, #tpu.memory_space<hbm>> -> memref<10240x128xf32, #tpu.memory_space<hbm>>
    tpu.wait_indirect_dma semaphore(%arg14 : memref<!tpu.dma_semaphore, #tpu.memory_space<semaphore_mem>>) src(%dma_wait3A_48 : memref<10240x128xf32, #tpu.memory_space<hbm>>) dst(%arg10 : memref<128x128xf32, #tpu.memory_space<vmem>>)
    %dma_start3A_49 = arith.constant 0 : i32
    %dma_start3A_50 = arith.constant 0 : i32
    %dma_start3A_51 = tpu.memref_slice %arg13[%dma_start3A_49, %dma_start3A_50] : memref<5120x128xf32, #tpu.memory_space<vmem_shared>> -> memref<5120x128xf32, #tpu.memory_space<vmem_shared>>
    tpu.enqueue_indirect_dma source(%arg10 : memref<128x128xf32, #tpu.memory_space<vmem>>) target(%dma_start3A_51 : memref<5120x128xf32, #tpu.memory_space<vmem_shared>>) offsets(%arg8 : memref<128xi32, #tpu.memory_space<vmem>>) semaphore(%arg18 : memref<!tpu.dma_semaphore, #tpu.memory_space<semaphore_mem>>) {add = true}
    %add3A_52 = arith.constant 128 : i32
    %add3A_53 = arith.addi %mul3A_26, %add3A_52 : i32
    %dma_wait3A_54 = tpu.memref_slice %arg3[%add3A_53] : memref<323584xi32, #tpu.memory_space<hbm>> -> memref<128xi32, #tpu.memory_space<hbm>>
    %dma_wait3A_55 = tpu.memref_slice %arg3[%add3A_53] : memref<323584xi32, #tpu.memory_space<hbm>> -> memref<128xi32, #tpu.memory_space<hbm>>
    tpu.wait_dma2 semaphore(%arg17 : memref<!tpu.dma_semaphore, #tpu.memory_space<semaphore_mem>>) src(%dma_wait3A_55 : memref<128xi32, #tpu.memory_space<hbm>>) dst(%arg7 : memref<128xi32, #tpu.memory_space<vmem>>)
    %dma_wait3A_56 = tpu.memref_slice %arg4[%add3A_53] : memref<323584xi32, #tpu.memory_space<hbm>> -> memref<128xi32, #tpu.memory_space<hbm>>
    %dma_wait3A_57 = tpu.memref_slice %arg4[%add3A_53] : memref<323584xi32, #tpu.memory_space<hbm>> -> memref<128xi32, #tpu.memory_space<hbm>>
    tpu.wait_dma2 semaphore(%arg17 : memref<!tpu.dma_semaphore, #tpu.memory_space<semaphore_mem>>) src(%dma_wait3A_57 : memref<128xi32, #tpu.memory_space<hbm>>) dst(%arg9 : memref<128xi32, #tpu.memory_space<vmem>>)
    %dma_start3A_58 = arith.constant 0 : i32
    %dma_start3A_59 = arith.constant 0 : i32
    %dma_start3A_60 = tpu.memref_slice %arg2[%dma_start3A_58, %dma_start3A_59] : memref<10240x128xf32, #tpu.memory_space<hbm>> -> memref<10240x128xf32, #tpu.memory_space<hbm>>
    tpu.enqueue_indirect_dma source(%dma_start3A_60 : memref<10240x128xf32, #tpu.memory_space<hbm>>) target(%arg11 : memref<128x128xf32, #tpu.memory_space<vmem>>) offsets(%arg7 : memref<128xi32, #tpu.memory_space<vmem>>) semaphore(%arg15 : memref<!tpu.dma_semaphore, #tpu.memory_space<semaphore_mem>>)
    %add3A_61 = arith.constant 256 : i32
    %add3A_62 = arith.addi %mul3A_26, %add3A_61 : i32
    %dma_start3A_63 = tpu.memref_slice %arg3[%add3A_62] : memref<323584xi32, #tpu.memory_space<hbm>> -> memref<128xi32, #tpu.memory_space<hbm>>
    %dma_start3A_64 = tpu.memref_slice %arg3[%add3A_62] : memref<323584xi32, #tpu.memory_space<hbm>> -> memref<128xi32, #tpu.memory_space<hbm>>
    tpu.enqueue_dma source(%dma_start3A_64 : memref<128xi32, #tpu.memory_space<hbm>>) target(%arg6 : memref<128xi32, #tpu.memory_space<vmem>>) target_semaphore(%arg16 : memref<!tpu.dma_semaphore, #tpu.memory_space<semaphore_mem>>)
    %dma_start3A_65 = tpu.memref_slice %arg4[%add3A_62] : memref<323584xi32, #tpu.memory_space<hbm>> -> memref<128xi32, #tpu.memory_space<hbm>>
    %dma_start3A_66 = tpu.memref_slice %arg4[%add3A_62] : memref<323584xi32, #tpu.memory_space<hbm>> -> memref<128xi32, #tpu.memory_space<hbm>>
    tpu.enqueue_dma source(%dma_start3A_66 : memref<128xi32, #tpu.memory_space<hbm>>) target(%arg8 : memref<128xi32, #tpu.memory_space<vmem>>) target_semaphore(%arg16 : memref<!tpu.dma_semaphore, #tpu.memory_space<semaphore_mem>>)
    %dma_wait3A_67 = arith.constant 0 : i32
    %dma_wait3A_68 = arith.constant 0 : i32
    %dma_wait3A_69 = tpu.memref_slice %arg2[%dma_wait3A_67, %dma_wait3A_68] : memref<10240x128xf32, #tpu.memory_space<hbm>> -> memref<10240x128xf32, #tpu.memory_space<hbm>>
    tpu.wait_indirect_dma semaphore(%arg15 : memref<!tpu.dma_semaphore, #tpu.memory_space<semaphore_mem>>) src(%dma_wait3A_69 : memref<10240x128xf32, #tpu.memory_space<hbm>>) dst(%arg11 : memref<128x128xf32, #tpu.memory_space<vmem>>)
    %dma_start3A_70 = arith.constant 0 : i32
    %dma_start3A_71 = arith.constant 0 : i32
    %dma_start3A_72 = tpu.memref_slice %arg13[%dma_start3A_70, %dma_start3A_71] : memref<5120x128xf32, #tpu.memory_space<vmem_shared>> -> memref<5120x128xf32, #tpu.memory_space<vmem_shared>>
    tpu.enqueue_indirect_dma source(%arg11 : memref<128x128xf32, #tpu.memory_space<vmem>>) target(%dma_start3A_72 : memref<5120x128xf32, #tpu.memory_space<vmem_shared>>) offsets(%arg9 : memref<128xi32, #tpu.memory_space<vmem>>) semaphore(%arg18 : memref<!tpu.dma_semaphore, #tpu.memory_space<semaphore_mem>>) {add = true}
    %scan3A_73 = arith.constant 0 : i32
    %scan3A_74 = arith.constant 0 : i32
    %scan3A_75 = arith.constant 38 : i32
    %scan3A_76 = arith.addi %scan3A_74, %scan3A_75 : i32
    %scan3A_77 = arith.constant 1 : i32
    %scan3A_78 = scf.for %scan3A_105 = %scan3A_74 to %scan3A_76 step %scan3A_77 iter_args(%scan3A_106 = %scan3A_73) -> (i32)  : i32 {
      %mul3A_107 = arith.constant 2 : i32
      %mul3A_108 = arith.muli %scan3A_105, %mul3A_107 : i32
      %add3A_109 = arith.constant 2 : i32
      %add3A_110 = arith.addi %mul3A_108, %add3A_109 : i32
      %add3A_111 = arith.constant 0 : i32
      %add3A_112 = arith.addi %add3A_110, %add3A_111 : i32
      %mul3A_113 = arith.constant 128 : i32
      %mul3A_114 = arith.muli %add3A_112, %mul3A_113 : i32
      %add3A_115 = arith.addi %mul3A_26, %mul3A_114 : i32
      %dma_wait3A_116 = tpu.memref_slice %arg3[%add3A_115] : memref<323584xi32, #tpu.memory_space<hbm>> -> memref<128xi32, #tpu.memory_space<hbm>>
      %dma_wait3A_117 = tpu.memref_slice %arg3[%add3A_115] : memref<323584xi32, #tpu.memory_space<hbm>> -> memref<128xi32, #tpu.memory_space<hbm>>
      tpu.wait_dma2 semaphore(%arg16 : memref<!tpu.dma_semaphore, #tpu.memory_space<semaphore_mem>>) src(%dma_wait3A_117 : memref<128xi32, #tpu.memory_space<hbm>>) dst(%arg6 : memref<128xi32, #tpu.memory_space<vmem>>)
      %dma_wait3A_118 = tpu.memref_slice %arg4[%add3A_115] : memref<323584xi32, #tpu.memory_space<hbm>> -> memref<128xi32, #tpu.memory_space<hbm>>
      %dma_wait3A_119 = tpu.memref_slice %arg4[%add3A_115] : memref<323584xi32, #tpu.memory_space<hbm>> -> memref<128xi32, #tpu.memory_space<hbm>>
      tpu.wait_dma2 semaphore(%arg16 : memref<!tpu.dma_semaphore, #tpu.memory_space<semaphore_mem>>) src(%dma_wait3A_119 : memref<128xi32, #tpu.memory_space<hbm>>) dst(%arg8 : memref<128xi32, #tpu.memory_space<vmem>>)
      %dma_wait3A_120 = arith.constant 0 : i32
      %dma_wait3A_121 = arith.constant 0 : i32
      %dma_wait3A_122 = tpu.memref_slice %arg13[%dma_wait3A_120, %dma_wait3A_121] : memref<5120x128xf32, #tpu.memory_space<vmem_shared>> -> memref<5120x128xf32, #tpu.memory_space<vmem_shared>>
      tpu.wait_indirect_dma semaphore(%arg18 : memref<!tpu.dma_semaphore, #tpu.memory_space<semaphore_mem>>) src(%arg10 : memref<128x128xf32, #tpu.memory_space<vmem>>) dst(%dma_wait3A_122 : memref<5120x128xf32, #tpu.memory_space<vmem_shared>>)
      %dma_start3A_123 = arith.constant 0 : i32
      %dma_start3A_124 = arith.constant 0 : i32
      %dma_start3A_125 = tpu.memref_slice %arg2[%dma_start3A_123, %dma_start3A_124] : memref<10240x128xf32, #tpu.memory_space<hbm>> -> memref<10240x128xf32, #tpu.memory_space<hbm>>
      tpu.enqueue_indirect_dma source(%dma_start3A_125 : memref<10240x128xf32, #tpu.memory_space<hbm>>) target(%arg10 : memref<128x128xf32, #tpu.memory_space<vmem>>) offsets(%arg6 : memref<128xi32, #tpu.memory_space<vmem>>) semaphore(%arg14 : memref<!tpu.dma_semaphore, #tpu.memory_space<semaphore_mem>>)
      %add3A_126 = arith.constant 1 : i32
      %add3A_127 = arith.addi %add3A_112, %add3A_126 : i32
      %mul3A_128 = arith.constant 128 : i32
      %mul3A_129 = arith.muli %add3A_127, %mul3A_128 : i32
      %add3A_130 = arith.addi %mul3A_26, %mul3A_129 : i32
      %dma_start3A_131 = tpu.memref_slice %arg3[%add3A_130] : memref<323584xi32, #tpu.memory_space<hbm>> -> memref<128xi32, #tpu.memory_space<hbm>>
      %dma_start3A_132 = tpu.memref_slice %arg3[%add3A_130] : memref<323584xi32, #tpu.memory_space<hbm>> -> memref<128xi32, #tpu.memory_space<hbm>>
      tpu.enqueue_dma source(%dma_start3A_132 : memref<128xi32, #tpu.memory_space<hbm>>) target(%arg7 : memref<128xi32, #tpu.memory_space<vmem>>) target_semaphore(%arg17 : memref<!tpu.dma_semaphore, #tpu.memory_space<semaphore_mem>>)
      %dma_start3A_133 = tpu.memref_slice %arg4[%add3A_130] : memref<323584xi32, #tpu.memory_space<hbm>> -> memref<128xi32, #tpu.memory_space<hbm>>
      %dma_start3A_134 = tpu.memref_slice %arg4[%add3A_130] : memref<323584xi32, #tpu.memory_space<hbm>> -> memref<128xi32, #tpu.memory_space<hbm>>
      tpu.enqueue_dma source(%dma_start3A_134 : memref<128xi32, #tpu.memory_space<hbm>>) target(%arg9 : memref<128xi32, #tpu.memory_space<vmem>>) target_semaphore(%arg17 : memref<!tpu.dma_semaphore, #tpu.memory_space<semaphore_mem>>)
      %dma_wait3A_135 = arith.constant 0 : i32
      %dma_wait3A_136 = arith.constant 0 : i32
      %dma_wait3A_137 = tpu.memref_slice %arg2[%dma_wait3A_135, %dma_wait3A_136] : memref<10240x128xf32, #tpu.memory_space<hbm>> -> memref<10240x128xf32, #tpu.memory_space<hbm>>
      tpu.wait_indirect_dma semaphore(%arg14 : memref<!tpu.dma_semaphore, #tpu.memory_space<semaphore_mem>>) src(%dma_wait3A_137 : memref<10240x128xf32, #tpu.memory_space<hbm>>) dst(%arg10 : memref<128x128xf32, #tpu.memory_space<vmem>>)
      %dma_start3A_138 = arith.constant 0 : i32
      %dma_start3A_139 = arith.constant 0 : i32
      %dma_start3A_140 = tpu.memref_slice %arg13[%dma_start3A_138, %dma_start3A_139] : memref<5120x128xf32, #tpu.memory_space<vmem_shared>> -> memref<5120x128xf32, #tpu.memory_space<vmem_shared>>
      tpu.enqueue_indirect_dma source(%arg10 : memref<128x128xf32, #tpu.memory_space<vmem>>) target(%dma_start3A_140 : memref<5120x128xf32, #tpu.memory_space<vmem_shared>>) offsets(%arg8 : memref<128xi32, #tpu.memory_space<vmem>>) semaphore(%arg18 : memref<!tpu.dma_semaphore, #tpu.memory_space<semaphore_mem>>) {add = true}
      %mul3A_141 = arith.constant 2 : i32
      %mul3A_142 = arith.muli %scan3A_105, %mul3A_141 : i32
      %add3A_143 = arith.constant 2 : i32
      %add3A_144 = arith.addi %mul3A_142, %add3A_143 : i32
      %add3A_145 = arith.constant 1 : i32
      %add3A_146 = arith.addi %add3A_144, %add3A_145 : i32
      %mul3A_147 = arith.constant 128 : i32
      %mul3A_148 = arith.muli %add3A_146, %mul3A_147 : i32
      %add3A_149 = arith.addi %mul3A_26, %mul3A_148 : i32
      %dma_wait3A_150 = tpu.memref_slice %arg3[%add3A_149] : memref<323584xi32, #tpu.memory_space<hbm>> -> memref<128xi32, #tpu.memory_space<hbm>>
      %dma_wait3A_151 = tpu.memref_slice %arg3[%add3A_149] : memref<323584xi32, #tpu.memory_space<hbm>> -> memref<128xi32, #tpu.memory_space<hbm>>
      tpu.wait_dma2 semaphore(%arg17 : memref<!tpu.dma_semaphore, #tpu.memory_space<semaphore_mem>>) src(%dma_wait3A_151 : memref<128xi32, #tpu.memory_space<hbm>>) dst(%arg7 : memref<128xi32, #tpu.memory_space<vmem>>)
      %dma_wait3A_152 = tpu.memref_slice %arg4[%add3A_149] : memref<323584xi32, #tpu.memory_space<hbm>> -> memref<128xi32, #tpu.memory_space<hbm>>
      %dma_wait3A_153 = tpu.memref_slice %arg4[%add3A_149] : memref<323584xi32, #tpu.memory_space<hbm>> -> memref<128xi32, #tpu.memory_space<hbm>>
      tpu.wait_dma2 semaphore(%arg17 : memref<!tpu.dma_semaphore, #tpu.memory_space<semaphore_mem>>) src(%dma_wait3A_153 : memref<128xi32, #tpu.memory_space<hbm>>) dst(%arg9 : memref<128xi32, #tpu.memory_space<vmem>>)
      %dma_wait3A_154 = arith.constant 0 : i32
      %dma_wait3A_155 = arith.constant 0 : i32
      %dma_wait3A_156 = tpu.memref_slice %arg13[%dma_wait3A_154, %dma_wait3A_155] : memref<5120x128xf32, #tpu.memory_space<vmem_shared>> -> memref<5120x128xf32, #tpu.memory_space<vmem_shared>>
      tpu.wait_indirect_dma semaphore(%arg18 : memref<!tpu.dma_semaphore, #tpu.memory_space<semaphore_mem>>) src(%arg11 : memref<128x128xf32, #tpu.memory_space<vmem>>) dst(%dma_wait3A_156 : memref<5120x128xf32, #tpu.memory_space<vmem_shared>>)
      %dma_start3A_157 = arith.constant 0 : i32
      %dma_start3A_158 = arith.constant 0 : i32
      %dma_start3A_159 = tpu.memref_slice %arg2[%dma_start3A_157, %dma_start3A_158] : memref<10240x128xf32, #tpu.memory_space<hbm>> -> memref<10240x128xf32, #tpu.memory_space<hbm>>
      tpu.enqueue_indirect_dma source(%dma_start3A_159 : memref<10240x128xf32, #tpu.memory_space<hbm>>) target(%arg11 : memref<128x128xf32, #tpu.memory_space<vmem>>) offsets(%arg7 : memref<128xi32, #tpu.memory_space<vmem>>) semaphore(%arg15 : memref<!tpu.dma_semaphore, #tpu.memory_space<semaphore_mem>>)
      %add3A_160 = arith.constant 1 : i32
      %add3A_161 = arith.addi %add3A_146, %add3A_160 : i32
      %mul3A_162 = arith.constant 128 : i32
      %mul3A_163 = arith.muli %add3A_161, %mul3A_162 : i32
      %add3A_164 = arith.addi %mul3A_26, %mul3A_163 : i32
      %dma_start3A_165 = tpu.memref_slice %arg3[%add3A_164] : memref<323584xi32, #tpu.memory_space<hbm>> -> memref<128xi32, #tpu.memory_space<hbm>>
      %dma_start3A_166 = tpu.memref_slice %arg3[%add3A_164] : memref<323584xi32, #tpu.memory_space<hbm>> -> memref<128xi32, #tpu.memory_space<hbm>>
      tpu.enqueue_dma source(%dma_start3A_166 : memref<128xi32, #tpu.memory_space<hbm>>) target(%arg6 : memref<128xi32, #tpu.memory_space<vmem>>) target_semaphore(%arg16 : memref<!tpu.dma_semaphore, #tpu.memory_space<semaphore_mem>>)
      %dma_start3A_167 = tpu.memref_slice %arg4[%add3A_164] : memref<323584xi32, #tpu.memory_space<hbm>> -> memref<128xi32, #tpu.memory_space<hbm>>
      %dma_start3A_168 = tpu.memref_slice %arg4[%add3A_164] : memref<323584xi32, #tpu.memory_space<hbm>> -> memref<128xi32, #tpu.memory_space<hbm>>
      tpu.enqueue_dma source(%dma_start3A_168 : memref<128xi32, #tpu.memory_space<hbm>>) target(%arg8 : memref<128xi32, #tpu.memory_space<vmem>>) target_semaphore(%arg16 : memref<!tpu.dma_semaphore, #tpu.memory_space<semaphore_mem>>)
      %dma_wait3A_169 = arith.constant 0 : i32
      %dma_wait3A_170 = arith.constant 0 : i32
      %dma_wait3A_171 = tpu.memref_slice %arg2[%dma_wait3A_169, %dma_wait3A_170] : memref<10240x128xf32, #tpu.memory_space<hbm>> -> memref<10240x128xf32, #tpu.memory_space<hbm>>
      tpu.wait_indirect_dma semaphore(%arg15 : memref<!tpu.dma_semaphore, #tpu.memory_space<semaphore_mem>>) src(%dma_wait3A_171 : memref<10240x128xf32, #tpu.memory_space<hbm>>) dst(%arg11 : memref<128x128xf32, #tpu.memory_space<vmem>>)
      %dma_start3A_172 = arith.constant 0 : i32
      %dma_start3A_173 = arith.constant 0 : i32
      %dma_start3A_174 = tpu.memref_slice %arg13[%dma_start3A_172, %dma_start3A_173] : memref<5120x128xf32, #tpu.memory_space<vmem_shared>> -> memref<5120x128xf32, #tpu.memory_space<vmem_shared>>
      tpu.enqueue_indirect_dma source(%arg11 : memref<128x128xf32, #tpu.memory_space<vmem>>) target(%dma_start3A_174 : memref<5120x128xf32, #tpu.memory_space<vmem_shared>>) offsets(%arg9 : memref<128xi32, #tpu.memory_space<vmem>>) semaphore(%arg18 : memref<!tpu.dma_semaphore, #tpu.memory_space<semaphore_mem>>) {add = true}
      %scan3A_175 = arith.constant 0 : i32
      scf.yield %scan3A_175 : i32
    }
    %scan3A_79 = arith.constant 38 : i32
    %add3A_80 = arith.constant 9984 : i32
    %add3A_81 = arith.addi %mul3A_26, %add3A_80 : i32
    %dma_wait3A_82 = tpu.memref_slice %arg3[%add3A_81] : memref<323584xi32, #tpu.memory_space<hbm>> -> memref<128xi32, #tpu.memory_space<hbm>>
    %dma_wait3A_83 = tpu.memref_slice %arg3[%add3A_81] : memref<323584xi32, #tpu.memory_space<hbm>> -> memref<128xi32, #tpu.memory_space<hbm>>
    tpu.wait_dma2 semaphore(%arg16 : memref<!tpu.dma_semaphore, #tpu.memory_space<semaphore_mem>>) src(%dma_wait3A_83 : memref<128xi32, #tpu.memory_space<hbm>>) dst(%arg6 : memref<128xi32, #tpu.memory_space<vmem>>)
    %dma_wait3A_84 = tpu.memref_slice %arg4[%add3A_81] : memref<323584xi32, #tpu.memory_space<hbm>> -> memref<128xi32, #tpu.memory_space<hbm>>
    %dma_wait3A_85 = tpu.memref_slice %arg4[%add3A_81] : memref<323584xi32, #tpu.memory_space<hbm>> -> memref<128xi32, #tpu.memory_space<hbm>>
    tpu.wait_dma2 semaphore(%arg16 : memref<!tpu.dma_semaphore, #tpu.memory_space<semaphore_mem>>) src(%dma_wait3A_85 : memref<128xi32, #tpu.memory_space<hbm>>) dst(%arg8 : memref<128xi32, #tpu.memory_space<vmem>>)
    %dma_wait3A_86 = arith.constant 0 : i32
    %dma_wait3A_87 = arith.constant 0 : i32
    %dma_wait3A_88 = tpu.memref_slice %arg13[%dma_wait3A_86, %dma_wait3A_87] : memref<5120x128xf32, #tpu.memory_space<vmem_shared>> -> memref<5120x128xf32, #tpu.memory_space<vmem_shared>>
    tpu.wait_indirect_dma semaphore(%arg18 : memref<!tpu.dma_semaphore, #tpu.memory_space<semaphore_mem>>) src(%arg10 : memref<128x128xf32, #tpu.memory_space<vmem>>) dst(%dma_wait3A_88 : memref<5120x128xf32, #tpu.memory_space<vmem_shared>>)
    %dma_start3A_89 = arith.constant 0 : i32
    %dma_start3A_90 = arith.constant 0 : i32
    %dma_start3A_91 = tpu.memref_slice %arg2[%dma_start3A_89, %dma_start3A_90] : memref<10240x128xf32, #tpu.memory_space<hbm>> -> memref<10240x128xf32, #tpu.memory_space<hbm>>
    tpu.enqueue_indirect_dma source(%dma_start3A_91 : memref<10240x128xf32, #tpu.memory_space<hbm>>) target(%arg10 : memref<128x128xf32, #tpu.memory_space<vmem>>) offsets(%arg6 : memref<128xi32, #tpu.memory_space<vmem>>) semaphore(%arg14 : memref<!tpu.dma_semaphore, #tpu.memory_space<semaphore_mem>>)
    %dma_wait3A_92 = arith.constant 0 : i32
    %dma_wait3A_93 = arith.constant 0 : i32
    %dma_wait3A_94 = tpu.memref_slice %arg2[%dma_wait3A_92, %dma_wait3A_93] : memref<10240x128xf32, #tpu.memory_space<hbm>> -> memref<10240x128xf32, #tpu.memory_space<hbm>>
    tpu.wait_indirect_dma semaphore(%arg14 : memref<!tpu.dma_semaphore, #tpu.memory_space<semaphore_mem>>) src(%dma_wait3A_94 : memref<10240x128xf32, #tpu.memory_space<hbm>>) dst(%arg10 : memref<128x128xf32, #tpu.memory_space<vmem>>)
    %dma_start3A_95 = arith.constant 0 : i32
    %dma_start3A_96 = arith.constant 0 : i32
    %dma_start3A_97 = tpu.memref_slice %arg13[%dma_start3A_95, %dma_start3A_96] : memref<5120x128xf32, #tpu.memory_space<vmem_shared>> -> memref<5120x128xf32, #tpu.memory_space<vmem_shared>>
    tpu.enqueue_indirect_dma source(%arg10 : memref<128x128xf32, #tpu.memory_space<vmem>>) target(%dma_start3A_97 : memref<5120x128xf32, #tpu.memory_space<vmem_shared>>) offsets(%arg8 : memref<128xi32, #tpu.memory_space<vmem>>) semaphore(%arg18 : memref<!tpu.dma_semaphore, #tpu.memory_space<semaphore_mem>>) {add = true}
    %dma_wait3A_98 = arith.constant 0 : i32
    %dma_wait3A_99 = arith.constant 0 : i32
    %dma_wait3A_100 = tpu.memref_slice %arg13[%dma_wait3A_98, %dma_wait3A_99] : memref<5120x128xf32, #tpu.memory_space<vmem_shared>> -> memref<5120x128xf32, #tpu.memory_space<vmem_shared>>
    tpu.wait_indirect_dma semaphore(%arg18 : memref<!tpu.dma_semaphore, #tpu.memory_space<semaphore_mem>>) src(%arg10 : memref<128x128xf32, #tpu.memory_space<vmem>>) dst(%dma_wait3A_100 : memref<5120x128xf32, #tpu.memory_space<vmem_shared>>)
    %dma_wait3A_101 = arith.constant 0 : i32
    %dma_wait3A_102 = arith.constant 0 : i32
    %dma_wait3A_103 = tpu.memref_slice %arg13[%dma_wait3A_101, %dma_wait3A_102] : memref<5120x128xf32, #tpu.memory_space<vmem_shared>> -> memref<5120x128xf32, #tpu.memory_space<vmem_shared>>
    tpu.wait_indirect_dma semaphore(%arg18 : memref<!tpu.dma_semaphore, #tpu.memory_space<semaphore_mem>>) src(%arg11 : memref<128x128xf32, #tpu.memory_space<vmem>>) dst(%dma_wait3A_103 : memref<5120x128xf32, #tpu.memory_space<vmem_shared>>)
    %barrier3A_104 = arith.constant 0 : index
    tpu.barrier barrier_id(%barrier3A_104)
    "tpu.region"() ({
      %run_scoped3A = tpu.sem_alloc : memref<!tpu.dma_semaphore, #tpu.memory_space<semaphore_mem>>
      %dma_start3A_105 = arith.constant 0 : i32
      %dma_start3A_106 = tpu.memref_slice %arg5[%arg0, %mul3A_8, %dma_start3A_105] : memref<2x5120x128xf32, #tpu.memory_space<hbm>> -> memref<1x320x128xf32, #tpu.memory_space<hbm>>
      %dma_start3A_107 = tpu.memref_squeeze %dma_start3A_106 : memref<1x320x128xf32, #tpu.memory_space<hbm>> -> memref<320x128xf32, #tpu.memory_space<hbm>>
      %dma_start3A_108 = arith.constant 0 : i32
      %dma_start3A_109 = tpu.memref_slice %arg13[%mul3A_8, %dma_start3A_108] : memref<5120x128xf32, #tpu.memory_space<vmem_shared>> -> memref<320x128xf32, #tpu.memory_space<vmem_shared>>
      tpu.enqueue_dma source(%dma_start3A_109 : memref<320x128xf32, #tpu.memory_space<vmem_shared>>) target(%dma_start3A_107 : memref<320x128xf32, #tpu.memory_space<hbm>>) target_semaphore(%run_scoped3A : memref<!tpu.dma_semaphore, #tpu.memory_space<semaphore_mem>>)
      %dma_wait3A_110 = arith.constant 0 : i32
      %dma_wait3A_111 = tpu.memref_slice %arg5[%arg0, %mul3A_8, %dma_wait3A_110] : memref<2x5120x128xf32, #tpu.memory_space<hbm>> -> memref<1x320x128xf32, #tpu.memory_space<hbm>>
      %dma_wait3A_112 = tpu.memref_squeeze %dma_wait3A_111 : memref<1x320x128xf32, #tpu.memory_space<hbm>> -> memref<320x128xf32, #tpu.memory_space<hbm>>
      %dma_wait3A_113 = arith.constant 0 : i32
      %dma_wait3A_114 = tpu.memref_slice %arg13[%mul3A_8, %dma_wait3A_113] : memref<5120x128xf32, #tpu.memory_space<vmem_shared>> -> memref<320x128xf32, #tpu.memory_space<vmem_shared>>
      tpu.wait_dma2 semaphore(%run_scoped3A : memref<!tpu.dma_semaphore, #tpu.memory_space<semaphore_mem>>) src(%dma_wait3A_114 : memref<320x128xf32, #tpu.memory_space<vmem_shared>>) dst(%dma_wait3A_112 : memref<320x128xf32, #tpu.memory_space<hbm>>)
      tpu.yield
    }) : () -> ()
    return
  }
}

#map = affine_map<(d0, d1) -> (0)>
#map1 = affine_map<(d0, d1) -> (0, 0, 0)>
module attributes {stable_mosaic.version = 14 : i64} {
  func.func @k(%arg0: i32, %arg1: i32, %arg2: memref<323584xi32, #tpu.memory_space<hbm>>, %arg3: memref<2x10240x128xf32, #tpu.memory_space<hbm>>, %arg4: memref<128xi32, #tpu.memory_space<vmem>>, %arg5: memref<128xi32, #tpu.memory_space<vmem>>, %arg6: memref<128x128xf32, #tpu.memory_space<vmem>>, %arg7: memref<160x128xf32, #tpu.memory_space<vmem>>, %arg8: memref<10240x128xf32, #tpu.memory_space<vmem_shared>>, %arg9: memref<!tpu.dma_semaphore, #tpu.memory_space<semaphore_mem>>, %arg10: memref<!tpu.dma_semaphore, #tpu.memory_space<semaphore_mem>>, %arg11: memref<!tpu.dma_semaphore, #tpu.memory_space<semaphore_mem>>) attributes {dimension_semantics = [#tpu.dimension_semantics<core_parallel>, #tpu.dimension_semantics<subcore_parallel>], iteration_bounds = array<i64: 2, 16>, scalar_prefetch = 0 : i64, scratch_operands = 8 : i64, tpu.core_type = #tpu.core_type<sc_vector_subcore>, window_params = [{transform_indices = #map}, {transform_indices = #map1}]} {
    %mul3A = arith.constant 2 : i32
    %mul3A_0 = arith.muli %arg1, %mul3A : i32
    %add3A = arith.addi %mul3A_0, %arg0 : i32
    %scan3A = arith.constant 0 : i32
    %scan3A_1 = arith.constant 0 : i32
    %scan3A_2 = arith.constant 128 : i32
    %scan3A_3 = arith.addi %scan3A_1, %scan3A_2 : i32
    %scan3A_4 = arith.constant 1 : i32
    %scan3A_5 = scf.for %scan3A_74 = %scan3A_1 to %scan3A_3 step %scan3A_4 iter_args(%scan3A_75 = %scan3A) -> (i32)  : i32 {
      %broadcast_in_dim3A = arith.constant 1.000000e+00 : f32
      %broadcast_in_dim3A_76 = vector.broadcast %broadcast_in_dim3A : f32 to vector<16xf32>
      %swap3A = arith.index_cast %scan3A_74 : i32 to index
      %swap3A_77 = arith.constant 0 : index
      %swap3A_78 = tpu.vector_load %arg6[%swap3A, %swap3A_77] {strides = array<i32>} : memref<128x128xf32, #tpu.memory_space<vmem>>, vector<1x16xf32>,
      %swap3A_79 = vector.shape_cast %swap3A_78 : vector<1x16xf32> to vector<16xf32>
      %swap3A_80 = vector.shape_cast %broadcast_in_dim3A_76 : vector<16xf32> to vector<1x16xf32>
      tpu.vector_store %arg6[%swap3A, %swap3A_77], %swap3A_80 {strides = array<i32>} : memref<128x128xf32, #tpu.memory_space<vmem>>, vector<1x16xf32>,
      %broadcast_in_dim3A_81 = arith.constant 1.000000e+00 : f32
      %broadcast_in_dim3A_82 = vector.broadcast %broadcast_in_dim3A_81 : f32 to vector<16xf32>
      %swap3A_83 = arith.index_cast %scan3A_74 : i32 to index
      %swap3A_84 = arith.constant 16 : index
      %swap3A_85 = tpu.vector_load %arg6[%swap3A_83, %swap3A_84] {strides = array<i32>} : memref<128x128xf32, #tpu.memory_space<vmem>>, vector<1x16xf32>,
      %swap3A_86 = vector.shape_cast %swap3A_85 : vector<1x16xf32> to vector<16xf32>
      %swap3A_87 = vector.shape_cast %broadcast_in_dim3A_82 : vector<16xf32> to vector<1x16xf32>
      tpu.vector_store %arg6[%swap3A_83, %swap3A_84], %swap3A_87 {strides = array<i32>} : memref<128x128xf32, #tpu.memory_space<vmem>>, vector<1x16xf32>,
      %broadcast_in_dim3A_88 = arith.constant 1.000000e+00 : f32
      %broadcast_in_dim3A_89 = vector.broadcast %broadcast_in_dim3A_88 : f32 to vector<16xf32>
      %swap3A_90 = arith.index_cast %scan3A_74 : i32 to index
      %swap3A_91 = arith.constant 32 : index
      %swap3A_92 = tpu.vector_load %arg6[%swap3A_90, %swap3A_91] {strides = array<i32>} : memref<128x128xf32, #tpu.memory_space<vmem>>, vector<1x16xf32>,
      %swap3A_93 = vector.shape_cast %swap3A_92 : vector<1x16xf32> to vector<16xf32>
      %swap3A_94 = vector.shape_cast %broadcast_in_dim3A_89 : vector<16xf32> to vector<1x16xf32>
      tpu.vector_store %arg6[%swap3A_90, %swap3A_91], %swap3A_94 {strides = array<i32>} : memref<128x128xf32, #tpu.memory_space<vmem>>, vector<1x16xf32>,
      %broadcast_in_dim3A_95 = arith.constant 1.000000e+00 : f32
      %broadcast_in_dim3A_96 = vector.broadcast %broadcast_in_dim3A_95 : f32 to vector<16xf32>
      %swap3A_97 = arith.index_cast %scan3A_74 : i32 to index
      %swap3A_98 = arith.constant 48 : index
      %swap3A_99 = tpu.vector_load %arg6[%swap3A_97, %swap3A_98] {strides = array<i32>} : memref<128x128xf32, #tpu.memory_space<vmem>>, vector<1x16xf32>,
      %swap3A_100 = vector.shape_cast %swap3A_99 : vector<1x16xf32> to vector<16xf32>
      %swap3A_101 = vector.shape_cast %broadcast_in_dim3A_96 : vector<16xf32> to vector<1x16xf32>
      tpu.vector_store %arg6[%swap3A_97, %swap3A_98], %swap3A_101 {strides = array<i32>} : memref<128x128xf32, #tpu.memory_space<vmem>>, vector<1x16xf32>,
      %broadcast_in_dim3A_102 = arith.constant 1.000000e+00 : f32
      %broadcast_in_dim3A_103 = vector.broadcast %broadcast_in_dim3A_102 : f32 to vector<16xf32>
      %swap3A_104 = arith.index_cast %scan3A_74 : i32 to index
      %swap3A_105 = arith.constant 64 : index
      %swap3A_106 = tpu.vector_load %arg6[%swap3A_104, %swap3A_105] {strides = array<i32>} : memref<128x128xf32, #tpu.memory_space<vmem>>, vector<1x16xf32>,
      %swap3A_107 = vector.shape_cast %swap3A_106 : vector<1x16xf32> to vector<16xf32>
      %swap3A_108 = vector.shape_cast %broadcast_in_dim3A_103 : vector<16xf32> to vector<1x16xf32>
      tpu.vector_store %arg6[%swap3A_104, %swap3A_105], %swap3A_108 {strides = array<i32>} : memref<128x128xf32, #tpu.memory_space<vmem>>, vector<1x16xf32>,
      %broadcast_in_dim3A_109 = arith.constant 1.000000e+00 : f32
      %broadcast_in_dim3A_110 = vector.broadcast %broadcast_in_dim3A_109 : f32 to vector<16xf32>
      %swap3A_111 = arith.index_cast %scan3A_74 : i32 to index
      %swap3A_112 = arith.constant 80 : index
      %swap3A_113 = tpu.vector_load %arg6[%swap3A_111, %swap3A_112] {strides = array<i32>} : memref<128x128xf32, #tpu.memory_space<vmem>>, vector<1x16xf32>,
      %swap3A_114 = vector.shape_cast %swap3A_113 : vector<1x16xf32> to vector<16xf32>
      %swap3A_115 = vector.shape_cast %broadcast_in_dim3A_110 : vector<16xf32> to vector<1x16xf32>
      tpu.vector_store %arg6[%swap3A_111, %swap3A_112], %swap3A_115 {strides = array<i32>} : memref<128x128xf32, #tpu.memory_space<vmem>>, vector<1x16xf32>,
      %broadcast_in_dim3A_116 = arith.constant 1.000000e+00 : f32
      %broadcast_in_dim3A_117 = vector.broadcast %broadcast_in_dim3A_116 : f32 to vector<16xf32>
      %swap3A_118 = arith.index_cast %scan3A_74 : i32 to index
      %swap3A_119 = arith.constant 96 : index
      %swap3A_120 = tpu.vector_load %arg6[%swap3A_118, %swap3A_119] {strides = array<i32>} : memref<128x128xf32, #tpu.memory_space<vmem>>, vector<1x16xf32>,
      %swap3A_121 = vector.shape_cast %swap3A_120 : vector<1x16xf32> to vector<16xf32>
      %swap3A_122 = vector.shape_cast %broadcast_in_dim3A_117 : vector<16xf32> to vector<1x16xf32>
      tpu.vector_store %arg6[%swap3A_118, %swap3A_119], %swap3A_122 {strides = array<i32>} : memref<128x128xf32, #tpu.memory_space<vmem>>, vector<1x16xf32>,
      %broadcast_in_dim3A_123 = arith.constant 1.000000e+00 : f32
      %broadcast_in_dim3A_124 = vector.broadcast %broadcast_in_dim3A_123 : f32 to vector<16xf32>
      %swap3A_125 = arith.index_cast %scan3A_74 : i32 to index
      %swap3A_126 = arith.constant 112 : index
      %swap3A_127 = tpu.vector_load %arg6[%swap3A_125, %swap3A_126] {strides = array<i32>} : memref<128x128xf32, #tpu.memory_space<vmem>>, vector<1x16xf32>,
      %swap3A_128 = vector.shape_cast %swap3A_127 : vector<1x16xf32> to vector<16xf32>
      %swap3A_129 = vector.shape_cast %broadcast_in_dim3A_124 : vector<16xf32> to vector<1x16xf32>
      tpu.vector_store %arg6[%swap3A_125, %swap3A_126], %swap3A_129 {strides = array<i32>} : memref<128x128xf32, #tpu.memory_space<vmem>>, vector<1x16xf32>,
      %scan3A_130 = arith.constant 0 : i32
      scf.yield %scan3A_130 : i32
    }
    %scan3A_6 = arith.constant 128 : i32
    %scan3A_7 = arith.constant 0 : i32
    %scan3A_8 = arith.constant 0 : i32
    %scan3A_9 = arith.constant 160 : i32
    %scan3A_10 = arith.addi %scan3A_8, %scan3A_9 : i32
    %scan3A_11 = arith.constant 1 : i32
    %scan3A_12 = scf.for %scan3A_74 = %scan3A_8 to %scan3A_10 step %scan3A_11 iter_args(%scan3A_75 = %scan3A_7) -> (i32)  : i32 {
      %broadcast_in_dim3A = arith.constant 0.000000e+00 : f32
      %broadcast_in_dim3A_76 = vector.broadcast %broadcast_in_dim3A : f32 to vector<16xf32>
      %swap3A = arith.index_cast %scan3A_74 : i32 to index
      %swap3A_77 = arith.constant 0 : index
      %swap3A_78 = tpu.vector_load %arg7[%swap3A, %swap3A_77] {strides = array<i32>} : memref<160x128xf32, #tpu.memory_space<vmem>>, vector<1x16xf32>,
      %swap3A_79 = vector.shape_cast %swap3A_78 : vector<1x16xf32> to vector<16xf32>
      %swap3A_80 = vector.shape_cast %broadcast_in_dim3A_76 : vector<16xf32> to vector<1x16xf32>
      tpu.vector_store %arg7[%swap3A, %swap3A_77], %swap3A_80 {strides = array<i32>} : memref<160x128xf32, #tpu.memory_space<vmem>>, vector<1x16xf32>,
      %broadcast_in_dim3A_81 = arith.constant 0.000000e+00 : f32
      %broadcast_in_dim3A_82 = vector.broadcast %broadcast_in_dim3A_81 : f32 to vector<16xf32>
      %swap3A_83 = arith.index_cast %scan3A_74 : i32 to index
      %swap3A_84 = arith.constant 16 : index
      %swap3A_85 = tpu.vector_load %arg7[%swap3A_83, %swap3A_84] {strides = array<i32>} : memref<160x128xf32, #tpu.memory_space<vmem>>, vector<1x16xf32>,
      %swap3A_86 = vector.shape_cast %swap3A_85 : vector<1x16xf32> to vector<16xf32>
      %swap3A_87 = vector.shape_cast %broadcast_in_dim3A_82 : vector<16xf32> to vector<1x16xf32>
      tpu.vector_store %arg7[%swap3A_83, %swap3A_84], %swap3A_87 {strides = array<i32>} : memref<160x128xf32, #tpu.memory_space<vmem>>, vector<1x16xf32>,
      %broadcast_in_dim3A_88 = arith.constant 0.000000e+00 : f32
      %broadcast_in_dim3A_89 = vector.broadcast %broadcast_in_dim3A_88 : f32 to vector<16xf32>
      %swap3A_90 = arith.index_cast %scan3A_74 : i32 to index
      %swap3A_91 = arith.constant 32 : index
      %swap3A_92 = tpu.vector_load %arg7[%swap3A_90, %swap3A_91] {strides = array<i32>} : memref<160x128xf32, #tpu.memory_space<vmem>>, vector<1x16xf32>,
      %swap3A_93 = vector.shape_cast %swap3A_92 : vector<1x16xf32> to vector<16xf32>
      %swap3A_94 = vector.shape_cast %broadcast_in_dim3A_89 : vector<16xf32> to vector<1x16xf32>
      tpu.vector_store %arg7[%swap3A_90, %swap3A_91], %swap3A_94 {strides = array<i32>} : memref<160x128xf32, #tpu.memory_space<vmem>>, vector<1x16xf32>,
      %broadcast_in_dim3A_95 = arith.constant 0.000000e+00 : f32
      %broadcast_in_dim3A_96 = vector.broadcast %broadcast_in_dim3A_95 : f32 to vector<16xf32>
      %swap3A_97 = arith.index_cast %scan3A_74 : i32 to index
      %swap3A_98 = arith.constant 48 : index
      %swap3A_99 = tpu.vector_load %arg7[%swap3A_97, %swap3A_98] {strides = array<i32>} : memref<160x128xf32, #tpu.memory_space<vmem>>, vector<1x16xf32>,
      %swap3A_100 = vector.shape_cast %swap3A_99 : vector<1x16xf32> to vector<16xf32>
      %swap3A_101 = vector.shape_cast %broadcast_in_dim3A_96 : vector<16xf32> to vector<1x16xf32>
      tpu.vector_store %arg7[%swap3A_97, %swap3A_98], %swap3A_101 {strides = array<i32>} : memref<160x128xf32, #tpu.memory_space<vmem>>, vector<1x16xf32>,
      %broadcast_in_dim3A_102 = arith.constant 0.000000e+00 : f32
      %broadcast_in_dim3A_103 = vector.broadcast %broadcast_in_dim3A_102 : f32 to vector<16xf32>
      %swap3A_104 = arith.index_cast %scan3A_74 : i32 to index
      %swap3A_105 = arith.constant 64 : index
      %swap3A_106 = tpu.vector_load %arg7[%swap3A_104, %swap3A_105] {strides = array<i32>} : memref<160x128xf32, #tpu.memory_space<vmem>>, vector<1x16xf32>,
      %swap3A_107 = vector.shape_cast %swap3A_106 : vector<1x16xf32> to vector<16xf32>
      %swap3A_108 = vector.shape_cast %broadcast_in_dim3A_103 : vector<16xf32> to vector<1x16xf32>
      tpu.vector_store %arg7[%swap3A_104, %swap3A_105], %swap3A_108 {strides = array<i32>} : memref<160x128xf32, #tpu.memory_space<vmem>>, vector<1x16xf32>,
      %broadcast_in_dim3A_109 = arith.constant 0.000000e+00 : f32
      %broadcast_in_dim3A_110 = vector.broadcast %broadcast_in_dim3A_109 : f32 to vector<16xf32>
      %swap3A_111 = arith.index_cast %scan3A_74 : i32 to index
      %swap3A_112 = arith.constant 80 : index
      %swap3A_113 = tpu.vector_load %arg7[%swap3A_111, %swap3A_112] {strides = array<i32>} : memref<160x128xf32, #tpu.memory_space<vmem>>, vector<1x16xf32>,
      %swap3A_114 = vector.shape_cast %swap3A_113 : vector<1x16xf32> to vector<16xf32>
      %swap3A_115 = vector.shape_cast %broadcast_in_dim3A_110 : vector<16xf32> to vector<1x16xf32>
      tpu.vector_store %arg7[%swap3A_111, %swap3A_112], %swap3A_115 {strides = array<i32>} : memref<160x128xf32, #tpu.memory_space<vmem>>, vector<1x16xf32>,
      %broadcast_in_dim3A_116 = arith.constant 0.000000e+00 : f32
      %broadcast_in_dim3A_117 = vector.broadcast %broadcast_in_dim3A_116 : f32 to vector<16xf32>
      %swap3A_118 = arith.index_cast %scan3A_74 : i32 to index
      %swap3A_119 = arith.constant 96 : index
      %swap3A_120 = tpu.vector_load %arg7[%swap3A_118, %swap3A_119] {strides = array<i32>} : memref<160x128xf32, #tpu.memory_space<vmem>>, vector<1x16xf32>,
      %swap3A_121 = vector.shape_cast %swap3A_120 : vector<1x16xf32> to vector<16xf32>
      %swap3A_122 = vector.shape_cast %broadcast_in_dim3A_117 : vector<16xf32> to vector<1x16xf32>
      tpu.vector_store %arg7[%swap3A_118, %swap3A_119], %swap3A_122 {strides = array<i32>} : memref<160x128xf32, #tpu.memory_space<vmem>>, vector<1x16xf32>,
      %broadcast_in_dim3A_123 = arith.constant 0.000000e+00 : f32
      %broadcast_in_dim3A_124 = vector.broadcast %broadcast_in_dim3A_123 : f32 to vector<16xf32>
      %swap3A_125 = arith.index_cast %scan3A_74 : i32 to index
      %swap3A_126 = arith.constant 112 : index
      %swap3A_127 = tpu.vector_load %arg7[%swap3A_125, %swap3A_126] {strides = array<i32>} : memref<160x128xf32, #tpu.memory_space<vmem>>, vector<1x16xf32>,
      %swap3A_128 = vector.shape_cast %swap3A_127 : vector<1x16xf32> to vector<16xf32>
      %swap3A_129 = vector.shape_cast %broadcast_in_dim3A_124 : vector<16xf32> to vector<1x16xf32>
      tpu.vector_store %arg7[%swap3A_125, %swap3A_126], %swap3A_129 {strides = array<i32>} : memref<160x128xf32, #tpu.memory_space<vmem>>, vector<1x16xf32>,
      %scan3A_130 = arith.constant 0 : i32
      scf.yield %scan3A_130 : i32
    }
    %scan3A_13 = arith.constant 160 : i32
    %mul3A_14 = arith.constant 640 : i32
    %mul3A_15 = arith.muli %arg1, %mul3A_14 : i32
    %add3A_16 = arith.constant 0 : i32
    %add3A_17 = arith.addi %mul3A_15, %add3A_16 : i32
    "tpu.region"() ({
      %run_scoped3A = tpu.sem_alloc : memref<!tpu.dma_semaphore, #tpu.memory_space<semaphore_mem>>
      %dma_start3A_74 = arith.constant 0 : i32
      %dma_start3A_75 = tpu.memref_slice %arg8[%add3A_17, %dma_start3A_74] : memref<10240x128xf32, #tpu.memory_space<vmem_shared>> -> memref<160x128xf32, #tpu.memory_space<vmem_shared>>
      %dma_start3A_76 = arith.constant 0 : i32
      %dma_start3A_77 = tpu.memref_slice %arg8[%add3A_17, %dma_start3A_76] : memref<10240x128xf32, #tpu.memory_space<vmem_shared>> -> memref<160x128xf32, #tpu.memory_space<vmem_shared>>
      tpu.enqueue_dma source(%arg7 : memref<160x128xf32, #tpu.memory_space<vmem>>) target(%dma_start3A_77 : memref<160x128xf32, #tpu.memory_space<vmem_shared>>) target_semaphore(%run_scoped3A : memref<!tpu.dma_semaphore, #tpu.memory_space<semaphore_mem>>)
      %dma_wait3A_78 = arith.constant 0 : i32
      %dma_wait3A_79 = tpu.memref_slice %arg8[%add3A_17, %dma_wait3A_78] : memref<10240x128xf32, #tpu.memory_space<vmem_shared>> -> memref<160x128xf32, #tpu.memory_space<vmem_shared>>
      %dma_wait3A_80 = arith.constant 0 : i32
      %dma_wait3A_81 = tpu.memref_slice %arg8[%add3A_17, %dma_wait3A_80] : memref<10240x128xf32, #tpu.memory_space<vmem_shared>> -> memref<160x128xf32, #tpu.memory_space<vmem_shared>>
      tpu.wait_dma2 semaphore(%run_scoped3A : memref<!tpu.dma_semaphore, #tpu.memory_space<semaphore_mem>>) src(%arg7 : memref<160x128xf32, #tpu.memory_space<vmem>>) dst(%dma_wait3A_81 : memref<160x128xf32, #tpu.memory_space<vmem_shared>>)
      tpu.yield
    }) : () -> ()
    %add3A_18 = arith.constant 160 : i32
    %add3A_19 = arith.addi %mul3A_15, %add3A_18 : i32
    "tpu.region"() ({
      %run_scoped3A = tpu.sem_alloc : memref<!tpu.dma_semaphore, #tpu.memory_space<semaphore_mem>>
      %dma_start3A_74 = arith.constant 0 : i32
      %dma_start3A_75 = tpu.memref_slice %arg8[%add3A_19, %dma_start3A_74] : memref<10240x128xf32, #tpu.memory_space<vmem_shared>> -> memref<160x128xf32, #tpu.memory_space<vmem_shared>>
      %dma_start3A_76 = arith.constant 0 : i32
      %dma_start3A_77 = tpu.memref_slice %arg8[%add3A_19, %dma_start3A_76] : memref<10240x128xf32, #tpu.memory_space<vmem_shared>> -> memref<160x128xf32, #tpu.memory_space<vmem_shared>>
      tpu.enqueue_dma source(%arg7 : memref<160x128xf32, #tpu.memory_space<vmem>>) target(%dma_start3A_77 : memref<160x128xf32, #tpu.memory_space<vmem_shared>>) target_semaphore(%run_scoped3A : memref<!tpu.dma_semaphore, #tpu.memory_space<semaphore_mem>>)
      %dma_wait3A_78 = arith.constant 0 : i32
      %dma_wait3A_79 = tpu.memref_slice %arg8[%add3A_19, %dma_wait3A_78] : memref<10240x128xf32, #tpu.memory_space<vmem_shared>> -> memref<160x128xf32, #tpu.memory_space<vmem_shared>>
      %dma_wait3A_80 = arith.constant 0 : i32
      %dma_wait3A_81 = tpu.memref_slice %arg8[%add3A_19, %dma_wait3A_80] : memref<10240x128xf32, #tpu.memory_space<vmem_shared>> -> memref<160x128xf32, #tpu.memory_space<vmem_shared>>
      tpu.wait_dma2 semaphore(%run_scoped3A : memref<!tpu.dma_semaphore, #tpu.memory_space<semaphore_mem>>) src(%arg7 : memref<160x128xf32, #tpu.memory_space<vmem>>) dst(%dma_wait3A_81 : memref<160x128xf32, #tpu.memory_space<vmem_shared>>)
      tpu.yield
    }) : () -> ()
    %add3A_20 = arith.constant 320 : i32
    %add3A_21 = arith.addi %mul3A_15, %add3A_20 : i32
    "tpu.region"() ({
      %run_scoped3A = tpu.sem_alloc : memref<!tpu.dma_semaphore, #tpu.memory_space<semaphore_mem>>
      %dma_start3A_74 = arith.constant 0 : i32
      %dma_start3A_75 = tpu.memref_slice %arg8[%add3A_21, %dma_start3A_74] : memref<10240x128xf32, #tpu.memory_space<vmem_shared>> -> memref<160x128xf32, #tpu.memory_space<vmem_shared>>
      %dma_start3A_76 = arith.constant 0 : i32
      %dma_start3A_77 = tpu.memref_slice %arg8[%add3A_21, %dma_start3A_76] : memref<10240x128xf32, #tpu.memory_space<vmem_shared>> -> memref<160x128xf32, #tpu.memory_space<vmem_shared>>
      tpu.enqueue_dma source(%arg7 : memref<160x128xf32, #tpu.memory_space<vmem>>) target(%dma_start3A_77 : memref<160x128xf32, #tpu.memory_space<vmem_shared>>) target_semaphore(%run_scoped3A : memref<!tpu.dma_semaphore, #tpu.memory_space<semaphore_mem>>)
      %dma_wait3A_78 = arith.constant 0 : i32
      %dma_wait3A_79 = tpu.memref_slice %arg8[%add3A_21, %dma_wait3A_78] : memref<10240x128xf32, #tpu.memory_space<vmem_shared>> -> memref<160x128xf32, #tpu.memory_space<vmem_shared>>
      %dma_wait3A_80 = arith.constant 0 : i32
      %dma_wait3A_81 = tpu.memref_slice %arg8[%add3A_21, %dma_wait3A_80] : memref<10240x128xf32, #tpu.memory_space<vmem_shared>> -> memref<160x128xf32, #tpu.memory_space<vmem_shared>>
      tpu.wait_dma2 semaphore(%run_scoped3A : memref<!tpu.dma_semaphore, #tpu.memory_space<semaphore_mem>>) src(%arg7 : memref<160x128xf32, #tpu.memory_space<vmem>>) dst(%dma_wait3A_81 : memref<160x128xf32, #tpu.memory_space<vmem_shared>>)
      tpu.yield
    }) : () -> ()
    %add3A_22 = arith.constant 480 : i32
    %add3A_23 = arith.addi %mul3A_15, %add3A_22 : i32
    "tpu.region"() ({
      %run_scoped3A = tpu.sem_alloc : memref<!tpu.dma_semaphore, #tpu.memory_space<semaphore_mem>>
      %dma_start3A_74 = arith.constant 0 : i32
      %dma_start3A_75 = tpu.memref_slice %arg8[%add3A_23, %dma_start3A_74] : memref<10240x128xf32, #tpu.memory_space<vmem_shared>> -> memref<160x128xf32, #tpu.memory_space<vmem_shared>>
      %dma_start3A_76 = arith.constant 0 : i32
      %dma_start3A_77 = tpu.memref_slice %arg8[%add3A_23, %dma_start3A_76] : memref<10240x128xf32, #tpu.memory_space<vmem_shared>> -> memref<160x128xf32, #tpu.memory_space<vmem_shared>>
      tpu.enqueue_dma source(%arg7 : memref<160x128xf32, #tpu.memory_space<vmem>>) target(%dma_start3A_77 : memref<160x128xf32, #tpu.memory_space<vmem_shared>>) target_semaphore(%run_scoped3A : memref<!tpu.dma_semaphore, #tpu.memory_space<semaphore_mem>>)
      %dma_wait3A_78 = arith.constant 0 : i32
      %dma_wait3A_79 = tpu.memref_slice %arg8[%add3A_23, %dma_wait3A_78] : memref<10240x128xf32, #tpu.memory_space<vmem_shared>> -> memref<160x128xf32, #tpu.memory_space<vmem_shared>>
      %dma_wait3A_80 = arith.constant 0 : i32
      %dma_wait3A_81 = tpu.memref_slice %arg8[%add3A_23, %dma_wait3A_80] : memref<10240x128xf32, #tpu.memory_space<vmem_shared>> -> memref<160x128xf32, #tpu.memory_space<vmem_shared>>
      tpu.wait_dma2 semaphore(%run_scoped3A : memref<!tpu.dma_semaphore, #tpu.memory_space<semaphore_mem>>) src(%arg7 : memref<160x128xf32, #tpu.memory_space<vmem>>) dst(%dma_wait3A_81 : memref<160x128xf32, #tpu.memory_space<vmem_shared>>)
      tpu.yield
    }) : () -> ()
    %barrier3A = arith.constant 0 : index
    tpu.barrier barrier_id(%barrier3A)
    %mul3A_24 = arith.constant 10112 : i32
    %mul3A_25 = arith.muli %add3A, %mul3A_24 : i32
    %add3A_26 = arith.constant 0 : i32
    %add3A_27 = arith.addi %mul3A_25, %add3A_26 : i32
    %dma_start3A = tpu.memref_slice %arg2[%add3A_27] : memref<323584xi32, #tpu.memory_space<hbm>> -> memref<128xi32, #tpu.memory_space<hbm>>
    %dma_start3A_28 = tpu.memref_slice %arg2[%add3A_27] : memref<323584xi32, #tpu.memory_space<hbm>> -> memref<128xi32, #tpu.memory_space<hbm>>
    tpu.enqueue_dma source(%dma_start3A_28 : memref<128xi32, #tpu.memory_space<hbm>>) target(%arg4 : memref<128xi32, #tpu.memory_space<vmem>>) target_semaphore(%arg9 : memref<!tpu.dma_semaphore, #tpu.memory_space<semaphore_mem>>)
    %add3A_29 = arith.constant 0 : i32
    %add3A_30 = arith.addi %mul3A_25, %add3A_29 : i32
    %dma_wait3A = tpu.memref_slice %arg2[%add3A_30] : memref<323584xi32, #tpu.memory_space<hbm>> -> memref<128xi32, #tpu.memory_space<hbm>>
    %dma_wait3A_31 = tpu.memref_slice %arg2[%add3A_30] : memref<323584xi32, #tpu.memory_space<hbm>> -> memref<128xi32, #tpu.memory_space<hbm>>
    tpu.wait_dma2 semaphore(%arg9 : memref<!tpu.dma_semaphore, #tpu.memory_space<semaphore_mem>>) src(%dma_wait3A_31 : memref<128xi32, #tpu.memory_space<hbm>>) dst(%arg4 : memref<128xi32, #tpu.memory_space<vmem>>)
    %add3A_32 = arith.constant 128 : i32
    %add3A_33 = arith.addi %mul3A_25, %add3A_32 : i32
    %dma_start3A_34 = tpu.memref_slice %arg2[%add3A_33] : memref<323584xi32, #tpu.memory_space<hbm>> -> memref<128xi32, #tpu.memory_space<hbm>>
    %dma_start3A_35 = tpu.memref_slice %arg2[%add3A_33] : memref<323584xi32, #tpu.memory_space<hbm>> -> memref<128xi32, #tpu.memory_space<hbm>>
    tpu.enqueue_dma source(%dma_start3A_35 : memref<128xi32, #tpu.memory_space<hbm>>) target(%arg5 : memref<128xi32, #tpu.memory_space<vmem>>) target_semaphore(%arg10 : memref<!tpu.dma_semaphore, #tpu.memory_space<semaphore_mem>>)
    %dma_start3A_36 = arith.constant 0 : i32
    %dma_start3A_37 = arith.constant 0 : i32
    %dma_start3A_38 = tpu.memref_slice %arg8[%dma_start3A_36, %dma_start3A_37] : memref<10240x128xf32, #tpu.memory_space<vmem_shared>> -> memref<10240x128xf32, #tpu.memory_space<vmem_shared>>
    tpu.enqueue_indirect_dma source(%arg6 : memref<128x128xf32, #tpu.memory_space<vmem>>) target(%dma_start3A_38 : memref<10240x128xf32, #tpu.memory_space<vmem_shared>>) offsets(%arg4 : memref<128xi32, #tpu.memory_space<vmem>>) semaphore(%arg11 : memref<!tpu.dma_semaphore, #tpu.memory_space<semaphore_mem>>) {add = true}
    %scan3A_39 = arith.constant 0 : i32
    %scan3A_40 = arith.constant 0 : i32
    %scan3A_41 = arith.constant 38 : i32
    %scan3A_42 = arith.addi %scan3A_40, %scan3A_41 : i32
    %scan3A_43 = arith.constant 1 : i32
    %scan3A_44 = scf.for %scan3A_74 = %scan3A_40 to %scan3A_42 step %scan3A_43 iter_args(%scan3A_75 = %scan3A_39) -> (i32)  : i32 {
      %mul3A_76 = arith.constant 2 : i32
      %mul3A_77 = arith.muli %scan3A_74, %mul3A_76 : i32
      %add3A_78 = arith.constant 1 : i32
      %add3A_79 = arith.addi %add3A_78, %mul3A_77 : i32
      %add3A_80 = arith.constant 0 : i32
      %add3A_81 = arith.addi %add3A_79, %add3A_80 : i32
      %mul3A_82 = arith.constant 128 : i32
      %mul3A_83 = arith.muli %add3A_81, %mul3A_82 : i32
      %add3A_84 = arith.addi %mul3A_25, %mul3A_83 : i32
      %dma_wait3A_85 = tpu.memref_slice %arg2[%add3A_84] : memref<323584xi32, #tpu.memory_space<hbm>> -> memref<128xi32, #tpu.memory_space<hbm>>
      %dma_wait3A_86 = tpu.memref_slice %arg2[%add3A_84] : memref<323584xi32, #tpu.memory_space<hbm>> -> memref<128xi32, #tpu.memory_space<hbm>>
      tpu.wait_dma2 semaphore(%arg10 : memref<!tpu.dma_semaphore, #tpu.memory_space<semaphore_mem>>) src(%dma_wait3A_86 : memref<128xi32, #tpu.memory_space<hbm>>) dst(%arg5 : memref<128xi32, #tpu.memory_space<vmem>>)
      %dma_wait3A_87 = arith.constant 0 : i32
      %dma_wait3A_88 = arith.constant 0 : i32
      %dma_wait3A_89 = tpu.memref_slice %arg8[%dma_wait3A_87, %dma_wait3A_88] : memref<10240x128xf32, #tpu.memory_space<vmem_shared>> -> memref<10240x128xf32, #tpu.memory_space<vmem_shared>>
      tpu.wait_indirect_dma semaphore(%arg11 : memref<!tpu.dma_semaphore, #tpu.memory_space<semaphore_mem>>) src(%arg6 : memref<128x128xf32, #tpu.memory_space<vmem>>) dst(%dma_wait3A_89 : memref<10240x128xf32, #tpu.memory_space<vmem_shared>>)
      %add3A_90 = arith.constant 1 : i32
      %add3A_91 = arith.addi %add3A_81, %add3A_90 : i32
      %mul3A_92 = arith.constant 128 : i32
      %mul3A_93 = arith.muli %add3A_91, %mul3A_92 : i32
      %add3A_94 = arith.addi %mul3A_25, %mul3A_93 : i32
      %dma_start3A_95 = tpu.memref_slice %arg2[%add3A_94] : memref<323584xi32, #tpu.memory_space<hbm>> -> memref<128xi32, #tpu.memory_space<hbm>>
      %dma_start3A_96 = tpu.memref_slice %arg2[%add3A_94] : memref<323584xi32, #tpu.memory_space<hbm>> -> memref<128xi32, #tpu.memory_space<hbm>>
      tpu.enqueue_dma source(%dma_start3A_96 : memref<128xi32, #tpu.memory_space<hbm>>) target(%arg4 : memref<128xi32, #tpu.memory_space<vmem>>) target_semaphore(%arg9 : memref<!tpu.dma_semaphore, #tpu.memory_space<semaphore_mem>>)
      %dma_start3A_97 = arith.constant 0 : i32
      %dma_start3A_98 = arith.constant 0 : i32
      %dma_start3A_99 = tpu.memref_slice %arg8[%dma_start3A_97, %dma_start3A_98] : memref<10240x128xf32, #tpu.memory_space<vmem_shared>> -> memref<10240x128xf32, #tpu.memory_space<vmem_shared>>
      tpu.enqueue_indirect_dma source(%arg6 : memref<128x128xf32, #tpu.memory_space<vmem>>) target(%dma_start3A_99 : memref<10240x128xf32, #tpu.memory_space<vmem_shared>>) offsets(%arg5 : memref<128xi32, #tpu.memory_space<vmem>>) semaphore(%arg11 : memref<!tpu.dma_semaphore, #tpu.memory_space<semaphore_mem>>) {add = true}
      %mul3A_100 = arith.constant 2 : i32
      %mul3A_101 = arith.muli %scan3A_74, %mul3A_100 : i32
      %add3A_102 = arith.constant 1 : i32
      %add3A_103 = arith.addi %add3A_102, %mul3A_101 : i32
      %add3A_104 = arith.constant 1 : i32
      %add3A_105 = arith.addi %add3A_103, %add3A_104 : i32
      %mul3A_106 = arith.constant 128 : i32
      %mul3A_107 = arith.muli %add3A_105, %mul3A_106 : i32
      %add3A_108 = arith.addi %mul3A_25, %mul3A_107 : i32
      %dma_wait3A_109 = tpu.memref_slice %arg2[%add3A_108] : memref<323584xi32, #tpu.memory_space<hbm>> -> memref<128xi32, #tpu.memory_space<hbm>>
      %dma_wait3A_110 = tpu.memref_slice %arg2[%add3A_108] : memref<323584xi32, #tpu.memory_space<hbm>> -> memref<128xi32, #tpu.memory_space<hbm>>
      tpu.wait_dma2 semaphore(%arg9 : memref<!tpu.dma_semaphore, #tpu.memory_space<semaphore_mem>>) src(%dma_wait3A_110 : memref<128xi32, #tpu.memory_space<hbm>>) dst(%arg4 : memref<128xi32, #tpu.memory_space<vmem>>)
      %dma_wait3A_111 = arith.constant 0 : i32
      %dma_wait3A_112 = arith.constant 0 : i32
      %dma_wait3A_113 = tpu.memref_slice %arg8[%dma_wait3A_111, %dma_wait3A_112] : memref<10240x128xf32, #tpu.memory_space<vmem_shared>> -> memref<10240x128xf32, #tpu.memory_space<vmem_shared>>
      tpu.wait_indirect_dma semaphore(%arg11 : memref<!tpu.dma_semaphore, #tpu.memory_space<semaphore_mem>>) src(%arg6 : memref<128x128xf32, #tpu.memory_space<vmem>>) dst(%dma_wait3A_113 : memref<10240x128xf32, #tpu.memory_space<vmem_shared>>)
      %add3A_114 = arith.constant 1 : i32
      %add3A_115 = arith.addi %add3A_105, %add3A_114 : i32
      %mul3A_116 = arith.constant 128 : i32
      %mul3A_117 = arith.muli %add3A_115, %mul3A_116 : i32
      %add3A_118 = arith.addi %mul3A_25, %mul3A_117 : i32
      %dma_start3A_119 = tpu.memref_slice %arg2[%add3A_118] : memref<323584xi32, #tpu.memory_space<hbm>> -> memref<128xi32, #tpu.memory_space<hbm>>
      %dma_start3A_120 = tpu.memref_slice %arg2[%add3A_118] : memref<323584xi32, #tpu.memory_space<hbm>> -> memref<128xi32, #tpu.memory_space<hbm>>
      tpu.enqueue_dma source(%dma_start3A_120 : memref<128xi32, #tpu.memory_space<hbm>>) target(%arg5 : memref<128xi32, #tpu.memory_space<vmem>>) target_semaphore(%arg10 : memref<!tpu.dma_semaphore, #tpu.memory_space<semaphore_mem>>)
      %dma_start3A_121 = arith.constant 0 : i32
      %dma_start3A_122 = arith.constant 0 : i32
      %dma_start3A_123 = tpu.memref_slice %arg8[%dma_start3A_121, %dma_start3A_122] : memref<10240x128xf32, #tpu.memory_space<vmem_shared>> -> memref<10240x128xf32, #tpu.memory_space<vmem_shared>>
      tpu.enqueue_indirect_dma source(%arg6 : memref<128x128xf32, #tpu.memory_space<vmem>>) target(%dma_start3A_123 : memref<10240x128xf32, #tpu.memory_space<vmem_shared>>) offsets(%arg4 : memref<128xi32, #tpu.memory_space<vmem>>) semaphore(%arg11 : memref<!tpu.dma_semaphore, #tpu.memory_space<semaphore_mem>>) {add = true}
      %scan3A_124 = arith.constant 0 : i32
      scf.yield %scan3A_124 : i32
    }
    %scan3A_45 = arith.constant 38 : i32
    %add3A_46 = arith.constant 9856 : i32
    %add3A_47 = arith.addi %mul3A_25, %add3A_46 : i32
    %dma_wait3A_48 = tpu.memref_slice %arg2[%add3A_47] : memref<323584xi32, #tpu.memory_space<hbm>> -> memref<128xi32, #tpu.memory_space<hbm>>
    %dma_wait3A_49 = tpu.memref_slice %arg2[%add3A_47] : memref<323584xi32, #tpu.memory_space<hbm>> -> memref<128xi32, #tpu.memory_space<hbm>>
    tpu.wait_dma2 semaphore(%arg10 : memref<!tpu.dma_semaphore, #tpu.memory_space<semaphore_mem>>) src(%dma_wait3A_49 : memref<128xi32, #tpu.memory_space<hbm>>) dst(%arg5 : memref<128xi32, #tpu.memory_space<vmem>>)
    %dma_wait3A_50 = arith.constant 0 : i32
    %dma_wait3A_51 = arith.constant 0 : i32
    %dma_wait3A_52 = tpu.memref_slice %arg8[%dma_wait3A_50, %dma_wait3A_51] : memref<10240x128xf32, #tpu.memory_space<vmem_shared>> -> memref<10240x128xf32, #tpu.memory_space<vmem_shared>>
    tpu.wait_indirect_dma semaphore(%arg11 : memref<!tpu.dma_semaphore, #tpu.memory_space<semaphore_mem>>) src(%arg6 : memref<128x128xf32, #tpu.memory_space<vmem>>) dst(%dma_wait3A_52 : memref<10240x128xf32, #tpu.memory_space<vmem_shared>>)
    %add3A_53 = arith.constant 9984 : i32
    %add3A_54 = arith.addi %mul3A_25, %add3A_53 : i32
    %dma_start3A_55 = tpu.memref_slice %arg2[%add3A_54] : memref<323584xi32, #tpu.memory_space<hbm>> -> memref<128xi32, #tpu.memory_space<hbm>>
    %dma_start3A_56 = tpu.memref_slice %arg2[%add3A_54] : memref<323584xi32, #tpu.memory_space<hbm>> -> memref<128xi32, #tpu.memory_space<hbm>>
    tpu.enqueue_dma source(%dma_start3A_56 : memref<128xi32, #tpu.memory_space<hbm>>) target(%arg4 : memref<128xi32, #tpu.memory_space<vmem>>) target_semaphore(%arg9 : memref<!tpu.dma_semaphore, #tpu.memory_space<semaphore_mem>>)
    %dma_start3A_57 = arith.constant 0 : i32
    %dma_start3A_58 = arith.constant 0 : i32
    %dma_start3A_59 = tpu.memref_slice %arg8[%dma_start3A_57, %dma_start3A_58] : memref<10240x128xf32, #tpu.memory_space<vmem_shared>> -> memref<10240x128xf32, #tpu.memory_space<vmem_shared>>
    tpu.enqueue_indirect_dma source(%arg6 : memref<128x128xf32, #tpu.memory_space<vmem>>) target(%dma_start3A_59 : memref<10240x128xf32, #tpu.memory_space<vmem_shared>>) offsets(%arg5 : memref<128xi32, #tpu.memory_space<vmem>>) semaphore(%arg11 : memref<!tpu.dma_semaphore, #tpu.memory_space<semaphore_mem>>) {add = true}
    %add3A_60 = arith.constant 9984 : i32
    %add3A_61 = arith.addi %mul3A_25, %add3A_60 : i32
    %dma_wait3A_62 = tpu.memref_slice %arg2[%add3A_61] : memref<323584xi32, #tpu.memory_space<hbm>> -> memref<128xi32, #tpu.memory_space<hbm>>
    %dma_wait3A_63 = tpu.memref_slice %arg2[%add3A_61] : memref<323584xi32, #tpu.memory_space<hbm>> -> memref<128xi32, #tpu.memory_space<hbm>>
    tpu.wait_dma2 semaphore(%arg9 : memref<!tpu.dma_semaphore, #tpu.memory_space<semaphore_mem>>) src(%dma_wait3A_63 : memref<128xi32, #tpu.memory_space<hbm>>) dst(%arg4 : memref<128xi32, #tpu.memory_space<vmem>>)
    %dma_wait3A_64 = arith.constant 0 : i32
    %dma_wait3A_65 = arith.constant 0 : i32
    %dma_wait3A_66 = tpu.memref_slice %arg8[%dma_wait3A_64, %dma_wait3A_65] : memref<10240x128xf32, #tpu.memory_space<vmem_shared>> -> memref<10240x128xf32, #tpu.memory_space<vmem_shared>>
    tpu.wait_indirect_dma semaphore(%arg11 : memref<!tpu.dma_semaphore, #tpu.memory_space<semaphore_mem>>) src(%arg6 : memref<128x128xf32, #tpu.memory_space<vmem>>) dst(%dma_wait3A_66 : memref<10240x128xf32, #tpu.memory_space<vmem_shared>>)
    %dma_start3A_67 = arith.constant 0 : i32
    %dma_start3A_68 = arith.constant 0 : i32
    %dma_start3A_69 = tpu.memref_slice %arg8[%dma_start3A_67, %dma_start3A_68] : memref<10240x128xf32, #tpu.memory_space<vmem_shared>> -> memref<10240x128xf32, #tpu.memory_space<vmem_shared>>
    tpu.enqueue_indirect_dma source(%arg6 : memref<128x128xf32, #tpu.memory_space<vmem>>) target(%dma_start3A_69 : memref<10240x128xf32, #tpu.memory_space<vmem_shared>>) offsets(%arg4 : memref<128xi32, #tpu.memory_space<vmem>>) semaphore(%arg11 : memref<!tpu.dma_semaphore, #tpu.memory_space<semaphore_mem>>) {add = true}
    %dma_wait3A_70 = arith.constant 0 : i32
    %dma_wait3A_71 = arith.constant 0 : i32
    %dma_wait3A_72 = tpu.memref_slice %arg8[%dma_wait3A_70, %dma_wait3A_71] : memref<10240x128xf32, #tpu.memory_space<vmem_shared>> -> memref<10240x128xf32, #tpu.memory_space<vmem_shared>>
    tpu.wait_indirect_dma semaphore(%arg11 : memref<!tpu.dma_semaphore, #tpu.memory_space<semaphore_mem>>) src(%arg6 : memref<128x128xf32, #tpu.memory_space<vmem>>) dst(%dma_wait3A_72 : memref<10240x128xf32, #tpu.memory_space<vmem_shared>>)
    %barrier3A_73 = arith.constant 0 : index
    tpu.barrier barrier_id(%barrier3A_73)
    "tpu.region"() ({
      %run_scoped3A = tpu.sem_alloc : memref<!tpu.dma_semaphore, #tpu.memory_space<semaphore_mem>>
      %dma_start3A_74 = arith.constant 0 : i32
      %dma_start3A_75 = tpu.memref_slice %arg3[%arg0, %mul3A_15, %dma_start3A_74] : memref<2x10240x128xf32, #tpu.memory_space<hbm>> -> memref<1x640x128xf32, #tpu.memory_space<hbm>>
      %dma_start3A_76 = tpu.memref_squeeze %dma_start3A_75 : memref<1x640x128xf32, #tpu.memory_space<hbm>> -> memref<640x128xf32, #tpu.memory_space<hbm>>
      %dma_start3A_77 = arith.constant 0 : i32
      %dma_start3A_78 = tpu.memref_slice %arg8[%mul3A_15, %dma_start3A_77] : memref<10240x128xf32, #tpu.memory_space<vmem_shared>> -> memref<640x128xf32, #tpu.memory_space<vmem_shared>>
      tpu.enqueue_dma source(%dma_start3A_78 : memref<640x128xf32, #tpu.memory_space<vmem_shared>>) target(%dma_start3A_76 : memref<640x128xf32, #tpu.memory_space<hbm>>) target_semaphore(%run_scoped3A : memref<!tpu.dma_semaphore, #tpu.memory_space<semaphore_mem>>)
      %dma_wait3A_79 = arith.constant 0 : i32
      %dma_wait3A_80 = tpu.memref_slice %arg3[%arg0, %mul3A_15, %dma_wait3A_79] : memref<2x10240x128xf32, #tpu.memory_space<hbm>> -> memref<1x640x128xf32, #tpu.memory_space<hbm>>
      %dma_wait3A_81 = tpu.memref_squeeze %dma_wait3A_80 : memref<1x640x128xf32, #tpu.memory_space<hbm>> -> memref<640x128xf32, #tpu.memory_space<hbm>>
      %dma_wait3A_82 = arith.constant 0 : i32
      %dma_wait3A_83 = tpu.memref_slice %arg8[%mul3A_15, %dma_wait3A_82] : memref<10240x128xf32, #tpu.memory_space<vmem_shared>> -> memref<640x128xf32, #tpu.memory_space<vmem_shared>>
      tpu.wait_dma2 semaphore(%run_scoped3A : memref<!tpu.dma_semaphore, #tpu.memory_space<semaphore_mem>>) src(%dma_wait3A_83 : memref<640x128xf32, #tpu.memory_space<vmem_shared>>) dst(%dma_wait3A_81 : memref<640x128xf32, #tpu.memory_space<hbm>>)
      tpu.yield
    }) : () -> ()
    return
  }
}

#map = affine_map<(d0, d1) -> (0, 0)>
#map1 = affine_map<(d0, d1) -> (0)>
#map2 = affine_map<(d0, d1) -> (0, 0, 0)>
module attributes {stable_mosaic.version = 14 : i64} {
  func.func @k(%arg0: i32, %arg1: i32, %arg2: memref<5120x128xf32, #tpu.memory_space<hbm>>, %arg3: memref<323584xi32, #tpu.memory_space<hbm>>, %arg4: memref<323584xi32, #tpu.memory_space<hbm>>, %arg5: memref<2x10240x128xf32, #tpu.memory_space<hbm>>, %arg6: memref<128xi32, #tpu.memory_space<vmem>>, %arg7: memref<128xi32, #tpu.memory_space<vmem>>, %arg8: memref<128xi32, #tpu.memory_space<vmem>>, %arg9: memref<128xi32, #tpu.memory_space<vmem>>, %arg10: memref<128x128xf32, #tpu.memory_space<vmem>>, %arg11: memref<128x128xf32, #tpu.memory_space<vmem>>, %arg12: memref<40x128xf32, #tpu.memory_space<vmem>>, %arg13: memref<10240x128xf32, #tpu.memory_space<vmem_shared>>, %arg14: memref<!tpu.dma_semaphore, #tpu.memory_space<semaphore_mem>>, %arg15: memref<!tpu.dma_semaphore, #tpu.memory_space<semaphore_mem>>, %arg16: memref<!tpu.dma_semaphore, #tpu.memory_space<semaphore_mem>>, %arg17: memref<!tpu.dma_semaphore, #tpu.memory_space<semaphore_mem>>, %arg18: memref<!tpu.dma_semaphore, #tpu.memory_space<semaphore_mem>>) attributes {dimension_semantics = [#tpu.dimension_semantics<core_parallel>, #tpu.dimension_semantics<subcore_parallel>], iteration_bounds = array<i64: 2, 16>, scalar_prefetch = 0 : i64, scratch_operands = 13 : i64, tpu.core_type = #tpu.core_type<sc_vector_subcore>, window_params = [{transform_indices = #map}, {transform_indices = #map1}, {transform_indices = #map1}, {transform_indices = #map2}]} {
    %mul3A = arith.constant 2 : i32
    %mul3A_0 = arith.muli %arg1, %mul3A : i32
    %add3A = arith.addi %mul3A_0, %arg0 : i32
    %scan3A = arith.constant 0 : i32
    %scan3A_1 = arith.constant 0 : i32
    %scan3A_2 = arith.constant 40 : i32
    %scan3A_3 = arith.addi %scan3A_1, %scan3A_2 : i32
    %scan3A_4 = arith.constant 1 : i32
    %scan3A_5 = scf.for %scan3A_121 = %scan3A_1 to %scan3A_3 step %scan3A_4 iter_args(%scan3A_122 = %scan3A) -> (i32)  : i32 {
      %broadcast_in_dim3A = arith.constant 0.000000e+00 : f32
      %broadcast_in_dim3A_123 = vector.broadcast %broadcast_in_dim3A : f32 to vector<16xf32>
      %swap3A = arith.index_cast %scan3A_121 : i32 to index
      %swap3A_124 = arith.constant 0 : index
      %swap3A_125 = tpu.vector_load %arg12[%swap3A, %swap3A_124] {strides = array<i32>} : memref<40x128xf32, #tpu.memory_space<vmem>>, vector<1x16xf32>,
      %swap3A_126 = vector.shape_cast %swap3A_125 : vector<1x16xf32> to vector<16xf32>
      %swap3A_127 = vector.shape_cast %broadcast_in_dim3A_123 : vector<16xf32> to vector<1x16xf32>
      tpu.vector_store %arg12[%swap3A, %swap3A_124], %swap3A_127 {strides = array<i32>} : memref<40x128xf32, #tpu.memory_space<vmem>>, vector<1x16xf32>,
      %broadcast_in_dim3A_128 = arith.constant 0.000000e+00 : f32
      %broadcast_in_dim3A_129 = vector.broadcast %broadcast_in_dim3A_128 : f32 to vector<16xf32>
      %swap3A_130 = arith.index_cast %scan3A_121 : i32 to index
      %swap3A_131 = arith.constant 16 : index
      %swap3A_132 = tpu.vector_load %arg12[%swap3A_130, %swap3A_131] {strides = array<i32>} : memref<40x128xf32, #tpu.memory_space<vmem>>, vector<1x16xf32>,
      %swap3A_133 = vector.shape_cast %swap3A_132 : vector<1x16xf32> to vector<16xf32>
      %swap3A_134 = vector.shape_cast %broadcast_in_dim3A_129 : vector<16xf32> to vector<1x16xf32>
      tpu.vector_store %arg12[%swap3A_130, %swap3A_131], %swap3A_134 {strides = array<i32>} : memref<40x128xf32, #tpu.memory_space<vmem>>, vector<1x16xf32>,
      %broadcast_in_dim3A_135 = arith.constant 0.000000e+00 : f32
      %broadcast_in_dim3A_136 = vector.broadcast %broadcast_in_dim3A_135 : f32 to vector<16xf32>
      %swap3A_137 = arith.index_cast %scan3A_121 : i32 to index
      %swap3A_138 = arith.constant 32 : index
      %swap3A_139 = tpu.vector_load %arg12[%swap3A_137, %swap3A_138] {strides = array<i32>} : memref<40x128xf32, #tpu.memory_space<vmem>>, vector<1x16xf32>,
      %swap3A_140 = vector.shape_cast %swap3A_139 : vector<1x16xf32> to vector<16xf32>
      %swap3A_141 = vector.shape_cast %broadcast_in_dim3A_136 : vector<16xf32> to vector<1x16xf32>
      tpu.vector_store %arg12[%swap3A_137, %swap3A_138], %swap3A_141 {strides = array<i32>} : memref<40x128xf32, #tpu.memory_space<vmem>>, vector<1x16xf32>,
      %broadcast_in_dim3A_142 = arith.constant 0.000000e+00 : f32
      %broadcast_in_dim3A_143 = vector.broadcast %broadcast_in_dim3A_142 : f32 to vector<16xf32>
      %swap3A_144 = arith.index_cast %scan3A_121 : i32 to index
      %swap3A_145 = arith.constant 48 : index
      %swap3A_146 = tpu.vector_load %arg12[%swap3A_144, %swap3A_145] {strides = array<i32>} : memref<40x128xf32, #tpu.memory_space<vmem>>, vector<1x16xf32>,
      %swap3A_147 = vector.shape_cast %swap3A_146 : vector<1x16xf32> to vector<16xf32>
      %swap3A_148 = vector.shape_cast %broadcast_in_dim3A_143 : vector<16xf32> to vector<1x16xf32>
      tpu.vector_store %arg12[%swap3A_144, %swap3A_145], %swap3A_148 {strides = array<i32>} : memref<40x128xf32, #tpu.memory_space<vmem>>, vector<1x16xf32>,
      %broadcast_in_dim3A_149 = arith.constant 0.000000e+00 : f32
      %broadcast_in_dim3A_150 = vector.broadcast %broadcast_in_dim3A_149 : f32 to vector<16xf32>
      %swap3A_151 = arith.index_cast %scan3A_121 : i32 to index
      %swap3A_152 = arith.constant 64 : index
      %swap3A_153 = tpu.vector_load %arg12[%swap3A_151, %swap3A_152] {strides = array<i32>} : memref<40x128xf32, #tpu.memory_space<vmem>>, vector<1x16xf32>,
      %swap3A_154 = vector.shape_cast %swap3A_153 : vector<1x16xf32> to vector<16xf32>
      %swap3A_155 = vector.shape_cast %broadcast_in_dim3A_150 : vector<16xf32> to vector<1x16xf32>
      tpu.vector_store %arg12[%swap3A_151, %swap3A_152], %swap3A_155 {strides = array<i32>} : memref<40x128xf32, #tpu.memory_space<vmem>>, vector<1x16xf32>,
      %broadcast_in_dim3A_156 = arith.constant 0.000000e+00 : f32
      %broadcast_in_dim3A_157 = vector.broadcast %broadcast_in_dim3A_156 : f32 to vector<16xf32>
      %swap3A_158 = arith.index_cast %scan3A_121 : i32 to index
      %swap3A_159 = arith.constant 80 : index
      %swap3A_160 = tpu.vector_load %arg12[%swap3A_158, %swap3A_159] {strides = array<i32>} : memref<40x128xf32, #tpu.memory_space<vmem>>, vector<1x16xf32>,
      %swap3A_161 = vector.shape_cast %swap3A_160 : vector<1x16xf32> to vector<16xf32>
      %swap3A_162 = vector.shape_cast %broadcast_in_dim3A_157 : vector<16xf32> to vector<1x16xf32>
      tpu.vector_store %arg12[%swap3A_158, %swap3A_159], %swap3A_162 {strides = array<i32>} : memref<40x128xf32, #tpu.memory_space<vmem>>, vector<1x16xf32>,
      %broadcast_in_dim3A_163 = arith.constant 0.000000e+00 : f32
      %broadcast_in_dim3A_164 = vector.broadcast %broadcast_in_dim3A_163 : f32 to vector<16xf32>
      %swap3A_165 = arith.index_cast %scan3A_121 : i32 to index
      %swap3A_166 = arith.constant 96 : index
      %swap3A_167 = tpu.vector_load %arg12[%swap3A_165, %swap3A_166] {strides = array<i32>} : memref<40x128xf32, #tpu.memory_space<vmem>>, vector<1x16xf32>,
      %swap3A_168 = vector.shape_cast %swap3A_167 : vector<1x16xf32> to vector<16xf32>
      %swap3A_169 = vector.shape_cast %broadcast_in_dim3A_164 : vector<16xf32> to vector<1x16xf32>
      tpu.vector_store %arg12[%swap3A_165, %swap3A_166], %swap3A_169 {strides = array<i32>} : memref<40x128xf32, #tpu.memory_space<vmem>>, vector<1x16xf32>,
      %broadcast_in_dim3A_170 = arith.constant 0.000000e+00 : f32
      %broadcast_in_dim3A_171 = vector.broadcast %broadcast_in_dim3A_170 : f32 to vector<16xf32>
      %swap3A_172 = arith.index_cast %scan3A_121 : i32 to index
      %swap3A_173 = arith.constant 112 : index
      %swap3A_174 = tpu.vector_load %arg12[%swap3A_172, %swap3A_173] {strides = array<i32>} : memref<40x128xf32, #tpu.memory_space<vmem>>, vector<1x16xf32>,
      %swap3A_175 = vector.shape_cast %swap3A_174 : vector<1x16xf32> to vector<16xf32>
      %swap3A_176 = vector.shape_cast %broadcast_in_dim3A_171 : vector<16xf32> to vector<1x16xf32>
      tpu.vector_store %arg12[%swap3A_172, %swap3A_173], %swap3A_176 {strides = array<i32>} : memref<40x128xf32, #tpu.memory_space<vmem>>, vector<1x16xf32>,
      %scan3A_177 = arith.constant 0 : i32
      scf.yield %scan3A_177 : i32
    }
    %scan3A_6 = arith.constant 40 : i32
    %mul3A_7 = arith.constant 640 : i32
    %mul3A_8 = arith.muli %arg1, %mul3A_7 : i32
    %add3A_9 = arith.constant 0 : i32
    %add3A_10 = arith.addi %mul3A_8, %add3A_9 : i32
    "tpu.region"() ({
      %run_scoped3A = tpu.sem_alloc : memref<!tpu.dma_semaphore, #tpu.memory_space<semaphore_mem>>
      %dma_start3A_121 = arith.constant 0 : i32
      %dma_start3A_122 = tpu.memref_slice %arg13[%add3A_10, %dma_start3A_121] : memref<10240x128xf32, #tpu.memory_space<vmem_shared>> -> memref<40x128xf32, #tpu.memory_space<vmem_shared>>
      %dma_start3A_123 = arith.constant 0 : i32
      %dma_start3A_124 = tpu.memref_slice %arg13[%add3A_10, %dma_start3A_123] : memref<10240x128xf32, #tpu.memory_space<vmem_shared>> -> memref<40x128xf32, #tpu.memory_space<vmem_shared>>
      tpu.enqueue_dma source(%arg12 : memref<40x128xf32, #tpu.memory_space<vmem>>) target(%dma_start3A_124 : memref<40x128xf32, #tpu.memory_space<vmem_shared>>) target_semaphore(%run_scoped3A : memref<!tpu.dma_semaphore, #tpu.memory_space<semaphore_mem>>)
      %dma_wait3A_125 = arith.constant 0 : i32
      %dma_wait3A_126 = tpu.memref_slice %arg13[%add3A_10, %dma_wait3A_125] : memref<10240x128xf32, #tpu.memory_space<vmem_shared>> -> memref<40x128xf32, #tpu.memory_space<vmem_shared>>
      %dma_wait3A_127 = arith.constant 0 : i32
      %dma_wait3A_128 = tpu.memref_slice %arg13[%add3A_10, %dma_wait3A_127] : memref<10240x128xf32, #tpu.memory_space<vmem_shared>> -> memref<40x128xf32, #tpu.memory_space<vmem_shared>>
      tpu.wait_dma2 semaphore(%run_scoped3A : memref<!tpu.dma_semaphore, #tpu.memory_space<semaphore_mem>>) src(%arg12 : memref<40x128xf32, #tpu.memory_space<vmem>>) dst(%dma_wait3A_128 : memref<40x128xf32, #tpu.memory_space<vmem_shared>>)
      tpu.yield
    }) : () -> ()
    %add3A_11 = arith.constant 40 : i32
    %add3A_12 = arith.addi %mul3A_8, %add3A_11 : i32
    "tpu.region"() ({
      %run_scoped3A = tpu.sem_alloc : memref<!tpu.dma_semaphore, #tpu.memory_space<semaphore_mem>>
      %dma_start3A_121 = arith.constant 0 : i32
      %dma_start3A_122 = tpu.memref_slice %arg13[%add3A_12, %dma_start3A_121] : memref<10240x128xf32, #tpu.memory_space<vmem_shared>> -> memref<40x128xf32, #tpu.memory_space<vmem_shared>>
      %dma_start3A_123 = arith.constant 0 : i32
      %dma_start3A_124 = tpu.memref_slice %arg13[%add3A_12, %dma_start3A_123] : memref<10240x128xf32, #tpu.memory_space<vmem_shared>> -> memref<40x128xf32, #tpu.memory_space<vmem_shared>>
      tpu.enqueue_dma source(%arg12 : memref<40x128xf32, #tpu.memory_space<vmem>>) target(%dma_start3A_124 : memref<40x128xf32, #tpu.memory_space<vmem_shared>>) target_semaphore(%run_scoped3A : memref<!tpu.dma_semaphore, #tpu.memory_space<semaphore_mem>>)
      %dma_wait3A_125 = arith.constant 0 : i32
      %dma_wait3A_126 = tpu.memref_slice %arg13[%add3A_12, %dma_wait3A_125] : memref<10240x128xf32, #tpu.memory_space<vmem_shared>> -> memref<40x128xf32, #tpu.memory_space<vmem_shared>>
      %dma_wait3A_127 = arith.constant 0 : i32
      %dma_wait3A_128 = tpu.memref_slice %arg13[%add3A_12, %dma_wait3A_127] : memref<10240x128xf32, #tpu.memory_space<vmem_shared>> -> memref<40x128xf32, #tpu.memory_space<vmem_shared>>
      tpu.wait_dma2 semaphore(%run_scoped3A : memref<!tpu.dma_semaphore, #tpu.memory_space<semaphore_mem>>) src(%arg12 : memref<40x128xf32, #tpu.memory_space<vmem>>) dst(%dma_wait3A_128 : memref<40x128xf32, #tpu.memory_space<vmem_shared>>)
      tpu.yield
    }) : () -> ()
    %add3A_13 = arith.constant 80 : i32
    %add3A_14 = arith.addi %mul3A_8, %add3A_13 : i32
    "tpu.region"() ({
      %run_scoped3A = tpu.sem_alloc : memref<!tpu.dma_semaphore, #tpu.memory_space<semaphore_mem>>
      %dma_start3A_121 = arith.constant 0 : i32
      %dma_start3A_122 = tpu.memref_slice %arg13[%add3A_14, %dma_start3A_121] : memref<10240x128xf32, #tpu.memory_space<vmem_shared>> -> memref<40x128xf32, #tpu.memory_space<vmem_shared>>
      %dma_start3A_123 = arith.constant 0 : i32
      %dma_start3A_124 = tpu.memref_slice %arg13[%add3A_14, %dma_start3A_123] : memref<10240x128xf32, #tpu.memory_space<vmem_shared>> -> memref<40x128xf32, #tpu.memory_space<vmem_shared>>
      tpu.enqueue_dma source(%arg12 : memref<40x128xf32, #tpu.memory_space<vmem>>) target(%dma_start3A_124 : memref<40x128xf32, #tpu.memory_space<vmem_shared>>) target_semaphore(%run_scoped3A : memref<!tpu.dma_semaphore, #tpu.memory_space<semaphore_mem>>)
      %dma_wait3A_125 = arith.constant 0 : i32
      %dma_wait3A_126 = tpu.memref_slice %arg13[%add3A_14, %dma_wait3A_125] : memref<10240x128xf32, #tpu.memory_space<vmem_shared>> -> memref<40x128xf32, #tpu.memory_space<vmem_shared>>
      %dma_wait3A_127 = arith.constant 0 : i32
      %dma_wait3A_128 = tpu.memref_slice %arg13[%add3A_14, %dma_wait3A_127] : memref<10240x128xf32, #tpu.memory_space<vmem_shared>> -> memref<40x128xf32, #tpu.memory_space<vmem_shared>>
      tpu.wait_dma2 semaphore(%run_scoped3A : memref<!tpu.dma_semaphore, #tpu.memory_space<semaphore_mem>>) src(%arg12 : memref<40x128xf32, #tpu.memory_space<vmem>>) dst(%dma_wait3A_128 : memref<40x128xf32, #tpu.memory_space<vmem_shared>>)
      tpu.yield
    }) : () -> ()
    %add3A_15 = arith.constant 120 : i32
    %add3A_16 = arith.addi %mul3A_8, %add3A_15 : i32
    "tpu.region"() ({
      %run_scoped3A = tpu.sem_alloc : memref<!tpu.dma_semaphore, #tpu.memory_space<semaphore_mem>>
      %dma_start3A_121 = arith.constant 0 : i32
      %dma_start3A_122 = tpu.memref_slice %arg13[%add3A_16, %dma_start3A_121] : memref<10240x128xf32, #tpu.memory_space<vmem_shared>> -> memref<40x128xf32, #tpu.memory_space<vmem_shared>>
      %dma_start3A_123 = arith.constant 0 : i32
      %dma_start3A_124 = tpu.memref_slice %arg13[%add3A_16, %dma_start3A_123] : memref<10240x128xf32, #tpu.memory_space<vmem_shared>> -> memref<40x128xf32, #tpu.memory_space<vmem_shared>>
      tpu.enqueue_dma source(%arg12 : memref<40x128xf32, #tpu.memory_space<vmem>>) target(%dma_start3A_124 : memref<40x128xf32, #tpu.memory_space<vmem_shared>>) target_semaphore(%run_scoped3A : memref<!tpu.dma_semaphore, #tpu.memory_space<semaphore_mem>>)
      %dma_wait3A_125 = arith.constant 0 : i32
      %dma_wait3A_126 = tpu.memref_slice %arg13[%add3A_16, %dma_wait3A_125] : memref<10240x128xf32, #tpu.memory_space<vmem_shared>> -> memref<40x128xf32, #tpu.memory_space<vmem_shared>>
      %dma_wait3A_127 = arith.constant 0 : i32
      %dma_wait3A_128 = tpu.memref_slice %arg13[%add3A_16, %dma_wait3A_127] : memref<10240x128xf32, #tpu.memory_space<vmem_shared>> -> memref<40x128xf32, #tpu.memory_space<vmem_shared>>
      tpu.wait_dma2 semaphore(%run_scoped3A : memref<!tpu.dma_semaphore, #tpu.memory_space<semaphore_mem>>) src(%arg12 : memref<40x128xf32, #tpu.memory_space<vmem>>) dst(%dma_wait3A_128 : memref<40x128xf32, #tpu.memory_space<vmem_shared>>)
      tpu.yield
    }) : () -> ()
    %add3A_17 = arith.constant 160 : i32
    %add3A_18 = arith.addi %mul3A_8, %add3A_17 : i32
    "tpu.region"() ({
      %run_scoped3A = tpu.sem_alloc : memref<!tpu.dma_semaphore, #tpu.memory_space<semaphore_mem>>
      %dma_start3A_121 = arith.constant 0 : i32
      %dma_start3A_122 = tpu.memref_slice %arg13[%add3A_18, %dma_start3A_121] : memref<10240x128xf32, #tpu.memory_space<vmem_shared>> -> memref<40x128xf32, #tpu.memory_space<vmem_shared>>
      %dma_start3A_123 = arith.constant 0 : i32
      %dma_start3A_124 = tpu.memref_slice %arg13[%add3A_18, %dma_start3A_123] : memref<10240x128xf32, #tpu.memory_space<vmem_shared>> -> memref<40x128xf32, #tpu.memory_space<vmem_shared>>
      tpu.enqueue_dma source(%arg12 : memref<40x128xf32, #tpu.memory_space<vmem>>) target(%dma_start3A_124 : memref<40x128xf32, #tpu.memory_space<vmem_shared>>) target_semaphore(%run_scoped3A : memref<!tpu.dma_semaphore, #tpu.memory_space<semaphore_mem>>)
      %dma_wait3A_125 = arith.constant 0 : i32
      %dma_wait3A_126 = tpu.memref_slice %arg13[%add3A_18, %dma_wait3A_125] : memref<10240x128xf32, #tpu.memory_space<vmem_shared>> -> memref<40x128xf32, #tpu.memory_space<vmem_shared>>
      %dma_wait3A_127 = arith.constant 0 : i32
      %dma_wait3A_128 = tpu.memref_slice %arg13[%add3A_18, %dma_wait3A_127] : memref<10240x128xf32, #tpu.memory_space<vmem_shared>> -> memref<40x128xf32, #tpu.memory_space<vmem_shared>>
      tpu.wait_dma2 semaphore(%run_scoped3A : memref<!tpu.dma_semaphore, #tpu.memory_space<semaphore_mem>>) src(%arg12 : memref<40x128xf32, #tpu.memory_space<vmem>>) dst(%dma_wait3A_128 : memref<40x128xf32, #tpu.memory_space<vmem_shared>>)
      tpu.yield
    }) : () -> ()
    %add3A_19 = arith.constant 200 : i32
    %add3A_20 = arith.addi %mul3A_8, %add3A_19 : i32
    "tpu.region"() ({
      %run_scoped3A = tpu.sem_alloc : memref<!tpu.dma_semaphore, #tpu.memory_space<semaphore_mem>>
      %dma_start3A_121 = arith.constant 0 : i32
      %dma_start3A_122 = tpu.memref_slice %arg13[%add3A_20, %dma_start3A_121] : memref<10240x128xf32, #tpu.memory_space<vmem_shared>> -> memref<40x128xf32, #tpu.memory_space<vmem_shared>>
      %dma_start3A_123 = arith.constant 0 : i32
      %dma_start3A_124 = tpu.memref_slice %arg13[%add3A_20, %dma_start3A_123] : memref<10240x128xf32, #tpu.memory_space<vmem_shared>> -> memref<40x128xf32, #tpu.memory_space<vmem_shared>>
      tpu.enqueue_dma source(%arg12 : memref<40x128xf32, #tpu.memory_space<vmem>>) target(%dma_start3A_124 : memref<40x128xf32, #tpu.memory_space<vmem_shared>>) target_semaphore(%run_scoped3A : memref<!tpu.dma_semaphore, #tpu.memory_space<semaphore_mem>>)
      %dma_wait3A_125 = arith.constant 0 : i32
      %dma_wait3A_126 = tpu.memref_slice %arg13[%add3A_20, %dma_wait3A_125] : memref<10240x128xf32, #tpu.memory_space<vmem_shared>> -> memref<40x128xf32, #tpu.memory_space<vmem_shared>>
      %dma_wait3A_127 = arith.constant 0 : i32
      %dma_wait3A_128 = tpu.memref_slice %arg13[%add3A_20, %dma_wait3A_127] : memref<10240x128xf32, #tpu.memory_space<vmem_shared>> -> memref<40x128xf32, #tpu.memory_space<vmem_shared>>
      tpu.wait_dma2 semaphore(%run_scoped3A : memref<!tpu.dma_semaphore, #tpu.memory_space<semaphore_mem>>) src(%arg12 : memref<40x128xf32, #tpu.memory_space<vmem>>) dst(%dma_wait3A_128 : memref<40x128xf32, #tpu.memory_space<vmem_shared>>)
      tpu.yield
    }) : () -> ()
    %add3A_21 = arith.constant 240 : i32
    %add3A_22 = arith.addi %mul3A_8, %add3A_21 : i32
    "tpu.region"() ({
      %run_scoped3A = tpu.sem_alloc : memref<!tpu.dma_semaphore, #tpu.memory_space<semaphore_mem>>
      %dma_start3A_121 = arith.constant 0 : i32
      %dma_start3A_122 = tpu.memref_slice %arg13[%add3A_22, %dma_start3A_121] : memref<10240x128xf32, #tpu.memory_space<vmem_shared>> -> memref<40x128xf32, #tpu.memory_space<vmem_shared>>
      %dma_start3A_123 = arith.constant 0 : i32
      %dma_start3A_124 = tpu.memref_slice %arg13[%add3A_22, %dma_start3A_123] : memref<10240x128xf32, #tpu.memory_space<vmem_shared>> -> memref<40x128xf32, #tpu.memory_space<vmem_shared>>
      tpu.enqueue_dma source(%arg12 : memref<40x128xf32, #tpu.memory_space<vmem>>) target(%dma_start3A_124 : memref<40x128xf32, #tpu.memory_space<vmem_shared>>) target_semaphore(%run_scoped3A : memref<!tpu.dma_semaphore, #tpu.memory_space<semaphore_mem>>)
      %dma_wait3A_125 = arith.constant 0 : i32
      %dma_wait3A_126 = tpu.memref_slice %arg13[%add3A_22, %dma_wait3A_125] : memref<10240x128xf32, #tpu.memory_space<vmem_shared>> -> memref<40x128xf32, #tpu.memory_space<vmem_shared>>
      %dma_wait3A_127 = arith.constant 0 : i32
      %dma_wait3A_128 = tpu.memref_slice %arg13[%add3A_22, %dma_wait3A_127] : memref<10240x128xf32, #tpu.memory_space<vmem_shared>> -> memref<40x128xf32, #tpu.memory_space<vmem_shared>>
      tpu.wait_dma2 semaphore(%run_scoped3A : memref<!tpu.dma_semaphore, #tpu.memory_space<semaphore_mem>>) src(%arg12 : memref<40x128xf32, #tpu.memory_space<vmem>>) dst(%dma_wait3A_128 : memref<40x128xf32, #tpu.memory_space<vmem_shared>>)
      tpu.yield
    }) : () -> ()
    %add3A_23 = arith.constant 280 : i32
    %add3A_24 = arith.addi %mul3A_8, %add3A_23 : i32
    "tpu.region"() ({
      %run_scoped3A = tpu.sem_alloc : memref<!tpu.dma_semaphore, #tpu.memory_space<semaphore_mem>>
      %dma_start3A_121 = arith.constant 0 : i32
      %dma_start3A_122 = tpu.memref_slice %arg13[%add3A_24, %dma_start3A_121] : memref<10240x128xf32, #tpu.memory_space<vmem_shared>> -> memref<40x128xf32, #tpu.memory_space<vmem_shared>>
      %dma_start3A_123 = arith.constant 0 : i32
      %dma_start3A_124 = tpu.memref_slice %arg13[%add3A_24, %dma_start3A_123] : memref<10240x128xf32, #tpu.memory_space<vmem_shared>> -> memref<40x128xf32, #tpu.memory_space<vmem_shared>>
      tpu.enqueue_dma source(%arg12 : memref<40x128xf32, #tpu.memory_space<vmem>>) target(%dma_start3A_124 : memref<40x128xf32, #tpu.memory_space<vmem_shared>>) target_semaphore(%run_scoped3A : memref<!tpu.dma_semaphore, #tpu.memory_space<semaphore_mem>>)
      %dma_wait3A_125 = arith.constant 0 : i32
      %dma_wait3A_126 = tpu.memref_slice %arg13[%add3A_24, %dma_wait3A_125] : memref<10240x128xf32, #tpu.memory_space<vmem_shared>> -> memref<40x128xf32, #tpu.memory_space<vmem_shared>>
      %dma_wait3A_127 = arith.constant 0 : i32
      %dma_wait3A_128 = tpu.memref_slice %arg13[%add3A_24, %dma_wait3A_127] : memref<10240x128xf32, #tpu.memory_space<vmem_shared>> -> memref<40x128xf32, #tpu.memory_space<vmem_shared>>
      tpu.wait_dma2 semaphore(%run_scoped3A : memref<!tpu.dma_semaphore, #tpu.memory_space<semaphore_mem>>) src(%arg12 : memref<40x128xf32, #tpu.memory_space<vmem>>) dst(%dma_wait3A_128 : memref<40x128xf32, #tpu.memory_space<vmem_shared>>)
      tpu.yield
    }) : () -> ()
    %add3A_25 = arith.constant 320 : i32
    %add3A_26 = arith.addi %mul3A_8, %add3A_25 : i32
    "tpu.region"() ({
      %run_scoped3A = tpu.sem_alloc : memref<!tpu.dma_semaphore, #tpu.memory_space<semaphore_mem>>
      %dma_start3A_121 = arith.constant 0 : i32
      %dma_start3A_122 = tpu.memref_slice %arg13[%add3A_26, %dma_start3A_121] : memref<10240x128xf32, #tpu.memory_space<vmem_shared>> -> memref<40x128xf32, #tpu.memory_space<vmem_shared>>
      %dma_start3A_123 = arith.constant 0 : i32
      %dma_start3A_124 = tpu.memref_slice %arg13[%add3A_26, %dma_start3A_123] : memref<10240x128xf32, #tpu.memory_space<vmem_shared>> -> memref<40x128xf32, #tpu.memory_space<vmem_shared>>
      tpu.enqueue_dma source(%arg12 : memref<40x128xf32, #tpu.memory_space<vmem>>) target(%dma_start3A_124 : memref<40x128xf32, #tpu.memory_space<vmem_shared>>) target_semaphore(%run_scoped3A : memref<!tpu.dma_semaphore, #tpu.memory_space<semaphore_mem>>)
      %dma_wait3A_125 = arith.constant 0 : i32
      %dma_wait3A_126 = tpu.memref_slice %arg13[%add3A_26, %dma_wait3A_125] : memref<10240x128xf32, #tpu.memory_space<vmem_shared>> -> memref<40x128xf32, #tpu.memory_space<vmem_shared>>
      %dma_wait3A_127 = arith.constant 0 : i32
      %dma_wait3A_128 = tpu.memref_slice %arg13[%add3A_26, %dma_wait3A_127] : memref<10240x128xf32, #tpu.memory_space<vmem_shared>> -> memref<40x128xf32, #tpu.memory_space<vmem_shared>>
      tpu.wait_dma2 semaphore(%run_scoped3A : memref<!tpu.dma_semaphore, #tpu.memory_space<semaphore_mem>>) src(%arg12 : memref<40x128xf32, #tpu.memory_space<vmem>>) dst(%dma_wait3A_128 : memref<40x128xf32, #tpu.memory_space<vmem_shared>>)
      tpu.yield
    }) : () -> ()
    %add3A_27 = arith.constant 360 : i32
    %add3A_28 = arith.addi %mul3A_8, %add3A_27 : i32
    "tpu.region"() ({
      %run_scoped3A = tpu.sem_alloc : memref<!tpu.dma_semaphore, #tpu.memory_space<semaphore_mem>>
      %dma_start3A_121 = arith.constant 0 : i32
      %dma_start3A_122 = tpu.memref_slice %arg13[%add3A_28, %dma_start3A_121] : memref<10240x128xf32, #tpu.memory_space<vmem_shared>> -> memref<40x128xf32, #tpu.memory_space<vmem_shared>>
      %dma_start3A_123 = arith.constant 0 : i32
      %dma_start3A_124 = tpu.memref_slice %arg13[%add3A_28, %dma_start3A_123] : memref<10240x128xf32, #tpu.memory_space<vmem_shared>> -> memref<40x128xf32, #tpu.memory_space<vmem_shared>>
      tpu.enqueue_dma source(%arg12 : memref<40x128xf32, #tpu.memory_space<vmem>>) target(%dma_start3A_124 : memref<40x128xf32, #tpu.memory_space<vmem_shared>>) target_semaphore(%run_scoped3A : memref<!tpu.dma_semaphore, #tpu.memory_space<semaphore_mem>>)
      %dma_wait3A_125 = arith.constant 0 : i32
      %dma_wait3A_126 = tpu.memref_slice %arg13[%add3A_28, %dma_wait3A_125] : memref<10240x128xf32, #tpu.memory_space<vmem_shared>> -> memref<40x128xf32, #tpu.memory_space<vmem_shared>>
      %dma_wait3A_127 = arith.constant 0 : i32
      %dma_wait3A_128 = tpu.memref_slice %arg13[%add3A_28, %dma_wait3A_127] : memref<10240x128xf32, #tpu.memory_space<vmem_shared>> -> memref<40x128xf32, #tpu.memory_space<vmem_shared>>
      tpu.wait_dma2 semaphore(%run_scoped3A : memref<!tpu.dma_semaphore, #tpu.memory_space<semaphore_mem>>) src(%arg12 : memref<40x128xf32, #tpu.memory_space<vmem>>) dst(%dma_wait3A_128 : memref<40x128xf32, #tpu.memory_space<vmem_shared>>)
      tpu.yield
    }) : () -> ()
    %add3A_29 = arith.constant 400 : i32
    %add3A_30 = arith.addi %mul3A_8, %add3A_29 : i32
    "tpu.region"() ({
      %run_scoped3A = tpu.sem_alloc : memref<!tpu.dma_semaphore, #tpu.memory_space<semaphore_mem>>
      %dma_start3A_121 = arith.constant 0 : i32
      %dma_start3A_122 = tpu.memref_slice %arg13[%add3A_30, %dma_start3A_121] : memref<10240x128xf32, #tpu.memory_space<vmem_shared>> -> memref<40x128xf32, #tpu.memory_space<vmem_shared>>
      %dma_start3A_123 = arith.constant 0 : i32
      %dma_start3A_124 = tpu.memref_slice %arg13[%add3A_30, %dma_start3A_123] : memref<10240x128xf32, #tpu.memory_space<vmem_shared>> -> memref<40x128xf32, #tpu.memory_space<vmem_shared>>
      tpu.enqueue_dma source(%arg12 : memref<40x128xf32, #tpu.memory_space<vmem>>) target(%dma_start3A_124 : memref<40x128xf32, #tpu.memory_space<vmem_shared>>) target_semaphore(%run_scoped3A : memref<!tpu.dma_semaphore, #tpu.memory_space<semaphore_mem>>)
      %dma_wait3A_125 = arith.constant 0 : i32
      %dma_wait3A_126 = tpu.memref_slice %arg13[%add3A_30, %dma_wait3A_125] : memref<10240x128xf32, #tpu.memory_space<vmem_shared>> -> memref<40x128xf32, #tpu.memory_space<vmem_shared>>
      %dma_wait3A_127 = arith.constant 0 : i32
      %dma_wait3A_128 = tpu.memref_slice %arg13[%add3A_30, %dma_wait3A_127] : memref<10240x128xf32, #tpu.memory_space<vmem_shared>> -> memref<40x128xf32, #tpu.memory_space<vmem_shared>>
      tpu.wait_dma2 semaphore(%run_scoped3A : memref<!tpu.dma_semaphore, #tpu.memory_space<semaphore_mem>>) src(%arg12 : memref<40x128xf32, #tpu.memory_space<vmem>>) dst(%dma_wait3A_128 : memref<40x128xf32, #tpu.memory_space<vmem_shared>>)
      tpu.yield
    }) : () -> ()
    %add3A_31 = arith.constant 440 : i32
    %add3A_32 = arith.addi %mul3A_8, %add3A_31 : i32
    "tpu.region"() ({
      %run_scoped3A = tpu.sem_alloc : memref<!tpu.dma_semaphore, #tpu.memory_space<semaphore_mem>>
      %dma_start3A_121 = arith.constant 0 : i32
      %dma_start3A_122 = tpu.memref_slice %arg13[%add3A_32, %dma_start3A_121] : memref<10240x128xf32, #tpu.memory_space<vmem_shared>> -> memref<40x128xf32, #tpu.memory_space<vmem_shared>>
      %dma_start3A_123 = arith.constant 0 : i32
      %dma_start3A_124 = tpu.memref_slice %arg13[%add3A_32, %dma_start3A_123] : memref<10240x128xf32, #tpu.memory_space<vmem_shared>> -> memref<40x128xf32, #tpu.memory_space<vmem_shared>>
      tpu.enqueue_dma source(%arg12 : memref<40x128xf32, #tpu.memory_space<vmem>>) target(%dma_start3A_124 : memref<40x128xf32, #tpu.memory_space<vmem_shared>>) target_semaphore(%run_scoped3A : memref<!tpu.dma_semaphore, #tpu.memory_space<semaphore_mem>>)
      %dma_wait3A_125 = arith.constant 0 : i32
      %dma_wait3A_126 = tpu.memref_slice %arg13[%add3A_32, %dma_wait3A_125] : memref<10240x128xf32, #tpu.memory_space<vmem_shared>> -> memref<40x128xf32, #tpu.memory_space<vmem_shared>>
      %dma_wait3A_127 = arith.constant 0 : i32
      %dma_wait3A_128 = tpu.memref_slice %arg13[%add3A_32, %dma_wait3A_127] : memref<10240x128xf32, #tpu.memory_space<vmem_shared>> -> memref<40x128xf32, #tpu.memory_space<vmem_shared>>
      tpu.wait_dma2 semaphore(%run_scoped3A : memref<!tpu.dma_semaphore, #tpu.memory_space<semaphore_mem>>) src(%arg12 : memref<40x128xf32, #tpu.memory_space<vmem>>) dst(%dma_wait3A_128 : memref<40x128xf32, #tpu.memory_space<vmem_shared>>)
      tpu.yield
    }) : () -> ()
    %add3A_33 = arith.constant 480 : i32
    %add3A_34 = arith.addi %mul3A_8, %add3A_33 : i32
    "tpu.region"() ({
      %run_scoped3A = tpu.sem_alloc : memref<!tpu.dma_semaphore, #tpu.memory_space<semaphore_mem>>
      %dma_start3A_121 = arith.constant 0 : i32
      %dma_start3A_122 = tpu.memref_slice %arg13[%add3A_34, %dma_start3A_121] : memref<10240x128xf32, #tpu.memory_space<vmem_shared>> -> memref<40x128xf32, #tpu.memory_space<vmem_shared>>
      %dma_start3A_123 = arith.constant 0 : i32
      %dma_start3A_124 = tpu.memref_slice %arg13[%add3A_34, %dma_start3A_123] : memref<10240x128xf32, #tpu.memory_space<vmem_shared>> -> memref<40x128xf32, #tpu.memory_space<vmem_shared>>
      tpu.enqueue_dma source(%arg12 : memref<40x128xf32, #tpu.memory_space<vmem>>) target(%dma_start3A_124 : memref<40x128xf32, #tpu.memory_space<vmem_shared>>) target_semaphore(%run_scoped3A : memref<!tpu.dma_semaphore, #tpu.memory_space<semaphore_mem>>)
      %dma_wait3A_125 = arith.constant 0 : i32
      %dma_wait3A_126 = tpu.memref_slice %arg13[%add3A_34, %dma_wait3A_125] : memref<10240x128xf32, #tpu.memory_space<vmem_shared>> -> memref<40x128xf32, #tpu.memory_space<vmem_shared>>
      %dma_wait3A_127 = arith.constant 0 : i32
      %dma_wait3A_128 = tpu.memref_slice %arg13[%add3A_34, %dma_wait3A_127] : memref<10240x128xf32, #tpu.memory_space<vmem_shared>> -> memref<40x128xf32, #tpu.memory_space<vmem_shared>>
      tpu.wait_dma2 semaphore(%run_scoped3A : memref<!tpu.dma_semaphore, #tpu.memory_space<semaphore_mem>>) src(%arg12 : memref<40x128xf32, #tpu.memory_space<vmem>>) dst(%dma_wait3A_128 : memref<40x128xf32, #tpu.memory_space<vmem_shared>>)
      tpu.yield
    }) : () -> ()
    %add3A_35 = arith.constant 520 : i32
    %add3A_36 = arith.addi %mul3A_8, %add3A_35 : i32
    "tpu.region"() ({
      %run_scoped3A = tpu.sem_alloc : memref<!tpu.dma_semaphore, #tpu.memory_space<semaphore_mem>>
      %dma_start3A_121 = arith.constant 0 : i32
      %dma_start3A_122 = tpu.memref_slice %arg13[%add3A_36, %dma_start3A_121] : memref<10240x128xf32, #tpu.memory_space<vmem_shared>> -> memref<40x128xf32, #tpu.memory_space<vmem_shared>>
      %dma_start3A_123 = arith.constant 0 : i32
      %dma_start3A_124 = tpu.memref_slice %arg13[%add3A_36, %dma_start3A_123] : memref<10240x128xf32, #tpu.memory_space<vmem_shared>> -> memref<40x128xf32, #tpu.memory_space<vmem_shared>>
      tpu.enqueue_dma source(%arg12 : memref<40x128xf32, #tpu.memory_space<vmem>>) target(%dma_start3A_124 : memref<40x128xf32, #tpu.memory_space<vmem_shared>>) target_semaphore(%run_scoped3A : memref<!tpu.dma_semaphore, #tpu.memory_space<semaphore_mem>>)
      %dma_wait3A_125 = arith.constant 0 : i32
      %dma_wait3A_126 = tpu.memref_slice %arg13[%add3A_36, %dma_wait3A_125] : memref<10240x128xf32, #tpu.memory_space<vmem_shared>> -> memref<40x128xf32, #tpu.memory_space<vmem_shared>>
      %dma_wait3A_127 = arith.constant 0 : i32
      %dma_wait3A_128 = tpu.memref_slice %arg13[%add3A_36, %dma_wait3A_127] : memref<10240x128xf32, #tpu.memory_space<vmem_shared>> -> memref<40x128xf32, #tpu.memory_space<vmem_shared>>
      tpu.wait_dma2 semaphore(%run_scoped3A : memref<!tpu.dma_semaphore, #tpu.memory_space<semaphore_mem>>) src(%arg12 : memref<40x128xf32, #tpu.memory_space<vmem>>) dst(%dma_wait3A_128 : memref<40x128xf32, #tpu.memory_space<vmem_shared>>)
      tpu.yield
    }) : () -> ()
    %add3A_37 = arith.constant 560 : i32
    %add3A_38 = arith.addi %mul3A_8, %add3A_37 : i32
    "tpu.region"() ({
      %run_scoped3A = tpu.sem_alloc : memref<!tpu.dma_semaphore, #tpu.memory_space<semaphore_mem>>
      %dma_start3A_121 = arith.constant 0 : i32
      %dma_start3A_122 = tpu.memref_slice %arg13[%add3A_38, %dma_start3A_121] : memref<10240x128xf32, #tpu.memory_space<vmem_shared>> -> memref<40x128xf32, #tpu.memory_space<vmem_shared>>
      %dma_start3A_123 = arith.constant 0 : i32
      %dma_start3A_124 = tpu.memref_slice %arg13[%add3A_38, %dma_start3A_123] : memref<10240x128xf32, #tpu.memory_space<vmem_shared>> -> memref<40x128xf32, #tpu.memory_space<vmem_shared>>
      tpu.enqueue_dma source(%arg12 : memref<40x128xf32, #tpu.memory_space<vmem>>) target(%dma_start3A_124 : memref<40x128xf32, #tpu.memory_space<vmem_shared>>) target_semaphore(%run_scoped3A : memref<!tpu.dma_semaphore, #tpu.memory_space<semaphore_mem>>)
      %dma_wait3A_125 = arith.constant 0 : i32
      %dma_wait3A_126 = tpu.memref_slice %arg13[%add3A_38, %dma_wait3A_125] : memref<10240x128xf32, #tpu.memory_space<vmem_shared>> -> memref<40x128xf32, #tpu.memory_space<vmem_shared>>
      %dma_wait3A_127 = arith.constant 0 : i32
      %dma_wait3A_128 = tpu.memref_slice %arg13[%add3A_38, %dma_wait3A_127] : memref<10240x128xf32, #tpu.memory_space<vmem_shared>> -> memref<40x128xf32, #tpu.memory_space<vmem_shared>>
      tpu.wait_dma2 semaphore(%run_scoped3A : memref<!tpu.dma_semaphore, #tpu.memory_space<semaphore_mem>>) src(%arg12 : memref<40x128xf32, #tpu.memory_space<vmem>>) dst(%dma_wait3A_128 : memref<40x128xf32, #tpu.memory_space<vmem_shared>>)
      tpu.yield
    }) : () -> ()
    %add3A_39 = arith.constant 600 : i32
    %add3A_40 = arith.addi %mul3A_8, %add3A_39 : i32
    "tpu.region"() ({
      %run_scoped3A = tpu.sem_alloc : memref<!tpu.dma_semaphore, #tpu.memory_space<semaphore_mem>>
      %dma_start3A_121 = arith.constant 0 : i32
      %dma_start3A_122 = tpu.memref_slice %arg13[%add3A_40, %dma_start3A_121] : memref<10240x128xf32, #tpu.memory_space<vmem_shared>> -> memref<40x128xf32, #tpu.memory_space<vmem_shared>>
      %dma_start3A_123 = arith.constant 0 : i32
      %dma_start3A_124 = tpu.memref_slice %arg13[%add3A_40, %dma_start3A_123] : memref<10240x128xf32, #tpu.memory_space<vmem_shared>> -> memref<40x128xf32, #tpu.memory_space<vmem_shared>>
      tpu.enqueue_dma source(%arg12 : memref<40x128xf32, #tpu.memory_space<vmem>>) target(%dma_start3A_124 : memref<40x128xf32, #tpu.memory_space<vmem_shared>>) target_semaphore(%run_scoped3A : memref<!tpu.dma_semaphore, #tpu.memory_space<semaphore_mem>>)
      %dma_wait3A_125 = arith.constant 0 : i32
      %dma_wait3A_126 = tpu.memref_slice %arg13[%add3A_40, %dma_wait3A_125] : memref<10240x128xf32, #tpu.memory_space<vmem_shared>> -> memref<40x128xf32, #tpu.memory_space<vmem_shared>>
      %dma_wait3A_127 = arith.constant 0 : i32
      %dma_wait3A_128 = tpu.memref_slice %arg13[%add3A_40, %dma_wait3A_127] : memref<10240x128xf32, #tpu.memory_space<vmem_shared>> -> memref<40x128xf32, #tpu.memory_space<vmem_shared>>
      tpu.wait_dma2 semaphore(%run_scoped3A : memref<!tpu.dma_semaphore, #tpu.memory_space<semaphore_mem>>) src(%arg12 : memref<40x128xf32, #tpu.memory_space<vmem>>) dst(%dma_wait3A_128 : memref<40x128xf32, #tpu.memory_space<vmem_shared>>)
      tpu.yield
    }) : () -> ()
    %barrier3A = arith.constant 0 : index
    tpu.barrier barrier_id(%barrier3A)
    %mul3A_41 = arith.constant 10112 : i32
    %mul3A_42 = arith.muli %add3A, %mul3A_41 : i32
    %add3A_43 = arith.constant 0 : i32
    %add3A_44 = arith.addi %mul3A_42, %add3A_43 : i32
    %dma_start3A = tpu.memref_slice %arg3[%add3A_44] : memref<323584xi32, #tpu.memory_space<hbm>> -> memref<128xi32, #tpu.memory_space<hbm>>
    %dma_start3A_45 = tpu.memref_slice %arg3[%add3A_44] : memref<323584xi32, #tpu.memory_space<hbm>> -> memref<128xi32, #tpu.memory_space<hbm>>
    tpu.enqueue_dma source(%dma_start3A_45 : memref<128xi32, #tpu.memory_space<hbm>>) target(%arg6 : memref<128xi32, #tpu.memory_space<vmem>>) target_semaphore(%arg16 : memref<!tpu.dma_semaphore, #tpu.memory_space<semaphore_mem>>)
    %dma_start3A_46 = tpu.memref_slice %arg4[%add3A_44] : memref<323584xi32, #tpu.memory_space<hbm>> -> memref<128xi32, #tpu.memory_space<hbm>>
    %dma_start3A_47 = tpu.memref_slice %arg4[%add3A_44] : memref<323584xi32, #tpu.memory_space<hbm>> -> memref<128xi32, #tpu.memory_space<hbm>>
    tpu.enqueue_dma source(%dma_start3A_47 : memref<128xi32, #tpu.memory_space<hbm>>) target(%arg8 : memref<128xi32, #tpu.memory_space<vmem>>) target_semaphore(%arg16 : memref<!tpu.dma_semaphore, #tpu.memory_space<semaphore_mem>>)
    %add3A_48 = arith.constant 0 : i32
    %add3A_49 = arith.addi %mul3A_42, %add3A_48 : i32
    %dma_wait3A = tpu.memref_slice %arg3[%add3A_49] : memref<323584xi32, #tpu.memory_space<hbm>> -> memref<128xi32, #tpu.memory_space<hbm>>
    %dma_wait3A_50 = tpu.memref_slice %arg3[%add3A_49] : memref<323584xi32, #tpu.memory_space<hbm>> -> memref<128xi32, #tpu.memory_space<hbm>>
    tpu.wait_dma2 semaphore(%arg16 : memref<!tpu.dma_semaphore, #tpu.memory_space<semaphore_mem>>) src(%dma_wait3A_50 : memref<128xi32, #tpu.memory_space<hbm>>) dst(%arg6 : memref<128xi32, #tpu.memory_space<vmem>>)
    %dma_wait3A_51 = tpu.memref_slice %arg4[%add3A_49] : memref<323584xi32, #tpu.memory_space<hbm>> -> memref<128xi32, #tpu.memory_space<hbm>>
    %dma_wait3A_52 = tpu.memref_slice %arg4[%add3A_49] : memref<323584xi32, #tpu.memory_space<hbm>> -> memref<128xi32, #tpu.memory_space<hbm>>
    tpu.wait_dma2 semaphore(%arg16 : memref<!tpu.dma_semaphore, #tpu.memory_space<semaphore_mem>>) src(%dma_wait3A_52 : memref<128xi32, #tpu.memory_space<hbm>>) dst(%arg8 : memref<128xi32, #tpu.memory_space<vmem>>)
    %dma_start3A_53 = arith.constant 0 : i32
    %dma_start3A_54 = arith.constant 0 : i32
    %dma_start3A_55 = tpu.memref_slice %arg2[%dma_start3A_53, %dma_start3A_54] : memref<5120x128xf32, #tpu.memory_space<hbm>> -> memref<5120x128xf32, #tpu.memory_space<hbm>>
    tpu.enqueue_indirect_dma source(%dma_start3A_55 : memref<5120x128xf32, #tpu.memory_space<hbm>>) target(%arg10 : memref<128x128xf32, #tpu.memory_space<vmem>>) offsets(%arg6 : memref<128xi32, #tpu.memory_space<vmem>>) semaphore(%arg14 : memref<!tpu.dma_semaphore, #tpu.memory_space<semaphore_mem>>)
    %add3A_56 = arith.constant 128 : i32
    %add3A_57 = arith.addi %mul3A_42, %add3A_56 : i32
    %dma_start3A_58 = tpu.memref_slice %arg3[%add3A_57] : memref<323584xi32, #tpu.memory_space<hbm>> -> memref<128xi32, #tpu.memory_space<hbm>>
    %dma_start3A_59 = tpu.memref_slice %arg3[%add3A_57] : memref<323584xi32, #tpu.memory_space<hbm>> -> memref<128xi32, #tpu.memory_space<hbm>>
    tpu.enqueue_dma source(%dma_start3A_59 : memref<128xi32, #tpu.memory_space<hbm>>) target(%arg7 : memref<128xi32, #tpu.memory_space<vmem>>) target_semaphore(%arg17 : memref<!tpu.dma_semaphore, #tpu.memory_space<semaphore_mem>>)
    %dma_start3A_60 = tpu.memref_slice %arg4[%add3A_57] : memref<323584xi32, #tpu.memory_space<hbm>> -> memref<128xi32, #tpu.memory_space<hbm>>
    %dma_start3A_61 = tpu.memref_slice %arg4[%add3A_57] : memref<323584xi32, #tpu.memory_space<hbm>> -> memref<128xi32, #tpu.memory_space<hbm>>
    tpu.enqueue_dma source(%dma_start3A_61 : memref<128xi32, #tpu.memory_space<hbm>>) target(%arg9 : memref<128xi32, #tpu.memory_space<vmem>>) target_semaphore(%arg17 : memref<!tpu.dma_semaphore, #tpu.memory_space<semaphore_mem>>)
    %dma_wait3A_62 = arith.constant 0 : i32
    %dma_wait3A_63 = arith.constant 0 : i32
    %dma_wait3A_64 = tpu.memref_slice %arg2[%dma_wait3A_62, %dma_wait3A_63] : memref<5120x128xf32, #tpu.memory_space<hbm>> -> memref<5120x128xf32, #tpu.memory_space<hbm>>
    tpu.wait_indirect_dma semaphore(%arg14 : memref<!tpu.dma_semaphore, #tpu.memory_space<semaphore_mem>>) src(%dma_wait3A_64 : memref<5120x128xf32, #tpu.memory_space<hbm>>) dst(%arg10 : memref<128x128xf32, #tpu.memory_space<vmem>>)
    %dma_start3A_65 = arith.constant 0 : i32
    %dma_start3A_66 = arith.constant 0 : i32
    %dma_start3A_67 = tpu.memref_slice %arg13[%dma_start3A_65, %dma_start3A_66] : memref<10240x128xf32, #tpu.memory_space<vmem_shared>> -> memref<10240x128xf32, #tpu.memory_space<vmem_shared>>
    tpu.enqueue_indirect_dma source(%arg10 : memref<128x128xf32, #tpu.memory_space<vmem>>) target(%dma_start3A_67 : memref<10240x128xf32, #tpu.memory_space<vmem_shared>>) offsets(%arg8 : memref<128xi32, #tpu.memory_space<vmem>>) semaphore(%arg18 : memref<!tpu.dma_semaphore, #tpu.memory_space<semaphore_mem>>) {add = true}
    %add3A_68 = arith.constant 128 : i32
    %add3A_69 = arith.addi %mul3A_42, %add3A_68 : i32
    %dma_wait3A_70 = tpu.memref_slice %arg3[%add3A_69] : memref<323584xi32, #tpu.memory_space<hbm>> -> memref<128xi32, #tpu.memory_space<hbm>>
    %dma_wait3A_71 = tpu.memref_slice %arg3[%add3A_69] : memref<323584xi32, #tpu.memory_space<hbm>> -> memref<128xi32, #tpu.memory_space<hbm>>
    tpu.wait_dma2 semaphore(%arg17 : memref<!tpu.dma_semaphore, #tpu.memory_space<semaphore_mem>>) src(%dma_wait3A_71 : memref<128xi32, #tpu.memory_space<hbm>>) dst(%arg7 : memref<128xi32, #tpu.memory_space<vmem>>)
    %dma_wait3A_72 = tpu.memref_slice %arg4[%add3A_69] : memref<323584xi32, #tpu.memory_space<hbm>> -> memref<128xi32, #tpu.memory_space<hbm>>
    %dma_wait3A_73 = tpu.memref_slice %arg4[%add3A_69] : memref<323584xi32, #tpu.memory_space<hbm>> -> memref<128xi32, #tpu.memory_space<hbm>>
    tpu.wait_dma2 semaphore(%arg17 : memref<!tpu.dma_semaphore, #tpu.memory_space<semaphore_mem>>) src(%dma_wait3A_73 : memref<128xi32, #tpu.memory_space<hbm>>) dst(%arg9 : memref<128xi32, #tpu.memory_space<vmem>>)
    %dma_start3A_74 = arith.constant 0 : i32
    %dma_start3A_75 = arith.constant 0 : i32
    %dma_start3A_76 = tpu.memref_slice %arg2[%dma_start3A_74, %dma_start3A_75] : memref<5120x128xf32, #tpu.memory_space<hbm>> -> memref<5120x128xf32, #tpu.memory_space<hbm>>
    tpu.enqueue_indirect_dma source(%dma_start3A_76 : memref<5120x128xf32, #tpu.memory_space<hbm>>) target(%arg11 : memref<128x128xf32, #tpu.memory_space<vmem>>) offsets(%arg7 : memref<128xi32, #tpu.memory_space<vmem>>) semaphore(%arg15 : memref<!tpu.dma_semaphore, #tpu.memory_space<semaphore_mem>>)
    %add3A_77 = arith.constant 256 : i32
    %add3A_78 = arith.addi %mul3A_42, %add3A_77 : i32
    %dma_start3A_79 = tpu.memref_slice %arg3[%add3A_78] : memref<323584xi32, #tpu.memory_space<hbm>> -> memref<128xi32, #tpu.memory_space<hbm>>
    %dma_start3A_80 = tpu.memref_slice %arg3[%add3A_78] : memref<323584xi32, #tpu.memory_space<hbm>> -> memref<128xi32, #tpu.memory_space<hbm>>
    tpu.enqueue_dma source(%dma_start3A_80 : memref<128xi32, #tpu.memory_space<hbm>>) target(%arg6 : memref<128xi32, #tpu.memory_space<vmem>>) target_semaphore(%arg16 : memref<!tpu.dma_semaphore, #tpu.memory_space<semaphore_mem>>)
    %dma_start3A_81 = tpu.memref_slice %arg4[%add3A_78] : memref<323584xi32, #tpu.memory_space<hbm>> -> memref<128xi32, #tpu.memory_space<hbm>>
    %dma_start3A_82 = tpu.memref_slice %arg4[%add3A_78] : memref<323584xi32, #tpu.memory_space<hbm>> -> memref<128xi32, #tpu.memory_space<hbm>>
    tpu.enqueue_dma source(%dma_start3A_82 : memref<128xi32, #tpu.memory_space<hbm>>) target(%arg8 : memref<128xi32, #tpu.memory_space<vmem>>) target_semaphore(%arg16 : memref<!tpu.dma_semaphore, #tpu.memory_space<semaphore_mem>>)
    %dma_wait3A_83 = arith.constant 0 : i32
    %dma_wait3A_84 = arith.constant 0 : i32
    %dma_wait3A_85 = tpu.memref_slice %arg2[%dma_wait3A_83, %dma_wait3A_84] : memref<5120x128xf32, #tpu.memory_space<hbm>> -> memref<5120x128xf32, #tpu.memory_space<hbm>>
    tpu.wait_indirect_dma semaphore(%arg15 : memref<!tpu.dma_semaphore, #tpu.memory_space<semaphore_mem>>) src(%dma_wait3A_85 : memref<5120x128xf32, #tpu.memory_space<hbm>>) dst(%arg11 : memref<128x128xf32, #tpu.memory_space<vmem>>)
    %dma_start3A_86 = arith.constant 0 : i32
    %dma_start3A_87 = arith.constant 0 : i32
    %dma_start3A_88 = tpu.memref_slice %arg13[%dma_start3A_86, %dma_start3A_87] : memref<10240x128xf32, #tpu.memory_space<vmem_shared>> -> memref<10240x128xf32, #tpu.memory_space<vmem_shared>>
    tpu.enqueue_indirect_dma source(%arg11 : memref<128x128xf32, #tpu.memory_space<vmem>>) target(%dma_start3A_88 : memref<10240x128xf32, #tpu.memory_space<vmem_shared>>) offsets(%arg9 : memref<128xi32, #tpu.memory_space<vmem>>) semaphore(%arg18 : memref<!tpu.dma_semaphore, #tpu.memory_space<semaphore_mem>>) {add = true}
    %scan3A_89 = arith.constant 0 : i32
    %scan3A_90 = arith.constant 0 : i32
    %scan3A_91 = arith.constant 38 : i32
    %scan3A_92 = arith.addi %scan3A_90, %scan3A_91 : i32
    %scan3A_93 = arith.constant 1 : i32
    %scan3A_94 = scf.for %scan3A_121 = %scan3A_90 to %scan3A_92 step %scan3A_93 iter_args(%scan3A_122 = %scan3A_89) -> (i32)  : i32 {
      %mul3A_123 = arith.constant 2 : i32
      %mul3A_124 = arith.muli %scan3A_121, %mul3A_123 : i32
      %add3A_125 = arith.constant 2 : i32
      %add3A_126 = arith.addi %mul3A_124, %add3A_125 : i32
      %add3A_127 = arith.constant 0 : i32
      %add3A_128 = arith.addi %add3A_126, %add3A_127 : i32
      %mul3A_129 = arith.constant 128 : i32
      %mul3A_130 = arith.muli %add3A_128, %mul3A_129 : i32
      %add3A_131 = arith.addi %mul3A_42, %mul3A_130 : i32
      %dma_wait3A_132 = tpu.memref_slice %arg3[%add3A_131] : memref<323584xi32, #tpu.memory_space<hbm>> -> memref<128xi32, #tpu.memory_space<hbm>>
      %dma_wait3A_133 = tpu.memref_slice %arg3[%add3A_131] : memref<323584xi32, #tpu.memory_space<hbm>> -> memref<128xi32, #tpu.memory_space<hbm>>
      tpu.wait_dma2 semaphore(%arg16 : memref<!tpu.dma_semaphore, #tpu.memory_space<semaphore_mem>>) src(%dma_wait3A_133 : memref<128xi32, #tpu.memory_space<hbm>>) dst(%arg6 : memref<128xi32, #tpu.memory_space<vmem>>)
      %dma_wait3A_134 = tpu.memref_slice %arg4[%add3A_131] : memref<323584xi32, #tpu.memory_space<hbm>> -> memref<128xi32, #tpu.memory_space<hbm>>
      %dma_wait3A_135 = tpu.memref_slice %arg4[%add3A_131] : memref<323584xi32, #tpu.memory_space<hbm>> -> memref<128xi32, #tpu.memory_space<hbm>>
      tpu.wait_dma2 semaphore(%arg16 : memref<!tpu.dma_semaphore, #tpu.memory_space<semaphore_mem>>) src(%dma_wait3A_135 : memref<128xi32, #tpu.memory_space<hbm>>) dst(%arg8 : memref<128xi32, #tpu.memory_space<vmem>>)
      %dma_wait3A_136 = arith.constant 0 : i32
      %dma_wait3A_137 = arith.constant 0 : i32
      %dma_wait3A_138 = tpu.memref_slice %arg13[%dma_wait3A_136, %dma_wait3A_137] : memref<10240x128xf32, #tpu.memory_space<vmem_shared>> -> memref<10240x128xf32, #tpu.memory_space<vmem_shared>>
      tpu.wait_indirect_dma semaphore(%arg18 : memref<!tpu.dma_semaphore, #tpu.memory_space<semaphore_mem>>) src(%arg10 : memref<128x128xf32, #tpu.memory_space<vmem>>) dst(%dma_wait3A_138 : memref<10240x128xf32, #tpu.memory_space<vmem_shared>>)
      %dma_start3A_139 = arith.constant 0 : i32
      %dma_start3A_140 = arith.constant 0 : i32
      %dma_start3A_141 = tpu.memref_slice %arg2[%dma_start3A_139, %dma_start3A_140] : memref<5120x128xf32, #tpu.memory_space<hbm>> -> memref<5120x128xf32, #tpu.memory_space<hbm>>
      tpu.enqueue_indirect_dma source(%dma_start3A_141 : memref<5120x128xf32, #tpu.memory_space<hbm>>) target(%arg10 : memref<128x128xf32, #tpu.memory_space<vmem>>) offsets(%arg6 : memref<128xi32, #tpu.memory_space<vmem>>) semaphore(%arg14 : memref<!tpu.dma_semaphore, #tpu.memory_space<semaphore_mem>>)
      %add3A_142 = arith.constant 1 : i32
      %add3A_143 = arith.addi %add3A_128, %add3A_142 : i32
      %mul3A_144 = arith.constant 128 : i32
      %mul3A_145 = arith.muli %add3A_143, %mul3A_144 : i32
      %add3A_146 = arith.addi %mul3A_42, %mul3A_145 : i32
      %dma_start3A_147 = tpu.memref_slice %arg3[%add3A_146] : memref<323584xi32, #tpu.memory_space<hbm>> -> memref<128xi32, #tpu.memory_space<hbm>>
      %dma_start3A_148 = tpu.memref_slice %arg3[%add3A_146] : memref<323584xi32, #tpu.memory_space<hbm>> -> memref<128xi32, #tpu.memory_space<hbm>>
      tpu.enqueue_dma source(%dma_start3A_148 : memref<128xi32, #tpu.memory_space<hbm>>) target(%arg7 : memref<128xi32, #tpu.memory_space<vmem>>) target_semaphore(%arg17 : memref<!tpu.dma_semaphore, #tpu.memory_space<semaphore_mem>>)
      %dma_start3A_149 = tpu.memref_slice %arg4[%add3A_146] : memref<323584xi32, #tpu.memory_space<hbm>> -> memref<128xi32, #tpu.memory_space<hbm>>
      %dma_start3A_150 = tpu.memref_slice %arg4[%add3A_146] : memref<323584xi32, #tpu.memory_space<hbm>> -> memref<128xi32, #tpu.memory_space<hbm>>
      tpu.enqueue_dma source(%dma_start3A_150 : memref<128xi32, #tpu.memory_space<hbm>>) target(%arg9 : memref<128xi32, #tpu.memory_space<vmem>>) target_semaphore(%arg17 : memref<!tpu.dma_semaphore, #tpu.memory_space<semaphore_mem>>)
      %dma_wait3A_151 = arith.constant 0 : i32
      %dma_wait3A_152 = arith.constant 0 : i32
      %dma_wait3A_153 = tpu.memref_slice %arg2[%dma_wait3A_151, %dma_wait3A_152] : memref<5120x128xf32, #tpu.memory_space<hbm>> -> memref<5120x128xf32, #tpu.memory_space<hbm>>
      tpu.wait_indirect_dma semaphore(%arg14 : memref<!tpu.dma_semaphore, #tpu.memory_space<semaphore_mem>>) src(%dma_wait3A_153 : memref<5120x128xf32, #tpu.memory_space<hbm>>) dst(%arg10 : memref<128x128xf32, #tpu.memory_space<vmem>>)
      %dma_start3A_154 = arith.constant 0 : i32
      %dma_start3A_155 = arith.constant 0 : i32
      %dma_start3A_156 = tpu.memref_slice %arg13[%dma_start3A_154, %dma_start3A_155] : memref<10240x128xf32, #tpu.memory_space<vmem_shared>> -> memref<10240x128xf32, #tpu.memory_space<vmem_shared>>
      tpu.enqueue_indirect_dma source(%arg10 : memref<128x128xf32, #tpu.memory_space<vmem>>) target(%dma_start3A_156 : memref<10240x128xf32, #tpu.memory_space<vmem_shared>>) offsets(%arg8 : memref<128xi32, #tpu.memory_space<vmem>>) semaphore(%arg18 : memref<!tpu.dma_semaphore, #tpu.memory_space<semaphore_mem>>) {add = true}
      %mul3A_157 = arith.constant 2 : i32
      %mul3A_158 = arith.muli %scan3A_121, %mul3A_157 : i32
      %add3A_159 = arith.constant 2 : i32
      %add3A_160 = arith.addi %mul3A_158, %add3A_159 : i32
      %add3A_161 = arith.constant 1 : i32
      %add3A_162 = arith.addi %add3A_160, %add3A_161 : i32
      %mul3A_163 = arith.constant 128 : i32
      %mul3A_164 = arith.muli %add3A_162, %mul3A_163 : i32
      %add3A_165 = arith.addi %mul3A_42, %mul3A_164 : i32
      %dma_wait3A_166 = tpu.memref_slice %arg3[%add3A_165] : memref<323584xi32, #tpu.memory_space<hbm>> -> memref<128xi32, #tpu.memory_space<hbm>>
      %dma_wait3A_167 = tpu.memref_slice %arg3[%add3A_165] : memref<323584xi32, #tpu.memory_space<hbm>> -> memref<128xi32, #tpu.memory_space<hbm>>
      tpu.wait_dma2 semaphore(%arg17 : memref<!tpu.dma_semaphore, #tpu.memory_space<semaphore_mem>>) src(%dma_wait3A_167 : memref<128xi32, #tpu.memory_space<hbm>>) dst(%arg7 : memref<128xi32, #tpu.memory_space<vmem>>)
      %dma_wait3A_168 = tpu.memref_slice %arg4[%add3A_165] : memref<323584xi32, #tpu.memory_space<hbm>> -> memref<128xi32, #tpu.memory_space<hbm>>
      %dma_wait3A_169 = tpu.memref_slice %arg4[%add3A_165] : memref<323584xi32, #tpu.memory_space<hbm>> -> memref<128xi32, #tpu.memory_space<hbm>>
      tpu.wait_dma2 semaphore(%arg17 : memref<!tpu.dma_semaphore, #tpu.memory_space<semaphore_mem>>) src(%dma_wait3A_169 : memref<128xi32, #tpu.memory_space<hbm>>) dst(%arg9 : memref<128xi32, #tpu.memory_space<vmem>>)
      %dma_wait3A_170 = arith.constant 0 : i32
      %dma_wait3A_171 = arith.constant 0 : i32
      %dma_wait3A_172 = tpu.memref_slice %arg13[%dma_wait3A_170, %dma_wait3A_171] : memref<10240x128xf32, #tpu.memory_space<vmem_shared>> -> memref<10240x128xf32, #tpu.memory_space<vmem_shared>>
      tpu.wait_indirect_dma semaphore(%arg18 : memref<!tpu.dma_semaphore, #tpu.memory_space<semaphore_mem>>) src(%arg11 : memref<128x128xf32, #tpu.memory_space<vmem>>) dst(%dma_wait3A_172 : memref<10240x128xf32, #tpu.memory_space<vmem_shared>>)
      %dma_start3A_173 = arith.constant 0 : i32
      %dma_start3A_174 = arith.constant 0 : i32
      %dma_start3A_175 = tpu.memref_slice %arg2[%dma_start3A_173, %dma_start3A_174] : memref<5120x128xf32, #tpu.memory_space<hbm>> -> memref<5120x128xf32, #tpu.memory_space<hbm>>
      tpu.enqueue_indirect_dma source(%dma_start3A_175 : memref<5120x128xf32, #tpu.memory_space<hbm>>) target(%arg11 : memref<128x128xf32, #tpu.memory_space<vmem>>) offsets(%arg7 : memref<128xi32, #tpu.memory_space<vmem>>) semaphore(%arg15 : memref<!tpu.dma_semaphore, #tpu.memory_space<semaphore_mem>>)
      %add3A_176 = arith.constant 1 : i32
      %add3A_177 = arith.addi %add3A_162, %add3A_176 : i32
      %mul3A_178 = arith.constant 128 : i32
      %mul3A_179 = arith.muli %add3A_177, %mul3A_178 : i32
      %add3A_180 = arith.addi %mul3A_42, %mul3A_179 : i32
      %dma_start3A_181 = tpu.memref_slice %arg3[%add3A_180] : memref<323584xi32, #tpu.memory_space<hbm>> -> memref<128xi32, #tpu.memory_space<hbm>>
      %dma_start3A_182 = tpu.memref_slice %arg3[%add3A_180] : memref<323584xi32, #tpu.memory_space<hbm>> -> memref<128xi32, #tpu.memory_space<hbm>>
      tpu.enqueue_dma source(%dma_start3A_182 : memref<128xi32, #tpu.memory_space<hbm>>) target(%arg6 : memref<128xi32, #tpu.memory_space<vmem>>) target_semaphore(%arg16 : memref<!tpu.dma_semaphore, #tpu.memory_space<semaphore_mem>>)
      %dma_start3A_183 = tpu.memref_slice %arg4[%add3A_180] : memref<323584xi32, #tpu.memory_space<hbm>> -> memref<128xi32, #tpu.memory_space<hbm>>
      %dma_start3A_184 = tpu.memref_slice %arg4[%add3A_180] : memref<323584xi32, #tpu.memory_space<hbm>> -> memref<128xi32, #tpu.memory_space<hbm>>
      tpu.enqueue_dma source(%dma_start3A_184 : memref<128xi32, #tpu.memory_space<hbm>>) target(%arg8 : memref<128xi32, #tpu.memory_space<vmem>>) target_semaphore(%arg16 : memref<!tpu.dma_semaphore, #tpu.memory_space<semaphore_mem>>)
      %dma_wait3A_185 = arith.constant 0 : i32
      %dma_wait3A_186 = arith.constant 0 : i32
      %dma_wait3A_187 = tpu.memref_slice %arg2[%dma_wait3A_185, %dma_wait3A_186] : memref<5120x128xf32, #tpu.memory_space<hbm>> -> memref<5120x128xf32, #tpu.memory_space<hbm>>
      tpu.wait_indirect_dma semaphore(%arg15 : memref<!tpu.dma_semaphore, #tpu.memory_space<semaphore_mem>>) src(%dma_wait3A_187 : memref<5120x128xf32, #tpu.memory_space<hbm>>) dst(%arg11 : memref<128x128xf32, #tpu.memory_space<vmem>>)
      %dma_start3A_188 = arith.constant 0 : i32
      %dma_start3A_189 = arith.constant 0 : i32
      %dma_start3A_190 = tpu.memref_slice %arg13[%dma_start3A_188, %dma_start3A_189] : memref<10240x128xf32, #tpu.memory_space<vmem_shared>> -> memref<10240x128xf32, #tpu.memory_space<vmem_shared>>
      tpu.enqueue_indirect_dma source(%arg11 : memref<128x128xf32, #tpu.memory_space<vmem>>) target(%dma_start3A_190 : memref<10240x128xf32, #tpu.memory_space<vmem_shared>>) offsets(%arg9 : memref<128xi32, #tpu.memory_space<vmem>>) semaphore(%arg18 : memref<!tpu.dma_semaphore, #tpu.memory_space<semaphore_mem>>) {add = true}
      %scan3A_191 = arith.constant 0 : i32
      scf.yield %scan3A_191 : i32
    }
    %scan3A_95 = arith.constant 38 : i32
    %add3A_96 = arith.constant 9984 : i32
    %add3A_97 = arith.addi %mul3A_42, %add3A_96 : i32
    %dma_wait3A_98 = tpu.memref_slice %arg3[%add3A_97] : memref<323584xi32, #tpu.memory_space<hbm>> -> memref<128xi32, #tpu.memory_space<hbm>>
    %dma_wait3A_99 = tpu.memref_slice %arg3[%add3A_97] : memref<323584xi32, #tpu.memory_space<hbm>> -> memref<128xi32, #tpu.memory_space<hbm>>
    tpu.wait_dma2 semaphore(%arg16 : memref<!tpu.dma_semaphore, #tpu.memory_space<semaphore_mem>>) src(%dma_wait3A_99 : memref<128xi32, #tpu.memory_space<hbm>>) dst(%arg6 : memref<128xi32, #tpu.memory_space<vmem>>)
    %dma_wait3A_100 = tpu.memref_slice %arg4[%add3A_97] : memref<323584xi32, #tpu.memory_space<hbm>> -> memref<128xi32, #tpu.memory_space<hbm>>
    %dma_wait3A_101 = tpu.memref_slice %arg4[%add3A_97] : memref<323584xi32, #tpu.memory_space<hbm>> -> memref<128xi32, #tpu.memory_space<hbm>>
    tpu.wait_dma2 semaphore(%arg16 : memref<!tpu.dma_semaphore, #tpu.memory_space<semaphore_mem>>) src(%dma_wait3A_101 : memref<128xi32, #tpu.memory_space<hbm>>) dst(%arg8 : memref<128xi32, #tpu.memory_space<vmem>>)
    %dma_wait3A_102 = arith.constant 0 : i32
    %dma_wait3A_103 = arith.constant 0 : i32
    %dma_wait3A_104 = tpu.memref_slice %arg13[%dma_wait3A_102, %dma_wait3A_103] : memref<10240x128xf32, #tpu.memory_space<vmem_shared>> -> memref<10240x128xf32, #tpu.memory_space<vmem_shared>>
    tpu.wait_indirect_dma semaphore(%arg18 : memref<!tpu.dma_semaphore, #tpu.memory_space<semaphore_mem>>) src(%arg10 : memref<128x128xf32, #tpu.memory_space<vmem>>) dst(%dma_wait3A_104 : memref<10240x128xf32, #tpu.memory_space<vmem_shared>>)
    %dma_start3A_105 = arith.constant 0 : i32
    %dma_start3A_106 = arith.constant 0 : i32
    %dma_start3A_107 = tpu.memref_slice %arg2[%dma_start3A_105, %dma_start3A_106] : memref<5120x128xf32, #tpu.memory_space<hbm>> -> memref<5120x128xf32, #tpu.memory_space<hbm>>
    tpu.enqueue_indirect_dma source(%dma_start3A_107 : memref<5120x128xf32, #tpu.memory_space<hbm>>) target(%arg10 : memref<128x128xf32, #tpu.memory_space<vmem>>) offsets(%arg6 : memref<128xi32, #tpu.memory_space<vmem>>) semaphore(%arg14 : memref<!tpu.dma_semaphore, #tpu.memory_space<semaphore_mem>>)
    %dma_wait3A_108 = arith.constant 0 : i32
    %dma_wait3A_109 = arith.constant 0 : i32
    %dma_wait3A_110 = tpu.memref_slice %arg2[%dma_wait3A_108, %dma_wait3A_109] : memref<5120x128xf32, #tpu.memory_space<hbm>> -> memref<5120x128xf32, #tpu.memory_space<hbm>>
    tpu.wait_indirect_dma semaphore(%arg14 : memref<!tpu.dma_semaphore, #tpu.memory_space<semaphore_mem>>) src(%dma_wait3A_110 : memref<5120x128xf32, #tpu.memory_space<hbm>>) dst(%arg10 : memref<128x128xf32, #tpu.memory_space<vmem>>)
    %dma_start3A_111 = arith.constant 0 : i32
    %dma_start3A_112 = arith.constant 0 : i32
    %dma_start3A_113 = tpu.memref_slice %arg13[%dma_start3A_111, %dma_start3A_112] : memref<10240x128xf32, #tpu.memory_space<vmem_shared>> -> memref<10240x128xf32, #tpu.memory_space<vmem_shared>>
    tpu.enqueue_indirect_dma source(%arg10 : memref<128x128xf32, #tpu.memory_space<vmem>>) target(%dma_start3A_113 : memref<10240x128xf32, #tpu.memory_space<vmem_shared>>) offsets(%arg8 : memref<128xi32, #tpu.memory_space<vmem>>) semaphore(%arg18 : memref<!tpu.dma_semaphore, #tpu.memory_space<semaphore_mem>>) {add = true}
    %dma_wait3A_114 = arith.constant 0 : i32
    %dma_wait3A_115 = arith.constant 0 : i32
    %dma_wait3A_116 = tpu.memref_slice %arg13[%dma_wait3A_114, %dma_wait3A_115] : memref<10240x128xf32, #tpu.memory_space<vmem_shared>> -> memref<10240x128xf32, #tpu.memory_space<vmem_shared>>
    tpu.wait_indirect_dma semaphore(%arg18 : memref<!tpu.dma_semaphore, #tpu.memory_space<semaphore_mem>>) src(%arg10 : memref<128x128xf32, #tpu.memory_space<vmem>>) dst(%dma_wait3A_116 : memref<10240x128xf32, #tpu.memory_space<vmem_shared>>)
    %dma_wait3A_117 = arith.constant 0 : i32
    %dma_wait3A_118 = arith.constant 0 : i32
    %dma_wait3A_119 = tpu.memref_slice %arg13[%dma_wait3A_117, %dma_wait3A_118] : memref<10240x128xf32, #tpu.memory_space<vmem_shared>> -> memref<10240x128xf32, #tpu.memory_space<vmem_shared>>
    tpu.wait_indirect_dma semaphore(%arg18 : memref<!tpu.dma_semaphore, #tpu.memory_space<semaphore_mem>>) src(%arg11 : memref<128x128xf32, #tpu.memory_space<vmem>>) dst(%dma_wait3A_119 : memref<10240x128xf32, #tpu.memory_space<vmem_shared>>)
    %barrier3A_120 = arith.constant 0 : index
    tpu.barrier barrier_id(%barrier3A_120)
    "tpu.region"() ({
      %run_scoped3A = tpu.sem_alloc : memref<!tpu.dma_semaphore, #tpu.memory_space<semaphore_mem>>
      %dma_start3A_121 = arith.constant 0 : i32
      %dma_start3A_122 = tpu.memref_slice %arg5[%arg0, %mul3A_8, %dma_start3A_121] : memref<2x10240x128xf32, #tpu.memory_space<hbm>> -> memref<1x640x128xf32, #tpu.memory_space<hbm>>
      %dma_start3A_123 = tpu.memref_squeeze %dma_start3A_122 : memref<1x640x128xf32, #tpu.memory_space<hbm>> -> memref<640x128xf32, #tpu.memory_space<hbm>>
      %dma_start3A_124 = arith.constant 0 : i32
      %dma_start3A_125 = tpu.memref_slice %arg13[%mul3A_8, %dma_start3A_124] : memref<10240x128xf32, #tpu.memory_space<vmem_shared>> -> memref<640x128xf32, #tpu.memory_space<vmem_shared>>
      tpu.enqueue_dma source(%dma_start3A_125 : memref<640x128xf32, #tpu.memory_space<vmem_shared>>) target(%dma_start3A_123 : memref<640x128xf32, #tpu.memory_space<hbm>>) target_semaphore(%run_scoped3A : memref<!tpu.dma_semaphore, #tpu.memory_space<semaphore_mem>>)
      %dma_wait3A_126 = arith.constant 0 : i32
      %dma_wait3A_127 = tpu.memref_slice %arg5[%arg0, %mul3A_8, %dma_wait3A_126] : memref<2x10240x128xf32, #tpu.memory_space<hbm>> -> memref<1x640x128xf32, #tpu.memory_space<hbm>>
      %dma_wait3A_128 = tpu.memref_squeeze %dma_wait3A_127 : memref<1x640x128xf32, #tpu.memory_space<hbm>> -> memref<640x128xf32, #tpu.memory_space<hbm>>
      %dma_wait3A_129 = arith.constant 0 : i32
      %dma_wait3A_130 = tpu.memref_slice %arg13[%mul3A_8, %dma_wait3A_129] : memref<10240x128xf32, #tpu.memory_space<vmem_shared>> -> memref<640x128xf32, #tpu.memory_space<vmem_shared>>
      tpu.wait_dma2 semaphore(%run_scoped3A : memref<!tpu.dma_semaphore, #tpu.memory_space<semaphore_mem>>) src(%dma_wait3A_130 : memref<640x128xf32, #tpu.memory_space<vmem_shared>>) dst(%dma_wait3A_128 : memref<640x128xf32, #tpu.memory_space<hbm>>)
      tpu.yield
    }) : () -> ()
    return
  }
}

#map = affine_map<(d0, d1) -> (0, 0)>
#map1 = affine_map<(d0, d1) -> (0)>
#map2 = affine_map<(d0, d1) -> (0, 0, 0)>
module attributes {stable_mosaic.version = 14 : i64} {
  func.func @k(%arg0: i32, %arg1: i32, %arg2: memref<10240x128xf32, #tpu.memory_space<hbm>>, %arg3: memref<323584xi32, #tpu.memory_space<hbm>>, %arg4: memref<323584xi32, #tpu.memory_space<hbm>>, %arg5: memref<2x5120x128xf32, #tpu.memory_space<hbm>>, %arg6: memref<128xi32, #tpu.memory_space<vmem>>, %arg7: memref<128xi32, #tpu.memory_space<vmem>>, %arg8: memref<128xi32, #tpu.memory_space<vmem>>, %arg9: memref<128xi32, #tpu.memory_space<vmem>>, %arg10: memref<128x128xf32, #tpu.memory_space<vmem>>, %arg11: memref<128x128xf32, #tpu.memory_space<vmem>>, %arg12: memref<40x128xf32, #tpu.memory_space<vmem>>, %arg13: memref<5120x128xf32, #tpu.memory_space<vmem_shared>>, %arg14: memref<!tpu.dma_semaphore, #tpu.memory_space<semaphore_mem>>, %arg15: memref<!tpu.dma_semaphore, #tpu.memory_space<semaphore_mem>>, %arg16: memref<!tpu.dma_semaphore, #tpu.memory_space<semaphore_mem>>, %arg17: memref<!tpu.dma_semaphore, #tpu.memory_space<semaphore_mem>>, %arg18: memref<!tpu.dma_semaphore, #tpu.memory_space<semaphore_mem>>) attributes {dimension_semantics = [#tpu.dimension_semantics<core_parallel>, #tpu.dimension_semantics<subcore_parallel>], iteration_bounds = array<i64: 2, 16>, scalar_prefetch = 0 : i64, scratch_operands = 13 : i64, tpu.core_type = #tpu.core_type<sc_vector_subcore>, window_params = [{transform_indices = #map}, {transform_indices = #map1}, {transform_indices = #map1}, {transform_indices = #map2}]} {
    %mul3A = arith.constant 2 : i32
    %mul3A_0 = arith.muli %arg1, %mul3A : i32
    %add3A = arith.addi %mul3A_0, %arg0 : i32
    %scan3A = arith.constant 0 : i32
    %scan3A_1 = arith.constant 0 : i32
    %scan3A_2 = arith.constant 40 : i32
    %scan3A_3 = arith.addi %scan3A_1, %scan3A_2 : i32
    %scan3A_4 = arith.constant 1 : i32
    %scan3A_5 = scf.for %scan3A_105 = %scan3A_1 to %scan3A_3 step %scan3A_4 iter_args(%scan3A_106 = %scan3A) -> (i32)  : i32 {
      %broadcast_in_dim3A = arith.constant 0.000000e+00 : f32
      %broadcast_in_dim3A_107 = vector.broadcast %broadcast_in_dim3A : f32 to vector<16xf32>
      %swap3A = arith.index_cast %scan3A_105 : i32 to index
      %swap3A_108 = arith.constant 0 : index
      %swap3A_109 = tpu.vector_load %arg12[%swap3A, %swap3A_108] {strides = array<i32>} : memref<40x128xf32, #tpu.memory_space<vmem>>, vector<1x16xf32>,
      %swap3A_110 = vector.shape_cast %swap3A_109 : vector<1x16xf32> to vector<16xf32>
      %swap3A_111 = vector.shape_cast %broadcast_in_dim3A_107 : vector<16xf32> to vector<1x16xf32>
      tpu.vector_store %arg12[%swap3A, %swap3A_108], %swap3A_111 {strides = array<i32>} : memref<40x128xf32, #tpu.memory_space<vmem>>, vector<1x16xf32>,
      %broadcast_in_dim3A_112 = arith.constant 0.000000e+00 : f32
      %broadcast_in_dim3A_113 = vector.broadcast %broadcast_in_dim3A_112 : f32 to vector<16xf32>
      %swap3A_114 = arith.index_cast %scan3A_105 : i32 to index
      %swap3A_115 = arith.constant 16 : index
      %swap3A_116 = tpu.vector_load %arg12[%swap3A_114, %swap3A_115] {strides = array<i32>} : memref<40x128xf32, #tpu.memory_space<vmem>>, vector<1x16xf32>,
      %swap3A_117 = vector.shape_cast %swap3A_116 : vector<1x16xf32> to vector<16xf32>
      %swap3A_118 = vector.shape_cast %broadcast_in_dim3A_113 : vector<16xf32> to vector<1x16xf32>
      tpu.vector_store %arg12[%swap3A_114, %swap3A_115], %swap3A_118 {strides = array<i32>} : memref<40x128xf32, #tpu.memory_space<vmem>>, vector<1x16xf32>,
      %broadcast_in_dim3A_119 = arith.constant 0.000000e+00 : f32
      %broadcast_in_dim3A_120 = vector.broadcast %broadcast_in_dim3A_119 : f32 to vector<16xf32>
      %swap3A_121 = arith.index_cast %scan3A_105 : i32 to index
      %swap3A_122 = arith.constant 32 : index
      %swap3A_123 = tpu.vector_load %arg12[%swap3A_121, %swap3A_122] {strides = array<i32>} : memref<40x128xf32, #tpu.memory_space<vmem>>, vector<1x16xf32>,
      %swap3A_124 = vector.shape_cast %swap3A_123 : vector<1x16xf32> to vector<16xf32>
      %swap3A_125 = vector.shape_cast %broadcast_in_dim3A_120 : vector<16xf32> to vector<1x16xf32>
      tpu.vector_store %arg12[%swap3A_121, %swap3A_122], %swap3A_125 {strides = array<i32>} : memref<40x128xf32, #tpu.memory_space<vmem>>, vector<1x16xf32>,
      %broadcast_in_dim3A_126 = arith.constant 0.000000e+00 : f32
      %broadcast_in_dim3A_127 = vector.broadcast %broadcast_in_dim3A_126 : f32 to vector<16xf32>
      %swap3A_128 = arith.index_cast %scan3A_105 : i32 to index
      %swap3A_129 = arith.constant 48 : index
      %swap3A_130 = tpu.vector_load %arg12[%swap3A_128, %swap3A_129] {strides = array<i32>} : memref<40x128xf32, #tpu.memory_space<vmem>>, vector<1x16xf32>,
      %swap3A_131 = vector.shape_cast %swap3A_130 : vector<1x16xf32> to vector<16xf32>
      %swap3A_132 = vector.shape_cast %broadcast_in_dim3A_127 : vector<16xf32> to vector<1x16xf32>
      tpu.vector_store %arg12[%swap3A_128, %swap3A_129], %swap3A_132 {strides = array<i32>} : memref<40x128xf32, #tpu.memory_space<vmem>>, vector<1x16xf32>,
      %broadcast_in_dim3A_133 = arith.constant 0.000000e+00 : f32
      %broadcast_in_dim3A_134 = vector.broadcast %broadcast_in_dim3A_133 : f32 to vector<16xf32>
      %swap3A_135 = arith.index_cast %scan3A_105 : i32 to index
      %swap3A_136 = arith.constant 64 : index
      %swap3A_137 = tpu.vector_load %arg12[%swap3A_135, %swap3A_136] {strides = array<i32>} : memref<40x128xf32, #tpu.memory_space<vmem>>, vector<1x16xf32>,
      %swap3A_138 = vector.shape_cast %swap3A_137 : vector<1x16xf32> to vector<16xf32>
      %swap3A_139 = vector.shape_cast %broadcast_in_dim3A_134 : vector<16xf32> to vector<1x16xf32>
      tpu.vector_store %arg12[%swap3A_135, %swap3A_136], %swap3A_139 {strides = array<i32>} : memref<40x128xf32, #tpu.memory_space<vmem>>, vector<1x16xf32>,
      %broadcast_in_dim3A_140 = arith.constant 0.000000e+00 : f32
      %broadcast_in_dim3A_141 = vector.broadcast %broadcast_in_dim3A_140 : f32 to vector<16xf32>
      %swap3A_142 = arith.index_cast %scan3A_105 : i32 to index
      %swap3A_143 = arith.constant 80 : index
      %swap3A_144 = tpu.vector_load %arg12[%swap3A_142, %swap3A_143] {strides = array<i32>} : memref<40x128xf32, #tpu.memory_space<vmem>>, vector<1x16xf32>,
      %swap3A_145 = vector.shape_cast %swap3A_144 : vector<1x16xf32> to vector<16xf32>
      %swap3A_146 = vector.shape_cast %broadcast_in_dim3A_141 : vector<16xf32> to vector<1x16xf32>
      tpu.vector_store %arg12[%swap3A_142, %swap3A_143], %swap3A_146 {strides = array<i32>} : memref<40x128xf32, #tpu.memory_space<vmem>>, vector<1x16xf32>,
      %broadcast_in_dim3A_147 = arith.constant 0.000000e+00 : f32
      %broadcast_in_dim3A_148 = vector.broadcast %broadcast_in_dim3A_147 : f32 to vector<16xf32>
      %swap3A_149 = arith.index_cast %scan3A_105 : i32 to index
      %swap3A_150 = arith.constant 96 : index
      %swap3A_151 = tpu.vector_load %arg12[%swap3A_149, %swap3A_150] {strides = array<i32>} : memref<40x128xf32, #tpu.memory_space<vmem>>, vector<1x16xf32>,
      %swap3A_152 = vector.shape_cast %swap3A_151 : vector<1x16xf32> to vector<16xf32>
      %swap3A_153 = vector.shape_cast %broadcast_in_dim3A_148 : vector<16xf32> to vector<1x16xf32>
      tpu.vector_store %arg12[%swap3A_149, %swap3A_150], %swap3A_153 {strides = array<i32>} : memref<40x128xf32, #tpu.memory_space<vmem>>, vector<1x16xf32>,
      %broadcast_in_dim3A_154 = arith.constant 0.000000e+00 : f32
      %broadcast_in_dim3A_155 = vector.broadcast %broadcast_in_dim3A_154 : f32 to vector<16xf32>
      %swap3A_156 = arith.index_cast %scan3A_105 : i32 to index
      %swap3A_157 = arith.constant 112 : index
      %swap3A_158 = tpu.vector_load %arg12[%swap3A_156, %swap3A_157] {strides = array<i32>} : memref<40x128xf32, #tpu.memory_space<vmem>>, vector<1x16xf32>,
      %swap3A_159 = vector.shape_cast %swap3A_158 : vector<1x16xf32> to vector<16xf32>
      %swap3A_160 = vector.shape_cast %broadcast_in_dim3A_155 : vector<16xf32> to vector<1x16xf32>
      tpu.vector_store %arg12[%swap3A_156, %swap3A_157], %swap3A_160 {strides = array<i32>} : memref<40x128xf32, #tpu.memory_space<vmem>>, vector<1x16xf32>,
      %scan3A_161 = arith.constant 0 : i32
      scf.yield %scan3A_161 : i32
    }
    %scan3A_6 = arith.constant 40 : i32
    %mul3A_7 = arith.constant 320 : i32
    %mul3A_8 = arith.muli %arg1, %mul3A_7 : i32
    %add3A_9 = arith.constant 0 : i32
    %add3A_10 = arith.addi %mul3A_8, %add3A_9 : i32
    "tpu.region"() ({
      %run_scoped3A = tpu.sem_alloc : memref<!tpu.dma_semaphore, #tpu.memory_space<semaphore_mem>>
      %dma_start3A_105 = arith.constant 0 : i32
      %dma_start3A_106 = tpu.memref_slice %arg13[%add3A_10, %dma_start3A_105] : memref<5120x128xf32, #tpu.memory_space<vmem_shared>> -> memref<40x128xf32, #tpu.memory_space<vmem_shared>>
      %dma_start3A_107 = arith.constant 0 : i32
      %dma_start3A_108 = tpu.memref_slice %arg13[%add3A_10, %dma_start3A_107] : memref<5120x128xf32, #tpu.memory_space<vmem_shared>> -> memref<40x128xf32, #tpu.memory_space<vmem_shared>>
      tpu.enqueue_dma source(%arg12 : memref<40x128xf32, #tpu.memory_space<vmem>>) target(%dma_start3A_108 : memref<40x128xf32, #tpu.memory_space<vmem_shared>>) target_semaphore(%run_scoped3A : memref<!tpu.dma_semaphore, #tpu.memory_space<semaphore_mem>>)
      %dma_wait3A_109 = arith.constant 0 : i32
      %dma_wait3A_110 = tpu.memref_slice %arg13[%add3A_10, %dma_wait3A_109] : memref<5120x128xf32, #tpu.memory_space<vmem_shared>> -> memref<40x128xf32, #tpu.memory_space<vmem_shared>>
      %dma_wait3A_111 = arith.constant 0 : i32
      %dma_wait3A_112 = tpu.memref_slice %arg13[%add3A_10, %dma_wait3A_111] : memref<5120x128xf32, #tpu.memory_space<vmem_shared>> -> memref<40x128xf32, #tpu.memory_space<vmem_shared>>
      tpu.wait_dma2 semaphore(%run_scoped3A : memref<!tpu.dma_semaphore, #tpu.memory_space<semaphore_mem>>) src(%arg12 : memref<40x128xf32, #tpu.memory_space<vmem>>) dst(%dma_wait3A_112 : memref<40x128xf32, #tpu.memory_space<vmem_shared>>)
      tpu.yield
    }) : () -> ()
    %add3A_11 = arith.constant 40 : i32
    %add3A_12 = arith.addi %mul3A_8, %add3A_11 : i32
    "tpu.region"() ({
      %run_scoped3A = tpu.sem_alloc : memref<!tpu.dma_semaphore, #tpu.memory_space<semaphore_mem>>
      %dma_start3A_105 = arith.constant 0 : i32
      %dma_start3A_106 = tpu.memref_slice %arg13[%add3A_12, %dma_start3A_105] : memref<5120x128xf32, #tpu.memory_space<vmem_shared>> -> memref<40x128xf32, #tpu.memory_space<vmem_shared>>
      %dma_start3A_107 = arith.constant 0 : i32
      %dma_start3A_108 = tpu.memref_slice %arg13[%add3A_12, %dma_start3A_107] : memref<5120x128xf32, #tpu.memory_space<vmem_shared>> -> memref<40x128xf32, #tpu.memory_space<vmem_shared>>
      tpu.enqueue_dma source(%arg12 : memref<40x128xf32, #tpu.memory_space<vmem>>) target(%dma_start3A_108 : memref<40x128xf32, #tpu.memory_space<vmem_shared>>) target_semaphore(%run_scoped3A : memref<!tpu.dma_semaphore, #tpu.memory_space<semaphore_mem>>)
      %dma_wait3A_109 = arith.constant 0 : i32
      %dma_wait3A_110 = tpu.memref_slice %arg13[%add3A_12, %dma_wait3A_109] : memref<5120x128xf32, #tpu.memory_space<vmem_shared>> -> memref<40x128xf32, #tpu.memory_space<vmem_shared>>
      %dma_wait3A_111 = arith.constant 0 : i32
      %dma_wait3A_112 = tpu.memref_slice %arg13[%add3A_12, %dma_wait3A_111] : memref<5120x128xf32, #tpu.memory_space<vmem_shared>> -> memref<40x128xf32, #tpu.memory_space<vmem_shared>>
      tpu.wait_dma2 semaphore(%run_scoped3A : memref<!tpu.dma_semaphore, #tpu.memory_space<semaphore_mem>>) src(%arg12 : memref<40x128xf32, #tpu.memory_space<vmem>>) dst(%dma_wait3A_112 : memref<40x128xf32, #tpu.memory_space<vmem_shared>>)
      tpu.yield
    }) : () -> ()
    %add3A_13 = arith.constant 80 : i32
    %add3A_14 = arith.addi %mul3A_8, %add3A_13 : i32
    "tpu.region"() ({
      %run_scoped3A = tpu.sem_alloc : memref<!tpu.dma_semaphore, #tpu.memory_space<semaphore_mem>>
      %dma_start3A_105 = arith.constant 0 : i32
      %dma_start3A_106 = tpu.memref_slice %arg13[%add3A_14, %dma_start3A_105] : memref<5120x128xf32, #tpu.memory_space<vmem_shared>> -> memref<40x128xf32, #tpu.memory_space<vmem_shared>>
      %dma_start3A_107 = arith.constant 0 : i32
      %dma_start3A_108 = tpu.memref_slice %arg13[%add3A_14, %dma_start3A_107] : memref<5120x128xf32, #tpu.memory_space<vmem_shared>> -> memref<40x128xf32, #tpu.memory_space<vmem_shared>>
      tpu.enqueue_dma source(%arg12 : memref<40x128xf32, #tpu.memory_space<vmem>>) target(%dma_start3A_108 : memref<40x128xf32, #tpu.memory_space<vmem_shared>>) target_semaphore(%run_scoped3A : memref<!tpu.dma_semaphore, #tpu.memory_space<semaphore_mem>>)
      %dma_wait3A_109 = arith.constant 0 : i32
      %dma_wait3A_110 = tpu.memref_slice %arg13[%add3A_14, %dma_wait3A_109] : memref<5120x128xf32, #tpu.memory_space<vmem_shared>> -> memref<40x128xf32, #tpu.memory_space<vmem_shared>>
      %dma_wait3A_111 = arith.constant 0 : i32
      %dma_wait3A_112 = tpu.memref_slice %arg13[%add3A_14, %dma_wait3A_111] : memref<5120x128xf32, #tpu.memory_space<vmem_shared>> -> memref<40x128xf32, #tpu.memory_space<vmem_shared>>
      tpu.wait_dma2 semaphore(%run_scoped3A : memref<!tpu.dma_semaphore, #tpu.memory_space<semaphore_mem>>) src(%arg12 : memref<40x128xf32, #tpu.memory_space<vmem>>) dst(%dma_wait3A_112 : memref<40x128xf32, #tpu.memory_space<vmem_shared>>)
      tpu.yield
    }) : () -> ()
    %add3A_15 = arith.constant 120 : i32
    %add3A_16 = arith.addi %mul3A_8, %add3A_15 : i32
    "tpu.region"() ({
      %run_scoped3A = tpu.sem_alloc : memref<!tpu.dma_semaphore, #tpu.memory_space<semaphore_mem>>
      %dma_start3A_105 = arith.constant 0 : i32
      %dma_start3A_106 = tpu.memref_slice %arg13[%add3A_16, %dma_start3A_105] : memref<5120x128xf32, #tpu.memory_space<vmem_shared>> -> memref<40x128xf32, #tpu.memory_space<vmem_shared>>
      %dma_start3A_107 = arith.constant 0 : i32
      %dma_start3A_108 = tpu.memref_slice %arg13[%add3A_16, %dma_start3A_107] : memref<5120x128xf32, #tpu.memory_space<vmem_shared>> -> memref<40x128xf32, #tpu.memory_space<vmem_shared>>
      tpu.enqueue_dma source(%arg12 : memref<40x128xf32, #tpu.memory_space<vmem>>) target(%dma_start3A_108 : memref<40x128xf32, #tpu.memory_space<vmem_shared>>) target_semaphore(%run_scoped3A : memref<!tpu.dma_semaphore, #tpu.memory_space<semaphore_mem>>)
      %dma_wait3A_109 = arith.constant 0 : i32
      %dma_wait3A_110 = tpu.memref_slice %arg13[%add3A_16, %dma_wait3A_109] : memref<5120x128xf32, #tpu.memory_space<vmem_shared>> -> memref<40x128xf32, #tpu.memory_space<vmem_shared>>
      %dma_wait3A_111 = arith.constant 0 : i32
      %dma_wait3A_112 = tpu.memref_slice %arg13[%add3A_16, %dma_wait3A_111] : memref<5120x128xf32, #tpu.memory_space<vmem_shared>> -> memref<40x128xf32, #tpu.memory_space<vmem_shared>>
      tpu.wait_dma2 semaphore(%run_scoped3A : memref<!tpu.dma_semaphore, #tpu.memory_space<semaphore_mem>>) src(%arg12 : memref<40x128xf32, #tpu.memory_space<vmem>>) dst(%dma_wait3A_112 : memref<40x128xf32, #tpu.memory_space<vmem_shared>>)
      tpu.yield
    }) : () -> ()
    %add3A_17 = arith.constant 160 : i32
    %add3A_18 = arith.addi %mul3A_8, %add3A_17 : i32
    "tpu.region"() ({
      %run_scoped3A = tpu.sem_alloc : memref<!tpu.dma_semaphore, #tpu.memory_space<semaphore_mem>>
      %dma_start3A_105 = arith.constant 0 : i32
      %dma_start3A_106 = tpu.memref_slice %arg13[%add3A_18, %dma_start3A_105] : memref<5120x128xf32, #tpu.memory_space<vmem_shared>> -> memref<40x128xf32, #tpu.memory_space<vmem_shared>>
      %dma_start3A_107 = arith.constant 0 : i32
      %dma_start3A_108 = tpu.memref_slice %arg13[%add3A_18, %dma_start3A_107] : memref<5120x128xf32, #tpu.memory_space<vmem_shared>> -> memref<40x128xf32, #tpu.memory_space<vmem_shared>>
      tpu.enqueue_dma source(%arg12 : memref<40x128xf32, #tpu.memory_space<vmem>>) target(%dma_start3A_108 : memref<40x128xf32, #tpu.memory_space<vmem_shared>>) target_semaphore(%run_scoped3A : memref<!tpu.dma_semaphore, #tpu.memory_space<semaphore_mem>>)
      %dma_wait3A_109 = arith.constant 0 : i32
      %dma_wait3A_110 = tpu.memref_slice %arg13[%add3A_18, %dma_wait3A_109] : memref<5120x128xf32, #tpu.memory_space<vmem_shared>> -> memref<40x128xf32, #tpu.memory_space<vmem_shared>>
      %dma_wait3A_111 = arith.constant 0 : i32
      %dma_wait3A_112 = tpu.memref_slice %arg13[%add3A_18, %dma_wait3A_111] : memref<5120x128xf32, #tpu.memory_space<vmem_shared>> -> memref<40x128xf32, #tpu.memory_space<vmem_shared>>
      tpu.wait_dma2 semaphore(%run_scoped3A : memref<!tpu.dma_semaphore, #tpu.memory_space<semaphore_mem>>) src(%arg12 : memref<40x128xf32, #tpu.memory_space<vmem>>) dst(%dma_wait3A_112 : memref<40x128xf32, #tpu.memory_space<vmem_shared>>)
      tpu.yield
    }) : () -> ()
    %add3A_19 = arith.constant 200 : i32
    %add3A_20 = arith.addi %mul3A_8, %add3A_19 : i32
    "tpu.region"() ({
      %run_scoped3A = tpu.sem_alloc : memref<!tpu.dma_semaphore, #tpu.memory_space<semaphore_mem>>
      %dma_start3A_105 = arith.constant 0 : i32
      %dma_start3A_106 = tpu.memref_slice %arg13[%add3A_20, %dma_start3A_105] : memref<5120x128xf32, #tpu.memory_space<vmem_shared>> -> memref<40x128xf32, #tpu.memory_space<vmem_shared>>
      %dma_start3A_107 = arith.constant 0 : i32
      %dma_start3A_108 = tpu.memref_slice %arg13[%add3A_20, %dma_start3A_107] : memref<5120x128xf32, #tpu.memory_space<vmem_shared>> -> memref<40x128xf32, #tpu.memory_space<vmem_shared>>
      tpu.enqueue_dma source(%arg12 : memref<40x128xf32, #tpu.memory_space<vmem>>) target(%dma_start3A_108 : memref<40x128xf32, #tpu.memory_space<vmem_shared>>) target_semaphore(%run_scoped3A : memref<!tpu.dma_semaphore, #tpu.memory_space<semaphore_mem>>)
      %dma_wait3A_109 = arith.constant 0 : i32
      %dma_wait3A_110 = tpu.memref_slice %arg13[%add3A_20, %dma_wait3A_109] : memref<5120x128xf32, #tpu.memory_space<vmem_shared>> -> memref<40x128xf32, #tpu.memory_space<vmem_shared>>
      %dma_wait3A_111 = arith.constant 0 : i32
      %dma_wait3A_112 = tpu.memref_slice %arg13[%add3A_20, %dma_wait3A_111] : memref<5120x128xf32, #tpu.memory_space<vmem_shared>> -> memref<40x128xf32, #tpu.memory_space<vmem_shared>>
      tpu.wait_dma2 semaphore(%run_scoped3A : memref<!tpu.dma_semaphore, #tpu.memory_space<semaphore_mem>>) src(%arg12 : memref<40x128xf32, #tpu.memory_space<vmem>>) dst(%dma_wait3A_112 : memref<40x128xf32, #tpu.memory_space<vmem_shared>>)
      tpu.yield
    }) : () -> ()
    %add3A_21 = arith.constant 240 : i32
    %add3A_22 = arith.addi %mul3A_8, %add3A_21 : i32
    "tpu.region"() ({
      %run_scoped3A = tpu.sem_alloc : memref<!tpu.dma_semaphore, #tpu.memory_space<semaphore_mem>>
      %dma_start3A_105 = arith.constant 0 : i32
      %dma_start3A_106 = tpu.memref_slice %arg13[%add3A_22, %dma_start3A_105] : memref<5120x128xf32, #tpu.memory_space<vmem_shared>> -> memref<40x128xf32, #tpu.memory_space<vmem_shared>>
      %dma_start3A_107 = arith.constant 0 : i32
      %dma_start3A_108 = tpu.memref_slice %arg13[%add3A_22, %dma_start3A_107] : memref<5120x128xf32, #tpu.memory_space<vmem_shared>> -> memref<40x128xf32, #tpu.memory_space<vmem_shared>>
      tpu.enqueue_dma source(%arg12 : memref<40x128xf32, #tpu.memory_space<vmem>>) target(%dma_start3A_108 : memref<40x128xf32, #tpu.memory_space<vmem_shared>>) target_semaphore(%run_scoped3A : memref<!tpu.dma_semaphore, #tpu.memory_space<semaphore_mem>>)
      %dma_wait3A_109 = arith.constant 0 : i32
      %dma_wait3A_110 = tpu.memref_slice %arg13[%add3A_22, %dma_wait3A_109] : memref<5120x128xf32, #tpu.memory_space<vmem_shared>> -> memref<40x128xf32, #tpu.memory_space<vmem_shared>>
      %dma_wait3A_111 = arith.constant 0 : i32
      %dma_wait3A_112 = tpu.memref_slice %arg13[%add3A_22, %dma_wait3A_111] : memref<5120x128xf32, #tpu.memory_space<vmem_shared>> -> memref<40x128xf32, #tpu.memory_space<vmem_shared>>
      tpu.wait_dma2 semaphore(%run_scoped3A : memref<!tpu.dma_semaphore, #tpu.memory_space<semaphore_mem>>) src(%arg12 : memref<40x128xf32, #tpu.memory_space<vmem>>) dst(%dma_wait3A_112 : memref<40x128xf32, #tpu.memory_space<vmem_shared>>)
      tpu.yield
    }) : () -> ()
    %add3A_23 = arith.constant 280 : i32
    %add3A_24 = arith.addi %mul3A_8, %add3A_23 : i32
    "tpu.region"() ({
      %run_scoped3A = tpu.sem_alloc : memref<!tpu.dma_semaphore, #tpu.memory_space<semaphore_mem>>
      %dma_start3A_105 = arith.constant 0 : i32
      %dma_start3A_106 = tpu.memref_slice %arg13[%add3A_24, %dma_start3A_105] : memref<5120x128xf32, #tpu.memory_space<vmem_shared>> -> memref<40x128xf32, #tpu.memory_space<vmem_shared>>
      %dma_start3A_107 = arith.constant 0 : i32
      %dma_start3A_108 = tpu.memref_slice %arg13[%add3A_24, %dma_start3A_107] : memref<5120x128xf32, #tpu.memory_space<vmem_shared>> -> memref<40x128xf32, #tpu.memory_space<vmem_shared>>
      tpu.enqueue_dma source(%arg12 : memref<40x128xf32, #tpu.memory_space<vmem>>) target(%dma_start3A_108 : memref<40x128xf32, #tpu.memory_space<vmem_shared>>) target_semaphore(%run_scoped3A : memref<!tpu.dma_semaphore, #tpu.memory_space<semaphore_mem>>)
      %dma_wait3A_109 = arith.constant 0 : i32
      %dma_wait3A_110 = tpu.memref_slice %arg13[%add3A_24, %dma_wait3A_109] : memref<5120x128xf32, #tpu.memory_space<vmem_shared>> -> memref<40x128xf32, #tpu.memory_space<vmem_shared>>
      %dma_wait3A_111 = arith.constant 0 : i32
      %dma_wait3A_112 = tpu.memref_slice %arg13[%add3A_24, %dma_wait3A_111] : memref<5120x128xf32, #tpu.memory_space<vmem_shared>> -> memref<40x128xf32, #tpu.memory_space<vmem_shared>>
      tpu.wait_dma2 semaphore(%run_scoped3A : memref<!tpu.dma_semaphore, #tpu.memory_space<semaphore_mem>>) src(%arg12 : memref<40x128xf32, #tpu.memory_space<vmem>>) dst(%dma_wait3A_112 : memref<40x128xf32, #tpu.memory_space<vmem_shared>>)
      tpu.yield
    }) : () -> ()
    %barrier3A = arith.constant 0 : index
    tpu.barrier barrier_id(%barrier3A)
    %mul3A_25 = arith.constant 10112 : i32
    %mul3A_26 = arith.muli %add3A, %mul3A_25 : i32
    %add3A_27 = arith.constant 0 : i32
    %add3A_28 = arith.addi %mul3A_26, %add3A_27 : i32
    %dma_start3A = tpu.memref_slice %arg3[%add3A_28] : memref<323584xi32, #tpu.memory_space<hbm>> -> memref<128xi32, #tpu.memory_space<hbm>>
    %dma_start3A_29 = tpu.memref_slice %arg3[%add3A_28] : memref<323584xi32, #tpu.memory_space<hbm>> -> memref<128xi32, #tpu.memory_space<hbm>>
    tpu.enqueue_dma source(%dma_start3A_29 : memref<128xi32, #tpu.memory_space<hbm>>) target(%arg6 : memref<128xi32, #tpu.memory_space<vmem>>) target_semaphore(%arg16 : memref<!tpu.dma_semaphore, #tpu.memory_space<semaphore_mem>>)
    %dma_start3A_30 = tpu.memref_slice %arg4[%add3A_28] : memref<323584xi32, #tpu.memory_space<hbm>> -> memref<128xi32, #tpu.memory_space<hbm>>
    %dma_start3A_31 = tpu.memref_slice %arg4[%add3A_28] : memref<323584xi32, #tpu.memory_space<hbm>> -> memref<128xi32, #tpu.memory_space<hbm>>
    tpu.enqueue_dma source(%dma_start3A_31 : memref<128xi32, #tpu.memory_space<hbm>>) target(%arg8 : memref<128xi32, #tpu.memory_space<vmem>>) target_semaphore(%arg16 : memref<!tpu.dma_semaphore, #tpu.memory_space<semaphore_mem>>)
    %add3A_32 = arith.constant 0 : i32
    %add3A_33 = arith.addi %mul3A_26, %add3A_32 : i32
    %dma_wait3A = tpu.memref_slice %arg3[%add3A_33] : memref<323584xi32, #tpu.memory_space<hbm>> -> memref<128xi32, #tpu.memory_space<hbm>>
    %dma_wait3A_34 = tpu.memref_slice %arg3[%add3A_33] : memref<323584xi32, #tpu.memory_space<hbm>> -> memref<128xi32, #tpu.memory_space<hbm>>
    tpu.wait_dma2 semaphore(%arg16 : memref<!tpu.dma_semaphore, #tpu.memory_space<semaphore_mem>>) src(%dma_wait3A_34 : memref<128xi32, #tpu.memory_space<hbm>>) dst(%arg6 : memref<128xi32, #tpu.memory_space<vmem>>)
    %dma_wait3A_35 = tpu.memref_slice %arg4[%add3A_33] : memref<323584xi32, #tpu.memory_space<hbm>> -> memref<128xi32, #tpu.memory_space<hbm>>
    %dma_wait3A_36 = tpu.memref_slice %arg4[%add3A_33] : memref<323584xi32, #tpu.memory_space<hbm>> -> memref<128xi32, #tpu.memory_space<hbm>>
    tpu.wait_dma2 semaphore(%arg16 : memref<!tpu.dma_semaphore, #tpu.memory_space<semaphore_mem>>) src(%dma_wait3A_36 : memref<128xi32, #tpu.memory_space<hbm>>) dst(%arg8 : memref<128xi32, #tpu.memory_space<vmem>>)
    %dma_start3A_37 = arith.constant 0 : i32
    %dma_start3A_38 = arith.constant 0 : i32
    %dma_start3A_39 = tpu.memref_slice %arg2[%dma_start3A_37, %dma_start3A_38] : memref<10240x128xf32, #tpu.memory_space<hbm>> -> memref<10240x128xf32, #tpu.memory_space<hbm>>
    tpu.enqueue_indirect_dma source(%dma_start3A_39 : memref<10240x128xf32, #tpu.memory_space<hbm>>) target(%arg10 : memref<128x128xf32, #tpu.memory_space<vmem>>) offsets(%arg6 : memref<128xi32, #tpu.memory_space<vmem>>) semaphore(%arg14 : memref<!tpu.dma_semaphore, #tpu.memory_space<semaphore_mem>>)
    %add3A_40 = arith.constant 128 : i32
    %add3A_41 = arith.addi %mul3A_26, %add3A_40 : i32
    %dma_start3A_42 = tpu.memref_slice %arg3[%add3A_41] : memref<323584xi32, #tpu.memory_space<hbm>> -> memref<128xi32, #tpu.memory_space<hbm>>
    %dma_start3A_43 = tpu.memref_slice %arg3[%add3A_41] : memref<323584xi32, #tpu.memory_space<hbm>> -> memref<128xi32, #tpu.memory_space<hbm>>
    tpu.enqueue_dma source(%dma_start3A_43 : memref<128xi32, #tpu.memory_space<hbm>>) target(%arg7 : memref<128xi32, #tpu.memory_space<vmem>>) target_semaphore(%arg17 : memref<!tpu.dma_semaphore, #tpu.memory_space<semaphore_mem>>)
    %dma_start3A_44 = tpu.memref_slice %arg4[%add3A_41] : memref<323584xi32, #tpu.memory_space<hbm>> -> memref<128xi32, #tpu.memory_space<hbm>>
    %dma_start3A_45 = tpu.memref_slice %arg4[%add3A_41] : memref<323584xi32, #tpu.memory_space<hbm>> -> memref<128xi32, #tpu.memory_space<hbm>>
    tpu.enqueue_dma source(%dma_start3A_45 : memref<128xi32, #tpu.memory_space<hbm>>) target(%arg9 : memref<128xi32, #tpu.memory_space<vmem>>) target_semaphore(%arg17 : memref<!tpu.dma_semaphore, #tpu.memory_space<semaphore_mem>>)
    %dma_wait3A_46 = arith.constant 0 : i32
    %dma_wait3A_47 = arith.constant 0 : i32
    %dma_wait3A_48 = tpu.memref_slice %arg2[%dma_wait3A_46, %dma_wait3A_47] : memref<10240x128xf32, #tpu.memory_space<hbm>> -> memref<10240x128xf32, #tpu.memory_space<hbm>>
    tpu.wait_indirect_dma semaphore(%arg14 : memref<!tpu.dma_semaphore, #tpu.memory_space<semaphore_mem>>) src(%dma_wait3A_48 : memref<10240x128xf32, #tpu.memory_space<hbm>>) dst(%arg10 : memref<128x128xf32, #tpu.memory_space<vmem>>)
    %dma_start3A_49 = arith.constant 0 : i32
    %dma_start3A_50 = arith.constant 0 : i32
    %dma_start3A_51 = tpu.memref_slice %arg13[%dma_start3A_49, %dma_start3A_50] : memref<5120x128xf32, #tpu.memory_space<vmem_shared>> -> memref<5120x128xf32, #tpu.memory_space<vmem_shared>>
    tpu.enqueue_indirect_dma source(%arg10 : memref<128x128xf32, #tpu.memory_space<vmem>>) target(%dma_start3A_51 : memref<5120x128xf32, #tpu.memory_space<vmem_shared>>) offsets(%arg8 : memref<128xi32, #tpu.memory_space<vmem>>) semaphore(%arg18 : memref<!tpu.dma_semaphore, #tpu.memory_space<semaphore_mem>>) {add = true}
    %add3A_52 = arith.constant 128 : i32
    %add3A_53 = arith.addi %mul3A_26, %add3A_52 : i32
    %dma_wait3A_54 = tpu.memref_slice %arg3[%add3A_53] : memref<323584xi32, #tpu.memory_space<hbm>> -> memref<128xi32, #tpu.memory_space<hbm>>
    %dma_wait3A_55 = tpu.memref_slice %arg3[%add3A_53] : memref<323584xi32, #tpu.memory_space<hbm>> -> memref<128xi32, #tpu.memory_space<hbm>>
    tpu.wait_dma2 semaphore(%arg17 : memref<!tpu.dma_semaphore, #tpu.memory_space<semaphore_mem>>) src(%dma_wait3A_55 : memref<128xi32, #tpu.memory_space<hbm>>) dst(%arg7 : memref<128xi32, #tpu.memory_space<vmem>>)
    %dma_wait3A_56 = tpu.memref_slice %arg4[%add3A_53] : memref<323584xi32, #tpu.memory_space<hbm>> -> memref<128xi32, #tpu.memory_space<hbm>>
    %dma_wait3A_57 = tpu.memref_slice %arg4[%add3A_53] : memref<323584xi32, #tpu.memory_space<hbm>> -> memref<128xi32, #tpu.memory_space<hbm>>
    tpu.wait_dma2 semaphore(%arg17 : memref<!tpu.dma_semaphore, #tpu.memory_space<semaphore_mem>>) src(%dma_wait3A_57 : memref<128xi32, #tpu.memory_space<hbm>>) dst(%arg9 : memref<128xi32, #tpu.memory_space<vmem>>)
    %dma_start3A_58 = arith.constant 0 : i32
    %dma_start3A_59 = arith.constant 0 : i32
    %dma_start3A_60 = tpu.memref_slice %arg2[%dma_start3A_58, %dma_start3A_59] : memref<10240x128xf32, #tpu.memory_space<hbm>> -> memref<10240x128xf32, #tpu.memory_space<hbm>>
    tpu.enqueue_indirect_dma source(%dma_start3A_60 : memref<10240x128xf32, #tpu.memory_space<hbm>>) target(%arg11 : memref<128x128xf32, #tpu.memory_space<vmem>>) offsets(%arg7 : memref<128xi32, #tpu.memory_space<vmem>>) semaphore(%arg15 : memref<!tpu.dma_semaphore, #tpu.memory_space<semaphore_mem>>)
    %add3A_61 = arith.constant 256 : i32
    %add3A_62 = arith.addi %mul3A_26, %add3A_61 : i32
    %dma_start3A_63 = tpu.memref_slice %arg3[%add3A_62] : memref<323584xi32, #tpu.memory_space<hbm>> -> memref<128xi32, #tpu.memory_space<hbm>>
    %dma_start3A_64 = tpu.memref_slice %arg3[%add3A_62] : memref<323584xi32, #tpu.memory_space<hbm>> -> memref<128xi32, #tpu.memory_space<hbm>>
    tpu.enqueue_dma source(%dma_start3A_64 : memref<128xi32, #tpu.memory_space<hbm>>) target(%arg6 : memref<128xi32, #tpu.memory_space<vmem>>) target_semaphore(%arg16 : memref<!tpu.dma_semaphore, #tpu.memory_space<semaphore_mem>>)
    %dma_start3A_65 = tpu.memref_slice %arg4[%add3A_62] : memref<323584xi32, #tpu.memory_space<hbm>> -> memref<128xi32, #tpu.memory_space<hbm>>
    %dma_start3A_66 = tpu.memref_slice %arg4[%add3A_62] : memref<323584xi32, #tpu.memory_space<hbm>> -> memref<128xi32, #tpu.memory_space<hbm>>
    tpu.enqueue_dma source(%dma_start3A_66 : memref<128xi32, #tpu.memory_space<hbm>>) target(%arg8 : memref<128xi32, #tpu.memory_space<vmem>>) target_semaphore(%arg16 : memref<!tpu.dma_semaphore, #tpu.memory_space<semaphore_mem>>)
    %dma_wait3A_67 = arith.constant 0 : i32
    %dma_wait3A_68 = arith.constant 0 : i32
    %dma_wait3A_69 = tpu.memref_slice %arg2[%dma_wait3A_67, %dma_wait3A_68] : memref<10240x128xf32, #tpu.memory_space<hbm>> -> memref<10240x128xf32, #tpu.memory_space<hbm>>
    tpu.wait_indirect_dma semaphore(%arg15 : memref<!tpu.dma_semaphore, #tpu.memory_space<semaphore_mem>>) src(%dma_wait3A_69 : memref<10240x128xf32, #tpu.memory_space<hbm>>) dst(%arg11 : memref<128x128xf32, #tpu.memory_space<vmem>>)
    %dma_start3A_70 = arith.constant 0 : i32
    %dma_start3A_71 = arith.constant 0 : i32
    %dma_start3A_72 = tpu.memref_slice %arg13[%dma_start3A_70, %dma_start3A_71] : memref<5120x128xf32, #tpu.memory_space<vmem_shared>> -> memref<5120x128xf32, #tpu.memory_space<vmem_shared>>
    tpu.enqueue_indirect_dma source(%arg11 : memref<128x128xf32, #tpu.memory_space<vmem>>) target(%dma_start3A_72 : memref<5120x128xf32, #tpu.memory_space<vmem_shared>>) offsets(%arg9 : memref<128xi32, #tpu.memory_space<vmem>>) semaphore(%arg18 : memref<!tpu.dma_semaphore, #tpu.memory_space<semaphore_mem>>) {add = true}
    %scan3A_73 = arith.constant 0 : i32
    %scan3A_74 = arith.constant 0 : i32
    %scan3A_75 = arith.constant 38 : i32
    %scan3A_76 = arith.addi %scan3A_74, %scan3A_75 : i32
    %scan3A_77 = arith.constant 1 : i32
    %scan3A_78 = scf.for %scan3A_105 = %scan3A_74 to %scan3A_76 step %scan3A_77 iter_args(%scan3A_106 = %scan3A_73) -> (i32)  : i32 {
      %mul3A_107 = arith.constant 2 : i32
      %mul3A_108 = arith.muli %scan3A_105, %mul3A_107 : i32
      %add3A_109 = arith.constant 2 : i32
      %add3A_110 = arith.addi %mul3A_108, %add3A_109 : i32
      %add3A_111 = arith.constant 0 : i32
      %add3A_112 = arith.addi %add3A_110, %add3A_111 : i32
      %mul3A_113 = arith.constant 128 : i32
      %mul3A_114 = arith.muli %add3A_112, %mul3A_113 : i32
      %add3A_115 = arith.addi %mul3A_26, %mul3A_114 : i32
      %dma_wait3A_116 = tpu.memref_slice %arg3[%add3A_115] : memref<323584xi32, #tpu.memory_space<hbm>> -> memref<128xi32, #tpu.memory_space<hbm>>
      %dma_wait3A_117 = tpu.memref_slice %arg3[%add3A_115] : memref<323584xi32, #tpu.memory_space<hbm>> -> memref<128xi32, #tpu.memory_space<hbm>>
      tpu.wait_dma2 semaphore(%arg16 : memref<!tpu.dma_semaphore, #tpu.memory_space<semaphore_mem>>) src(%dma_wait3A_117 : memref<128xi32, #tpu.memory_space<hbm>>) dst(%arg6 : memref<128xi32, #tpu.memory_space<vmem>>)
      %dma_wait3A_118 = tpu.memref_slice %arg4[%add3A_115] : memref<323584xi32, #tpu.memory_space<hbm>> -> memref<128xi32, #tpu.memory_space<hbm>>
      %dma_wait3A_119 = tpu.memref_slice %arg4[%add3A_115] : memref<323584xi32, #tpu.memory_space<hbm>> -> memref<128xi32, #tpu.memory_space<hbm>>
      tpu.wait_dma2 semaphore(%arg16 : memref<!tpu.dma_semaphore, #tpu.memory_space<semaphore_mem>>) src(%dma_wait3A_119 : memref<128xi32, #tpu.memory_space<hbm>>) dst(%arg8 : memref<128xi32, #tpu.memory_space<vmem>>)
      %dma_wait3A_120 = arith.constant 0 : i32
      %dma_wait3A_121 = arith.constant 0 : i32
      %dma_wait3A_122 = tpu.memref_slice %arg13[%dma_wait3A_120, %dma_wait3A_121] : memref<5120x128xf32, #tpu.memory_space<vmem_shared>> -> memref<5120x128xf32, #tpu.memory_space<vmem_shared>>
      tpu.wait_indirect_dma semaphore(%arg18 : memref<!tpu.dma_semaphore, #tpu.memory_space<semaphore_mem>>) src(%arg10 : memref<128x128xf32, #tpu.memory_space<vmem>>) dst(%dma_wait3A_122 : memref<5120x128xf32, #tpu.memory_space<vmem_shared>>)
      %dma_start3A_123 = arith.constant 0 : i32
      %dma_start3A_124 = arith.constant 0 : i32
      %dma_start3A_125 = tpu.memref_slice %arg2[%dma_start3A_123, %dma_start3A_124] : memref<10240x128xf32, #tpu.memory_space<hbm>> -> memref<10240x128xf32, #tpu.memory_space<hbm>>
      tpu.enqueue_indirect_dma source(%dma_start3A_125 : memref<10240x128xf32, #tpu.memory_space<hbm>>) target(%arg10 : memref<128x128xf32, #tpu.memory_space<vmem>>) offsets(%arg6 : memref<128xi32, #tpu.memory_space<vmem>>) semaphore(%arg14 : memref<!tpu.dma_semaphore, #tpu.memory_space<semaphore_mem>>)
      %add3A_126 = arith.constant 1 : i32
      %add3A_127 = arith.addi %add3A_112, %add3A_126 : i32
      %mul3A_128 = arith.constant 128 : i32
      %mul3A_129 = arith.muli %add3A_127, %mul3A_128 : i32
      %add3A_130 = arith.addi %mul3A_26, %mul3A_129 : i32
      %dma_start3A_131 = tpu.memref_slice %arg3[%add3A_130] : memref<323584xi32, #tpu.memory_space<hbm>> -> memref<128xi32, #tpu.memory_space<hbm>>
      %dma_start3A_132 = tpu.memref_slice %arg3[%add3A_130] : memref<323584xi32, #tpu.memory_space<hbm>> -> memref<128xi32, #tpu.memory_space<hbm>>
      tpu.enqueue_dma source(%dma_start3A_132 : memref<128xi32, #tpu.memory_space<hbm>>) target(%arg7 : memref<128xi32, #tpu.memory_space<vmem>>) target_semaphore(%arg17 : memref<!tpu.dma_semaphore, #tpu.memory_space<semaphore_mem>>)
      %dma_start3A_133 = tpu.memref_slice %arg4[%add3A_130] : memref<323584xi32, #tpu.memory_space<hbm>> -> memref<128xi32, #tpu.memory_space<hbm>>
      %dma_start3A_134 = tpu.memref_slice %arg4[%add3A_130] : memref<323584xi32, #tpu.memory_space<hbm>> -> memref<128xi32, #tpu.memory_space<hbm>>
      tpu.enqueue_dma source(%dma_start3A_134 : memref<128xi32, #tpu.memory_space<hbm>>) target(%arg9 : memref<128xi32, #tpu.memory_space<vmem>>) target_semaphore(%arg17 : memref<!tpu.dma_semaphore, #tpu.memory_space<semaphore_mem>>)
      %dma_wait3A_135 = arith.constant 0 : i32
      %dma_wait3A_136 = arith.constant 0 : i32
      %dma_wait3A_137 = tpu.memref_slice %arg2[%dma_wait3A_135, %dma_wait3A_136] : memref<10240x128xf32, #tpu.memory_space<hbm>> -> memref<10240x128xf32, #tpu.memory_space<hbm>>
      tpu.wait_indirect_dma semaphore(%arg14 : memref<!tpu.dma_semaphore, #tpu.memory_space<semaphore_mem>>) src(%dma_wait3A_137 : memref<10240x128xf32, #tpu.memory_space<hbm>>) dst(%arg10 : memref<128x128xf32, #tpu.memory_space<vmem>>)
      %dma_start3A_138 = arith.constant 0 : i32
      %dma_start3A_139 = arith.constant 0 : i32
      %dma_start3A_140 = tpu.memref_slice %arg13[%dma_start3A_138, %dma_start3A_139] : memref<5120x128xf32, #tpu.memory_space<vmem_shared>> -> memref<5120x128xf32, #tpu.memory_space<vmem_shared>>
      tpu.enqueue_indirect_dma source(%arg10 : memref<128x128xf32, #tpu.memory_space<vmem>>) target(%dma_start3A_140 : memref<5120x128xf32, #tpu.memory_space<vmem_shared>>) offsets(%arg8 : memref<128xi32, #tpu.memory_space<vmem>>) semaphore(%arg18 : memref<!tpu.dma_semaphore, #tpu.memory_space<semaphore_mem>>) {add = true}
      %mul3A_141 = arith.constant 2 : i32
      %mul3A_142 = arith.muli %scan3A_105, %mul3A_141 : i32
      %add3A_143 = arith.constant 2 : i32
      %add3A_144 = arith.addi %mul3A_142, %add3A_143 : i32
      %add3A_145 = arith.constant 1 : i32
      %add3A_146 = arith.addi %add3A_144, %add3A_145 : i32
      %mul3A_147 = arith.constant 128 : i32
      %mul3A_148 = arith.muli %add3A_146, %mul3A_147 : i32
      %add3A_149 = arith.addi %mul3A_26, %mul3A_148 : i32
      %dma_wait3A_150 = tpu.memref_slice %arg3[%add3A_149] : memref<323584xi32, #tpu.memory_space<hbm>> -> memref<128xi32, #tpu.memory_space<hbm>>
      %dma_wait3A_151 = tpu.memref_slice %arg3[%add3A_149] : memref<323584xi32, #tpu.memory_space<hbm>> -> memref<128xi32, #tpu.memory_space<hbm>>
      tpu.wait_dma2 semaphore(%arg17 : memref<!tpu.dma_semaphore, #tpu.memory_space<semaphore_mem>>) src(%dma_wait3A_151 : memref<128xi32, #tpu.memory_space<hbm>>) dst(%arg7 : memref<128xi32, #tpu.memory_space<vmem>>)
      %dma_wait3A_152 = tpu.memref_slice %arg4[%add3A_149] : memref<323584xi32, #tpu.memory_space<hbm>> -> memref<128xi32, #tpu.memory_space<hbm>>
      %dma_wait3A_153 = tpu.memref_slice %arg4[%add3A_149] : memref<323584xi32, #tpu.memory_space<hbm>> -> memref<128xi32, #tpu.memory_space<hbm>>
      tpu.wait_dma2 semaphore(%arg17 : memref<!tpu.dma_semaphore, #tpu.memory_space<semaphore_mem>>) src(%dma_wait3A_153 : memref<128xi32, #tpu.memory_space<hbm>>) dst(%arg9 : memref<128xi32, #tpu.memory_space<vmem>>)
      %dma_wait3A_154 = arith.constant 0 : i32
      %dma_wait3A_155 = arith.constant 0 : i32
      %dma_wait3A_156 = tpu.memref_slice %arg13[%dma_wait3A_154, %dma_wait3A_155] : memref<5120x128xf32, #tpu.memory_space<vmem_shared>> -> memref<5120x128xf32, #tpu.memory_space<vmem_shared>>
      tpu.wait_indirect_dma semaphore(%arg18 : memref<!tpu.dma_semaphore, #tpu.memory_space<semaphore_mem>>) src(%arg11 : memref<128x128xf32, #tpu.memory_space<vmem>>) dst(%dma_wait3A_156 : memref<5120x128xf32, #tpu.memory_space<vmem_shared>>)
      %dma_start3A_157 = arith.constant 0 : i32
      %dma_start3A_158 = arith.constant 0 : i32
      %dma_start3A_159 = tpu.memref_slice %arg2[%dma_start3A_157, %dma_start3A_158] : memref<10240x128xf32, #tpu.memory_space<hbm>> -> memref<10240x128xf32, #tpu.memory_space<hbm>>
      tpu.enqueue_indirect_dma source(%dma_start3A_159 : memref<10240x128xf32, #tpu.memory_space<hbm>>) target(%arg11 : memref<128x128xf32, #tpu.memory_space<vmem>>) offsets(%arg7 : memref<128xi32, #tpu.memory_space<vmem>>) semaphore(%arg15 : memref<!tpu.dma_semaphore, #tpu.memory_space<semaphore_mem>>)
      %add3A_160 = arith.constant 1 : i32
      %add3A_161 = arith.addi %add3A_146, %add3A_160 : i32
      %mul3A_162 = arith.constant 128 : i32
      %mul3A_163 = arith.muli %add3A_161, %mul3A_162 : i32
      %add3A_164 = arith.addi %mul3A_26, %mul3A_163 : i32
      %dma_start3A_165 = tpu.memref_slice %arg3[%add3A_164] : memref<323584xi32, #tpu.memory_space<hbm>> -> memref<128xi32, #tpu.memory_space<hbm>>
      %dma_start3A_166 = tpu.memref_slice %arg3[%add3A_164] : memref<323584xi32, #tpu.memory_space<hbm>> -> memref<128xi32, #tpu.memory_space<hbm>>
      tpu.enqueue_dma source(%dma_start3A_166 : memref<128xi32, #tpu.memory_space<hbm>>) target(%arg6 : memref<128xi32, #tpu.memory_space<vmem>>) target_semaphore(%arg16 : memref<!tpu.dma_semaphore, #tpu.memory_space<semaphore_mem>>)
      %dma_start3A_167 = tpu.memref_slice %arg4[%add3A_164] : memref<323584xi32, #tpu.memory_space<hbm>> -> memref<128xi32, #tpu.memory_space<hbm>>
      %dma_start3A_168 = tpu.memref_slice %arg4[%add3A_164] : memref<323584xi32, #tpu.memory_space<hbm>> -> memref<128xi32, #tpu.memory_space<hbm>>
      tpu.enqueue_dma source(%dma_start3A_168 : memref<128xi32, #tpu.memory_space<hbm>>) target(%arg8 : memref<128xi32, #tpu.memory_space<vmem>>) target_semaphore(%arg16 : memref<!tpu.dma_semaphore, #tpu.memory_space<semaphore_mem>>)
      %dma_wait3A_169 = arith.constant 0 : i32
      %dma_wait3A_170 = arith.constant 0 : i32
      %dma_wait3A_171 = tpu.memref_slice %arg2[%dma_wait3A_169, %dma_wait3A_170] : memref<10240x128xf32, #tpu.memory_space<hbm>> -> memref<10240x128xf32, #tpu.memory_space<hbm>>
      tpu.wait_indirect_dma semaphore(%arg15 : memref<!tpu.dma_semaphore, #tpu.memory_space<semaphore_mem>>) src(%dma_wait3A_171 : memref<10240x128xf32, #tpu.memory_space<hbm>>) dst(%arg11 : memref<128x128xf32, #tpu.memory_space<vmem>>)
      %dma_start3A_172 = arith.constant 0 : i32
      %dma_start3A_173 = arith.constant 0 : i32
      %dma_start3A_174 = tpu.memref_slice %arg13[%dma_start3A_172, %dma_start3A_173] : memref<5120x128xf32, #tpu.memory_space<vmem_shared>> -> memref<5120x128xf32, #tpu.memory_space<vmem_shared>>
      tpu.enqueue_indirect_dma source(%arg11 : memref<128x128xf32, #tpu.memory_space<vmem>>) target(%dma_start3A_174 : memref<5120x128xf32, #tpu.memory_space<vmem_shared>>) offsets(%arg9 : memref<128xi32, #tpu.memory_space<vmem>>) semaphore(%arg18 : memref<!tpu.dma_semaphore, #tpu.memory_space<semaphore_mem>>) {add = true}
      %scan3A_175 = arith.constant 0 : i32
      scf.yield %scan3A_175 : i32
    }
    %scan3A_79 = arith.constant 38 : i32
    %add3A_80 = arith.constant 9984 : i32
    %add3A_81 = arith.addi %mul3A_26, %add3A_80 : i32
    %dma_wait3A_82 = tpu.memref_slice %arg3[%add3A_81] : memref<323584xi32, #tpu.memory_space<hbm>> -> memref<128xi32, #tpu.memory_space<hbm>>
    %dma_wait3A_83 = tpu.memref_slice %arg3[%add3A_81] : memref<323584xi32, #tpu.memory_space<hbm>> -> memref<128xi32, #tpu.memory_space<hbm>>
    tpu.wait_dma2 semaphore(%arg16 : memref<!tpu.dma_semaphore, #tpu.memory_space<semaphore_mem>>) src(%dma_wait3A_83 : memref<128xi32, #tpu.memory_space<hbm>>) dst(%arg6 : memref<128xi32, #tpu.memory_space<vmem>>)
    %dma_wait3A_84 = tpu.memref_slice %arg4[%add3A_81] : memref<323584xi32, #tpu.memory_space<hbm>> -> memref<128xi32, #tpu.memory_space<hbm>>
    %dma_wait3A_85 = tpu.memref_slice %arg4[%add3A_81] : memref<323584xi32, #tpu.memory_space<hbm>> -> memref<128xi32, #tpu.memory_space<hbm>>
    tpu.wait_dma2 semaphore(%arg16 : memref<!tpu.dma_semaphore, #tpu.memory_space<semaphore_mem>>) src(%dma_wait3A_85 : memref<128xi32, #tpu.memory_space<hbm>>) dst(%arg8 : memref<128xi32, #tpu.memory_space<vmem>>)
    %dma_wait3A_86 = arith.constant 0 : i32
    %dma_wait3A_87 = arith.constant 0 : i32
    %dma_wait3A_88 = tpu.memref_slice %arg13[%dma_wait3A_86, %dma_wait3A_87] : memref<5120x128xf32, #tpu.memory_space<vmem_shared>> -> memref<5120x128xf32, #tpu.memory_space<vmem_shared>>
    tpu.wait_indirect_dma semaphore(%arg18 : memref<!tpu.dma_semaphore, #tpu.memory_space<semaphore_mem>>) src(%arg10 : memref<128x128xf32, #tpu.memory_space<vmem>>) dst(%dma_wait3A_88 : memref<5120x128xf32, #tpu.memory_space<vmem_shared>>)
    %dma_start3A_89 = arith.constant 0 : i32
    %dma_start3A_90 = arith.constant 0 : i32
    %dma_start3A_91 = tpu.memref_slice %arg2[%dma_start3A_89, %dma_start3A_90] : memref<10240x128xf32, #tpu.memory_space<hbm>> -> memref<10240x128xf32, #tpu.memory_space<hbm>>
    tpu.enqueue_indirect_dma source(%dma_start3A_91 : memref<10240x128xf32, #tpu.memory_space<hbm>>) target(%arg10 : memref<128x128xf32, #tpu.memory_space<vmem>>) offsets(%arg6 : memref<128xi32, #tpu.memory_space<vmem>>) semaphore(%arg14 : memref<!tpu.dma_semaphore, #tpu.memory_space<semaphore_mem>>)
    %dma_wait3A_92 = arith.constant 0 : i32
    %dma_wait3A_93 = arith.constant 0 : i32
    %dma_wait3A_94 = tpu.memref_slice %arg2[%dma_wait3A_92, %dma_wait3A_93] : memref<10240x128xf32, #tpu.memory_space<hbm>> -> memref<10240x128xf32, #tpu.memory_space<hbm>>
    tpu.wait_indirect_dma semaphore(%arg14 : memref<!tpu.dma_semaphore, #tpu.memory_space<semaphore_mem>>) src(%dma_wait3A_94 : memref<10240x128xf32, #tpu.memory_space<hbm>>) dst(%arg10 : memref<128x128xf32, #tpu.memory_space<vmem>>)
    %dma_start3A_95 = arith.constant 0 : i32
    %dma_start3A_96 = arith.constant 0 : i32
    %dma_start3A_97 = tpu.memref_slice %arg13[%dma_start3A_95, %dma_start3A_96] : memref<5120x128xf32, #tpu.memory_space<vmem_shared>> -> memref<5120x128xf32, #tpu.memory_space<vmem_shared>>
    tpu.enqueue_indirect_dma source(%arg10 : memref<128x128xf32, #tpu.memory_space<vmem>>) target(%dma_start3A_97 : memref<5120x128xf32, #tpu.memory_space<vmem_shared>>) offsets(%arg8 : memref<128xi32, #tpu.memory_space<vmem>>) semaphore(%arg18 : memref<!tpu.dma_semaphore, #tpu.memory_space<semaphore_mem>>) {add = true}
    %dma_wait3A_98 = arith.constant 0 : i32
    %dma_wait3A_99 = arith.constant 0 : i32
    %dma_wait3A_100 = tpu.memref_slice %arg13[%dma_wait3A_98, %dma_wait3A_99] : memref<5120x128xf32, #tpu.memory_space<vmem_shared>> -> memref<5120x128xf32, #tpu.memory_space<vmem_shared>>
    tpu.wait_indirect_dma semaphore(%arg18 : memref<!tpu.dma_semaphore, #tpu.memory_space<semaphore_mem>>) src(%arg10 : memref<128x128xf32, #tpu.memory_space<vmem>>) dst(%dma_wait3A_100 : memref<5120x128xf32, #tpu.memory_space<vmem_shared>>)
    %dma_wait3A_101 = arith.constant 0 : i32
    %dma_wait3A_102 = arith.constant 0 : i32
    %dma_wait3A_103 = tpu.memref_slice %arg13[%dma_wait3A_101, %dma_wait3A_102] : memref<5120x128xf32, #tpu.memory_space<vmem_shared>> -> memref<5120x128xf32, #tpu.memory_space<vmem_shared>>
    tpu.wait_indirect_dma semaphore(%arg18 : memref<!tpu.dma_semaphore, #tpu.memory_space<semaphore_mem>>) src(%arg11 : memref<128x128xf32, #tpu.memory_space<vmem>>) dst(%dma_wait3A_103 : memref<5120x128xf32, #tpu.memory_space<vmem_shared>>)
    %barrier3A_104 = arith.constant 0 : index
    tpu.barrier barrier_id(%barrier3A_104)
    "tpu.region"() ({
      %run_scoped3A = tpu.sem_alloc : memref<!tpu.dma_semaphore, #tpu.memory_space<semaphore_mem>>
      %dma_start3A_105 = arith.constant 0 : i32
      %dma_start3A_106 = tpu.memref_slice %arg5[%arg0, %mul3A_8, %dma_start3A_105] : memref<2x5120x128xf32, #tpu.memory_space<hbm>> -> memref<1x320x128xf32, #tpu.memory_space<hbm>>
      %dma_start3A_107 = tpu.memref_squeeze %dma_start3A_106 : memref<1x320x128xf32, #tpu.memory_space<hbm>> -> memref<320x128xf32, #tpu.memory_space<hbm>>
      %dma_start3A_108 = arith.constant 0 : i32
      %dma_start3A_109 = tpu.memref_slice %arg13[%mul3A_8, %dma_start3A_108] : memref<5120x128xf32, #tpu.memory_space<vmem_shared>> -> memref<320x128xf32, #tpu.memory_space<vmem_shared>>
      tpu.enqueue_dma source(%dma_start3A_109 : memref<320x128xf32, #tpu.memory_space<vmem_shared>>) target(%dma_start3A_107 : memref<320x128xf32, #tpu.memory_space<hbm>>) target_semaphore(%run_scoped3A : memref<!tpu.dma_semaphore, #tpu.memory_space<semaphore_mem>>)
      %dma_wait3A_110 = arith.constant 0 : i32
      %dma_wait3A_111 = tpu.memref_slice %arg5[%arg0, %mul3A_8, %dma_wait3A_110] : memref<2x5120x128xf32, #tpu.memory_space<hbm>> -> memref<1x320x128xf32, #tpu.memory_space<hbm>>
      %dma_wait3A_112 = tpu.memref_squeeze %dma_wait3A_111 : memref<1x320x128xf32, #tpu.memory_space<hbm>> -> memref<320x128xf32, #tpu.memory_space<hbm>>
      %dma_wait3A_113 = arith.constant 0 : i32
      %dma_wait3A_114 = tpu.memref_slice %arg13[%mul3A_8, %dma_wait3A_113] : memref<5120x128xf32, #tpu.memory_space<vmem_shared>> -> memref<320x128xf32, #tpu.memory_space<vmem_shared>>
      tpu.wait_dma2 semaphore(%run_scoped3A : memref<!tpu.dma_semaphore, #tpu.memory_space<semaphore_mem>>) src(%dma_wait3A_114 : memref<320x128xf32, #tpu.memory_space<vmem_shared>>) dst(%dma_wait3A_112 : memref<320x128xf32, #tpu.memory_space<hbm>>)
      tpu.yield
    }) : () -> ()
    return
  }
}

#map = affine_map<(d0, d1) -> (0, 0)>
#map1 = affine_map<(d0, d1) -> (0)>
#map2 = affine_map<(d0, d1) -> (0, 0, 0)>
module attributes {stable_mosaic.version = 14 : i64} {
  func.func @k(%arg0: i32, %arg1: i32, %arg2: memref<5120x128xf32, #tpu.memory_space<hbm>>, %arg3: memref<323584xi32, #tpu.memory_space<hbm>>, %arg4: memref<323584xi32, #tpu.memory_space<hbm>>, %arg5: memref<2x10240x128xf32, #tpu.memory_space<hbm>>, %arg6: memref<128xi32, #tpu.memory_space<vmem>>, %arg7: memref<128xi32, #tpu.memory_space<vmem>>, %arg8: memref<128xi32, #tpu.memory_space<vmem>>, %arg9: memref<128xi32, #tpu.memory_space<vmem>>, %arg10: memref<128x128xf32, #tpu.memory_space<vmem>>, %arg11: memref<128x128xf32, #tpu.memory_space<vmem>>, %arg12: memref<40x128xf32, #tpu.memory_space<vmem>>, %arg13: memref<10240x128xf32, #tpu.memory_space<vmem_shared>>, %arg14: memref<!tpu.dma_semaphore, #tpu.memory_space<semaphore_mem>>, %arg15: memref<!tpu.dma_semaphore, #tpu.memory_space<semaphore_mem>>, %arg16: memref<!tpu.dma_semaphore, #tpu.memory_space<semaphore_mem>>, %arg17: memref<!tpu.dma_semaphore, #tpu.memory_space<semaphore_mem>>, %arg18: memref<!tpu.dma_semaphore, #tpu.memory_space<semaphore_mem>>) attributes {dimension_semantics = [#tpu.dimension_semantics<core_parallel>, #tpu.dimension_semantics<subcore_parallel>], iteration_bounds = array<i64: 2, 16>, scalar_prefetch = 0 : i64, scratch_operands = 13 : i64, tpu.core_type = #tpu.core_type<sc_vector_subcore>, window_params = [{transform_indices = #map}, {transform_indices = #map1}, {transform_indices = #map1}, {transform_indices = #map2}]} {
    %mul3A = arith.constant 2 : i32
    %mul3A_0 = arith.muli %arg1, %mul3A : i32
    %add3A = arith.addi %mul3A_0, %arg0 : i32
    %scan3A = arith.constant 0 : i32
    %scan3A_1 = arith.constant 0 : i32
    %scan3A_2 = arith.constant 40 : i32
    %scan3A_3 = arith.addi %scan3A_1, %scan3A_2 : i32
    %scan3A_4 = arith.constant 1 : i32
    %scan3A_5 = scf.for %scan3A_121 = %scan3A_1 to %scan3A_3 step %scan3A_4 iter_args(%scan3A_122 = %scan3A) -> (i32)  : i32 {
      %broadcast_in_dim3A = arith.constant 0.000000e+00 : f32
      %broadcast_in_dim3A_123 = vector.broadcast %broadcast_in_dim3A : f32 to vector<16xf32>
      %swap3A = arith.index_cast %scan3A_121 : i32 to index
      %swap3A_124 = arith.constant 0 : index
      %swap3A_125 = tpu.vector_load %arg12[%swap3A, %swap3A_124] {strides = array<i32>} : memref<40x128xf32, #tpu.memory_space<vmem>>, vector<1x16xf32>,
      %swap3A_126 = vector.shape_cast %swap3A_125 : vector<1x16xf32> to vector<16xf32>
      %swap3A_127 = vector.shape_cast %broadcast_in_dim3A_123 : vector<16xf32> to vector<1x16xf32>
      tpu.vector_store %arg12[%swap3A, %swap3A_124], %swap3A_127 {strides = array<i32>} : memref<40x128xf32, #tpu.memory_space<vmem>>, vector<1x16xf32>,
      %broadcast_in_dim3A_128 = arith.constant 0.000000e+00 : f32
      %broadcast_in_dim3A_129 = vector.broadcast %broadcast_in_dim3A_128 : f32 to vector<16xf32>
      %swap3A_130 = arith.index_cast %scan3A_121 : i32 to index
      %swap3A_131 = arith.constant 16 : index
      %swap3A_132 = tpu.vector_load %arg12[%swap3A_130, %swap3A_131] {strides = array<i32>} : memref<40x128xf32, #tpu.memory_space<vmem>>, vector<1x16xf32>,
      %swap3A_133 = vector.shape_cast %swap3A_132 : vector<1x16xf32> to vector<16xf32>
      %swap3A_134 = vector.shape_cast %broadcast_in_dim3A_129 : vector<16xf32> to vector<1x16xf32>
      tpu.vector_store %arg12[%swap3A_130, %swap3A_131], %swap3A_134 {strides = array<i32>} : memref<40x128xf32, #tpu.memory_space<vmem>>, vector<1x16xf32>,
      %broadcast_in_dim3A_135 = arith.constant 0.000000e+00 : f32
      %broadcast_in_dim3A_136 = vector.broadcast %broadcast_in_dim3A_135 : f32 to vector<16xf32>
      %swap3A_137 = arith.index_cast %scan3A_121 : i32 to index
      %swap3A_138 = arith.constant 32 : index
      %swap3A_139 = tpu.vector_load %arg12[%swap3A_137, %swap3A_138] {strides = array<i32>} : memref<40x128xf32, #tpu.memory_space<vmem>>, vector<1x16xf32>,
      %swap3A_140 = vector.shape_cast %swap3A_139 : vector<1x16xf32> to vector<16xf32>
      %swap3A_141 = vector.shape_cast %broadcast_in_dim3A_136 : vector<16xf32> to vector<1x16xf32>
      tpu.vector_store %arg12[%swap3A_137, %swap3A_138], %swap3A_141 {strides = array<i32>} : memref<40x128xf32, #tpu.memory_space<vmem>>, vector<1x16xf32>,
      %broadcast_in_dim3A_142 = arith.constant 0.000000e+00 : f32
      %broadcast_in_dim3A_143 = vector.broadcast %broadcast_in_dim3A_142 : f32 to vector<16xf32>
      %swap3A_144 = arith.index_cast %scan3A_121 : i32 to index
      %swap3A_145 = arith.constant 48 : index
      %swap3A_146 = tpu.vector_load %arg12[%swap3A_144, %swap3A_145] {strides = array<i32>} : memref<40x128xf32, #tpu.memory_space<vmem>>, vector<1x16xf32>,
      %swap3A_147 = vector.shape_cast %swap3A_146 : vector<1x16xf32> to vector<16xf32>
      %swap3A_148 = vector.shape_cast %broadcast_in_dim3A_143 : vector<16xf32> to vector<1x16xf32>
      tpu.vector_store %arg12[%swap3A_144, %swap3A_145], %swap3A_148 {strides = array<i32>} : memref<40x128xf32, #tpu.memory_space<vmem>>, vector<1x16xf32>,
      %broadcast_in_dim3A_149 = arith.constant 0.000000e+00 : f32
      %broadcast_in_dim3A_150 = vector.broadcast %broadcast_in_dim3A_149 : f32 to vector<16xf32>
      %swap3A_151 = arith.index_cast %scan3A_121 : i32 to index
      %swap3A_152 = arith.constant 64 : index
      %swap3A_153 = tpu.vector_load %arg12[%swap3A_151, %swap3A_152] {strides = array<i32>} : memref<40x128xf32, #tpu.memory_space<vmem>>, vector<1x16xf32>,
      %swap3A_154 = vector.shape_cast %swap3A_153 : vector<1x16xf32> to vector<16xf32>
      %swap3A_155 = vector.shape_cast %broadcast_in_dim3A_150 : vector<16xf32> to vector<1x16xf32>
      tpu.vector_store %arg12[%swap3A_151, %swap3A_152], %swap3A_155 {strides = array<i32>} : memref<40x128xf32, #tpu.memory_space<vmem>>, vector<1x16xf32>,
      %broadcast_in_dim3A_156 = arith.constant 0.000000e+00 : f32
      %broadcast_in_dim3A_157 = vector.broadcast %broadcast_in_dim3A_156 : f32 to vector<16xf32>
      %swap3A_158 = arith.index_cast %scan3A_121 : i32 to index
      %swap3A_159 = arith.constant 80 : index
      %swap3A_160 = tpu.vector_load %arg12[%swap3A_158, %swap3A_159] {strides = array<i32>} : memref<40x128xf32, #tpu.memory_space<vmem>>, vector<1x16xf32>,
      %swap3A_161 = vector.shape_cast %swap3A_160 : vector<1x16xf32> to vector<16xf32>
      %swap3A_162 = vector.shape_cast %broadcast_in_dim3A_157 : vector<16xf32> to vector<1x16xf32>
      tpu.vector_store %arg12[%swap3A_158, %swap3A_159], %swap3A_162 {strides = array<i32>} : memref<40x128xf32, #tpu.memory_space<vmem>>, vector<1x16xf32>,
      %broadcast_in_dim3A_163 = arith.constant 0.000000e+00 : f32
      %broadcast_in_dim3A_164 = vector.broadcast %broadcast_in_dim3A_163 : f32 to vector<16xf32>
      %swap3A_165 = arith.index_cast %scan3A_121 : i32 to index
      %swap3A_166 = arith.constant 96 : index
      %swap3A_167 = tpu.vector_load %arg12[%swap3A_165, %swap3A_166] {strides = array<i32>} : memref<40x128xf32, #tpu.memory_space<vmem>>, vector<1x16xf32>,
      %swap3A_168 = vector.shape_cast %swap3A_167 : vector<1x16xf32> to vector<16xf32>
      %swap3A_169 = vector.shape_cast %broadcast_in_dim3A_164 : vector<16xf32> to vector<1x16xf32>
      tpu.vector_store %arg12[%swap3A_165, %swap3A_166], %swap3A_169 {strides = array<i32>} : memref<40x128xf32, #tpu.memory_space<vmem>>, vector<1x16xf32>,
      %broadcast_in_dim3A_170 = arith.constant 0.000000e+00 : f32
      %broadcast_in_dim3A_171 = vector.broadcast %broadcast_in_dim3A_170 : f32 to vector<16xf32>
      %swap3A_172 = arith.index_cast %scan3A_121 : i32 to index
      %swap3A_173 = arith.constant 112 : index
      %swap3A_174 = tpu.vector_load %arg12[%swap3A_172, %swap3A_173] {strides = array<i32>} : memref<40x128xf32, #tpu.memory_space<vmem>>, vector<1x16xf32>,
      %swap3A_175 = vector.shape_cast %swap3A_174 : vector<1x16xf32> to vector<16xf32>
      %swap3A_176 = vector.shape_cast %broadcast_in_dim3A_171 : vector<16xf32> to vector<1x16xf32>
      tpu.vector_store %arg12[%swap3A_172, %swap3A_173], %swap3A_176 {strides = array<i32>} : memref<40x128xf32, #tpu.memory_space<vmem>>, vector<1x16xf32>,
      %scan3A_177 = arith.constant 0 : i32
      scf.yield %scan3A_177 : i32
    }
    %scan3A_6 = arith.constant 40 : i32
    %mul3A_7 = arith.constant 640 : i32
    %mul3A_8 = arith.muli %arg1, %mul3A_7 : i32
    %add3A_9 = arith.constant 0 : i32
    %add3A_10 = arith.addi %mul3A_8, %add3A_9 : i32
    "tpu.region"() ({
      %run_scoped3A = tpu.sem_alloc : memref<!tpu.dma_semaphore, #tpu.memory_space<semaphore_mem>>
      %dma_start3A_121 = arith.constant 0 : i32
      %dma_start3A_122 = tpu.memref_slice %arg13[%add3A_10, %dma_start3A_121] : memref<10240x128xf32, #tpu.memory_space<vmem_shared>> -> memref<40x128xf32, #tpu.memory_space<vmem_shared>>
      %dma_start3A_123 = arith.constant 0 : i32
      %dma_start3A_124 = tpu.memref_slice %arg13[%add3A_10, %dma_start3A_123] : memref<10240x128xf32, #tpu.memory_space<vmem_shared>> -> memref<40x128xf32, #tpu.memory_space<vmem_shared>>
      tpu.enqueue_dma source(%arg12 : memref<40x128xf32, #tpu.memory_space<vmem>>) target(%dma_start3A_124 : memref<40x128xf32, #tpu.memory_space<vmem_shared>>) target_semaphore(%run_scoped3A : memref<!tpu.dma_semaphore, #tpu.memory_space<semaphore_mem>>)
      %dma_wait3A_125 = arith.constant 0 : i32
      %dma_wait3A_126 = tpu.memref_slice %arg13[%add3A_10, %dma_wait3A_125] : memref<10240x128xf32, #tpu.memory_space<vmem_shared>> -> memref<40x128xf32, #tpu.memory_space<vmem_shared>>
      %dma_wait3A_127 = arith.constant 0 : i32
      %dma_wait3A_128 = tpu.memref_slice %arg13[%add3A_10, %dma_wait3A_127] : memref<10240x128xf32, #tpu.memory_space<vmem_shared>> -> memref<40x128xf32, #tpu.memory_space<vmem_shared>>
      tpu.wait_dma2 semaphore(%run_scoped3A : memref<!tpu.dma_semaphore, #tpu.memory_space<semaphore_mem>>) src(%arg12 : memref<40x128xf32, #tpu.memory_space<vmem>>) dst(%dma_wait3A_128 : memref<40x128xf32, #tpu.memory_space<vmem_shared>>)
      tpu.yield
    }) : () -> ()
    %add3A_11 = arith.constant 40 : i32
    %add3A_12 = arith.addi %mul3A_8, %add3A_11 : i32
    "tpu.region"() ({
      %run_scoped3A = tpu.sem_alloc : memref<!tpu.dma_semaphore, #tpu.memory_space<semaphore_mem>>
      %dma_start3A_121 = arith.constant 0 : i32
      %dma_start3A_122 = tpu.memref_slice %arg13[%add3A_12, %dma_start3A_121] : memref<10240x128xf32, #tpu.memory_space<vmem_shared>> -> memref<40x128xf32, #tpu.memory_space<vmem_shared>>
      %dma_start3A_123 = arith.constant 0 : i32
      %dma_start3A_124 = tpu.memref_slice %arg13[%add3A_12, %dma_start3A_123] : memref<10240x128xf32, #tpu.memory_space<vmem_shared>> -> memref<40x128xf32, #tpu.memory_space<vmem_shared>>
      tpu.enqueue_dma source(%arg12 : memref<40x128xf32, #tpu.memory_space<vmem>>) target(%dma_start3A_124 : memref<40x128xf32, #tpu.memory_space<vmem_shared>>) target_semaphore(%run_scoped3A : memref<!tpu.dma_semaphore, #tpu.memory_space<semaphore_mem>>)
      %dma_wait3A_125 = arith.constant 0 : i32
      %dma_wait3A_126 = tpu.memref_slice %arg13[%add3A_12, %dma_wait3A_125] : memref<10240x128xf32, #tpu.memory_space<vmem_shared>> -> memref<40x128xf32, #tpu.memory_space<vmem_shared>>
      %dma_wait3A_127 = arith.constant 0 : i32
      %dma_wait3A_128 = tpu.memref_slice %arg13[%add3A_12, %dma_wait3A_127] : memref<10240x128xf32, #tpu.memory_space<vmem_shared>> -> memref<40x128xf32, #tpu.memory_space<vmem_shared>>
      tpu.wait_dma2 semaphore(%run_scoped3A : memref<!tpu.dma_semaphore, #tpu.memory_space<semaphore_mem>>) src(%arg12 : memref<40x128xf32, #tpu.memory_space<vmem>>) dst(%dma_wait3A_128 : memref<40x128xf32, #tpu.memory_space<vmem_shared>>)
      tpu.yield
    }) : () -> ()
    %add3A_13 = arith.constant 80 : i32
    %add3A_14 = arith.addi %mul3A_8, %add3A_13 : i32
    "tpu.region"() ({
      %run_scoped3A = tpu.sem_alloc : memref<!tpu.dma_semaphore, #tpu.memory_space<semaphore_mem>>
      %dma_start3A_121 = arith.constant 0 : i32
      %dma_start3A_122 = tpu.memref_slice %arg13[%add3A_14, %dma_start3A_121] : memref<10240x128xf32, #tpu.memory_space<vmem_shared>> -> memref<40x128xf32, #tpu.memory_space<vmem_shared>>
      %dma_start3A_123 = arith.constant 0 : i32
      %dma_start3A_124 = tpu.memref_slice %arg13[%add3A_14, %dma_start3A_123] : memref<10240x128xf32, #tpu.memory_space<vmem_shared>> -> memref<40x128xf32, #tpu.memory_space<vmem_shared>>
      tpu.enqueue_dma source(%arg12 : memref<40x128xf32, #tpu.memory_space<vmem>>) target(%dma_start3A_124 : memref<40x128xf32, #tpu.memory_space<vmem_shared>>) target_semaphore(%run_scoped3A : memref<!tpu.dma_semaphore, #tpu.memory_space<semaphore_mem>>)
      %dma_wait3A_125 = arith.constant 0 : i32
      %dma_wait3A_126 = tpu.memref_slice %arg13[%add3A_14, %dma_wait3A_125] : memref<10240x128xf32, #tpu.memory_space<vmem_shared>> -> memref<40x128xf32, #tpu.memory_space<vmem_shared>>
      %dma_wait3A_127 = arith.constant 0 : i32
      %dma_wait3A_128 = tpu.memref_slice %arg13[%add3A_14, %dma_wait3A_127] : memref<10240x128xf32, #tpu.memory_space<vmem_shared>> -> memref<40x128xf32, #tpu.memory_space<vmem_shared>>
      tpu.wait_dma2 semaphore(%run_scoped3A : memref<!tpu.dma_semaphore, #tpu.memory_space<semaphore_mem>>) src(%arg12 : memref<40x128xf32, #tpu.memory_space<vmem>>) dst(%dma_wait3A_128 : memref<40x128xf32, #tpu.memory_space<vmem_shared>>)
      tpu.yield
    }) : () -> ()
    %add3A_15 = arith.constant 120 : i32
    %add3A_16 = arith.addi %mul3A_8, %add3A_15 : i32
    "tpu.region"() ({
      %run_scoped3A = tpu.sem_alloc : memref<!tpu.dma_semaphore, #tpu.memory_space<semaphore_mem>>
      %dma_start3A_121 = arith.constant 0 : i32
      %dma_start3A_122 = tpu.memref_slice %arg13[%add3A_16, %dma_start3A_121] : memref<10240x128xf32, #tpu.memory_space<vmem_shared>> -> memref<40x128xf32, #tpu.memory_space<vmem_shared>>
      %dma_start3A_123 = arith.constant 0 : i32
      %dma_start3A_124 = tpu.memref_slice %arg13[%add3A_16, %dma_start3A_123] : memref<10240x128xf32, #tpu.memory_space<vmem_shared>> -> memref<40x128xf32, #tpu.memory_space<vmem_shared>>
      tpu.enqueue_dma source(%arg12 : memref<40x128xf32, #tpu.memory_space<vmem>>) target(%dma_start3A_124 : memref<40x128xf32, #tpu.memory_space<vmem_shared>>) target_semaphore(%run_scoped3A : memref<!tpu.dma_semaphore, #tpu.memory_space<semaphore_mem>>)
      %dma_wait3A_125 = arith.constant 0 : i32
      %dma_wait3A_126 = tpu.memref_slice %arg13[%add3A_16, %dma_wait3A_125] : memref<10240x128xf32, #tpu.memory_space<vmem_shared>> -> memref<40x128xf32, #tpu.memory_space<vmem_shared>>
      %dma_wait3A_127 = arith.constant 0 : i32
      %dma_wait3A_128 = tpu.memref_slice %arg13[%add3A_16, %dma_wait3A_127] : memref<10240x128xf32, #tpu.memory_space<vmem_shared>> -> memref<40x128xf32, #tpu.memory_space<vmem_shared>>
      tpu.wait_dma2 semaphore(%run_scoped3A : memref<!tpu.dma_semaphore, #tpu.memory_space<semaphore_mem>>) src(%arg12 : memref<40x128xf32, #tpu.memory_space<vmem>>) dst(%dma_wait3A_128 : memref<40x128xf32, #tpu.memory_space<vmem_shared>>)
      tpu.yield
    }) : () -> ()
    %add3A_17 = arith.constant 160 : i32
    %add3A_18 = arith.addi %mul3A_8, %add3A_17 : i32
    "tpu.region"() ({
      %run_scoped3A = tpu.sem_alloc : memref<!tpu.dma_semaphore, #tpu.memory_space<semaphore_mem>>
      %dma_start3A_121 = arith.constant 0 : i32
      %dma_start3A_122 = tpu.memref_slice %arg13[%add3A_18, %dma_start3A_121] : memref<10240x128xf32, #tpu.memory_space<vmem_shared>> -> memref<40x128xf32, #tpu.memory_space<vmem_shared>>
      %dma_start3A_123 = arith.constant 0 : i32
      %dma_start3A_124 = tpu.memref_slice %arg13[%add3A_18, %dma_start3A_123] : memref<10240x128xf32, #tpu.memory_space<vmem_shared>> -> memref<40x128xf32, #tpu.memory_space<vmem_shared>>
      tpu.enqueue_dma source(%arg12 : memref<40x128xf32, #tpu.memory_space<vmem>>) target(%dma_start3A_124 : memref<40x128xf32, #tpu.memory_space<vmem_shared>>) target_semaphore(%run_scoped3A : memref<!tpu.dma_semaphore, #tpu.memory_space<semaphore_mem>>)
      %dma_wait3A_125 = arith.constant 0 : i32
      %dma_wait3A_126 = tpu.memref_slice %arg13[%add3A_18, %dma_wait3A_125] : memref<10240x128xf32, #tpu.memory_space<vmem_shared>> -> memref<40x128xf32, #tpu.memory_space<vmem_shared>>
      %dma_wait3A_127 = arith.constant 0 : i32
      %dma_wait3A_128 = tpu.memref_slice %arg13[%add3A_18, %dma_wait3A_127] : memref<10240x128xf32, #tpu.memory_space<vmem_shared>> -> memref<40x128xf32, #tpu.memory_space<vmem_shared>>
      tpu.wait_dma2 semaphore(%run_scoped3A : memref<!tpu.dma_semaphore, #tpu.memory_space<semaphore_mem>>) src(%arg12 : memref<40x128xf32, #tpu.memory_space<vmem>>) dst(%dma_wait3A_128 : memref<40x128xf32, #tpu.memory_space<vmem_shared>>)
      tpu.yield
    }) : () -> ()
    %add3A_19 = arith.constant 200 : i32
    %add3A_20 = arith.addi %mul3A_8, %add3A_19 : i32
    "tpu.region"() ({
      %run_scoped3A = tpu.sem_alloc : memref<!tpu.dma_semaphore, #tpu.memory_space<semaphore_mem>>
      %dma_start3A_121 = arith.constant 0 : i32
      %dma_start3A_122 = tpu.memref_slice %arg13[%add3A_20, %dma_start3A_121] : memref<10240x128xf32, #tpu.memory_space<vmem_shared>> -> memref<40x128xf32, #tpu.memory_space<vmem_shared>>
      %dma_start3A_123 = arith.constant 0 : i32
      %dma_start3A_124 = tpu.memref_slice %arg13[%add3A_20, %dma_start3A_123] : memref<10240x128xf32, #tpu.memory_space<vmem_shared>> -> memref<40x128xf32, #tpu.memory_space<vmem_shared>>
      tpu.enqueue_dma source(%arg12 : memref<40x128xf32, #tpu.memory_space<vmem>>) target(%dma_start3A_124 : memref<40x128xf32, #tpu.memory_space<vmem_shared>>) target_semaphore(%run_scoped3A : memref<!tpu.dma_semaphore, #tpu.memory_space<semaphore_mem>>)
      %dma_wait3A_125 = arith.constant 0 : i32
      %dma_wait3A_126 = tpu.memref_slice %arg13[%add3A_20, %dma_wait3A_125] : memref<10240x128xf32, #tpu.memory_space<vmem_shared>> -> memref<40x128xf32, #tpu.memory_space<vmem_shared>>
      %dma_wait3A_127 = arith.constant 0 : i32
      %dma_wait3A_128 = tpu.memref_slice %arg13[%add3A_20, %dma_wait3A_127] : memref<10240x128xf32, #tpu.memory_space<vmem_shared>> -> memref<40x128xf32, #tpu.memory_space<vmem_shared>>
      tpu.wait_dma2 semaphore(%run_scoped3A : memref<!tpu.dma_semaphore, #tpu.memory_space<semaphore_mem>>) src(%arg12 : memref<40x128xf32, #tpu.memory_space<vmem>>) dst(%dma_wait3A_128 : memref<40x128xf32, #tpu.memory_space<vmem_shared>>)
      tpu.yield
    }) : () -> ()
    %add3A_21 = arith.constant 240 : i32
    %add3A_22 = arith.addi %mul3A_8, %add3A_21 : i32
    "tpu.region"() ({
      %run_scoped3A = tpu.sem_alloc : memref<!tpu.dma_semaphore, #tpu.memory_space<semaphore_mem>>
      %dma_start3A_121 = arith.constant 0 : i32
      %dma_start3A_122 = tpu.memref_slice %arg13[%add3A_22, %dma_start3A_121] : memref<10240x128xf32, #tpu.memory_space<vmem_shared>> -> memref<40x128xf32, #tpu.memory_space<vmem_shared>>
      %dma_start3A_123 = arith.constant 0 : i32
      %dma_start3A_124 = tpu.memref_slice %arg13[%add3A_22, %dma_start3A_123] : memref<10240x128xf32, #tpu.memory_space<vmem_shared>> -> memref<40x128xf32, #tpu.memory_space<vmem_shared>>
      tpu.enqueue_dma source(%arg12 : memref<40x128xf32, #tpu.memory_space<vmem>>) target(%dma_start3A_124 : memref<40x128xf32, #tpu.memory_space<vmem_shared>>) target_semaphore(%run_scoped3A : memref<!tpu.dma_semaphore, #tpu.memory_space<semaphore_mem>>)
      %dma_wait3A_125 = arith.constant 0 : i32
      %dma_wait3A_126 = tpu.memref_slice %arg13[%add3A_22, %dma_wait3A_125] : memref<10240x128xf32, #tpu.memory_space<vmem_shared>> -> memref<40x128xf32, #tpu.memory_space<vmem_shared>>
      %dma_wait3A_127 = arith.constant 0 : i32
      %dma_wait3A_128 = tpu.memref_slice %arg13[%add3A_22, %dma_wait3A_127] : memref<10240x128xf32, #tpu.memory_space<vmem_shared>> -> memref<40x128xf32, #tpu.memory_space<vmem_shared>>
      tpu.wait_dma2 semaphore(%run_scoped3A : memref<!tpu.dma_semaphore, #tpu.memory_space<semaphore_mem>>) src(%arg12 : memref<40x128xf32, #tpu.memory_space<vmem>>) dst(%dma_wait3A_128 : memref<40x128xf32, #tpu.memory_space<vmem_shared>>)
      tpu.yield
    }) : () -> ()
    %add3A_23 = arith.constant 280 : i32
    %add3A_24 = arith.addi %mul3A_8, %add3A_23 : i32
    "tpu.region"() ({
      %run_scoped3A = tpu.sem_alloc : memref<!tpu.dma_semaphore, #tpu.memory_space<semaphore_mem>>
      %dma_start3A_121 = arith.constant 0 : i32
      %dma_start3A_122 = tpu.memref_slice %arg13[%add3A_24, %dma_start3A_121] : memref<10240x128xf32, #tpu.memory_space<vmem_shared>> -> memref<40x128xf32, #tpu.memory_space<vmem_shared>>
      %dma_start3A_123 = arith.constant 0 : i32
      %dma_start3A_124 = tpu.memref_slice %arg13[%add3A_24, %dma_start3A_123] : memref<10240x128xf32, #tpu.memory_space<vmem_shared>> -> memref<40x128xf32, #tpu.memory_space<vmem_shared>>
      tpu.enqueue_dma source(%arg12 : memref<40x128xf32, #tpu.memory_space<vmem>>) target(%dma_start3A_124 : memref<40x128xf32, #tpu.memory_space<vmem_shared>>) target_semaphore(%run_scoped3A : memref<!tpu.dma_semaphore, #tpu.memory_space<semaphore_mem>>)
      %dma_wait3A_125 = arith.constant 0 : i32
      %dma_wait3A_126 = tpu.memref_slice %arg13[%add3A_24, %dma_wait3A_125] : memref<10240x128xf32, #tpu.memory_space<vmem_shared>> -> memref<40x128xf32, #tpu.memory_space<vmem_shared>>
      %dma_wait3A_127 = arith.constant 0 : i32
      %dma_wait3A_128 = tpu.memref_slice %arg13[%add3A_24, %dma_wait3A_127] : memref<10240x128xf32, #tpu.memory_space<vmem_shared>> -> memref<40x128xf32, #tpu.memory_space<vmem_shared>>
      tpu.wait_dma2 semaphore(%run_scoped3A : memref<!tpu.dma_semaphore, #tpu.memory_space<semaphore_mem>>) src(%arg12 : memref<40x128xf32, #tpu.memory_space<vmem>>) dst(%dma_wait3A_128 : memref<40x128xf32, #tpu.memory_space<vmem_shared>>)
      tpu.yield
    }) : () -> ()
    %add3A_25 = arith.constant 320 : i32
    %add3A_26 = arith.addi %mul3A_8, %add3A_25 : i32
    "tpu.region"() ({
      %run_scoped3A = tpu.sem_alloc : memref<!tpu.dma_semaphore, #tpu.memory_space<semaphore_mem>>
      %dma_start3A_121 = arith.constant 0 : i32
      %dma_start3A_122 = tpu.memref_slice %arg13[%add3A_26, %dma_start3A_121] : memref<10240x128xf32, #tpu.memory_space<vmem_shared>> -> memref<40x128xf32, #tpu.memory_space<vmem_shared>>
      %dma_start3A_123 = arith.constant 0 : i32
      %dma_start3A_124 = tpu.memref_slice %arg13[%add3A_26, %dma_start3A_123] : memref<10240x128xf32, #tpu.memory_space<vmem_shared>> -> memref<40x128xf32, #tpu.memory_space<vmem_shared>>
      tpu.enqueue_dma source(%arg12 : memref<40x128xf32, #tpu.memory_space<vmem>>) target(%dma_start3A_124 : memref<40x128xf32, #tpu.memory_space<vmem_shared>>) target_semaphore(%run_scoped3A : memref<!tpu.dma_semaphore, #tpu.memory_space<semaphore_mem>>)
      %dma_wait3A_125 = arith.constant 0 : i32
      %dma_wait3A_126 = tpu.memref_slice %arg13[%add3A_26, %dma_wait3A_125] : memref<10240x128xf32, #tpu.memory_space<vmem_shared>> -> memref<40x128xf32, #tpu.memory_space<vmem_shared>>
      %dma_wait3A_127 = arith.constant 0 : i32
      %dma_wait3A_128 = tpu.memref_slice %arg13[%add3A_26, %dma_wait3A_127] : memref<10240x128xf32, #tpu.memory_space<vmem_shared>> -> memref<40x128xf32, #tpu.memory_space<vmem_shared>>
      tpu.wait_dma2 semaphore(%run_scoped3A : memref<!tpu.dma_semaphore, #tpu.memory_space<semaphore_mem>>) src(%arg12 : memref<40x128xf32, #tpu.memory_space<vmem>>) dst(%dma_wait3A_128 : memref<40x128xf32, #tpu.memory_space<vmem_shared>>)
      tpu.yield
    }) : () -> ()
    %add3A_27 = arith.constant 360 : i32
    %add3A_28 = arith.addi %mul3A_8, %add3A_27 : i32
    "tpu.region"() ({
      %run_scoped3A = tpu.sem_alloc : memref<!tpu.dma_semaphore, #tpu.memory_space<semaphore_mem>>
      %dma_start3A_121 = arith.constant 0 : i32
      %dma_start3A_122 = tpu.memref_slice %arg13[%add3A_28, %dma_start3A_121] : memref<10240x128xf32, #tpu.memory_space<vmem_shared>> -> memref<40x128xf32, #tpu.memory_space<vmem_shared>>
      %dma_start3A_123 = arith.constant 0 : i32
      %dma_start3A_124 = tpu.memref_slice %arg13[%add3A_28, %dma_start3A_123] : memref<10240x128xf32, #tpu.memory_space<vmem_shared>> -> memref<40x128xf32, #tpu.memory_space<vmem_shared>>
      tpu.enqueue_dma source(%arg12 : memref<40x128xf32, #tpu.memory_space<vmem>>) target(%dma_start3A_124 : memref<40x128xf32, #tpu.memory_space<vmem_shared>>) target_semaphore(%run_scoped3A : memref<!tpu.dma_semaphore, #tpu.memory_space<semaphore_mem>>)
      %dma_wait3A_125 = arith.constant 0 : i32
      %dma_wait3A_126 = tpu.memref_slice %arg13[%add3A_28, %dma_wait3A_125] : memref<10240x128xf32, #tpu.memory_space<vmem_shared>> -> memref<40x128xf32, #tpu.memory_space<vmem_shared>>
      %dma_wait3A_127 = arith.constant 0 : i32
      %dma_wait3A_128 = tpu.memref_slice %arg13[%add3A_28, %dma_wait3A_127] : memref<10240x128xf32, #tpu.memory_space<vmem_shared>> -> memref<40x128xf32, #tpu.memory_space<vmem_shared>>
      tpu.wait_dma2 semaphore(%run_scoped3A : memref<!tpu.dma_semaphore, #tpu.memory_space<semaphore_mem>>) src(%arg12 : memref<40x128xf32, #tpu.memory_space<vmem>>) dst(%dma_wait3A_128 : memref<40x128xf32, #tpu.memory_space<vmem_shared>>)
      tpu.yield
    }) : () -> ()
    %add3A_29 = arith.constant 400 : i32
    %add3A_30 = arith.addi %mul3A_8, %add3A_29 : i32
    "tpu.region"() ({
      %run_scoped3A = tpu.sem_alloc : memref<!tpu.dma_semaphore, #tpu.memory_space<semaphore_mem>>
      %dma_start3A_121 = arith.constant 0 : i32
      %dma_start3A_122 = tpu.memref_slice %arg13[%add3A_30, %dma_start3A_121] : memref<10240x128xf32, #tpu.memory_space<vmem_shared>> -> memref<40x128xf32, #tpu.memory_space<vmem_shared>>
      %dma_start3A_123 = arith.constant 0 : i32
      %dma_start3A_124 = tpu.memref_slice %arg13[%add3A_30, %dma_start3A_123] : memref<10240x128xf32, #tpu.memory_space<vmem_shared>> -> memref<40x128xf32, #tpu.memory_space<vmem_shared>>
      tpu.enqueue_dma source(%arg12 : memref<40x128xf32, #tpu.memory_space<vmem>>) target(%dma_start3A_124 : memref<40x128xf32, #tpu.memory_space<vmem_shared>>) target_semaphore(%run_scoped3A : memref<!tpu.dma_semaphore, #tpu.memory_space<semaphore_mem>>)
      %dma_wait3A_125 = arith.constant 0 : i32
      %dma_wait3A_126 = tpu.memref_slice %arg13[%add3A_30, %dma_wait3A_125] : memref<10240x128xf32, #tpu.memory_space<vmem_shared>> -> memref<40x128xf32, #tpu.memory_space<vmem_shared>>
      %dma_wait3A_127 = arith.constant 0 : i32
      %dma_wait3A_128 = tpu.memref_slice %arg13[%add3A_30, %dma_wait3A_127] : memref<10240x128xf32, #tpu.memory_space<vmem_shared>> -> memref<40x128xf32, #tpu.memory_space<vmem_shared>>
      tpu.wait_dma2 semaphore(%run_scoped3A : memref<!tpu.dma_semaphore, #tpu.memory_space<semaphore_mem>>) src(%arg12 : memref<40x128xf32, #tpu.memory_space<vmem>>) dst(%dma_wait3A_128 : memref<40x128xf32, #tpu.memory_space<vmem_shared>>)
      tpu.yield
    }) : () -> ()
    %add3A_31 = arith.constant 440 : i32
    %add3A_32 = arith.addi %mul3A_8, %add3A_31 : i32
    "tpu.region"() ({
      %run_scoped3A = tpu.sem_alloc : memref<!tpu.dma_semaphore, #tpu.memory_space<semaphore_mem>>
      %dma_start3A_121 = arith.constant 0 : i32
      %dma_start3A_122 = tpu.memref_slice %arg13[%add3A_32, %dma_start3A_121] : memref<10240x128xf32, #tpu.memory_space<vmem_shared>> -> memref<40x128xf32, #tpu.memory_space<vmem_shared>>
      %dma_start3A_123 = arith.constant 0 : i32
      %dma_start3A_124 = tpu.memref_slice %arg13[%add3A_32, %dma_start3A_123] : memref<10240x128xf32, #tpu.memory_space<vmem_shared>> -> memref<40x128xf32, #tpu.memory_space<vmem_shared>>
      tpu.enqueue_dma source(%arg12 : memref<40x128xf32, #tpu.memory_space<vmem>>) target(%dma_start3A_124 : memref<40x128xf32, #tpu.memory_space<vmem_shared>>) target_semaphore(%run_scoped3A : memref<!tpu.dma_semaphore, #tpu.memory_space<semaphore_mem>>)
      %dma_wait3A_125 = arith.constant 0 : i32
      %dma_wait3A_126 = tpu.memref_slice %arg13[%add3A_32, %dma_wait3A_125] : memref<10240x128xf32, #tpu.memory_space<vmem_shared>> -> memref<40x128xf32, #tpu.memory_space<vmem_shared>>
      %dma_wait3A_127 = arith.constant 0 : i32
      %dma_wait3A_128 = tpu.memref_slice %arg13[%add3A_32, %dma_wait3A_127] : memref<10240x128xf32, #tpu.memory_space<vmem_shared>> -> memref<40x128xf32, #tpu.memory_space<vmem_shared>>
      tpu.wait_dma2 semaphore(%run_scoped3A : memref<!tpu.dma_semaphore, #tpu.memory_space<semaphore_mem>>) src(%arg12 : memref<40x128xf32, #tpu.memory_space<vmem>>) dst(%dma_wait3A_128 : memref<40x128xf32, #tpu.memory_space<vmem_shared>>)
      tpu.yield
    }) : () -> ()
    %add3A_33 = arith.constant 480 : i32
    %add3A_34 = arith.addi %mul3A_8, %add3A_33 : i32
    "tpu.region"() ({
      %run_scoped3A = tpu.sem_alloc : memref<!tpu.dma_semaphore, #tpu.memory_space<semaphore_mem>>
      %dma_start3A_121 = arith.constant 0 : i32
      %dma_start3A_122 = tpu.memref_slice %arg13[%add3A_34, %dma_start3A_121] : memref<10240x128xf32, #tpu.memory_space<vmem_shared>> -> memref<40x128xf32, #tpu.memory_space<vmem_shared>>
      %dma_start3A_123 = arith.constant 0 : i32
      %dma_start3A_124 = tpu.memref_slice %arg13[%add3A_34, %dma_start3A_123] : memref<10240x128xf32, #tpu.memory_space<vmem_shared>> -> memref<40x128xf32, #tpu.memory_space<vmem_shared>>
      tpu.enqueue_dma source(%arg12 : memref<40x128xf32, #tpu.memory_space<vmem>>) target(%dma_start3A_124 : memref<40x128xf32, #tpu.memory_space<vmem_shared>>) target_semaphore(%run_scoped3A : memref<!tpu.dma_semaphore, #tpu.memory_space<semaphore_mem>>)
      %dma_wait3A_125 = arith.constant 0 : i32
      %dma_wait3A_126 = tpu.memref_slice %arg13[%add3A_34, %dma_wait3A_125] : memref<10240x128xf32, #tpu.memory_space<vmem_shared>> -> memref<40x128xf32, #tpu.memory_space<vmem_shared>>
      %dma_wait3A_127 = arith.constant 0 : i32
      %dma_wait3A_128 = tpu.memref_slice %arg13[%add3A_34, %dma_wait3A_127] : memref<10240x128xf32, #tpu.memory_space<vmem_shared>> -> memref<40x128xf32, #tpu.memory_space<vmem_shared>>
      tpu.wait_dma2 semaphore(%run_scoped3A : memref<!tpu.dma_semaphore, #tpu.memory_space<semaphore_mem>>) src(%arg12 : memref<40x128xf32, #tpu.memory_space<vmem>>) dst(%dma_wait3A_128 : memref<40x128xf32, #tpu.memory_space<vmem_shared>>)
      tpu.yield
    }) : () -> ()
    %add3A_35 = arith.constant 520 : i32
    %add3A_36 = arith.addi %mul3A_8, %add3A_35 : i32
    "tpu.region"() ({
      %run_scoped3A = tpu.sem_alloc : memref<!tpu.dma_semaphore, #tpu.memory_space<semaphore_mem>>
      %dma_start3A_121 = arith.constant 0 : i32
      %dma_start3A_122 = tpu.memref_slice %arg13[%add3A_36, %dma_start3A_121] : memref<10240x128xf32, #tpu.memory_space<vmem_shared>> -> memref<40x128xf32, #tpu.memory_space<vmem_shared>>
      %dma_start3A_123 = arith.constant 0 : i32
      %dma_start3A_124 = tpu.memref_slice %arg13[%add3A_36, %dma_start3A_123] : memref<10240x128xf32, #tpu.memory_space<vmem_shared>> -> memref<40x128xf32, #tpu.memory_space<vmem_shared>>
      tpu.enqueue_dma source(%arg12 : memref<40x128xf32, #tpu.memory_space<vmem>>) target(%dma_start3A_124 : memref<40x128xf32, #tpu.memory_space<vmem_shared>>) target_semaphore(%run_scoped3A : memref<!tpu.dma_semaphore, #tpu.memory_space<semaphore_mem>>)
      %dma_wait3A_125 = arith.constant 0 : i32
      %dma_wait3A_126 = tpu.memref_slice %arg13[%add3A_36, %dma_wait3A_125] : memref<10240x128xf32, #tpu.memory_space<vmem_shared>> -> memref<40x128xf32, #tpu.memory_space<vmem_shared>>
      %dma_wait3A_127 = arith.constant 0 : i32
      %dma_wait3A_128 = tpu.memref_slice %arg13[%add3A_36, %dma_wait3A_127] : memref<10240x128xf32, #tpu.memory_space<vmem_shared>> -> memref<40x128xf32, #tpu.memory_space<vmem_shared>>
      tpu.wait_dma2 semaphore(%run_scoped3A : memref<!tpu.dma_semaphore, #tpu.memory_space<semaphore_mem>>) src(%arg12 : memref<40x128xf32, #tpu.memory_space<vmem>>) dst(%dma_wait3A_128 : memref<40x128xf32, #tpu.memory_space<vmem_shared>>)
      tpu.yield
    }) : () -> ()
    %add3A_37 = arith.constant 560 : i32
    %add3A_38 = arith.addi %mul3A_8, %add3A_37 : i32
    "tpu.region"() ({
      %run_scoped3A = tpu.sem_alloc : memref<!tpu.dma_semaphore, #tpu.memory_space<semaphore_mem>>
      %dma_start3A_121 = arith.constant 0 : i32
      %dma_start3A_122 = tpu.memref_slice %arg13[%add3A_38, %dma_start3A_121] : memref<10240x128xf32, #tpu.memory_space<vmem_shared>> -> memref<40x128xf32, #tpu.memory_space<vmem_shared>>
      %dma_start3A_123 = arith.constant 0 : i32
      %dma_start3A_124 = tpu.memref_slice %arg13[%add3A_38, %dma_start3A_123] : memref<10240x128xf32, #tpu.memory_space<vmem_shared>> -> memref<40x128xf32, #tpu.memory_space<vmem_shared>>
      tpu.enqueue_dma source(%arg12 : memref<40x128xf32, #tpu.memory_space<vmem>>) target(%dma_start3A_124 : memref<40x128xf32, #tpu.memory_space<vmem_shared>>) target_semaphore(%run_scoped3A : memref<!tpu.dma_semaphore, #tpu.memory_space<semaphore_mem>>)
      %dma_wait3A_125 = arith.constant 0 : i32
      %dma_wait3A_126 = tpu.memref_slice %arg13[%add3A_38, %dma_wait3A_125] : memref<10240x128xf32, #tpu.memory_space<vmem_shared>> -> memref<40x128xf32, #tpu.memory_space<vmem_shared>>
      %dma_wait3A_127 = arith.constant 0 : i32
      %dma_wait3A_128 = tpu.memref_slice %arg13[%add3A_38, %dma_wait3A_127] : memref<10240x128xf32, #tpu.memory_space<vmem_shared>> -> memref<40x128xf32, #tpu.memory_space<vmem_shared>>
      tpu.wait_dma2 semaphore(%run_scoped3A : memref<!tpu.dma_semaphore, #tpu.memory_space<semaphore_mem>>) src(%arg12 : memref<40x128xf32, #tpu.memory_space<vmem>>) dst(%dma_wait3A_128 : memref<40x128xf32, #tpu.memory_space<vmem_shared>>)
      tpu.yield
    }) : () -> ()
    %add3A_39 = arith.constant 600 : i32
    %add3A_40 = arith.addi %mul3A_8, %add3A_39 : i32
    "tpu.region"() ({
      %run_scoped3A = tpu.sem_alloc : memref<!tpu.dma_semaphore, #tpu.memory_space<semaphore_mem>>
      %dma_start3A_121 = arith.constant 0 : i32
      %dma_start3A_122 = tpu.memref_slice %arg13[%add3A_40, %dma_start3A_121] : memref<10240x128xf32, #tpu.memory_space<vmem_shared>> -> memref<40x128xf32, #tpu.memory_space<vmem_shared>>
      %dma_start3A_123 = arith.constant 0 : i32
      %dma_start3A_124 = tpu.memref_slice %arg13[%add3A_40, %dma_start3A_123] : memref<10240x128xf32, #tpu.memory_space<vmem_shared>> -> memref<40x128xf32, #tpu.memory_space<vmem_shared>>
      tpu.enqueue_dma source(%arg12 : memref<40x128xf32, #tpu.memory_space<vmem>>) target(%dma_start3A_124 : memref<40x128xf32, #tpu.memory_space<vmem_shared>>) target_semaphore(%run_scoped3A : memref<!tpu.dma_semaphore, #tpu.memory_space<semaphore_mem>>)
      %dma_wait3A_125 = arith.constant 0 : i32
      %dma_wait3A_126 = tpu.memref_slice %arg13[%add3A_40, %dma_wait3A_125] : memref<10240x128xf32, #tpu.memory_space<vmem_shared>> -> memref<40x128xf32, #tpu.memory_space<vmem_shared>>
      %dma_wait3A_127 = arith.constant 0 : i32
      %dma_wait3A_128 = tpu.memref_slice %arg13[%add3A_40, %dma_wait3A_127] : memref<10240x128xf32, #tpu.memory_space<vmem_shared>> -> memref<40x128xf32, #tpu.memory_space<vmem_shared>>
      tpu.wait_dma2 semaphore(%run_scoped3A : memref<!tpu.dma_semaphore, #tpu.memory_space<semaphore_mem>>) src(%arg12 : memref<40x128xf32, #tpu.memory_space<vmem>>) dst(%dma_wait3A_128 : memref<40x128xf32, #tpu.memory_space<vmem_shared>>)
      tpu.yield
    }) : () -> ()
    %barrier3A = arith.constant 0 : index
    tpu.barrier barrier_id(%barrier3A)
    %mul3A_41 = arith.constant 10112 : i32
    %mul3A_42 = arith.muli %add3A, %mul3A_41 : i32
    %add3A_43 = arith.constant 0 : i32
    %add3A_44 = arith.addi %mul3A_42, %add3A_43 : i32
    %dma_start3A = tpu.memref_slice %arg3[%add3A_44] : memref<323584xi32, #tpu.memory_space<hbm>> -> memref<128xi32, #tpu.memory_space<hbm>>
    %dma_start3A_45 = tpu.memref_slice %arg3[%add3A_44] : memref<323584xi32, #tpu.memory_space<hbm>> -> memref<128xi32, #tpu.memory_space<hbm>>
    tpu.enqueue_dma source(%dma_start3A_45 : memref<128xi32, #tpu.memory_space<hbm>>) target(%arg6 : memref<128xi32, #tpu.memory_space<vmem>>) target_semaphore(%arg16 : memref<!tpu.dma_semaphore, #tpu.memory_space<semaphore_mem>>)
    %dma_start3A_46 = tpu.memref_slice %arg4[%add3A_44] : memref<323584xi32, #tpu.memory_space<hbm>> -> memref<128xi32, #tpu.memory_space<hbm>>
    %dma_start3A_47 = tpu.memref_slice %arg4[%add3A_44] : memref<323584xi32, #tpu.memory_space<hbm>> -> memref<128xi32, #tpu.memory_space<hbm>>
    tpu.enqueue_dma source(%dma_start3A_47 : memref<128xi32, #tpu.memory_space<hbm>>) target(%arg8 : memref<128xi32, #tpu.memory_space<vmem>>) target_semaphore(%arg16 : memref<!tpu.dma_semaphore, #tpu.memory_space<semaphore_mem>>)
    %add3A_48 = arith.constant 0 : i32
    %add3A_49 = arith.addi %mul3A_42, %add3A_48 : i32
    %dma_wait3A = tpu.memref_slice %arg3[%add3A_49] : memref<323584xi32, #tpu.memory_space<hbm>> -> memref<128xi32, #tpu.memory_space<hbm>>
    %dma_wait3A_50 = tpu.memref_slice %arg3[%add3A_49] : memref<323584xi32, #tpu.memory_space<hbm>> -> memref<128xi32, #tpu.memory_space<hbm>>
    tpu.wait_dma2 semaphore(%arg16 : memref<!tpu.dma_semaphore, #tpu.memory_space<semaphore_mem>>) src(%dma_wait3A_50 : memref<128xi32, #tpu.memory_space<hbm>>) dst(%arg6 : memref<128xi32, #tpu.memory_space<vmem>>)
    %dma_wait3A_51 = tpu.memref_slice %arg4[%add3A_49] : memref<323584xi32, #tpu.memory_space<hbm>> -> memref<128xi32, #tpu.memory_space<hbm>>
    %dma_wait3A_52 = tpu.memref_slice %arg4[%add3A_49] : memref<323584xi32, #tpu.memory_space<hbm>> -> memref<128xi32, #tpu.memory_space<hbm>>
    tpu.wait_dma2 semaphore(%arg16 : memref<!tpu.dma_semaphore, #tpu.memory_space<semaphore_mem>>) src(%dma_wait3A_52 : memref<128xi32, #tpu.memory_space<hbm>>) dst(%arg8 : memref<128xi32, #tpu.memory_space<vmem>>)
    %dma_start3A_53 = arith.constant 0 : i32
    %dma_start3A_54 = arith.constant 0 : i32
    %dma_start3A_55 = tpu.memref_slice %arg2[%dma_start3A_53, %dma_start3A_54] : memref<5120x128xf32, #tpu.memory_space<hbm>> -> memref<5120x128xf32, #tpu.memory_space<hbm>>
    tpu.enqueue_indirect_dma source(%dma_start3A_55 : memref<5120x128xf32, #tpu.memory_space<hbm>>) target(%arg10 : memref<128x128xf32, #tpu.memory_space<vmem>>) offsets(%arg6 : memref<128xi32, #tpu.memory_space<vmem>>) semaphore(%arg14 : memref<!tpu.dma_semaphore, #tpu.memory_space<semaphore_mem>>)
    %add3A_56 = arith.constant 128 : i32
    %add3A_57 = arith.addi %mul3A_42, %add3A_56 : i32
    %dma_start3A_58 = tpu.memref_slice %arg3[%add3A_57] : memref<323584xi32, #tpu.memory_space<hbm>> -> memref<128xi32, #tpu.memory_space<hbm>>
    %dma_start3A_59 = tpu.memref_slice %arg3[%add3A_57] : memref<323584xi32, #tpu.memory_space<hbm>> -> memref<128xi32, #tpu.memory_space<hbm>>
    tpu.enqueue_dma source(%dma_start3A_59 : memref<128xi32, #tpu.memory_space<hbm>>) target(%arg7 : memref<128xi32, #tpu.memory_space<vmem>>) target_semaphore(%arg17 : memref<!tpu.dma_semaphore, #tpu.memory_space<semaphore_mem>>)
    %dma_start3A_60 = tpu.memref_slice %arg4[%add3A_57] : memref<323584xi32, #tpu.memory_space<hbm>> -> memref<128xi32, #tpu.memory_space<hbm>>
    %dma_start3A_61 = tpu.memref_slice %arg4[%add3A_57] : memref<323584xi32, #tpu.memory_space<hbm>> -> memref<128xi32, #tpu.memory_space<hbm>>
    tpu.enqueue_dma source(%dma_start3A_61 : memref<128xi32, #tpu.memory_space<hbm>>) target(%arg9 : memref<128xi32, #tpu.memory_space<vmem>>) target_semaphore(%arg17 : memref<!tpu.dma_semaphore, #tpu.memory_space<semaphore_mem>>)
    %dma_wait3A_62 = arith.constant 0 : i32
    %dma_wait3A_63 = arith.constant 0 : i32
    %dma_wait3A_64 = tpu.memref_slice %arg2[%dma_wait3A_62, %dma_wait3A_63] : memref<5120x128xf32, #tpu.memory_space<hbm>> -> memref<5120x128xf32, #tpu.memory_space<hbm>>
    tpu.wait_indirect_dma semaphore(%arg14 : memref<!tpu.dma_semaphore, #tpu.memory_space<semaphore_mem>>) src(%dma_wait3A_64 : memref<5120x128xf32, #tpu.memory_space<hbm>>) dst(%arg10 : memref<128x128xf32, #tpu.memory_space<vmem>>)
    %dma_start3A_65 = arith.constant 0 : i32
    %dma_start3A_66 = arith.constant 0 : i32
    %dma_start3A_67 = tpu.memref_slice %arg13[%dma_start3A_65, %dma_start3A_66] : memref<10240x128xf32, #tpu.memory_space<vmem_shared>> -> memref<10240x128xf32, #tpu.memory_space<vmem_shared>>
    tpu.enqueue_indirect_dma source(%arg10 : memref<128x128xf32, #tpu.memory_space<vmem>>) target(%dma_start3A_67 : memref<10240x128xf32, #tpu.memory_space<vmem_shared>>) offsets(%arg8 : memref<128xi32, #tpu.memory_space<vmem>>) semaphore(%arg18 : memref<!tpu.dma_semaphore, #tpu.memory_space<semaphore_mem>>) {add = true}
    %add3A_68 = arith.constant 128 : i32
    %add3A_69 = arith.addi %mul3A_42, %add3A_68 : i32
    %dma_wait3A_70 = tpu.memref_slice %arg3[%add3A_69] : memref<323584xi32, #tpu.memory_space<hbm>> -> memref<128xi32, #tpu.memory_space<hbm>>
    %dma_wait3A_71 = tpu.memref_slice %arg3[%add3A_69] : memref<323584xi32, #tpu.memory_space<hbm>> -> memref<128xi32, #tpu.memory_space<hbm>>
    tpu.wait_dma2 semaphore(%arg17 : memref<!tpu.dma_semaphore, #tpu.memory_space<semaphore_mem>>) src(%dma_wait3A_71 : memref<128xi32, #tpu.memory_space<hbm>>) dst(%arg7 : memref<128xi32, #tpu.memory_space<vmem>>)
    %dma_wait3A_72 = tpu.memref_slice %arg4[%add3A_69] : memref<323584xi32, #tpu.memory_space<hbm>> -> memref<128xi32, #tpu.memory_space<hbm>>
    %dma_wait3A_73 = tpu.memref_slice %arg4[%add3A_69] : memref<323584xi32, #tpu.memory_space<hbm>> -> memref<128xi32, #tpu.memory_space<hbm>>
    tpu.wait_dma2 semaphore(%arg17 : memref<!tpu.dma_semaphore, #tpu.memory_space<semaphore_mem>>) src(%dma_wait3A_73 : memref<128xi32, #tpu.memory_space<hbm>>) dst(%arg9 : memref<128xi32, #tpu.memory_space<vmem>>)
    %dma_start3A_74 = arith.constant 0 : i32
    %dma_start3A_75 = arith.constant 0 : i32
    %dma_start3A_76 = tpu.memref_slice %arg2[%dma_start3A_74, %dma_start3A_75] : memref<5120x128xf32, #tpu.memory_space<hbm>> -> memref<5120x128xf32, #tpu.memory_space<hbm>>
    tpu.enqueue_indirect_dma source(%dma_start3A_76 : memref<5120x128xf32, #tpu.memory_space<hbm>>) target(%arg11 : memref<128x128xf32, #tpu.memory_space<vmem>>) offsets(%arg7 : memref<128xi32, #tpu.memory_space<vmem>>) semaphore(%arg15 : memref<!tpu.dma_semaphore, #tpu.memory_space<semaphore_mem>>)
    %add3A_77 = arith.constant 256 : i32
    %add3A_78 = arith.addi %mul3A_42, %add3A_77 : i32
    %dma_start3A_79 = tpu.memref_slice %arg3[%add3A_78] : memref<323584xi32, #tpu.memory_space<hbm>> -> memref<128xi32, #tpu.memory_space<hbm>>
    %dma_start3A_80 = tpu.memref_slice %arg3[%add3A_78] : memref<323584xi32, #tpu.memory_space<hbm>> -> memref<128xi32, #tpu.memory_space<hbm>>
    tpu.enqueue_dma source(%dma_start3A_80 : memref<128xi32, #tpu.memory_space<hbm>>) target(%arg6 : memref<128xi32, #tpu.memory_space<vmem>>) target_semaphore(%arg16 : memref<!tpu.dma_semaphore, #tpu.memory_space<semaphore_mem>>)
    %dma_start3A_81 = tpu.memref_slice %arg4[%add3A_78] : memref<323584xi32, #tpu.memory_space<hbm>> -> memref<128xi32, #tpu.memory_space<hbm>>
    %dma_start3A_82 = tpu.memref_slice %arg4[%add3A_78] : memref<323584xi32, #tpu.memory_space<hbm>> -> memref<128xi32, #tpu.memory_space<hbm>>
    tpu.enqueue_dma source(%dma_start3A_82 : memref<128xi32, #tpu.memory_space<hbm>>) target(%arg8 : memref<128xi32, #tpu.memory_space<vmem>>) target_semaphore(%arg16 : memref<!tpu.dma_semaphore, #tpu.memory_space<semaphore_mem>>)
    %dma_wait3A_83 = arith.constant 0 : i32
    %dma_wait3A_84 = arith.constant 0 : i32
    %dma_wait3A_85 = tpu.memref_slice %arg2[%dma_wait3A_83, %dma_wait3A_84] : memref<5120x128xf32, #tpu.memory_space<hbm>> -> memref<5120x128xf32, #tpu.memory_space<hbm>>
    tpu.wait_indirect_dma semaphore(%arg15 : memref<!tpu.dma_semaphore, #tpu.memory_space<semaphore_mem>>) src(%dma_wait3A_85 : memref<5120x128xf32, #tpu.memory_space<hbm>>) dst(%arg11 : memref<128x128xf32, #tpu.memory_space<vmem>>)
    %dma_start3A_86 = arith.constant 0 : i32
    %dma_start3A_87 = arith.constant 0 : i32
    %dma_start3A_88 = tpu.memref_slice %arg13[%dma_start3A_86, %dma_start3A_87] : memref<10240x128xf32, #tpu.memory_space<vmem_shared>> -> memref<10240x128xf32, #tpu.memory_space<vmem_shared>>
    tpu.enqueue_indirect_dma source(%arg11 : memref<128x128xf32, #tpu.memory_space<vmem>>) target(%dma_start3A_88 : memref<10240x128xf32, #tpu.memory_space<vmem_shared>>) offsets(%arg9 : memref<128xi32, #tpu.memory_space<vmem>>) semaphore(%arg18 : memref<!tpu.dma_semaphore, #tpu.memory_space<semaphore_mem>>) {add = true}
    %scan3A_89 = arith.constant 0 : i32
    %scan3A_90 = arith.constant 0 : i32
    %scan3A_91 = arith.constant 38 : i32
    %scan3A_92 = arith.addi %scan3A_90, %scan3A_91 : i32
    %scan3A_93 = arith.constant 1 : i32
    %scan3A_94 = scf.for %scan3A_121 = %scan3A_90 to %scan3A_92 step %scan3A_93 iter_args(%scan3A_122 = %scan3A_89) -> (i32)  : i32 {
      %mul3A_123 = arith.constant 2 : i32
      %mul3A_124 = arith.muli %scan3A_121, %mul3A_123 : i32
      %add3A_125 = arith.constant 2 : i32
      %add3A_126 = arith.addi %mul3A_124, %add3A_125 : i32
      %add3A_127 = arith.constant 0 : i32
      %add3A_128 = arith.addi %add3A_126, %add3A_127 : i32
      %mul3A_129 = arith.constant 128 : i32
      %mul3A_130 = arith.muli %add3A_128, %mul3A_129 : i32
      %add3A_131 = arith.addi %mul3A_42, %mul3A_130 : i32
      %dma_wait3A_132 = tpu.memref_slice %arg3[%add3A_131] : memref<323584xi32, #tpu.memory_space<hbm>> -> memref<128xi32, #tpu.memory_space<hbm>>
      %dma_wait3A_133 = tpu.memref_slice %arg3[%add3A_131] : memref<323584xi32, #tpu.memory_space<hbm>> -> memref<128xi32, #tpu.memory_space<hbm>>
      tpu.wait_dma2 semaphore(%arg16 : memref<!tpu.dma_semaphore, #tpu.memory_space<semaphore_mem>>) src(%dma_wait3A_133 : memref<128xi32, #tpu.memory_space<hbm>>) dst(%arg6 : memref<128xi32, #tpu.memory_space<vmem>>)
      %dma_wait3A_134 = tpu.memref_slice %arg4[%add3A_131] : memref<323584xi32, #tpu.memory_space<hbm>> -> memref<128xi32, #tpu.memory_space<hbm>>
      %dma_wait3A_135 = tpu.memref_slice %arg4[%add3A_131] : memref<323584xi32, #tpu.memory_space<hbm>> -> memref<128xi32, #tpu.memory_space<hbm>>
      tpu.wait_dma2 semaphore(%arg16 : memref<!tpu.dma_semaphore, #tpu.memory_space<semaphore_mem>>) src(%dma_wait3A_135 : memref<128xi32, #tpu.memory_space<hbm>>) dst(%arg8 : memref<128xi32, #tpu.memory_space<vmem>>)
      %dma_wait3A_136 = arith.constant 0 : i32
      %dma_wait3A_137 = arith.constant 0 : i32
      %dma_wait3A_138 = tpu.memref_slice %arg13[%dma_wait3A_136, %dma_wait3A_137] : memref<10240x128xf32, #tpu.memory_space<vmem_shared>> -> memref<10240x128xf32, #tpu.memory_space<vmem_shared>>
      tpu.wait_indirect_dma semaphore(%arg18 : memref<!tpu.dma_semaphore, #tpu.memory_space<semaphore_mem>>) src(%arg10 : memref<128x128xf32, #tpu.memory_space<vmem>>) dst(%dma_wait3A_138 : memref<10240x128xf32, #tpu.memory_space<vmem_shared>>)
      %dma_start3A_139 = arith.constant 0 : i32
      %dma_start3A_140 = arith.constant 0 : i32
      %dma_start3A_141 = tpu.memref_slice %arg2[%dma_start3A_139, %dma_start3A_140] : memref<5120x128xf32, #tpu.memory_space<hbm>> -> memref<5120x128xf32, #tpu.memory_space<hbm>>
      tpu.enqueue_indirect_dma source(%dma_start3A_141 : memref<5120x128xf32, #tpu.memory_space<hbm>>) target(%arg10 : memref<128x128xf32, #tpu.memory_space<vmem>>) offsets(%arg6 : memref<128xi32, #tpu.memory_space<vmem>>) semaphore(%arg14 : memref<!tpu.dma_semaphore, #tpu.memory_space<semaphore_mem>>)
      %add3A_142 = arith.constant 1 : i32
      %add3A_143 = arith.addi %add3A_128, %add3A_142 : i32
      %mul3A_144 = arith.constant 128 : i32
      %mul3A_145 = arith.muli %add3A_143, %mul3A_144 : i32
      %add3A_146 = arith.addi %mul3A_42, %mul3A_145 : i32
      %dma_start3A_147 = tpu.memref_slice %arg3[%add3A_146] : memref<323584xi32, #tpu.memory_space<hbm>> -> memref<128xi32, #tpu.memory_space<hbm>>
      %dma_start3A_148 = tpu.memref_slice %arg3[%add3A_146] : memref<323584xi32, #tpu.memory_space<hbm>> -> memref<128xi32, #tpu.memory_space<hbm>>
      tpu.enqueue_dma source(%dma_start3A_148 : memref<128xi32, #tpu.memory_space<hbm>>) target(%arg7 : memref<128xi32, #tpu.memory_space<vmem>>) target_semaphore(%arg17 : memref<!tpu.dma_semaphore, #tpu.memory_space<semaphore_mem>>)
      %dma_start3A_149 = tpu.memref_slice %arg4[%add3A_146] : memref<323584xi32, #tpu.memory_space<hbm>> -> memref<128xi32, #tpu.memory_space<hbm>>
      %dma_start3A_150 = tpu.memref_slice %arg4[%add3A_146] : memref<323584xi32, #tpu.memory_space<hbm>> -> memref<128xi32, #tpu.memory_space<hbm>>
      tpu.enqueue_dma source(%dma_start3A_150 : memref<128xi32, #tpu.memory_space<hbm>>) target(%arg9 : memref<128xi32, #tpu.memory_space<vmem>>) target_semaphore(%arg17 : memref<!tpu.dma_semaphore, #tpu.memory_space<semaphore_mem>>)
      %dma_wait3A_151 = arith.constant 0 : i32
      %dma_wait3A_152 = arith.constant 0 : i32
      %dma_wait3A_153 = tpu.memref_slice %arg2[%dma_wait3A_151, %dma_wait3A_152] : memref<5120x128xf32, #tpu.memory_space<hbm>> -> memref<5120x128xf32, #tpu.memory_space<hbm>>
      tpu.wait_indirect_dma semaphore(%arg14 : memref<!tpu.dma_semaphore, #tpu.memory_space<semaphore_mem>>) src(%dma_wait3A_153 : memref<5120x128xf32, #tpu.memory_space<hbm>>) dst(%arg10 : memref<128x128xf32, #tpu.memory_space<vmem>>)
      %dma_start3A_154 = arith.constant 0 : i32
      %dma_start3A_155 = arith.constant 0 : i32
      %dma_start3A_156 = tpu.memref_slice %arg13[%dma_start3A_154, %dma_start3A_155] : memref<10240x128xf32, #tpu.memory_space<vmem_shared>> -> memref<10240x128xf32, #tpu.memory_space<vmem_shared>>
      tpu.enqueue_indirect_dma source(%arg10 : memref<128x128xf32, #tpu.memory_space<vmem>>) target(%dma_start3A_156 : memref<10240x128xf32, #tpu.memory_space<vmem_shared>>) offsets(%arg8 : memref<128xi32, #tpu.memory_space<vmem>>) semaphore(%arg18 : memref<!tpu.dma_semaphore, #tpu.memory_space<semaphore_mem>>) {add = true}
      %mul3A_157 = arith.constant 2 : i32
      %mul3A_158 = arith.muli %scan3A_121, %mul3A_157 : i32
      %add3A_159 = arith.constant 2 : i32
      %add3A_160 = arith.addi %mul3A_158, %add3A_159 : i32
      %add3A_161 = arith.constant 1 : i32
      %add3A_162 = arith.addi %add3A_160, %add3A_161 : i32
      %mul3A_163 = arith.constant 128 : i32
      %mul3A_164 = arith.muli %add3A_162, %mul3A_163 : i32
      %add3A_165 = arith.addi %mul3A_42, %mul3A_164 : i32
      %dma_wait3A_166 = tpu.memref_slice %arg3[%add3A_165] : memref<323584xi32, #tpu.memory_space<hbm>> -> memref<128xi32, #tpu.memory_space<hbm>>
      %dma_wait3A_167 = tpu.memref_slice %arg3[%add3A_165] : memref<323584xi32, #tpu.memory_space<hbm>> -> memref<128xi32, #tpu.memory_space<hbm>>
      tpu.wait_dma2 semaphore(%arg17 : memref<!tpu.dma_semaphore, #tpu.memory_space<semaphore_mem>>) src(%dma_wait3A_167 : memref<128xi32, #tpu.memory_space<hbm>>) dst(%arg7 : memref<128xi32, #tpu.memory_space<vmem>>)
      %dma_wait3A_168 = tpu.memref_slice %arg4[%add3A_165] : memref<323584xi32, #tpu.memory_space<hbm>> -> memref<128xi32, #tpu.memory_space<hbm>>
      %dma_wait3A_169 = tpu.memref_slice %arg4[%add3A_165] : memref<323584xi32, #tpu.memory_space<hbm>> -> memref<128xi32, #tpu.memory_space<hbm>>
      tpu.wait_dma2 semaphore(%arg17 : memref<!tpu.dma_semaphore, #tpu.memory_space<semaphore_mem>>) src(%dma_wait3A_169 : memref<128xi32, #tpu.memory_space<hbm>>) dst(%arg9 : memref<128xi32, #tpu.memory_space<vmem>>)
      %dma_wait3A_170 = arith.constant 0 : i32
      %dma_wait3A_171 = arith.constant 0 : i32
      %dma_wait3A_172 = tpu.memref_slice %arg13[%dma_wait3A_170, %dma_wait3A_171] : memref<10240x128xf32, #tpu.memory_space<vmem_shared>> -> memref<10240x128xf32, #tpu.memory_space<vmem_shared>>
      tpu.wait_indirect_dma semaphore(%arg18 : memref<!tpu.dma_semaphore, #tpu.memory_space<semaphore_mem>>) src(%arg11 : memref<128x128xf32, #tpu.memory_space<vmem>>) dst(%dma_wait3A_172 : memref<10240x128xf32, #tpu.memory_space<vmem_shared>>)
      %dma_start3A_173 = arith.constant 0 : i32
      %dma_start3A_174 = arith.constant 0 : i32
      %dma_start3A_175 = tpu.memref_slice %arg2[%dma_start3A_173, %dma_start3A_174] : memref<5120x128xf32, #tpu.memory_space<hbm>> -> memref<5120x128xf32, #tpu.memory_space<hbm>>
      tpu.enqueue_indirect_dma source(%dma_start3A_175 : memref<5120x128xf32, #tpu.memory_space<hbm>>) target(%arg11 : memref<128x128xf32, #tpu.memory_space<vmem>>) offsets(%arg7 : memref<128xi32, #tpu.memory_space<vmem>>) semaphore(%arg15 : memref<!tpu.dma_semaphore, #tpu.memory_space<semaphore_mem>>)
      %add3A_176 = arith.constant 1 : i32
      %add3A_177 = arith.addi %add3A_162, %add3A_176 : i32
      %mul3A_178 = arith.constant 128 : i32
      %mul3A_179 = arith.muli %add3A_177, %mul3A_178 : i32
      %add3A_180 = arith.addi %mul3A_42, %mul3A_179 : i32
      %dma_start3A_181 = tpu.memref_slice %arg3[%add3A_180] : memref<323584xi32, #tpu.memory_space<hbm>> -> memref<128xi32, #tpu.memory_space<hbm>>
      %dma_start3A_182 = tpu.memref_slice %arg3[%add3A_180] : memref<323584xi32, #tpu.memory_space<hbm>> -> memref<128xi32, #tpu.memory_space<hbm>>
      tpu.enqueue_dma source(%dma_start3A_182 : memref<128xi32, #tpu.memory_space<hbm>>) target(%arg6 : memref<128xi32, #tpu.memory_space<vmem>>) target_semaphore(%arg16 : memref<!tpu.dma_semaphore, #tpu.memory_space<semaphore_mem>>)
      %dma_start3A_183 = tpu.memref_slice %arg4[%add3A_180] : memref<323584xi32, #tpu.memory_space<hbm>> -> memref<128xi32, #tpu.memory_space<hbm>>
      %dma_start3A_184 = tpu.memref_slice %arg4[%add3A_180] : memref<323584xi32, #tpu.memory_space<hbm>> -> memref<128xi32, #tpu.memory_space<hbm>>
      tpu.enqueue_dma source(%dma_start3A_184 : memref<128xi32, #tpu.memory_space<hbm>>) target(%arg8 : memref<128xi32, #tpu.memory_space<vmem>>) target_semaphore(%arg16 : memref<!tpu.dma_semaphore, #tpu.memory_space<semaphore_mem>>)
      %dma_wait3A_185 = arith.constant 0 : i32
      %dma_wait3A_186 = arith.constant 0 : i32
      %dma_wait3A_187 = tpu.memref_slice %arg2[%dma_wait3A_185, %dma_wait3A_186] : memref<5120x128xf32, #tpu.memory_space<hbm>> -> memref<5120x128xf32, #tpu.memory_space<hbm>>
      tpu.wait_indirect_dma semaphore(%arg15 : memref<!tpu.dma_semaphore, #tpu.memory_space<semaphore_mem>>) src(%dma_wait3A_187 : memref<5120x128xf32, #tpu.memory_space<hbm>>) dst(%arg11 : memref<128x128xf32, #tpu.memory_space<vmem>>)
      %dma_start3A_188 = arith.constant 0 : i32
      %dma_start3A_189 = arith.constant 0 : i32
      %dma_start3A_190 = tpu.memref_slice %arg13[%dma_start3A_188, %dma_start3A_189] : memref<10240x128xf32, #tpu.memory_space<vmem_shared>> -> memref<10240x128xf32, #tpu.memory_space<vmem_shared>>
      tpu.enqueue_indirect_dma source(%arg11 : memref<128x128xf32, #tpu.memory_space<vmem>>) target(%dma_start3A_190 : memref<10240x128xf32, #tpu.memory_space<vmem_shared>>) offsets(%arg9 : memref<128xi32, #tpu.memory_space<vmem>>) semaphore(%arg18 : memref<!tpu.dma_semaphore, #tpu.memory_space<semaphore_mem>>) {add = true}
      %scan3A_191 = arith.constant 0 : i32
      scf.yield %scan3A_191 : i32
    }
    %scan3A_95 = arith.constant 38 : i32
    %add3A_96 = arith.constant 9984 : i32
    %add3A_97 = arith.addi %mul3A_42, %add3A_96 : i32
    %dma_wait3A_98 = tpu.memref_slice %arg3[%add3A_97] : memref<323584xi32, #tpu.memory_space<hbm>> -> memref<128xi32, #tpu.memory_space<hbm>>
    %dma_wait3A_99 = tpu.memref_slice %arg3[%add3A_97] : memref<323584xi32, #tpu.memory_space<hbm>> -> memref<128xi32, #tpu.memory_space<hbm>>
    tpu.wait_dma2 semaphore(%arg16 : memref<!tpu.dma_semaphore, #tpu.memory_space<semaphore_mem>>) src(%dma_wait3A_99 : memref<128xi32, #tpu.memory_space<hbm>>) dst(%arg6 : memref<128xi32, #tpu.memory_space<vmem>>)
    %dma_wait3A_100 = tpu.memref_slice %arg4[%add3A_97] : memref<323584xi32, #tpu.memory_space<hbm>> -> memref<128xi32, #tpu.memory_space<hbm>>
    %dma_wait3A_101 = tpu.memref_slice %arg4[%add3A_97] : memref<323584xi32, #tpu.memory_space<hbm>> -> memref<128xi32, #tpu.memory_space<hbm>>
    tpu.wait_dma2 semaphore(%arg16 : memref<!tpu.dma_semaphore, #tpu.memory_space<semaphore_mem>>) src(%dma_wait3A_101 : memref<128xi32, #tpu.memory_space<hbm>>) dst(%arg8 : memref<128xi32, #tpu.memory_space<vmem>>)
    %dma_wait3A_102 = arith.constant 0 : i32
    %dma_wait3A_103 = arith.constant 0 : i32
    %dma_wait3A_104 = tpu.memref_slice %arg13[%dma_wait3A_102, %dma_wait3A_103] : memref<10240x128xf32, #tpu.memory_space<vmem_shared>> -> memref<10240x128xf32, #tpu.memory_space<vmem_shared>>
    tpu.wait_indirect_dma semaphore(%arg18 : memref<!tpu.dma_semaphore, #tpu.memory_space<semaphore_mem>>) src(%arg10 : memref<128x128xf32, #tpu.memory_space<vmem>>) dst(%dma_wait3A_104 : memref<10240x128xf32, #tpu.memory_space<vmem_shared>>)
    %dma_start3A_105 = arith.constant 0 : i32
    %dma_start3A_106 = arith.constant 0 : i32
    %dma_start3A_107 = tpu.memref_slice %arg2[%dma_start3A_105, %dma_start3A_106] : memref<5120x128xf32, #tpu.memory_space<hbm>> -> memref<5120x128xf32, #tpu.memory_space<hbm>>
    tpu.enqueue_indirect_dma source(%dma_start3A_107 : memref<5120x128xf32, #tpu.memory_space<hbm>>) target(%arg10 : memref<128x128xf32, #tpu.memory_space<vmem>>) offsets(%arg6 : memref<128xi32, #tpu.memory_space<vmem>>) semaphore(%arg14 : memref<!tpu.dma_semaphore, #tpu.memory_space<semaphore_mem>>)
    %dma_wait3A_108 = arith.constant 0 : i32
    %dma_wait3A_109 = arith.constant 0 : i32
    %dma_wait3A_110 = tpu.memref_slice %arg2[%dma_wait3A_108, %dma_wait3A_109] : memref<5120x128xf32, #tpu.memory_space<hbm>> -> memref<5120x128xf32, #tpu.memory_space<hbm>>
    tpu.wait_indirect_dma semaphore(%arg14 : memref<!tpu.dma_semaphore, #tpu.memory_space<semaphore_mem>>) src(%dma_wait3A_110 : memref<5120x128xf32, #tpu.memory_space<hbm>>) dst(%arg10 : memref<128x128xf32, #tpu.memory_space<vmem>>)
    %dma_start3A_111 = arith.constant 0 : i32
    %dma_start3A_112 = arith.constant 0 : i32
    %dma_start3A_113 = tpu.memref_slice %arg13[%dma_start3A_111, %dma_start3A_112] : memref<10240x128xf32, #tpu.memory_space<vmem_shared>> -> memref<10240x128xf32, #tpu.memory_space<vmem_shared>>
    tpu.enqueue_indirect_dma source(%arg10 : memref<128x128xf32, #tpu.memory_space<vmem>>) target(%dma_start3A_113 : memref<10240x128xf32, #tpu.memory_space<vmem_shared>>) offsets(%arg8 : memref<128xi32, #tpu.memory_space<vmem>>) semaphore(%arg18 : memref<!tpu.dma_semaphore, #tpu.memory_space<semaphore_mem>>) {add = true}
    %dma_wait3A_114 = arith.constant 0 : i32
    %dma_wait3A_115 = arith.constant 0 : i32
    %dma_wait3A_116 = tpu.memref_slice %arg13[%dma_wait3A_114, %dma_wait3A_115] : memref<10240x128xf32, #tpu.memory_space<vmem_shared>> -> memref<10240x128xf32, #tpu.memory_space<vmem_shared>>
    tpu.wait_indirect_dma semaphore(%arg18 : memref<!tpu.dma_semaphore, #tpu.memory_space<semaphore_mem>>) src(%arg10 : memref<128x128xf32, #tpu.memory_space<vmem>>) dst(%dma_wait3A_116 : memref<10240x128xf32, #tpu.memory_space<vmem_shared>>)
    %dma_wait3A_117 = arith.constant 0 : i32
    %dma_wait3A_118 = arith.constant 0 : i32
    %dma_wait3A_119 = tpu.memref_slice %arg13[%dma_wait3A_117, %dma_wait3A_118] : memref<10240x128xf32, #tpu.memory_space<vmem_shared>> -> memref<10240x128xf32, #tpu.memory_space<vmem_shared>>
    tpu.wait_indirect_dma semaphore(%arg18 : memref<!tpu.dma_semaphore, #tpu.memory_space<semaphore_mem>>) src(%arg11 : memref<128x128xf32, #tpu.memory_space<vmem>>) dst(%dma_wait3A_119 : memref<10240x128xf32, #tpu.memory_space<vmem_shared>>)
    %barrier3A_120 = arith.constant 0 : index
    tpu.barrier barrier_id(%barrier3A_120)
    "tpu.region"() ({
      %run_scoped3A = tpu.sem_alloc : memref<!tpu.dma_semaphore, #tpu.memory_space<semaphore_mem>>
      %dma_start3A_121 = arith.constant 0 : i32
      %dma_start3A_122 = tpu.memref_slice %arg5[%arg0, %mul3A_8, %dma_start3A_121] : memref<2x10240x128xf32, #tpu.memory_space<hbm>> -> memref<1x640x128xf32, #tpu.memory_space<hbm>>
      %dma_start3A_123 = tpu.memref_squeeze %dma_start3A_122 : memref<1x640x128xf32, #tpu.memory_space<hbm>> -> memref<640x128xf32, #tpu.memory_space<hbm>>
      %dma_start3A_124 = arith.constant 0 : i32
      %dma_start3A_125 = tpu.memref_slice %arg13[%mul3A_8, %dma_start3A_124] : memref<10240x128xf32, #tpu.memory_space<vmem_shared>> -> memref<640x128xf32, #tpu.memory_space<vmem_shared>>
      tpu.enqueue_dma source(%dma_start3A_125 : memref<640x128xf32, #tpu.memory_space<vmem_shared>>) target(%dma_start3A_123 : memref<640x128xf32, #tpu.memory_space<hbm>>) target_semaphore(%run_scoped3A : memref<!tpu.dma_semaphore, #tpu.memory_space<semaphore_mem>>)
      %dma_wait3A_126 = arith.constant 0 : i32
      %dma_wait3A_127 = tpu.memref_slice %arg5[%arg0, %mul3A_8, %dma_wait3A_126] : memref<2x10240x128xf32, #tpu.memory_space<hbm>> -> memref<1x640x128xf32, #tpu.memory_space<hbm>>
      %dma_wait3A_128 = tpu.memref_squeeze %dma_wait3A_127 : memref<1x640x128xf32, #tpu.memory_space<hbm>> -> memref<640x128xf32, #tpu.memory_space<hbm>>
      %dma_wait3A_129 = arith.constant 0 : i32
      %dma_wait3A_130 = tpu.memref_slice %arg13[%mul3A_8, %dma_wait3A_129] : memref<10240x128xf32, #tpu.memory_space<vmem_shared>> -> memref<640x128xf32, #tpu.memory_space<vmem_shared>>
      tpu.wait_dma2 semaphore(%run_scoped3A : memref<!tpu.dma_semaphore, #tpu.memory_space<semaphore_mem>>) src(%dma_wait3A_130 : memref<640x128xf32, #tpu.memory_space<vmem_shared>>) dst(%dma_wait3A_128 : memref<640x128xf32, #tpu.memory_space<hbm>>)
      tpu.yield
    }) : () -> ()
    return
  }
}

#map = affine_map<(d0, d1) -> (0, 0)>
#map1 = affine_map<(d0, d1) -> (0)>
module attributes {stable_mosaic.version = 14 : i64} {
  func.func @k(%arg0: i32, %arg1: i32, %arg2: memref<500x128xf32, #tpu.memory_space<hbm>>, %arg3: memref<10240xi32, #tpu.memory_space<hbm>>, %arg4: memref<10240x128xf32, #tpu.memory_space<hbm>>, %arg5: memref<80xi32, #tpu.memory_space<vmem>>, %arg6: memref<320x128xf32, #tpu.memory_space<vmem>>, %arg7: memref<!tpu.dma_semaphore, #tpu.memory_space<semaphore_mem>>) attributes {dimension_semantics = [#tpu.dimension_semantics<core_parallel>, #tpu.dimension_semantics<subcore_parallel>], iteration_bounds = array<i64: 2, 16>, scalar_prefetch = 0 : i64, scratch_operands = 3 : i64, tpu.core_type = #tpu.core_type<sc_vector_subcore>, window_params = [{transform_indices = #map}, {transform_indices = #map1}, {transform_indices = #map}]} {
    %mul3A = arith.constant 2 : i32
    %mul3A_0 = arith.muli %arg1, %mul3A : i32
    %add3A = arith.addi %mul3A_0, %arg0 : i32
    %mul3A_1 = arith.constant 320 : i32
    %mul3A_2 = arith.muli %add3A, %mul3A_1 : i32
    %scan3A = arith.constant 0 : i32
    %scan3A_3 = arith.constant 0 : i32
    %scan3A_4 = arith.constant 4 : i32
    %scan3A_5 = arith.addi %scan3A_3, %scan3A_4 : i32
    %scan3A_6 = arith.constant 1 : i32
    %scan3A_7 = scf.for %scan3A_9 = %scan3A_3 to %scan3A_5 step %scan3A_6 iter_args(%scan3A_10 = %scan3A) -> (i32)  : i32 {
      %mul3A_11 = arith.constant 80 : i32
      %mul3A_12 = arith.muli %scan3A_9, %mul3A_11 : i32
      %add3A_13 = arith.addi %mul3A_2, %mul3A_12 : i32
      "tpu.region"() ({
        %run_scoped3A = tpu.sem_alloc : memref<!tpu.dma_semaphore, #tpu.memory_space<semaphore_mem>>
        %dma_start3A_25 = tpu.memref_slice %arg3[%add3A_13] : memref<10240xi32, #tpu.memory_space<hbm>> -> memref<80xi32, #tpu.memory_space<hbm>>
        %dma_start3A_26 = tpu.memref_slice %arg3[%add3A_13] : memref<10240xi32, #tpu.memory_space<hbm>> -> memref<80xi32, #tpu.memory_space<hbm>>
        tpu.enqueue_dma source(%dma_start3A_26 : memref<80xi32, #tpu.memory_space<hbm>>) target(%arg5 : memref<80xi32, #tpu.memory_space<vmem>>) target_semaphore(%run_scoped3A : memref<!tpu.dma_semaphore, #tpu.memory_space<semaphore_mem>>)
        %dma_wait3A_27 = tpu.memref_slice %arg3[%add3A_13] : memref<10240xi32, #tpu.memory_space<hbm>> -> memref<80xi32, #tpu.memory_space<hbm>>
        %dma_wait3A_28 = tpu.memref_slice %arg3[%add3A_13] : memref<10240xi32, #tpu.memory_space<hbm>> -> memref<80xi32, #tpu.memory_space<hbm>>
        tpu.wait_dma2 semaphore(%run_scoped3A : memref<!tpu.dma_semaphore, #tpu.memory_space<semaphore_mem>>) src(%dma_wait3A_28 : memref<80xi32, #tpu.memory_space<hbm>>) dst(%arg5 : memref<80xi32, #tpu.memory_space<vmem>>)
        tpu.yield
      }) : () -> ()
      %mul3A_14 = arith.constant 80 : i32
      %mul3A_15 = arith.muli %scan3A_9, %mul3A_14 : i32
      %dma_start3A = arith.constant 0 : i32
      %dma_start3A_16 = tpu.memref_slice %arg6[%mul3A_15, %dma_start3A] : memref<320x128xf32, #tpu.memory_space<vmem>> -> memref<80x128xf32, #tpu.memory_space<vmem>>
      %dma_start3A_17 = arith.constant 0 : i32
      %dma_start3A_18 = arith.constant 0 : i32
      %dma_start3A_19 = tpu.memref_slice %arg2[%dma_start3A_17, %dma_start3A_18] : memref<500x128xf32, #tpu.memory_space<hbm>> -> memref<500x128xf32, #tpu.memory_space<hbm>>
      tpu.enqueue_indirect_dma source(%dma_start3A_19 : memref<500x128xf32, #tpu.memory_space<hbm>>) target(%dma_start3A_16 : memref<80x128xf32, #tpu.memory_space<vmem>>) offsets(%arg5 : memref<80xi32, #tpu.memory_space<vmem>>) semaphore(%arg7 : memref<!tpu.dma_semaphore, #tpu.memory_space<semaphore_mem>>)
      %dma_wait3A = arith.constant 0 : i32
      %dma_wait3A_20 = tpu.memref_slice %arg6[%mul3A_15, %dma_wait3A] : memref<320x128xf32, #tpu.memory_space<vmem>> -> memref<80x128xf32, #tpu.memory_space<vmem>>
      %dma_wait3A_21 = arith.constant 0 : i32
      %dma_wait3A_22 = arith.constant 0 : i32
      %dma_wait3A_23 = tpu.memref_slice %arg2[%dma_wait3A_21, %dma_wait3A_22] : memref<500x128xf32, #tpu.memory_space<hbm>> -> memref<500x128xf32, #tpu.memory_space<hbm>>
      tpu.wait_indirect_dma semaphore(%arg7 : memref<!tpu.dma_semaphore, #tpu.memory_space<semaphore_mem>>) src(%dma_wait3A_23 : memref<500x128xf32, #tpu.memory_space<hbm>>) dst(%dma_wait3A_20 : memref<80x128xf32, #tpu.memory_space<vmem>>)
      %scan3A_24 = arith.constant 0 : i32
      scf.yield %scan3A_24 : i32
    }
    %scan3A_8 = arith.constant 4 : i32
    "tpu.region"() ({
      %run_scoped3A = tpu.sem_alloc : memref<!tpu.dma_semaphore, #tpu.memory_space<semaphore_mem>>
      %dma_start3A = arith.constant 0 : i32
      %dma_start3A_9 = tpu.memref_slice %arg4[%mul3A_2, %dma_start3A] : memref<10240x128xf32, #tpu.memory_space<hbm>> -> memref<320x128xf32, #tpu.memory_space<hbm>>
      %dma_start3A_10 = arith.constant 0 : i32
      %dma_start3A_11 = tpu.memref_slice %arg4[%mul3A_2, %dma_start3A_10] : memref<10240x128xf32, #tpu.memory_space<hbm>> -> memref<320x128xf32, #tpu.memory_space<hbm>>
      tpu.enqueue_dma source(%arg6 : memref<320x128xf32, #tpu.memory_space<vmem>>) target(%dma_start3A_11 : memref<320x128xf32, #tpu.memory_space<hbm>>) target_semaphore(%run_scoped3A : memref<!tpu.dma_semaphore, #tpu.memory_space<semaphore_mem>>)
      %dma_wait3A = arith.constant 0 : i32
      %dma_wait3A_12 = tpu.memref_slice %arg4[%mul3A_2, %dma_wait3A] : memref<10240x128xf32, #tpu.memory_space<hbm>> -> memref<320x128xf32, #tpu.memory_space<hbm>>
      %dma_wait3A_13 = arith.constant 0 : i32
      %dma_wait3A_14 = tpu.memref_slice %arg4[%mul3A_2, %dma_wait3A_13] : memref<10240x128xf32, #tpu.memory_space<hbm>> -> memref<320x128xf32, #tpu.memory_space<hbm>>
      tpu.wait_dma2 semaphore(%run_scoped3A : memref<!tpu.dma_semaphore, #tpu.memory_space<semaphore_mem>>) src(%arg6 : memref<320x128xf32, #tpu.memory_space<vmem>>) dst(%dma_wait3A_14 : memref<320x128xf32, #tpu.memory_space<hbm>>)
      tpu.yield
    }) : () -> ()
    return
  }
}

module attributes {stable_mosaic.version = 14 : i64} {
  func.func @body(%arg0: i32, %arg1: memref<1280x128xf32, #tpu.memory_space<vmem>>, %arg2: memref<128x128xf32, #tpu.memory_space<vmem>>, %arg3: memref<1x128xf32, #tpu.memory_space<vmem>>, %arg4: memref<1280x128xf32, #tpu.memory_space<vmem>>) attributes {dimension_semantics = [#tpu.dimension_semantics<arbitrary>], iteration_bounds = array<i64: 8>, scalar_prefetch = 0 : i64, scratch_operands = 0 : i64, tpu.core_type = #tpu.core_type<tc>, window_params = [{transform_indices = @transform_0, window_bounds = array<i64: 1280, 128>}, {pipeline_mode = #tpu.pipeline_mode<synchronous>, transform_indices = @transform_1, window_bounds = array<i64: 128, 128>}, {pipeline_mode = #tpu.pipeline_mode<synchronous>, transform_indices = @transform_2, window_bounds = array<i64: 1, 128>}, {transform_indices = @transform_3, window_bounds = array<i64: 1280, 128>}]} {
    %get3A = arith.constant 0 : index
    %get3A_0 = arith.constant 0 : index
    %get3A_1 = vector.load %arg1[%get3A, %get3A_0] : memref<1280x128xf32, #tpu.memory_space<vmem>>, vector<1280x128xf32>
    %get3A_2 = arith.constant 0 : index
    %get3A_3 = arith.constant 0 : index
    %get3A_4 = vector.load %arg2[%get3A_2, %get3A_3] : memref<128x128xf32, #tpu.memory_space<vmem>>, vector<128x128xf32>
    %dot_general3A = arith.constant dense<0.000000e+00> : vector<1280x128xf32>
    %dot_general3A_5 = tpu.matmul %get3A_1, %get3A_4, %dot_general3A {dimension_numbers = #tpu.dot_dimension_numbers<[1], [0], [0], [1], [0, 0, 1, 1], [], []>, precision = #tpu.contract_precision<fp32>, transpose_lhs_hint = false} : vector<1280x128xf32>, vector<128x128xf32>, vector<1280x128xf32> -> vector<1280x128xf32>
    %get3A_6 = arith.constant 0 : index
    %get3A_7 = arith.constant 0 : index
    %get3A_8 = vector.load %arg3[%get3A_6, %get3A_7] : memref<1x128xf32, #tpu.memory_space<vmem>>, vector<1x128xf32>
    %add3A = vector.broadcast %get3A_8 : vector<1x128xf32> to vector<1280x128xf32>
    %add3A_9 = arith.addf %dot_general3A_5, %add3A : vector<1280x128xf32>
    %max3A = arith.constant 0.000000e+00 : f32
    %max3A_10 = vector.broadcast %max3A : f32 to vector<1280x128xf32>
    %max3A_11 = arith.maximumf %add3A_9, %max3A_10 : vector<1280x128xf32>
    %swap3A = arith.constant 0 : index
    %swap3A_12 = arith.constant 0 : index
    %swap3A_13 = vector.load %arg4[%swap3A, %swap3A_12] : memref<1280x128xf32, #tpu.memory_space<vmem>>, vector<1280x128xf32>
    tpu.vector_store %arg4[%swap3A, %swap3A_12], %max3A_11 {strides = array<i32>} : memref<1280x128xf32, #tpu.memory_space<vmem>>, vector<1280x128xf32>,
    return
  }
  func.func @transform_0(%arg0: i32) -> (i32, i32) {
    %c0_i32 = arith.constant 0 : i32
    %c0_i32_0 = arith.constant 0 : i32
    return %arg0, %c0_i32 : i32, i32
  }
  func.func @transform_1(%arg0: i32) -> (i32, i32) {
    %c0_i32 = arith.constant 0 : i32
    %c0_i32_0 = arith.constant 0 : i32
    %c0_i32_1 = arith.constant 0 : i32
    return %c0_i32, %c0_i32_0 : i32, i32
  }
  func.func @transform_2(%arg0: i32) -> (i32, i32) {
    %c0_i32 = arith.constant 0 : i32
    %c0_i32_0 = arith.constant 0 : i32
    %c0_i32_1 = arith.constant 0 : i32
    return %c0_i32, %c0_i32_0 : i32, i32
  }
  func.func @transform_3(%arg0: i32) -> (i32, i32) {
    %c0_i32 = arith.constant 0 : i32
    %c0_i32_0 = arith.constant 0 : i32
    return %arg0, %c0_i32 : i32, i32
  }
}

module attributes {stable_mosaic.version = 14 : i64} {
  func.func @body(%arg0: memref<5120x128xf32, #tpu.memory_space<vmem>>, %arg1: memref<5120x128xf32, #tpu.memory_space<vmem>>, %arg2: memref<5120x128xf32, #tpu.memory_space<vmem>>) attributes {dimension_semantics = [], scalar_prefetch = 0 : i64, scratch_operands = 0 : i64, tpu.core_type = #tpu.core_type<tc>} {
    %get3A = arith.constant 0 : index
    %get3A_0 = arith.constant 0 : index
    %get3A_1 = vector.load %arg0[%get3A, %get3A_0] : memref<5120x128xf32, #tpu.memory_space<vmem>>, vector<5120x128xf32>
    %get3A_2 = arith.constant 0 : index
    %get3A_3 = arith.constant 0 : index
    %get3A_4 = vector.load %arg1[%get3A_2, %get3A_3] : memref<5120x128xf32, #tpu.memory_space<vmem>>, vector<5120x128xf32>
    %add3A = arith.addf %get3A_1, %get3A_4 : vector<5120x128xf32>
    %max3A = arith.constant 1.000000e+00 : f32
    %max3A_5 = vector.broadcast %max3A : f32 to vector<5120x128xf32>
    %max3A_6 = arith.maximumf %add3A, %max3A_5 : vector<5120x128xf32>
    %div3A = arith.constant 1.000000e+00 : f32
    %div3A_7 = vector.broadcast %div3A : f32 to vector<5120x128xf32>
    %div3A_8 = arith.divf %div3A_7, %max3A_6 : vector<5120x128xf32>
    %swap3A = arith.constant 0 : index
    %swap3A_9 = arith.constant 0 : index
    %swap3A_10 = vector.load %arg2[%swap3A, %swap3A_9] : memref<5120x128xf32, #tpu.memory_space<vmem>>, vector<5120x128xf32>
    tpu.vector_store %arg2[%swap3A, %swap3A_9], %div3A_8 {strides = array<i32>} : memref<5120x128xf32, #tpu.memory_space<vmem>>, vector<5120x128xf32>,
    return
  }
}

module attributes {stable_mosaic.version = 14 : i64} {
  func.func @body(%arg0: i32, %arg1: memref<1280x128xf32, #tpu.memory_space<vmem>>, %arg2: memref<1280x128xf32, #tpu.memory_space<vmem>>, %arg3: memref<1280x1xf32, #tpu.memory_space<vmem>>, %arg4: memref<1280x128xf32, #tpu.memory_space<vmem>>) attributes {dimension_semantics = [#tpu.dimension_semantics<arbitrary>], iteration_bounds = array<i64: 4>, scalar_prefetch = 0 : i64, scratch_operands = 0 : i64, tpu.core_type = #tpu.core_type<tc>, window_params = [{transform_indices = @transform_0, window_bounds = array<i64: 1280, 128>}, {transform_indices = @transform_1, window_bounds = array<i64: 1280, 128>}, {transform_indices = @transform_2, window_bounds = array<i64: 1280, 1>}, {transform_indices = @transform_3, window_bounds = array<i64: 1280, 128>}]} {
    %get3A = arith.constant 0 : index
    %get3A_0 = arith.constant 0 : index
    %get3A_1 = vector.load %arg1[%get3A, %get3A_0] : memref<1280x128xf32, #tpu.memory_space<vmem>>, vector<1280x128xf32>
    %get3A_2 = arith.constant 0 : index
    %get3A_3 = arith.constant 0 : index
    %get3A_4 = vector.load %arg2[%get3A_2, %get3A_3] : memref<1280x128xf32, #tpu.memory_space<vmem>>, vector<1280x128xf32>
    %add3A = arith.addf %get3A_1, %get3A_4 : vector<1280x128xf32>
    %get3A_5 = arith.constant 0 : index
    %get3A_6 = arith.constant 0 : index
    %get3A_7 = vector.load %arg3[%get3A_5, %get3A_6] : memref<1280x1xf32, #tpu.memory_space<vmem>>, vector<1280x1xf32>
    %mul3A = vector.broadcast %get3A_7 : vector<1280x1xf32> to vector<1280x128xf32>
    %mul3A_8 = arith.mulf %add3A, %mul3A : vector<1280x128xf32>
    %swap3A = arith.constant 0 : index
    %swap3A_9 = arith.constant 0 : index
    %swap3A_10 = vector.load %arg4[%swap3A, %swap3A_9] : memref<1280x128xf32, #tpu.memory_space<vmem>>, vector<1280x128xf32>
    tpu.vector_store %arg4[%swap3A, %swap3A_9], %mul3A_8 {strides = array<i32>} : memref<1280x128xf32, #tpu.memory_space<vmem>>, vector<1280x128xf32>,
    return
  }
  func.func @transform_0(%arg0: i32) -> (i32, i32) {
    %c0_i32 = arith.constant 0 : i32
    %c0_i32_0 = arith.constant 0 : i32
    return %arg0, %c0_i32 : i32, i32
  }
  func.func @transform_1(%arg0: i32) -> (i32, i32) {
    %c0_i32 = arith.constant 0 : i32
    %c0_i32_0 = arith.constant 0 : i32
    return %arg0, %c0_i32 : i32, i32
  }
  func.func @transform_2(%arg0: i32) -> (i32, i32) {
    %c0_i32 = arith.constant 0 : i32
    %c0_i32_0 = arith.constant 0 : i32
    return %arg0, %c0_i32 : i32, i32
  }
  func.func @transform_3(%arg0: i32) -> (i32, i32) {
    %c0_i32 = arith.constant 0 : i32
    %c0_i32_0 = arith.constant 0 : i32
    return %arg0, %c0_i32 : i32, i32
  }
}

module attributes {stable_mosaic.version = 14 : i64} {
  func.func @body(%arg0: i32, %arg1: memref<1280x128xf32, #tpu.memory_space<vmem>>, %arg2: memref<1280x128xf32, #tpu.memory_space<vmem>>, %arg3: memref<1280x1xf32, #tpu.memory_space<vmem>>, %arg4: memref<1280x128xf32, #tpu.memory_space<vmem>>) attributes {dimension_semantics = [#tpu.dimension_semantics<arbitrary>], iteration_bounds = array<i64: 8>, scalar_prefetch = 0 : i64, scratch_operands = 0 : i64, tpu.core_type = #tpu.core_type<tc>, window_params = [{transform_indices = @transform_0, window_bounds = array<i64: 1280, 128>}, {transform_indices = @transform_1, window_bounds = array<i64: 1280, 128>}, {transform_indices = @transform_2, window_bounds = array<i64: 1280, 1>}, {transform_indices = @transform_3, window_bounds = array<i64: 1280, 128>}]} {
    %get3A = arith.constant 0 : index
    %get3A_0 = arith.constant 0 : index
    %get3A_1 = vector.load %arg1[%get3A, %get3A_0] : memref<1280x128xf32, #tpu.memory_space<vmem>>, vector<1280x128xf32>
    %get3A_2 = arith.constant 0 : index
    %get3A_3 = arith.constant 0 : index
    %get3A_4 = vector.load %arg2[%get3A_2, %get3A_3] : memref<1280x128xf32, #tpu.memory_space<vmem>>, vector<1280x128xf32>
    %add3A = arith.addf %get3A_1, %get3A_4 : vector<1280x128xf32>
    %get3A_5 = arith.constant 0 : index
    %get3A_6 = arith.constant 0 : index
    %get3A_7 = vector.load %arg3[%get3A_5, %get3A_6] : memref<1280x1xf32, #tpu.memory_space<vmem>>, vector<1280x1xf32>
    %mul3A = vector.broadcast %get3A_7 : vector<1280x1xf32> to vector<1280x128xf32>
    %mul3A_8 = arith.mulf %add3A, %mul3A : vector<1280x128xf32>
    %max3A = arith.constant 0.000000e+00 : f32
    %max3A_9 = vector.broadcast %max3A : f32 to vector<1280x128xf32>
    %max3A_10 = arith.maximumf %mul3A_8, %max3A_9 : vector<1280x128xf32>
    %swap3A = arith.constant 0 : index
    %swap3A_11 = arith.constant 0 : index
    %swap3A_12 = vector.load %arg4[%swap3A, %swap3A_11] : memref<1280x128xf32, #tpu.memory_space<vmem>>, vector<1280x128xf32>
    tpu.vector_store %arg4[%swap3A, %swap3A_11], %max3A_10 {strides = array<i32>} : memref<1280x128xf32, #tpu.memory_space<vmem>>, vector<1280x128xf32>,
    return
  }
  func.func @transform_0(%arg0: i32) -> (i32, i32) {
    %c0_i32 = arith.constant 0 : i32
    %c0_i32_0 = arith.constant 0 : i32
    return %arg0, %c0_i32 : i32, i32
  }
  func.func @transform_1(%arg0: i32) -> (i32, i32) {
    %c0_i32 = arith.constant 0 : i32
    %c0_i32_0 = arith.constant 0 : i32
    return %arg0, %c0_i32 : i32, i32
  }
  func.func @transform_2(%arg0: i32) -> (i32, i32) {
    %c0_i32 = arith.constant 0 : i32
    %c0_i32_0 = arith.constant 0 : i32
    return %arg0, %c0_i32 : i32, i32
  }
  func.func @transform_3(%arg0: i32) -> (i32, i32) {
    %c0_i32 = arith.constant 0 : i32
    %c0_i32_0 = arith.constant 0 : i32
    return %arg0, %c0_i32 : i32, i32
  }
}

module attributes {stable_mosaic.version = 14 : i64} {
  func.func @body(%arg0: memref<10240x128xf32, #tpu.memory_space<vmem>>, %arg1: memref<10240x128xf32, #tpu.memory_space<vmem>>, %arg2: memref<10240x128xf32, #tpu.memory_space<vmem>>) attributes {dimension_semantics = [], scalar_prefetch = 0 : i64, scratch_operands = 0 : i64, tpu.core_type = #tpu.core_type<tc>} {
    %get3A = arith.constant 0 : index
    %get3A_0 = arith.constant 0 : index
    %get3A_1 = vector.load %arg0[%get3A, %get3A_0] : memref<10240x128xf32, #tpu.memory_space<vmem>>, vector<10240x128xf32>
    %get3A_2 = arith.constant 0 : index
    %get3A_3 = arith.constant 0 : index
    %get3A_4 = vector.load %arg1[%get3A_2, %get3A_3] : memref<10240x128xf32, #tpu.memory_space<vmem>>, vector<10240x128xf32>
    %add3A = arith.addf %get3A_1, %get3A_4 : vector<10240x128xf32>
    %max3A = arith.constant 1.000000e+00 : f32
    %max3A_5 = vector.broadcast %max3A : f32 to vector<10240x128xf32>
    %max3A_6 = arith.maximumf %add3A, %max3A_5 : vector<10240x128xf32>
    %div3A = arith.constant 1.000000e+00 : f32
    %div3A_7 = vector.broadcast %div3A : f32 to vector<10240x128xf32>
    %div3A_8 = arith.divf %div3A_7, %max3A_6 : vector<10240x128xf32>
    %swap3A = arith.constant 0 : index
    %swap3A_9 = arith.constant 0 : index
    %swap3A_10 = vector.load %arg2[%swap3A, %swap3A_9] : memref<10240x128xf32, #tpu.memory_space<vmem>>, vector<10240x128xf32>
    tpu.vector_store %arg2[%swap3A, %swap3A_9], %div3A_8 {strides = array<i32>} : memref<10240x128xf32, #tpu.memory_space<vmem>>, vector<10240x128xf32>,
    return
  }
}

module attributes {stable_mosaic.version = 14 : i64} {
  func.func @body(%arg0: i32, %arg1: memref<1280x128xf32, #tpu.memory_space<vmem>>, %arg2: memref<1280x128xf32, #tpu.memory_space<vmem>>, %arg3: memref<1280x1xf32, #tpu.memory_space<vmem>>, %arg4: memref<1280x128xf32, #tpu.memory_space<vmem>>, %arg5: memref<1280x128xf32, #tpu.memory_space<vmem>>) attributes {dimension_semantics = [#tpu.dimension_semantics<arbitrary>], iteration_bounds = array<i64: 8>, scalar_prefetch = 0 : i64, scratch_operands = 0 : i64, tpu.core_type = #tpu.core_type<tc>, window_params = [{transform_indices = @transform_0, window_bounds = array<i64: 1280, 128>}, {transform_indices = @transform_1, window_bounds = array<i64: 1280, 128>}, {transform_indices = @transform_2, window_bounds = array<i64: 1280, 1>}, {transform_indices = @transform_3, window_bounds = array<i64: 1280, 128>}, {transform_indices = @transform_4, window_bounds = array<i64: 1280, 128>}]} {
    %get3A = arith.constant 0 : index
    %get3A_0 = arith.constant 0 : index
    %get3A_1 = vector.load %arg1[%get3A, %get3A_0] : memref<1280x128xf32, #tpu.memory_space<vmem>>, vector<1280x128xf32>
    %get3A_2 = arith.constant 0 : index
    %get3A_3 = arith.constant 0 : index
    %get3A_4 = vector.load %arg2[%get3A_2, %get3A_3] : memref<1280x128xf32, #tpu.memory_space<vmem>>, vector<1280x128xf32>
    %add3A = arith.addf %get3A_1, %get3A_4 : vector<1280x128xf32>
    %get3A_5 = arith.constant 0 : index
    %get3A_6 = arith.constant 0 : index
    %get3A_7 = vector.load %arg3[%get3A_5, %get3A_6] : memref<1280x1xf32, #tpu.memory_space<vmem>>, vector<1280x1xf32>
    %mul3A = vector.broadcast %get3A_7 : vector<1280x1xf32> to vector<1280x128xf32>
    %mul3A_8 = arith.mulf %add3A, %mul3A : vector<1280x128xf32>
    %get3A_9 = arith.constant 0 : index
    %get3A_10 = arith.constant 0 : index
    %get3A_11 = vector.load %arg4[%get3A_9, %get3A_10] : memref<1280x128xf32, #tpu.memory_space<vmem>>, vector<1280x128xf32>
    %add3A_12 = arith.addf %mul3A_8, %get3A_11 : vector<1280x128xf32>
    %swap3A = arith.constant 0 : index
    %swap3A_13 = arith.constant 0 : index
    %swap3A_14 = vector.load %arg5[%swap3A, %swap3A_13] : memref<1280x128xf32, #tpu.memory_space<vmem>>, vector<1280x128xf32>
    tpu.vector_store %arg5[%swap3A, %swap3A_13], %add3A_12 {strides = array<i32>} : memref<1280x128xf32, #tpu.memory_space<vmem>>, vector<1280x128xf32>,
    return
  }
  func.func @transform_0(%arg0: i32) -> (i32, i32) {
    %c0_i32 = arith.constant 0 : i32
    %c0_i32_0 = arith.constant 0 : i32
    return %arg0, %c0_i32 : i32, i32
  }
  func.func @transform_1(%arg0: i32) -> (i32, i32) {
    %c0_i32 = arith.constant 0 : i32
    %c0_i32_0 = arith.constant 0 : i32
    return %arg0, %c0_i32 : i32, i32
  }
  func.func @transform_2(%arg0: i32) -> (i32, i32) {
    %c0_i32 = arith.constant 0 : i32
    %c0_i32_0 = arith.constant 0 : i32
    return %arg0, %c0_i32 : i32, i32
  }
  func.func @transform_3(%arg0: i32) -> (i32, i32) {
    %c0_i32 = arith.constant 0 : i32
    %c0_i32_0 = arith.constant 0 : i32
    return %arg0, %c0_i32 : i32, i32
  }
  func.func @transform_4(%arg0: i32) -> (i32, i32) {
    %c0_i32 = arith.constant 0 : i32
    %c0_i32_0 = arith.constant 0 : i32
    return %arg0, %c0_i32 : i32, i32
  }
}

module attributes {stable_mosaic.version = 14 : i64} {
  func.func @body(%arg0: i32, %arg1: memref<1000x128xf32, #tpu.memory_space<vmem>>, %arg2: memref<1000x3xf32, #tpu.memory_space<vmem>>, %arg3: memref<128x64xf32, #tpu.memory_space<vmem>>, %arg4: memref<3x64xf32, #tpu.memory_space<vmem>>, %arg5: memref<1x64xf32, #tpu.memory_space<vmem>>, %arg6: memref<128x64xf32, #tpu.memory_space<vmem>>, %arg7: memref<3x64xf32, #tpu.memory_space<vmem>>, %arg8: memref<1x64xf32, #tpu.memory_space<vmem>>, %arg9: memref<64x64xf32, #tpu.memory_space<vmem>>, %arg10: memref<1x64xf32, #tpu.memory_space<vmem>>, %arg11: memref<1x64xf32, #tpu.memory_space<vmem>>, %arg12: memref<1x64xf32, #tpu.memory_space<vmem>>, %arg13: memref<64x3xf32, #tpu.memory_space<vmem>>, %arg14: memref<1x3xf32, #tpu.memory_space<vmem>>, %arg15: memref<64x128xf32, #tpu.memory_space<vmem>>, %arg16: memref<3x128xf32, #tpu.memory_space<vmem>>, %arg17: memref<1x128xf32, #tpu.memory_space<vmem>>, %arg18: memref<1000x64xf32, #tpu.memory_space<vmem>>, %arg19: memref<1000x64xf32, #tpu.memory_space<vmem>>, %arg20: memref<1000x3xf32, #tpu.memory_space<vmem>>, %arg21: memref<1000x128xf32, #tpu.memory_space<vmem>>) attributes {dimension_semantics = [#tpu.dimension_semantics<arbitrary>], iteration_bounds = array<i64: 5>, scalar_prefetch = 0 : i64, scratch_operands = 0 : i64, tpu.core_type = #tpu.core_type<tc>, window_params = [{transform_indices = @transform_0, window_bounds = array<i64: 1000, 128>}, {transform_indices = @transform_1, window_bounds = array<i64: 1000, 3>}, {pipeline_mode = #tpu.pipeline_mode<synchronous>, transform_indices = @transform_2, window_bounds = array<i64: 128, 64>}, {pipeline_mode = #tpu.pipeline_mode<synchronous>, transform_indices = @transform_3, window_bounds = array<i64: 3, 64>}, {pipeline_mode = #tpu.pipeline_mode<synchronous>, transform_indices = @transform_4, window_bounds = array<i64: 1, 64>}, {pipeline_mode = #tpu.pipeline_mode<synchronous>, transform_indices = @transform_5, window_bounds = array<i64: 128, 64>}, {pipeline_mode = #tpu.pipeline_mode<synchronous>, transform_indices = @transform_6, window_bounds = array<i64: 3, 64>}, {pipeline_mode = #tpu.pipeline_mode<synchronous>, transform_indices = @transform_7, window_bounds = array<i64: 1, 64>}, {pipeline_mode = #tpu.pipeline_mode<synchronous>, transform_indices = @transform_8, window_bounds = array<i64: 64, 64>}, {pipeline_mode = #tpu.pipeline_mode<synchronous>, transform_indices = @transform_9, window_bounds = array<i64: 1, 64>}, {pipeline_mode = #tpu.pipeline_mode<synchronous>, transform_indices = @transform_10, window_bounds = array<i64: 1, 64>}, {pipeline_mode = #tpu.pipeline_mode<synchronous>, transform_indices = @transform_11, window_bounds = array<i64: 1, 64>}, {pipeline_mode = #tpu.pipeline_mode<synchronous>, transform_indices = @transform_12, window_bounds = array<i64: 64, 3>}, {pipeline_mode = #tpu.pipeline_mode<synchronous>, transform_indices = @transform_13, window_bounds = array<i64: 1, 3>}, {pipeline_mode = #tpu.pipeline_mode<synchronous>, transform_indices = @transform_14, window_bounds = array<i64: 64, 128>}, {pipeline_mode = #tpu.pipeline_mode<synchronous>, transform_indices = @transform_15, window_bounds = array<i64: 3, 128>}, {pipeline_mode = #tpu.pipeline_mode<synchronous>, transform_indices = @transform_16, window_bounds = array<i64: 1, 128>}, {transform_indices = @transform_17, window_bounds = array<i64: 1000, 64>}, {transform_indices = @transform_18, window_bounds = array<i64: 1000, 64>}, {transform_indices = @transform_19, window_bounds = array<i64: 1000, 3>}, {transform_indices = @transform_20, window_bounds = array<i64: 1000, 128>}]} {
    %get3A = arith.constant 0 : index
    %get3A_0 = arith.constant 0 : index
    %get3A_1 = vector.load %arg1[%get3A, %get3A_0] : memref<1000x128xf32, #tpu.memory_space<vmem>>, vector<1000x128xf32>
    %get3A_2 = arith.constant 0 : index
    %get3A_3 = arith.constant 0 : index
    %get3A_4 = vector.load %arg2[%get3A_2, %get3A_3] : memref<1000x3xf32, #tpu.memory_space<vmem>>, vector<1000x3xf32>
    %get3A_5 = arith.constant 0 : index
    %get3A_6 = arith.constant 0 : index
    %get3A_7 = vector.load %arg3[%get3A_5, %get3A_6] : memref<128x64xf32, #tpu.memory_space<vmem>>, vector<128x64xf32>
    %dot_general3A = arith.constant dense<0.000000e+00> : vector<1000x64xf32>
    %dot_general3A_8 = tpu.matmul %get3A_1, %get3A_7, %dot_general3A {dimension_numbers = #tpu.dot_dimension_numbers<[1], [0], [0], [1], [0, 0, 1, 1], [], []>, precision = #tpu.contract_precision<fp32>, transpose_lhs_hint = false} : vector<1000x128xf32>, vector<128x64xf32>, vector<1000x64xf32> -> vector<1000x64xf32>
    %get3A_9 = arith.constant 0 : index
    %get3A_10 = arith.constant 0 : index
    %get3A_11 = vector.load %arg4[%get3A_9, %get3A_10] : memref<3x64xf32, #tpu.memory_space<vmem>>, vector<3x64xf32>
    %dot_general3A_12 = arith.constant dense<0.000000e+00> : vector<1000x64xf32>
    %dot_general3A_13 = tpu.matmul %get3A_4, %get3A_11, %dot_general3A_12 {dimension_numbers = #tpu.dot_dimension_numbers<[1], [0], [0], [1], [0, 0, 1, 1], [], []>, precision = #tpu.contract_precision<fp32>, transpose_lhs_hint = false} : vector<1000x3xf32>, vector<3x64xf32>, vector<1000x64xf32> -> vector<1000x64xf32>
    %add3A = arith.addf %dot_general3A_8, %dot_general3A_13 : vector<1000x64xf32>
    %get3A_14 = arith.constant 0 : index
    %get3A_15 = arith.constant 0 : index
    %get3A_16 = vector.load %arg5[%get3A_14, %get3A_15] : memref<1x64xf32, #tpu.memory_space<vmem>>, vector<1x64xf32>
    %add3A_17 = vector.broadcast %get3A_16 : vector<1x64xf32> to vector<1000x64xf32>
    %add3A_18 = arith.addf %add3A, %add3A_17 : vector<1000x64xf32>
    %get3A_19 = arith.constant 0 : index
    %get3A_20 = arith.constant 0 : index
    %get3A_21 = vector.load %arg6[%get3A_19, %get3A_20] : memref<128x64xf32, #tpu.memory_space<vmem>>, vector<128x64xf32>
    %dot_general3A_22 = arith.constant dense<0.000000e+00> : vector<1000x64xf32>
    %dot_general3A_23 = tpu.matmul %get3A_1, %get3A_21, %dot_general3A_22 {dimension_numbers = #tpu.dot_dimension_numbers<[1], [0], [0], [1], [0, 0, 1, 1], [], []>, precision = #tpu.contract_precision<fp32>, transpose_lhs_hint = false} : vector<1000x128xf32>, vector<128x64xf32>, vector<1000x64xf32> -> vector<1000x64xf32>
    %get3A_24 = arith.constant 0 : index
    %get3A_25 = arith.constant 0 : index
    %get3A_26 = vector.load %arg7[%get3A_24, %get3A_25] : memref<3x64xf32, #tpu.memory_space<vmem>>, vector<3x64xf32>
    %dot_general3A_27 = arith.constant dense<0.000000e+00> : vector<1000x64xf32>
    %dot_general3A_28 = tpu.matmul %get3A_4, %get3A_26, %dot_general3A_27 {dimension_numbers = #tpu.dot_dimension_numbers<[1], [0], [0], [1], [0, 0, 1, 1], [], []>, precision = #tpu.contract_precision<fp32>, transpose_lhs_hint = false} : vector<1000x3xf32>, vector<3x64xf32>, vector<1000x64xf32> -> vector<1000x64xf32>
    %add3A_29 = arith.addf %dot_general3A_23, %dot_general3A_28 : vector<1000x64xf32>
    %get3A_30 = arith.constant 0 : index
    %get3A_31 = arith.constant 0 : index
    %get3A_32 = vector.load %arg8[%get3A_30, %get3A_31] : memref<1x64xf32, #tpu.memory_space<vmem>>, vector<1x64xf32>
    %add3A_33 = vector.broadcast %get3A_32 : vector<1x64xf32> to vector<1000x64xf32>
    %add3A_34 = arith.addf %add3A_29, %add3A_33 : vector<1000x64xf32>
    %get3A_35 = arith.constant 0 : index
    %get3A_36 = arith.constant 0 : index
    %get3A_37 = vector.load %arg9[%get3A_35, %get3A_36] : memref<64x64xf32, #tpu.memory_space<vmem>>, vector<64x64xf32>
    %dot_general3A_38 = arith.constant dense<0.000000e+00> : vector<1000x64xf32>
    %dot_general3A_39 = tpu.matmul %add3A_18, %get3A_37, %dot_general3A_38 {dimension_numbers = #tpu.dot_dimension_numbers<[1], [0], [0], [1], [0, 0, 1, 1], [], []>, precision = #tpu.contract_precision<fp32>, transpose_lhs_hint = false} : vector<1000x64xf32>, vector<64x64xf32>, vector<1000x64xf32> -> vector<1000x64xf32>
    %get3A_40 = arith.constant 0 : index
    %get3A_41 = arith.constant 0 : index
    %get3A_42 = vector.load %arg10[%get3A_40, %get3A_41] : memref<1x64xf32, #tpu.memory_space<vmem>>, vector<1x64xf32>
    %add3A_43 = vector.broadcast %get3A_42 : vector<1x64xf32> to vector<1000x64xf32>
    %add3A_44 = arith.addf %dot_general3A_39, %add3A_43 : vector<1000x64xf32>
    %get3A_45 = arith.constant 0 : index
    %get3A_46 = arith.constant 0 : index
    %get3A_47 = vector.load %arg11[%get3A_45, %get3A_46] : memref<1x64xf32, #tpu.memory_space<vmem>>, vector<1x64xf32>
    %mul3A = vector.broadcast %get3A_47 : vector<1x64xf32> to vector<1000x64xf32>
    %mul3A_48 = arith.mulf %mul3A, %add3A_44 : vector<1000x64xf32>
    %get3A_49 = arith.constant 0 : index
    %get3A_50 = arith.constant 0 : index
    %get3A_51 = vector.load %arg12[%get3A_49, %get3A_50] : memref<1x64xf32, #tpu.memory_space<vmem>>, vector<1x64xf32>
    %add3A_52 = vector.broadcast %get3A_51 : vector<1x64xf32> to vector<1000x64xf32>
    %add3A_53 = arith.addf %mul3A_48, %add3A_52 : vector<1000x64xf32>
    %max3A = arith.constant 0.000000e+00 : f32
    %max3A_54 = vector.broadcast %max3A : f32 to vector<1000x64xf32>
    %max3A_55 = arith.maximumf %add3A_53, %max3A_54 : vector<1000x64xf32>
    %get3A_56 = arith.constant 0 : index
    %get3A_57 = arith.constant 0 : index
    %get3A_58 = vector.load %arg13[%get3A_56, %get3A_57] : memref<64x3xf32, #tpu.memory_space<vmem>>, vector<64x3xf32>
    %dot_general3A_59 = arith.constant dense<0.000000e+00> : vector<1000x3xf32>
    %dot_general3A_60 = tpu.matmul %max3A_55, %get3A_58, %dot_general3A_59 {dimension_numbers = #tpu.dot_dimension_numbers<[1], [0], [0], [1], [0, 0, 1, 1], [], []>, precision = #tpu.contract_precision<fp32>, transpose_lhs_hint = false} : vector<1000x64xf32>, vector<64x3xf32>, vector<1000x3xf32> -> vector<1000x3xf32>
    %get3A_61 = arith.constant 0 : index
    %get3A_62 = arith.constant 0 : index
    %get3A_63 = vector.load %arg14[%get3A_61, %get3A_62] : memref<1x3xf32, #tpu.memory_space<vmem>>, vector<1x3xf32>
    %add3A_64 = vector.broadcast %get3A_63 : vector<1x3xf32> to vector<1000x3xf32>
    %add3A_65 = arith.addf %dot_general3A_60, %add3A_64 : vector<1000x3xf32>
    %get3A_66 = arith.constant 0 : index
    %get3A_67 = arith.constant 0 : index
    %get3A_68 = vector.load %arg15[%get3A_66, %get3A_67] : memref<64x128xf32, #tpu.memory_space<vmem>>, vector<64x128xf32>
    %dot_general3A_69 = arith.constant dense<0.000000e+00> : vector<1000x128xf32>
    %dot_general3A_70 = tpu.matmul %add3A_18, %get3A_68, %dot_general3A_69 {dimension_numbers = #tpu.dot_dimension_numbers<[1], [0], [0], [1], [0, 0, 1, 1], [], []>, precision = #tpu.contract_precision<fp32>, transpose_lhs_hint = false} : vector<1000x64xf32>, vector<64x128xf32>, vector<1000x128xf32> -> vector<1000x128xf32>
    %get3A_71 = arith.constant 0 : index
    %get3A_72 = arith.constant 0 : index
    %get3A_73 = vector.load %arg16[%get3A_71, %get3A_72] : memref<3x128xf32, #tpu.memory_space<vmem>>, vector<3x128xf32>
    %dot_general3A_74 = arith.constant dense<0.000000e+00> : vector<1000x128xf32>
    %dot_general3A_75 = tpu.matmul %get3A_4, %get3A_73, %dot_general3A_74 {dimension_numbers = #tpu.dot_dimension_numbers<[1], [0], [0], [1], [0, 0, 1, 1], [], []>, precision = #tpu.contract_precision<fp32>, transpose_lhs_hint = false} : vector<1000x3xf32>, vector<3x128xf32>, vector<1000x128xf32> -> vector<1000x128xf32>
    %add3A_76 = arith.addf %dot_general3A_70, %dot_general3A_75 : vector<1000x128xf32>
    %get3A_77 = arith.constant 0 : index
    %get3A_78 = arith.constant 0 : index
    %get3A_79 = vector.load %arg17[%get3A_77, %get3A_78] : memref<1x128xf32, #tpu.memory_space<vmem>>, vector<1x128xf32>
    %add3A_80 = vector.broadcast %get3A_79 : vector<1x128xf32> to vector<1000x128xf32>
    %add3A_81 = arith.addf %add3A_76, %add3A_80 : vector<1000x128xf32>
    %swap3A = arith.constant 0 : index
    %swap3A_82 = arith.constant 0 : index
    %swap3A_83 = vector.load %arg18[%swap3A, %swap3A_82] : memref<1000x64xf32, #tpu.memory_space<vmem>>, vector<1000x64xf32>
    tpu.vector_store %arg18[%swap3A, %swap3A_82], %add3A_18 {strides = array<i32>} : memref<1000x64xf32, #tpu.memory_space<vmem>>, vector<1000x64xf32>,
    %swap3A_84 = arith.constant 0 : index
    %swap3A_85 = arith.constant 0 : index
    %swap3A_86 = vector.load %arg19[%swap3A_84, %swap3A_85] : memref<1000x64xf32, #tpu.memory_space<vmem>>, vector<1000x64xf32>
    tpu.vector_store %arg19[%swap3A_84, %swap3A_85], %add3A_34 {strides = array<i32>} : memref<1000x64xf32, #tpu.memory_space<vmem>>, vector<1000x64xf32>,
    %swap3A_87 = arith.constant 0 : index
    %swap3A_88 = arith.constant 0 : index
    %swap3A_89 = vector.load %arg20[%swap3A_87, %swap3A_88] : memref<1000x3xf32, #tpu.memory_space<vmem>>, vector<1000x3xf32>
    tpu.vector_store %arg20[%swap3A_87, %swap3A_88], %add3A_65 {strides = array<i32>} : memref<1000x3xf32, #tpu.memory_space<vmem>>, vector<1000x3xf32>,
    %swap3A_90 = arith.constant 0 : index
    %swap3A_91 = arith.constant 0 : index
    %swap3A_92 = vector.load %arg21[%swap3A_90, %swap3A_91] : memref<1000x128xf32, #tpu.memory_space<vmem>>, vector<1000x128xf32>
    tpu.vector_store %arg21[%swap3A_90, %swap3A_91], %add3A_81 {strides = array<i32>} : memref<1000x128xf32, #tpu.memory_space<vmem>>, vector<1000x128xf32>,
    return
  }
  func.func @transform_0(%arg0: i32) -> (i32, i32) {
    %c0_i32 = arith.constant 0 : i32
    %c0_i32_0 = arith.constant 0 : i32
    return %arg0, %c0_i32 : i32, i32
  }
  func.func @transform_1(%arg0: i32) -> (i32, i32) {
    %c0_i32 = arith.constant 0 : i32
    %c0_i32_0 = arith.constant 0 : i32
    return %arg0, %c0_i32 : i32, i32
  }
  func.func @transform_2(%arg0: i32) -> (i32, i32) {
    %c0_i32 = arith.constant 0 : i32
    %c0_i32_0 = arith.constant 0 : i32
    %c0_i32_1 = arith.constant 0 : i32
    return %c0_i32, %c0_i32_0 : i32, i32
  }
  func.func @transform_3(%arg0: i32) -> (i32, i32) {
    %c0_i32 = arith.constant 0 : i32
    %c0_i32_0 = arith.constant 0 : i32
    %c0_i32_1 = arith.constant 0 : i32
    return %c0_i32, %c0_i32_0 : i32, i32
  }
  func.func @transform_4(%arg0: i32) -> (i32, i32) {
    %c0_i32 = arith.constant 0 : i32
    %c0_i32_0 = arith.constant 0 : i32
    %c0_i32_1 = arith.constant 0 : i32
    return %c0_i32, %c0_i32_0 : i32, i32
  }
  func.func @transform_5(%arg0: i32) -> (i32, i32) {
    %c0_i32 = arith.constant 0 : i32
    %c0_i32_0 = arith.constant 0 : i32
    %c0_i32_1 = arith.constant 0 : i32
    return %c0_i32, %c0_i32_0 : i32, i32
  }
  func.func @transform_6(%arg0: i32) -> (i32, i32) {
    %c0_i32 = arith.constant 0 : i32
    %c0_i32_0 = arith.constant 0 : i32
    %c0_i32_1 = arith.constant 0 : i32
    return %c0_i32, %c0_i32_0 : i32, i32
  }
  func.func @transform_7(%arg0: i32) -> (i32, i32) {
    %c0_i32 = arith.constant 0 : i32
    %c0_i32_0 = arith.constant 0 : i32
    %c0_i32_1 = arith.constant 0 : i32
    return %c0_i32, %c0_i32_0 : i32, i32
  }
  func.func @transform_8(%arg0: i32) -> (i32, i32) {
    %c0_i32 = arith.constant 0 : i32
    %c0_i32_0 = arith.constant 0 : i32
    %c0_i32_1 = arith.constant 0 : i32
    return %c0_i32, %c0_i32_0 : i32, i32
  }
  func.func @transform_9(%arg0: i32) -> (i32, i32) {
    %c0_i32 = arith.constant 0 : i32
    %c0_i32_0 = arith.constant 0 : i32
    %c0_i32_1 = arith.constant 0 : i32
    return %c0_i32, %c0_i32_0 : i32, i32
  }
  func.func @transform_10(%arg0: i32) -> (i32, i32) {
    %c0_i32 = arith.constant 0 : i32
    %c0_i32_0 = arith.constant 0 : i32
    %c0_i32_1 = arith.constant 0 : i32
    return %c0_i32, %c0_i32_0 : i32, i32
  }
  func.func @transform_11(%arg0: i32) -> (i32, i32) {
    %c0_i32 = arith.constant 0 : i32
    %c0_i32_0 = arith.constant 0 : i32
    %c0_i32_1 = arith.constant 0 : i32
    return %c0_i32, %c0_i32_0 : i32, i32
  }
  func.func @transform_12(%arg0: i32) -> (i32, i32) {
    %c0_i32 = arith.constant 0 : i32
    %c0_i32_0 = arith.constant 0 : i32
    %c0_i32_1 = arith.constant 0 : i32
    return %c0_i32, %c0_i32_0 : i32, i32
  }
  func.func @transform_13(%arg0: i32) -> (i32, i32) {
    %c0_i32 = arith.constant 0 : i32
    %c0_i32_0 = arith.constant 0 : i32
    %c0_i32_1 = arith.constant 0 : i32
    return %c0_i32, %c0_i32_0 : i32, i32
  }
  func.func @transform_14(%arg0: i32) -> (i32, i32) {
    %c0_i32 = arith.constant 0 : i32
    %c0_i32_0 = arith.constant 0 : i32
    %c0_i32_1 = arith.constant 0 : i32
    return %c0_i32, %c0_i32_0 : i32, i32
  }
  func.func @transform_15(%arg0: i32) -> (i32, i32) {
    %c0_i32 = arith.constant 0 : i32
    %c0_i32_0 = arith.constant 0 : i32
    %c0_i32_1 = arith.constant 0 : i32
    return %c0_i32, %c0_i32_0 : i32, i32
  }
  func.func @transform_16(%arg0: i32) -> (i32, i32) {
    %c0_i32 = arith.constant 0 : i32
    %c0_i32_0 = arith.constant 0 : i32
    %c0_i32_1 = arith.constant 0 : i32
    return %c0_i32, %c0_i32_0 : i32, i32
  }
  func.func @transform_17(%arg0: i32) -> (i32, i32) {
    %c0_i32 = arith.constant 0 : i32
    %c0_i32_0 = arith.constant 0 : i32
    return %arg0, %c0_i32 : i32, i32
  }
  func.func @transform_18(%arg0: i32) -> (i32, i32) {
    %c0_i32 = arith.constant 0 : i32
    %c0_i32_0 = arith.constant 0 : i32
    return %arg0, %c0_i32 : i32, i32
  }
  func.func @transform_19(%arg0: i32) -> (i32, i32) {
    %c0_i32 = arith.constant 0 : i32
    %c0_i32_0 = arith.constant 0 : i32
    return %arg0, %c0_i32 : i32, i32
  }
  func.func @transform_20(%arg0: i32) -> (i32, i32) {
    %c0_i32 = arith.constant 0 : i32
    %c0_i32_0 = arith.constant 0 : i32
    return %arg0, %c0_i32 : i32, i32
  }
}

</mosaic_0001>

<sc_bundles>
// kernel: kernel.18.cloned.1.call-start
scs
__scs_entry_jumppad:
0x0: {  	(pc) =	sbr.rel $0x88, $3  }
0x1: {  	(tag) =	ssettag $0x0;
	lr =	simm.s32 $0x1  }
0x2: {  	[smem:$0x3F8A] =	sst lr;
	_ =	strace $0xD0000000  }
0x3: {  	_ = 	snop  }
0x4: {  	_ = 	snop  }
0x5: {  	_ = 	snop  }
0x6: {  	_ = 	snop  }
0x7: {  	_ = 	snop  }
__scs_overlays_trampoline_lowered:
0x8: {  	[smem:$0x3F99] =	sst s0  }
0x9: {  	[smem:$0x3F9A] =	sst s1  }
0xa: {  	[smem:$0x3F9B] =	sst s2  }
0xb: {  	[smem:$0x3F9C] =	sst s3  }
0xc: {  	[smem:$0x3F9D] =	sst s4  }
0xd: {  	[smem:$0x3F9E] =	sst s5  }
0xe: {  	[smem:$0x3F9F] =	sst s6  }
0xf: {  	[smem:$0x3FA0] =	sst s7  }
0x10: {  	[smem:$0x3FA1] =	sst s8  }
0x11: {  	[smem:$0x3FA2] =	sst s9;
	s0 =	simm.s32 @!p0 $0x0  }
0x12: {  	s1 =	sld [smem:$0x3F88];
	s0 =	simm.s32 @p0 $0x1  }
0x13: {  	[smem:$0x3FA3] =	sst s0;
	s0 =	simm.s32 @!p1 $0x0  }
0x14: {  	s2 =	sld [smem:$0x3F87];
	s0 =	simm.s32 @p1 $0x1  }
0x15: {  	[smem:$0x3FA4] =	sst s0;
	s0 =	simm.s32 @!p2 $0x0  }
0x16: {  	s3 =	sld [smem:$0x3FDB];
	s0 =	simm.s32 @p2 $0x1  }
0x17: {  	s4 =	simm.s32 $0x1BF5;
	[smem:$0x3FA6] =	sst s0  }
0x18: {  	s0 =	sld [smem:$0x3F89];
	_ =	swait.ge [sflag:s4], $0x0  }
0x19: {  	s7 =	sld [smem:$0x3F8A]  }
0x1a: {  	s8 =	sadd.s32 $0xFFFFE003, lr  }
0x1b: {  	s9 =	sadd.s32 $0xFFFFFEF7, lr;
	s5 =	simm.s32 $0xFFFFFFFF;
	p2 =	slt.u32 s8, $0xFFFFF086  }
0x1c: {  	p1 =	slt.u32 s9, $0xF7A;
	s5 =	simm.s32 @!p2 $0x0  }
0x1d: {  	s5 =	simm.s32 @p1 $0x1;
	p0 =	seq.s32 s7, s2  }
0x1e: {  	s7 =	smul.u32 @!p0 $0xF7A, s2;
	p2 =	seq.s32 @!p0 s5, $0x0  }
0x1f: {  	s9 =	smul.u32 $0xF7A, s1;
	s8 =	simm.s32 @!p0 $0x1BF5;
	p2 =	por !p2, p0  }
0x20: {  	[sflag:s8] =	ssyncset.s32 @!p0 $0xFFFFF086;
	s6 =	sadd.s32 @!p0 s3, s7;
	s7 =	simm.s32 @!p0 $0x108  }
0x21: {  	s3 =	sadd.s32 s3, s9;
	s6 =	sadd.s32 @!p0 $0x88, s6;
	s7 =	simm.s32 @p2 $0x1082  }
0x22: {  	[simem:s7], [sflag:s8] =	dma.local @!p0 [hbm:s6], $0xF7A  }
0x23: {  	s9 =	sor.u32 $0xD0000000, s2;
	s6 =	simm.s32 $0x108;
	_ =	swait.ge @!p0 [sflag:s8], $0x0  }
0x24: {  	s3 =	sadd.s32 $0x88, s3;
	s6 =	simm.s32 @!p1 $0x1082;
	[sflag:s4] =	ssyncset.s32 $0xFFFFF086  }
0x25: {  	[simem:s6], [sflag:s4] =	dma.local [hbm:s3], $0xF7A  }
0x26: {  	[smem:$0x3F8A] =	sst s1;
	(tag) =	ssettag s2;
	_ =	strace s9  }
0x27: {  	s1 =	sld [smem:$0x3F9A]  }
0x28: {  	s2 =	sld [smem:$0x3F9B]  }
0x29: {  	s4 =	sld [smem:$0x3F9D]  }
0x2a: {  	p0 =	seq.s32 s5, $0x0;
	s5 =	sld [smem:$0x3F9E]  }
0x2b: {  	s6 =	sld [smem:$0x3F9F]  }
0x2c: {  	s7 =	sld [smem:$0x3FA0]  }
0x2d: {  	s3 =	simm.s32 $0x108;
	s8 =	sld [smem:$0x3FA1]  }
0x2e: {  	s3 =	simm.s32 @!p0 $0x1082;
	s9 =	sld [smem:$0x3FA2]  }
0x2f: {  	lr =	sadd.s32 s0, s3;
	s0 =	sld [smem:$0x3F99]  }
0x30: {  	s3 =	sld [smem:$0x3F9C]  }
0x31: {  	[smem:$0x3FA5] =	sst s10  }
0x32: {  	s10 =	sld [smem:$0x3FA3];
	_ =	sdelay $0x3  }
0x33: {  	p0 =	seq.s32 s10, $0x1;
	s10 =	sld [smem:$0x3FA5];
	_ =	sdelay $0x3  }
0x34: {  	[smem:$0x3FA5] =	sst s10  }
0x35: {  	s10 =	sld [smem:$0x3FA4];
	_ =	sdelay $0x3  }
0x36: {  	p1 =	seq.s32 s10, $0x1;
	s10 =	sld [smem:$0x3FA5];
	_ =	sdelay $0x3  }
0x37: {  	[smem:$0x3FA5] =	sst s10  }
0x38: {  	s10 =	sld [smem:$0x3FA6]  }
0x39: {  	_ = 	snop;
	(pc) =	sbr.ind lr, $3  }
0x3a: {  	_ = 	snop  }
0x3b: {  	_ = 	snop  }
0x3c: {  	p2 =	seq.s32 s10, $0x1;
	s10 =	sld [smem:$0x3FA5]  }
0x3d: {  	_ =	shalt  }
0x3e: {  	_ =	shalt  }
0x3f: {  	_ =	shalt  }
0x40: {  	_ =	shalt  }
0x41: {  	_ =	shalt  }
0x42: {  	_ =	shalt  }
0x43: {  	_ =	shalt  }
0x44: {  	_ =	shalt  }
0x45: {  	_ =	shalt  }
0x46: {  	_ =	shalt  }
0x47: {  	_ =	shalt  }
0x48: {  	_ =	shalt  }
0x49: {  	_ =	shalt  }
0x4a: {  	_ =	shalt  }
0x4b: {  	_ =	shalt  }
0x4c: {  	_ =	shalt  }
0x4d: {  	_ =	shalt  }
0x4e: {  	_ =	shalt  }
0x4f: {  	_ =	shalt  }
0x50: {  	_ =	shalt  }
0x51: {  	_ =	shalt  }
0x52: {  	_ =	shalt  }
0x53: {  	_ =	shalt  }
0x54: {  	_ =	shalt  }
0x55: {  	_ =	shalt  }
0x56: {  	_ =	shalt  }
0x57: {  	_ =	shalt  }
0x58: {  	_ =	shalt  }
0x59: {  	_ =	shalt  }
0x5a: {  	_ =	shalt  }
0x5b: {  	_ =	shalt  }
0x5c: {  	_ =	shalt  }
0x5d: {  	_ =	shalt  }
0x5e: {  	_ =	shalt  }
0x5f: {  	_ =	shalt  }
0x60: {  	_ =	shalt  }
0x61: {  	_ =	shalt  }
0x62: {  	_ =	shalt  }
0x63: {  	_ =	shalt  }
0x64: {  	_ =	shalt  }
0x65: {  	_ =	shalt  }
0x66: {  	_ =	shalt  }
0x67: {  	_ =	shalt  }
0x68: {  	_ =	shalt  }
0x69: {  	_ =	shalt  }
0x6a: {  	_ =	shalt  }
0x6b: {  	_ =	shalt  }
0x6c: {  	_ =	shalt  }
0x6d: {  	_ =	shalt  }
0x6e: {  	_ =	shalt  }
0x6f: {  	_ =	shalt  }
0x70: {  	_ =	shalt  }
0x71: {  	_ =	shalt  }
0x72: {  	_ =	shalt  }
0x73: {  	_ =	shalt  }
0x74: {  	_ =	shalt  }
0x75: {  	_ =	shalt  }
0x76: {  	_ =	shalt  }
0x77: {  	_ =	shalt  }
0x78: {  	_ =	shalt  }
0x79: {  	_ =	shalt  }
0x7a: {  	_ =	shalt  }
0x7b: {  	_ =	shalt  }
0x7c: {  	_ =	shalt  }
0x7d: {  	_ =	shalt  }
0x7e: {  	_ =	shalt  }
0x7f: {  	_ =	shalt  }
0x80: {  	_ =	shalt  }
0x81: {  	_ =	shalt  }
0x82: {  	_ =	shalt  }
0x83: {  	_ =	shalt  }
0x84: {  	_ =	shalt  }
0x85: {  	_ =	shalt  }
0x86: {  	_ =	shalt  }
0x87: {  	_ =	shalt  }
.Lfunc_end0:
.L_simem_size_0:
called_computation_lowered:
.L_overlay_start_0:
0x88: {  	s2 =	sld [smem:$0x3FD9]  }
0x89: {  	s3 =	sld [smem:$0x3FFE];
	_ =	sdelay $0x1  }
0x8a: {  	s1 =	srdreg.scid  }
0x8b: {  	s0 =	sand.u32 $0x1, s1  }
0x8c: {  	s14 =	sshll.u32 s0, $0xA;
	s2 =	sadd.s32 s3, s2  }
0x8d: {  	s2 =	sadd.s32 s2, s14  }
0x8e: {  	[smem:$0x3FB1] =	sst s2  }
0x8f: {  	_ = 	snop  }
0x90: {  	s2 =	sld [smem:$0x3FD0];
	_ =	sdelay $0x2  }
0x91: {  	s15 =	simm.s32 $0xC;
	s4 =	simm.s32 $0x10  }
0x92: {  	[smem:s4], [sflag:s15] =	dma.local [hbm:s2], $0x1  }
0x93: {  	_ =	swait.eq [sflag:s15], $0x1  }
0x94: {  	[sflag:s15] =	ssyncset.done $0x0  }
0x95: {  	[sflag:s15] =	ssyncadd.s32 $0xFFFFFFFF  }
0x96: {  	s16 =	sld [smem:$0x11];
	(tm) =	ssettm $0x1  }
0x97: {  	s17 =	sld [smem:$0x3FFB];
	_ =	sdelay $0x3  }
0x98: {  	_ =	strace s17  }
0x99: {  	s3 =	sld [smem:$0x3FFC];
	_ =	sdelay $0x3  }
0x9a: {  	_ =	strace s3  }
0x9b: {  	s3 =	sld [smem:$0x3FFD];
	_ =	sdelay $0x3  }
0x9c: {  	_ =	strace s3  }
0x9d: {  	_ =	strace $0x8FFFFFFF  }
0x9e: {  	s18 =	sld [smem:$0x3FDB];
	_ =	sdelay $0x1  }
0x9f: {  	s19 =	simm.s32 $_scs_section_size  }
0xa0: {  	s5 =	simm.s32 $_size__tile_overlayer_lowered;
	s6 =	simm.s32 $_tile_overlayer_lowered  }
0xa1: {  	s22 =	simm.s32 $0x1BFF;
	s21 =	sshll.u32 s6, $0x1;
	s3 =	sadd.s32 s19, s18  }
0xa2: {  	s7 =	simm.s32 $0x0;
	s20 =	sshll.u32 s5, $0x1;
	s5 =	sadd.s32 s21, s3  }
0xa3: {  	[timem:s7], [sflag:s22] =	dma.local [hbm:s5], s20  }
0xa4: {  	_ =	swait.ge [sflag:s22], s20  }
0xa5: {  	s4 =	ssub.s32 $0x0, s20;
	[sflag:s22] =	ssyncset.done $0x0  }
0xa6: {  	[sflag:s22] =	ssyncadd.s32 s4;
	_ =	sdelay $0x1  }
0xa7: {  	s23 =	simm.s32 $0x1B8B  }
0xa8: {  	_ =	swait.ge [sflag:s23], $0x1  }
0xa9: {  	[sflag:s23] =	ssyncset.done $0x0  }
0xaa: {  	s25 =	simm.s32 $0x1B8E;
	s24 =	sld [smem:$0x3FFE];
	[sflag:s23] =	ssyncadd.s32 $0xFFFFFFFF  }
0xab: {  	s26 =	simm.s32 $execute0_lowered;
	[smem:$0x3FD2] =	sst s25  }
0xac: {  	s5 =	sshll.u32 s26, $0x1;
	_ =	strace $0x80000046;
	[dreg:$0x1] =	wrdreg $0xFFFFFFFF  }
0xad: {  	s28 =	simm.s32 $_size_execute0_lowered;
	s3 =	sadd.s32 s3, s5;
	[dreg:$0x0] =	wrdreg $0x0  }
0xae: {  	s5 =	sshll.u32 s28, $0x1;
	[dreg:$0x2] =	wrdreg s3  }
0xaf: {  	[dreg:$0x3] =	wrdreg s5  }
0xb0: {  	[dreg:$0x4] =	wrdreg $0xC0  }
0xb1: {  	_ =	task [dreg:s7], $0x5FFFF  }
0xb2: {  	[dreg:$0x1] =	wrdreg $0xFFFFFFFF  }
0xb3: {  	[dreg:$0x0] =	wrdreg $0x60  }
0xb4: {  	[dreg:$0x2] =	wrdreg s16  }
0xb5: {  	[dreg:$0x3] =	wrdreg s24  }
0xb6: {  	[dreg:$0x4] =	wrdreg $0x91000  }
0xb7: {  	[dreg:$0x5] =	wrdreg $0xA  }
0xb8: {  	_ =	task.clear_ibuf [dreg:s7], $0x6FFFF;
	_ =	strace $0x90000046  }
0xb9: {  	s29 =	simm.s32 $0xA;
	_ =	strace $0x80000048  }
0xba: {  	_ =	swait.ge [sflag:s29], $0x1  }
0xbb: {  	[sflag:s29] =	ssyncadd.s32 $0xFFFFFFFF  }
0xbc: {  	_ =	strace $0x90000048  }
0xbd: {  	_ =	sfence  }
0xbe: {  	s30 =	sld [smem:$0x0];
	_ =	sdelay $0x2  }
0xbf: {  	s31 =	sshll.u32 s1, $0xD;
	s1 =	sshrl.u32 s1, $0x2  }
0xc0: {  	s3 =	sand.u32 $0x4000, s31;
	s1 =	sadd.s32 s1, s30  }
0xc1: {  	s0 =	sor.u32 s3, s0;
	s1 =	sshll.u32 s1, $0x11  }
0xc2: {  	s0 =	sor.u32 s1, s0  }
0xc3: {  	s0 =	sadd.s32 $0x8F2B, s0  }
0xc4: {  	[sflag:s0] =	ssyncadd.remote.s32 $0x1  }
0xc5: {  	_ =	sfence.sel $0xFFFF  }
0xc6: {  	[dreg:$0x0] =	wrdreg $0xFFFFFFFF;
	(pc) =	sbr.abs _section_cstart, $3  }
0xc7: {  	[dreg:$0x1] =	wrdreg $0xFFFFFFFF  }
0xc8: {  	_ =	task.clear_ibuf [dreg:s7], $0x2FFFF;
	_ =	strace $0x9FFFFFFF  }
0xc9: {  	(tm) =	ssettm $0x7FFFFFFF  }
tec
execute0_lowered:
.L_overlay_start_1:
0x0: {  	(tag) =	ssettag $0x1  }
0x1: {  	s1 =	rddreg [dreg:$0x0]  }
0x2: {  	s5 =	rddreg [dreg:$0x1]  }
0x3: {  	s3 =	rddreg [dreg:$0x2];
	s2 =	srdreg.scid  }
0x4: {  	s0 =	rddreg [dreg:$0x3];
	s4 =	simm.s32 $0x0;
	s16 =	simm.s32 $0x1  }
0x5: {  	s17 =	simm.s32 $0x80;
	s18 =	simm.s32 $0x100;
	s6 =	sand.u32 $0x1, s2  }
0x6: {  	s19 =	simm.s32 $0x2;
	s2 =	stileid.u32;
	s7 =	smul.u32 $0xA0000, s6  }
0x7: {  	s20 =	simm.s32 $0x3;
	s21 =	simm.s32 $0x0;
	s8 =	smul.u32 $0xA000, s2  }
0x8: {  	[smem:$0x7FF] =	sst s4;
	s9 =	sshll.u32 s2, $0x1;
	s10 =	smul.u32 $0x28000, s2  }
0x9: {  	_ =	strace $0x80000047;
	s28 =	ssub.s32 $0x2, s6;
	s11 =	smul.u32 $0x4F00, s2  }
0xa: {  	s9 =	sor.u32 s6, s9;
	s12 =	sshrl.u32 s28, $0x1;
	s6 =	smul.u32 $0x2780, s6  }
0xb: {  	s9 =	smul.u32 $0x2780, s9;
	s7 =	sadd.s32 s8, s7;
	s12 =	ssub.s32 s28, s12  }
0xc: {  	s29 =	sshrl.u32 s10, $0x2;
	s7 =	sshrl.u32 s7, $0x3;
	s14 =	sadd.s32 s6, s11  }
0xd: {  	s11 =	smax.u32 s12, $0x1;
	s13 =	sadd.s32 s7, s5;
	s5 =	sadd.s32 s29, s3  }
0xe: {  	s30 =	sshrl.u32 s9, $0x3;
	s31 =	sadd.s32 $0x180, s14;
	s6 =	sadd.s32 $0x5000, s5  }
0xf: {  	s7 =	sadd.s32 s1, s30;
	s15 =	sshrl.u32 s31, $0x3;
	s10 =	sadd.s32 $0x7000, s13  }
0x10: {  	s13 =	sadd.s32 $0x100, s14;
	s14 =	simm.s32 $0x4100;
	s8 =	sadd.s32 $0x10, s7  }
0x11: {  	v0 =	vimm.f32 $1.000000000e+00;
	v1 =	vimm.f32 $0.0e+00;
	s9 =	sadd.s32 $0x4E0, s7;
	s12 =	sadd.s32 s15, s1;
	s15 =	simm.s32 $0x4  }
.LBB2_1:
0x12: {  	s22 =	simm.s32 $0x0;
	s23 =	simm.s32 $0x200  }
.LBB2_2:
0x13: {  	p0 =	sne.s32 s23, $0xFE00;
	[tilespmem:s22+$0x170] =	vst v0  }
0x14: {  	[tilespmem:s22+$0x100] =	vst v0  }
0x15: {  	[tilespmem:s22+$0x110] =	vst v0  }
.Ltmp0:
0x16: {  	[tilespmem:s22+$0x120] =	vst v0;
	(pc) =	sbr.rel @p0 .LBB2_2-.Ltmp0, $4  }
0x17: {  	[tilespmem:s22+$0x130] =	vst v0  }
0x18: {  	[tilespmem:s22+$0x140] =	vst v0  }
0x19: {  	[tilespmem:s22+$0x150] =	vst v0  }
0x1a: {  	[tilespmem:s22+$0x160] =	vst v0;
	s22 =	sshra.s32 s23, $0x2;
	s23 =	sadd.s32 $0x200, s23  }
0x1b: {  	[tilespmem:s22+$0x170] =	vst v0  }
0x1c: {  	[tilespmem:s22+$0x100] =	vst v0  }
0x1d: {  	[tilespmem:s22+$0x110] =	vst v0  }
0x1e: {  	[tilespmem:s22+$0x120] =	vst v0  }
0x1f: {  	[tilespmem:s22+$0x130] =	vst v0  }
0x20: {  	[tilespmem:s22+$0x140] =	vst v0  }
0x21: {  	[tilespmem:s22+$0x150] =	vst v0  }
0x22: {  	[tilespmem:s22+$0x160] =	vst v0;
	s22 =	simm.s32 $0x0;
	s23 =	simm.s32 $0x200  }
.LBB2_4:
0x23: {  	p0 =	sne.s32 s23, $0x13E00;
	[tilespmem:s22+$0x4170] =	vst v1  }
0x24: {  	[tilespmem:s22+$0x4100] =	vst v1  }
0x25: {  	[tilespmem:s22+$0x4110] =	vst v1  }
.Ltmp1:
0x26: {  	[tilespmem:s22+$0x4120] =	vst v1;
	(pc) =	sbr.rel @p0 .LBB2_4-.Ltmp1, $4  }
0x27: {  	[tilespmem:s22+$0x4130] =	vst v1  }
0x28: {  	[tilespmem:s22+$0x4140] =	vst v1  }
0x29: {  	[tilespmem:s22+$0x4150] =	vst v1  }
0x2a: {  	[tilespmem:s22+$0x4160] =	vst v1;
	s22 =	sshra.s32 s23, $0x2;
	s23 =	sadd.s32 $0x200, s23  }
0x2b: {  	[tilespmem:s22+$0x4170] =	vst v1  }
0x2c: {  	[tilespmem:s22+$0x4100] =	vst v1  }
0x2d: {  	[tilespmem:s22+$0x4110] =	vst v1  }
0x2e: {  	[tilespmem:s22+$0x4120] =	vst v1  }
0x2f: {  	[tilespmem:s22+$0x4130] =	vst v1  }
0x30: {  	[tilespmem:s22+$0x4140] =	vst v1  }
0x31: {  	[tilespmem:s22+$0x4150] =	vst v1  }
0x32: {  	[tilespmem:s22+$0x4160] =	vst v1  }
0x33: {  	[spmem:s5] =	stream.linear.scatter [tilespmem:s14], [sflag:$0x4], $0x5000, $0x38;
	[tilespmem:$0x13100] =	vst v63  }
0x34: {  	_ =	swait.ge [sflag:s15], $0x5000  }
0x35: {  	[sflag:s15] =	ssyncset.done $0x0  }
0x36: {  	[sflag:s15] =	ssyncadd.s32 $0xFFFFB000  }
0x37: {  	[spmem:s6] =	stream.linear.scatter [tilespmem:s14], [sflag:$0x4], $0x5000, $0x38;
	[tilespmem:$0x13100] =	vst v63  }
0x38: {  	_ =	swait.ge [sflag:s15], $0x5000  }
0x39: {  	[sflag:s15] =	ssyncset.done $0x0  }
0x3a: {  	[sflag:s15] =	ssyncadd.s32 $0xFFFFB000  }
0x3b: {  	s29 =	simm.s32 $0x0;
	[bflag:$0x0] =	sbarrier.arrive $0xFFFF  }
0x3c: {  	[tilespmem:s29], [sflag:$0x1] =	stream.linear.gather [hbm4b:s7+s29], $0x80, $0x38;
	[tilespmem:$0x13100] =	vst v63  }
0x3d: {  	_ =	swait.ge [sflag:s16], $0x80  }
0x3e: {  	[sflag:s16] =	ssyncset.done $0x0  }
0x3f: {  	[sflag:s16] =	ssyncadd.s32 $0xFFFFFF80  }
0x40: {  	[tilespmem:s17], [sflag:$0x2] =	stream.linear.gather [hbm4b:s8+s29], $0x80, $0x38;
	[tilespmem:$0x13100] =	vst v63  }
0x41: {  	_ = 	snop  }
0x42: {  	[spmem:s3] =	stream.indirect.scatter.add.f32 [tilespmem:s18], [sflag:$0x3], $0x80, s29, s17, $0xb8;
	[tilespmem:$0x13100] =	vst v63  }
0x43: {  	_ =	swait.ge [sflag:s19], $0x80  }
0x44: {  	[sflag:s19] =	ssyncset.done $0x0  }
0x45: {  	[sflag:s19] =	ssyncadd.s32 $0xFFFFFF80  }
0x46: {  	_ =	swait.ge [sflag:s20], $0x4000  }
0x47: {  	s30 =	sshrl.u32 s13, $0x3;
	[sflag:s20] =	ssyncset.done $0x0  }
0x48: {  	s22 =	sadd.s32 s1, s30;
	[sflag:s20] =	ssyncadd.s32 $0xFFFFC000  }
0x49: {  	[tilespmem:s4], [sflag:$0x1] =	stream.linear.gather [hbm4b:s22+s4], $0x80, $0x38;
	[tilespmem:$0x13100] =	vst v63  }
0x4a: {  	_ = 	snop  }
0x4b: {  	[spmem:s3] =	stream.indirect.scatter.add.f32 [tilespmem:s18], [sflag:$0x3], $0x80, s17, s17, $0xb8;
	[tilespmem:$0x13100] =	vst v63  }
0x4c: {  	_ =	swait.ge [sflag:s16], $0x80  }
0x4d: {  	[sflag:s16] =	ssyncset.done $0x0  }
0x4e: {  	[sflag:s16] =	ssyncadd.s32 $0xFFFFFF80  }
0x4f: {  	_ =	swait.ge [sflag:s20], $0x4000  }
0x50: {  	s31 =	sadd.s32 $0x0, s12;
	[sflag:s20] =	ssyncset.done $0x0  }
0x51: {  	s23 =	sadd.s32 $0x100, s13;
	s22 =	simm.s32 $0x20;
	[sflag:s20] =	ssyncadd.s32 $0xFFFFC000  }
0x52: {  	[tilespmem:s17], [sflag:$0x2] =	stream.linear.gather [hbm4b:s31+s4], $0x80, $0x38;
	[tilespmem:$0x13100] =	vst v63  }
.LBB2_6:
0x53: {  	[spmem:s3] =	stream.indirect.scatter.add.f32 [tilespmem:s18], [sflag:$0x3], $0x80, s4, s17, $0xb8;
	[tilespmem:$0x13100] =	vst v63  }
0x54: {  	s24 =	smov.u32 s22  }
0x55: {  	p0 =	sne.s32 s22, $0x4A0;
	s22 =	sadd.s32 $0x20, s22;
	_ =	swait.ge [sflag:s19], $0x80  }
0x56: {  	[sflag:s19] =	ssyncset.done $0x0  }
0x57: {  	[sflag:s19] =	ssyncadd.s32 $0xFFFFFF80  }
0x58: {  	_ =	swait.ge [sflag:s20], $0x4000  }
0x59: {  	s25 =	sshrl.u32 s23, $0x3;
	[sflag:s20] =	ssyncset.done $0x0  }
0x5a: {  	s25 =	sadd.s32 s1, s25;
	[sflag:s20] =	ssyncadd.s32 $0xFFFFC000  }
0x5b: {  	[tilespmem:s4], [sflag:$0x1] =	stream.linear.gather [hbm4b:s25+s4], $0x80, $0x38;
	[tilespmem:$0x13100] =	vst v63  }
0x5c: {  	_ = 	snop  }
0x5d: {  	[spmem:s3] =	stream.indirect.scatter.add.f32 [tilespmem:s18], [sflag:$0x3], $0x80, s17, s17, $0xb8;
	[tilespmem:$0x13100] =	vst v63  }
0x5e: {  	_ =	swait.ge [sflag:s16], $0x80  }
0x5f: {  	[sflag:s16] =	ssyncset.done $0x0  }
0x60: {  	[sflag:s16] =	ssyncadd.s32 $0xFFFFFF80  }
.Ltmp2:
0x61: {  	_ =	swait.ge [sflag:s20], $0x4000;
	(pc) =	sbr.rel @p0 .LBB2_6-.Ltmp2, $4  }
0x62: {  	[sflag:s20] =	ssyncset.done $0x0  }
0x63: {  	s24 =	sadd.s32 s24, s12;
	[sflag:s20] =	ssyncadd.s32 $0xFFFFC000  }
0x64: {  	[tilespmem:s17], [sflag:$0x2] =	stream.linear.gather [hbm4b:s24+s4], $0x80, $0x38;
	[tilespmem:$0x13100] =	vst v63  }
0x65: {  	s23 =	sadd.s32 $0x100, s23  }
0x66: {  	[spmem:s3] =	stream.indirect.scatter.add.f32 [tilespmem:s18], [sflag:$0x3], $0x80, s4, s17, $0xb8;
	[tilespmem:$0x13100] =	vst v63  }
0x67: {  	_ =	swait.ge [sflag:s19], $0x80  }
0x68: {  	[sflag:s19] =	ssyncset.done $0x0  }
0x69: {  	[sflag:s19] =	ssyncadd.s32 $0xFFFFFF80  }
0x6a: {  	_ =	swait.ge [sflag:s20], $0x4000  }
0x6b: {  	[sflag:s20] =	ssyncset.done $0x0  }
0x6c: {  	[sflag:s20] =	ssyncadd.s32 $0xFFFFC000  }
0x6d: {  	[tilespmem:s4], [sflag:$0x1] =	stream.linear.gather [hbm4b:s9+s4], $0x80, $0x38;
	[tilespmem:$0x13100] =	vst v63  }
0x6e: {  	_ = 	snop  }
0x6f: {  	[spmem:s3] =	stream.indirect.scatter.add.f32 [tilespmem:s18], [sflag:$0x3], $0x80, s17, s17, $0xb8;
	[tilespmem:$0x13100] =	vst v63  }
0x70: {  	_ =	swait.ge [sflag:s16], $0x80  }
0x71: {  	[sflag:s16] =	ssyncset.done $0x0  }
0x72: {  	[sflag:s16] =	ssyncadd.s32 $0xFFFFFF80  }
0x73: {  	_ =	swait.ge [sflag:s20], $0x4000  }
0x74: {  	[sflag:s20] =	ssyncset.done $0x0  }
0x75: {  	[sflag:s20] =	ssyncadd.s32 $0xFFFFC000  }
0x76: {  	[spmem:s3] =	stream.indirect.scatter.add.f32 [tilespmem:s18], [sflag:$0x3], $0x80, s4, s17, $0xb8;
	[tilespmem:$0x13100] =	vst v63  }
0x77: {  	_ =	swait.ge [sflag:s20], $0x4000  }
0x78: {  	s22 =	sshll.u32 s2, $0x6;
	s21 =	sadd.s32 $0x1, s21;
	[sflag:s20] =	ssyncset.done $0x0  }
0x79: {  	s23 =	sshrl.u32 s5, $0x3;
	p0 =	sne.s32 s21, s11;
	[sflag:s20] =	ssyncadd.s32 $0xFFFFC000  }
.Ltmp3:
0x7a: {  	s22 =	sor.u32 $0x1C04, s22;
	[bflag:$0x0] =	sbarrier.arrive $0xFFFF;
	(pc) =	sbr.rel @p0 .LBB2_1-.Ltmp3, $4  }
0x7b: {  	[hbm:s10], [sflag:s22] =	dma.local [spmem:s23], $0x1400  }
0x7c: {  	_ =	swait.ge [sflag:s15], $0x1400  }
0x7d: {  	[sflag:s15] =	ssyncset.done $0x0  }
0x7e: {  	[sflag:s15] =	ssyncadd.s32 $0xFFFFEC00  }
0x7f: {  	_ =	sfence.sel $0x180000  }
0x80: {  	[bflag:$0x0] =	sbarrier.arrive $0xFFFF  }
0x81: {  	p0 =	sne.s32 s2, $0x0;
	_ =	strace $0x90000047  }
0x82: {  	s0 =	sadd.s32 @!p0 $0x100000, s0;
	[bflag:$0x2] =	sbarrier.arrive $0xFFFF  }
0x83: {  	[sflag:s0] =	ssyncadd.tile.s32 @!p0 $0x1;
	_ =	shalt  }
.Lfunc_end2:
_tile_overlayer_lowered:
.L_overlay_start_2:
0x84: {  	(tag) =	ssettag $0x2  }
0x85: {  	s0 =	rddreg [dreg:$0x0];
	s2 =	stileid.u32  }
0x86: {  	s1 =	rddreg [dreg:$0x1];
	p0 =	sne.s32 s2, $0x0  }
0x87: {  	s3 =	rddreg [dreg:$0x2];
	[bflag:$0x3] =	sbarrier.arrive $0xFFFF;
	s2 =	simm.s32 @!p0 $0x1C04  }
0x88: {  	[timem:s3], [sflag:s2] =	dma.local @!p0 [hbm:s0], s1  }
0x89: {  	s0 =	simm.s32 @!p0 $0x4  }
0x8a: {  	_ =	swait.ge @!p0 [sflag:s0], s1  }
0x8b: {  	s1 =	ssub.s32 @!p0 $0x0, s1;
	[sflag:s0] =	ssyncset.done @!p0 $0x0  }
0x8c: {  	[sflag:s0] =	ssyncadd.s32 @!p0 s1  }
0x8d: {  	[bflag:$0x3] =	sbarrier.arrive $0xFFFF  }
0x8e: {  	_ =	shalt  }

// kernel: kernel.21.cloned.1.call-start
scs
__scs_entry_jumppad:
0x0: {  	(pc) =	sbr.rel $0x88, $3  }
0x1: {  	(tag) =	ssettag $0x0;
	lr =	simm.s32 $0x1  }
0x2: {  	[smem:$0x3F8A] =	sst lr;
	_ =	strace $0xD0000000  }
0x3: {  	_ = 	snop  }
0x4: {  	_ = 	snop  }
0x5: {  	_ = 	snop  }
0x6: {  	_ = 	snop  }
0x7: {  	_ = 	snop  }
__scs_overlays_trampoline_lowered:
0x8: {  	[smem:$0x3F99] =	sst s0  }
0x9: {  	[smem:$0x3F9A] =	sst s1  }
0xa: {  	[smem:$0x3F9B] =	sst s2  }
0xb: {  	[smem:$0x3F9C] =	sst s3  }
0xc: {  	[smem:$0x3F9D] =	sst s4  }
0xd: {  	[smem:$0x3F9E] =	sst s5  }
0xe: {  	[smem:$0x3F9F] =	sst s6  }
0xf: {  	[smem:$0x3FA0] =	sst s7  }
0x10: {  	[smem:$0x3FA1] =	sst s8  }
0x11: {  	[smem:$0x3FA2] =	sst s9;
	s0 =	simm.s32 @!p0 $0x0  }
0x12: {  	s1 =	sld [smem:$0x3F88];
	s0 =	simm.s32 @p0 $0x1  }
0x13: {  	[smem:$0x3FA3] =	sst s0;
	s0 =	simm.s32 @!p1 $0x0  }
0x14: {  	s2 =	sld [smem:$0x3F87];
	s0 =	simm.s32 @p1 $0x1  }
0x15: {  	[smem:$0x3FA4] =	sst s0;
	s0 =	simm.s32 @!p2 $0x0  }
0x16: {  	s3 =	sld [smem:$0x3FDB];
	s0 =	simm.s32 @p2 $0x1  }
0x17: {  	s4 =	simm.s32 $0x1BF5;
	[smem:$0x3FA6] =	sst s0  }
0x18: {  	s0 =	sld [smem:$0x3F89];
	_ =	swait.ge [sflag:s4], $0x0  }
0x19: {  	s7 =	sld [smem:$0x3F8A]  }
0x1a: {  	s8 =	sadd.s32 $0xFFFFE003, lr  }
0x1b: {  	s9 =	sadd.s32 $0xFFFFFEF7, lr;
	s5 =	simm.s32 $0xFFFFFFFF;
	p2 =	slt.u32 s8, $0xFFFFF086  }
0x1c: {  	p1 =	slt.u32 s9, $0xF7A;
	s5 =	simm.s32 @!p2 $0x0  }
0x1d: {  	s5 =	simm.s32 @p1 $0x1;
	p0 =	seq.s32 s7, s2  }
0x1e: {  	s7 =	smul.u32 @!p0 $0xF7A, s2;
	p2 =	seq.s32 @!p0 s5, $0x0  }
0x1f: {  	s9 =	smul.u32 $0xF7A, s1;
	s8 =	simm.s32 @!p0 $0x1BF5;
	p2 =	por !p2, p0  }
0x20: {  	[sflag:s8] =	ssyncset.s32 @!p0 $0xFFFFF086;
	s6 =	sadd.s32 @!p0 s3, s7;
	s7 =	simm.s32 @!p0 $0x108  }
0x21: {  	s3 =	sadd.s32 s3, s9;
	s6 =	sadd.s32 @!p0 $0x88, s6;
	s7 =	simm.s32 @p2 $0x1082  }
0x22: {  	[simem:s7], [sflag:s8] =	dma.local @!p0 [hbm:s6], $0xF7A  }
0x23: {  	s9 =	sor.u32 $0xD0000000, s2;
	s6 =	simm.s32 $0x108;
	_ =	swait.ge @!p0 [sflag:s8], $0x0  }
0x24: {  	s3 =	sadd.s32 $0x88, s3;
	s6 =	simm.s32 @!p1 $0x1082;
	[sflag:s4] =	ssyncset.s32 $0xFFFFF086  }
0x25: {  	[simem:s6], [sflag:s4] =	dma.local [hbm:s3], $0xF7A  }
0x26: {  	[smem:$0x3F8A] =	sst s1;
	(tag) =	ssettag s2;
	_ =	strace s9  }
0x27: {  	s1 =	sld [smem:$0x3F9A]  }
0x28: {  	s2 =	sld [smem:$0x3F9B]  }
0x29: {  	s4 =	sld [smem:$0x3F9D]  }
0x2a: {  	p0 =	seq.s32 s5, $0x0;
	s5 =	sld [smem:$0x3F9E]  }
0x2b: {  	s6 =	sld [smem:$0x3F9F]  }
0x2c: {  	s7 =	sld [smem:$0x3FA0]  }
0x2d: {  	s3 =	simm.s32 $0x108;
	s8 =	sld [smem:$0x3FA1]  }
0x2e: {  	s3 =	simm.s32 @!p0 $0x1082;
	s9 =	sld [smem:$0x3FA2]  }
0x2f: {  	lr =	sadd.s32 s0, s3;
	s0 =	sld [smem:$0x3F99]  }
0x30: {  	s3 =	sld [smem:$0x3F9C]  }
0x31: {  	[smem:$0x3FA5] =	sst s10  }
0x32: {  	s10 =	sld [smem:$0x3FA3];
	_ =	sdelay $0x3  }
0x33: {  	p0 =	seq.s32 s10, $0x1;
	s10 =	sld [smem:$0x3FA5];
	_ =	sdelay $0x3  }
0x34: {  	[smem:$0x3FA5] =	sst s10  }
0x35: {  	s10 =	sld [smem:$0x3FA4];
	_ =	sdelay $0x3  }
0x36: {  	p1 =	seq.s32 s10, $0x1;
	s10 =	sld [smem:$0x3FA5];
	_ =	sdelay $0x3  }
0x37: {  	[smem:$0x3FA5] =	sst s10  }
0x38: {  	s10 =	sld [smem:$0x3FA6]  }
0x39: {  	_ = 	snop;
	(pc) =	sbr.ind lr, $3  }
0x3a: {  	_ = 	snop  }
0x3b: {  	_ = 	snop  }
0x3c: {  	p2 =	seq.s32 s10, $0x1;
	s10 =	sld [smem:$0x3FA5]  }
0x3d: {  	_ =	shalt  }
0x3e: {  	_ =	shalt  }
0x3f: {  	_ =	shalt  }
0x40: {  	_ =	shalt  }
0x41: {  	_ =	shalt  }
0x42: {  	_ =	shalt  }
0x43: {  	_ =	shalt  }
0x44: {  	_ =	shalt  }
0x45: {  	_ =	shalt  }
0x46: {  	_ =	shalt  }
0x47: {  	_ =	shalt  }
0x48: {  	_ =	shalt  }
0x49: {  	_ =	shalt  }
0x4a: {  	_ =	shalt  }
0x4b: {  	_ =	shalt  }
0x4c: {  	_ =	shalt  }
0x4d: {  	_ =	shalt  }
0x4e: {  	_ =	shalt  }
0x4f: {  	_ =	shalt  }
0x50: {  	_ =	shalt  }
0x51: {  	_ =	shalt  }
0x52: {  	_ =	shalt  }
0x53: {  	_ =	shalt  }
0x54: {  	_ =	shalt  }
0x55: {  	_ =	shalt  }
0x56: {  	_ =	shalt  }
0x57: {  	_ =	shalt  }
0x58: {  	_ =	shalt  }
0x59: {  	_ =	shalt  }
0x5a: {  	_ =	shalt  }
0x5b: {  	_ =	shalt  }
0x5c: {  	_ =	shalt  }
0x5d: {  	_ =	shalt  }
0x5e: {  	_ =	shalt  }
0x5f: {  	_ =	shalt  }
0x60: {  	_ =	shalt  }
0x61: {  	_ =	shalt  }
0x62: {  	_ =	shalt  }
0x63: {  	_ =	shalt  }
0x64: {  	_ =	shalt  }
0x65: {  	_ =	shalt  }
0x66: {  	_ =	shalt  }
0x67: {  	_ =	shalt  }
0x68: {  	_ =	shalt  }
0x69: {  	_ =	shalt  }
0x6a: {  	_ =	shalt  }
0x6b: {  	_ =	shalt  }
0x6c: {  	_ =	shalt  }
0x6d: {  	_ =	shalt  }
0x6e: {  	_ =	shalt  }
0x6f: {  	_ =	shalt  }
0x70: {  	_ =	shalt  }
0x71: {  	_ =	shalt  }
0x72: {  	_ =	shalt  }
0x73: {  	_ =	shalt  }
0x74: {  	_ =	shalt  }
0x75: {  	_ =	shalt  }
0x76: {  	_ =	shalt  }
0x77: {  	_ =	shalt  }
0x78: {  	_ =	shalt  }
0x79: {  	_ =	shalt  }
0x7a: {  	_ =	shalt  }
0x7b: {  	_ =	shalt  }
0x7c: {  	_ =	shalt  }
0x7d: {  	_ =	shalt  }
0x7e: {  	_ =	shalt  }
0x7f: {  	_ =	shalt  }
0x80: {  	_ =	shalt  }
0x81: {  	_ =	shalt  }
0x82: {  	_ =	shalt  }
0x83: {  	_ =	shalt  }
0x84: {  	_ =	shalt  }
0x85: {  	_ =	shalt  }
0x86: {  	_ =	shalt  }
0x87: {  	_ =	shalt  }
.Lfunc_end0:
.L_simem_size_0:
called_computation.1_lowered:
.L_overlay_start_0:
0x88: {  	s2 =	sld [smem:$0x3FD9]  }
0x89: {  	s3 =	sld [smem:$0x3FFE];
	_ =	sdelay $0x1  }
0x8a: {  	s1 =	srdreg.scid  }
0x8b: {  	s0 =	sand.u32 $0x1, s1  }
0x8c: {  	s15 =	sshll.u32 s0, $0xA;
	s2 =	sadd.s32 s3, s2  }
0x8d: {  	s2 =	sadd.s32 s2, s15  }
0x8e: {  	[smem:$0x3FB1] =	sst s2  }
0x8f: {  	_ = 	snop  }
0x90: {  	s2 =	sld [smem:$0x3FD0];
	_ =	sdelay $0x2  }
0x91: {  	s16 =	simm.s32 $0xC;
	s4 =	simm.s32 $0x10  }
0x92: {  	[smem:s4], [sflag:s16] =	dma.local [hbm:s2], $0x1  }
0x93: {  	_ =	swait.eq [sflag:s16], $0x1  }
0x94: {  	[sflag:s16] =	ssyncset.done $0x0  }
0x95: {  	[sflag:s16] =	ssyncadd.s32 $0xFFFFFFFF  }
0x96: {  	s17 =	sld [smem:$0x12];
	(tm) =	ssettm $0x1  }
0x97: {  	s18 =	sld [smem:$0x3FFB];
	_ =	sdelay $0x3  }
0x98: {  	_ =	strace s18  }
0x99: {  	s2 =	sld [smem:$0x3FFC];
	_ =	sdelay $0x3  }
0x9a: {  	_ =	strace s2  }
0x9b: {  	s2 =	sld [smem:$0x3FFD];
	_ =	sdelay $0x3  }
0x9c: {  	_ =	strace s2  }
0x9d: {  	_ =	strace $0x8FFFFFFF  }
0x9e: {  	s19 =	sld [smem:$0x3FDB];
	_ =	sdelay $0x1  }
0x9f: {  	s20 =	simm.s32 $_scs_section_size  }
0xa0: {  	s5 =	simm.s32 $_size__tile_overlayer_lowered;
	s6 =	simm.s32 $_tile_overlayer_lowered  }
0xa1: {  	s7 =	simm.s32 $0x1BFF;
	s21 =	sshll.u32 s6, $0x1;
	s4 =	sadd.s32 s20, s19  }
0xa2: {  	s22 =	simm.s32 $0x0;
	s5 =	sshll.u32 s5, $0x1;
	s6 =	sadd.s32 s21, s4  }
0xa3: {  	[timem:s22], [sflag:s7] =	dma.local [hbm:s6], s5  }
0xa4: {  	_ =	swait.ge [sflag:s7], s5  }
0xa5: {  	s5 =	ssub.s32 $0x0, s5;
	[sflag:s7] =	ssyncset.done $0x0  }
0xa6: {  	[sflag:s7] =	ssyncadd.s32 s5;
	_ =	sdelay $0x1  }
0xa7: {  	s23 =	simm.s32 $0x1B8B  }
0xa8: {  	_ =	swait.ge [sflag:s23], $0x1  }
0xa9: {  	[sflag:s23] =	ssyncset.done $0x0  }
0xaa: {  	[sflag:s23] =	ssyncadd.s32 $0xFFFFFFFF  }
0xab: {  	s5 =	sld [smem:$0x0]  }
0xac: {  	s6 =	sand.u32 $0xFFFFFFFE, s1  }
0xad: {  	p0 =	sne.s32 s1, s6  }
0xae: {  	s6 =	sshll.u32 @p0 s6, $0xE  }
0xaf: {  	s6 =	sadd.s32 @p0 $0x11B8D, s6;
	s7 =	sshll.u32 @p0 s5, $0x11  }
0xb0: {  	s6 =	sor.u32 @p0 s7, s6  }
0xb1: {  	[sflag:s6] =	ssyncadd.remote.s32 @p0 $0x1;
	_ =	sdelay $0x1  }
0xb2: {  	s6 =	simm.s32 @p0 $0x1B8D  }
0xb3: {  	_ =	swait.eq @p0 [sflag:s6], $0x1  }
0xb4: {  	[sflag:s6] =	ssyncadd.s32 @p0 $0xFFFFFFFF  }
0xb5: {  	s7 =	sshll.u32 @!p0 s1, $0xE  }
0xb6: {  	s7 =	sor.u32 @!p0 $0x4000, s7;
	s6 =	simm.s32 @!p0 $0x1B8D  }
0xb7: {  	s5 =	sshll.u32 @!p0 s5, $0x11;
	s7 =	sadd.s32 @!p0 $0x11B8D, s7;
	_ =	swait.eq @!p0 [sflag:s6], $0x1  }
0xb8: {  	s5 =	sor.u32 @!p0 s5, s7;
	[sflag:s6] =	ssyncadd.s32 @!p0 $0xFFFFFFFF  }
0xb9: {  	s25 =	simm.s32 $0x1B8E;
	s24 =	sld [smem:$0x3FFE];
	[sflag:s5] =	ssyncadd.remote.s32 @!p0 $0x1  }
0xba: {  	s26 =	simm.s32 $execute0_lowered;
	[smem:$0x3FD2] =	sst s25  }
0xbb: {  	s6 =	sshll.u32 s26, $0x1;
	_ =	strace $0x8000004C;
	[dreg:$0x1] =	wrdreg $0xFFFFFFFF  }
0xbc: {  	s28 =	simm.s32 $_size_execute0_lowered;
	s4 =	sadd.s32 s4, s6;
	[dreg:$0x0] =	wrdreg $0x0  }
0xbd: {  	s6 =	sshll.u32 s28, $0x1;
	[dreg:$0x2] =	wrdreg s4  }
0xbe: {  	[dreg:$0x3] =	wrdreg s6  }
0xbf: {  	[dreg:$0x4] =	wrdreg $0xC0  }
0xc0: {  	_ =	task [dreg:s22], $0x5FFFF  }
0xc1: {  	[dreg:$0x1] =	wrdreg $0xFFFFFFFF  }
0xc2: {  	[dreg:$0x0] =	wrdreg $0x60  }
0xc3: {  	[dreg:$0x2] =	wrdreg s17  }
0xc4: {  	[dreg:$0x3] =	wrdreg s24  }
0xc5: {  	[dreg:$0x4] =	wrdreg $0x91000  }
0xc6: {  	[dreg:$0x5] =	wrdreg $0x9  }
0xc7: {  	_ =	task.clear_ibuf [dreg:s22], $0x6FFFF;
	_ =	strace $0x9000004C  }
0xc8: {  	s29 =	simm.s32 $0x9;
	_ =	strace $0x8000004E  }
0xc9: {  	_ =	swait.ge [sflag:s29], $0x1  }
0xca: {  	[sflag:s29] =	ssyncadd.s32 $0xFFFFFFFF  }
0xcb: {  	_ =	strace $0x9000004E  }
0xcc: {  	_ =	sfence  }
0xcd: {  	s30 =	sld [smem:$0x0];
	_ =	sdelay $0x2  }
0xce: {  	s31 =	sshll.u32 s1, $0xD;
	s1 =	sshrl.u32 s1, $0x2  }
0xcf: {  	s4 =	sand.u32 $0x4000, s31;
	s1 =	sadd.s32 s1, s30  }
0xd0: {  	s0 =	sor.u32 s4, s0;
	s1 =	sshll.u32 s1, $0x11  }
0xd1: {  	s0 =	sor.u32 s1, s0  }
0xd2: {  	s0 =	sadd.s32 $0x8F2B, s0  }
0xd3: {  	[sflag:s0] =	ssyncadd.remote.s32 $0x1  }
0xd4: {  	_ =	sfence.sel $0xFFFF  }
0xd5: {  	[dreg:$0x0] =	wrdreg $0xFFFFFFFF;
	(pc) =	sbr.abs _section_cstart, $3  }
0xd6: {  	[dreg:$0x1] =	wrdreg $0xFFFFFFFF  }
0xd7: {  	_ =	task.clear_ibuf [dreg:s22], $0x2FFFF;
	_ =	strace $0x9FFFFFFF  }
0xd8: {  	(tm) =	ssettm $0x7FFFFFFF  }
0xd9: {  	_ =	shalt  }
tec
execute0_lowered:
.L_overlay_start_1:
0x0: {  	(tag) =	ssettag $0x1  }
0x1: {  	s0 =	rddreg [dreg:$0x0]  }
0x2: {  	s6 =	rddreg [dreg:$0x1];
	s1 =	srdreg.scid  }
0x3: {  	s3 =	rddreg [dreg:$0x2];
	s2 =	stileid.u32;
	s4 =	simm.s32 $0x0  }
0x4: {  	s18 =	simm.s32 $0x1;
	s19 =	simm.s32 $0x80;
	s20 =	simm.s32 $0x100  }
0x5: {  	s21 =	simm.s32 $0x2;
	s22 =	simm.s32 $0x3;
	s8 =	smul.u32 $0x14000, s2  }
0x6: {  	s23 =	simm.s32 $0x0;
	s7 =	sand.u32 $0x1, s1;
	s26 =	smul.u32 $0x50000, s2  }
0x7: {  	s1 =	rddreg [dreg:$0x3];
	s9 =	sshll.u32 s2, $0x1;
	s29 =	smul.u32 $0x4F00, s2  }
0x8: {  	[smem:$0x7FF] =	sst s4;
	s5 =	smul.u32 $0x140000, s7;
	s25 =	sor.u32 s7, s9  }
0x9: {  	_ =	strace $0x8000004D;
	s11 =	ssub.s32 $0x2, s7;
	s13 =	smul.u32 $0x2780, s7  }
0xa: {  	s28 =	sshrl.u32 s26, $0x2;
	s12 =	sshrl.u32 s11, $0x1;
	s5 =	sadd.s32 s8, s5  }
0xb: {  	s8 =	smul.u32 $0x2780, s25;
	s15 =	ssub.s32 s11, s12;
	s16 =	sadd.s32 s13, s29  }
0xc: {  	s10 =	sshrl.u32 s5, $0x3;
	s5 =	sadd.s32 s28, s3;
	s31 =	sadd.s32 $0x180, s16  }
0xd: {  	s13 =	smax.u32 s15, $0x1;
	s15 =	sadd.s32 $0x100, s16;
	s16 =	simm.s32 $0x4100  }
0xe: {  	s14 =	sadd.s32 s10, s6;
	s6 =	sadd.s32 $0x5000, s5;
	s7 =	sadd.s32 $0xA000, s5  }
0xf: {  	s30 =	sshrl.u32 s8, $0x3;
	s8 =	sadd.s32 $0xF000, s5;
	s17 =	sshrl.u32 s31, $0x3  }
0x10: {  	s9 =	sadd.s32 s0, s30;
	s12 =	sadd.s32 $0x7F000, s14;
	s14 =	sadd.s32 s17, s0  }
0x11: {  	v0 =	vimm.f32 $1.000000000e+00;
	v1 =	vimm.f32 $0.0e+00;
	s17 =	simm.s32 $0x4;
	s10 =	sadd.s32 $0x10, s9;
	s11 =	sadd.s32 $0x4E0, s9  }
.LBB2_1:
0x12: {  	s24 =	simm.s32 $0x0;
	s25 =	simm.s32 $0x200  }
.LBB2_2:
0x13: {  	p0 =	sne.s32 s25, $0xFE00;
	[tilespmem:s24+$0x170] =	vst v0  }
0x14: {  	[tilespmem:s24+$0x100] =	vst v0  }
0x15: {  	[tilespmem:s24+$0x110] =	vst v0  }
.Ltmp0:
0x16: {  	[tilespmem:s24+$0x120] =	vst v0;
	(pc) =	sbr.rel @p0 .LBB2_2-.Ltmp0, $4  }
0x17: {  	[tilespmem:s24+$0x130] =	vst v0  }
0x18: {  	[tilespmem:s24+$0x140] =	vst v0  }
0x19: {  	[tilespmem:s24+$0x150] =	vst v0  }
0x1a: {  	[tilespmem:s24+$0x160] =	vst v0;
	s24 =	sshra.s32 s25, $0x2;
	s25 =	sadd.s32 $0x200, s25  }
0x1b: {  	[tilespmem:s24+$0x170] =	vst v0  }
0x1c: {  	[tilespmem:s24+$0x100] =	vst v0  }
0x1d: {  	[tilespmem:s24+$0x110] =	vst v0  }
0x1e: {  	[tilespmem:s24+$0x120] =	vst v0  }
0x1f: {  	[tilespmem:s24+$0x130] =	vst v0  }
0x20: {  	[tilespmem:s24+$0x140] =	vst v0  }
0x21: {  	[tilespmem:s24+$0x150] =	vst v0  }
0x22: {  	[tilespmem:s24+$0x160] =	vst v0;
	s24 =	simm.s32 $0x0;
	s25 =	simm.s32 $0x200  }
.LBB2_4:
0x23: {  	p0 =	sne.s32 s25, $0x13E00;
	[tilespmem:s24+$0x4170] =	vst v1  }
0x24: {  	[tilespmem:s24+$0x4100] =	vst v1  }
0x25: {  	[tilespmem:s24+$0x4110] =	vst v1  }
.Ltmp1:
0x26: {  	[tilespmem:s24+$0x4120] =	vst v1;
	(pc) =	sbr.rel @p0 .LBB2_4-.Ltmp1, $4  }
0x27: {  	[tilespmem:s24+$0x4130] =	vst v1  }
0x28: {  	[tilespmem:s24+$0x4140] =	vst v1  }
0x29: {  	[tilespmem:s24+$0x4150] =	vst v1  }
0x2a: {  	[tilespmem:s24+$0x4160] =	vst v1;
	s24 =	sshra.s32 s25, $0x2;
	s25 =	sadd.s32 $0x200, s25  }
0x2b: {  	[tilespmem:s24+$0x4170] =	vst v1  }
0x2c: {  	[tilespmem:s24+$0x4100] =	vst v1  }
0x2d: {  	[tilespmem:s24+$0x4110] =	vst v1  }
0x2e: {  	[tilespmem:s24+$0x4120] =	vst v1  }
0x2f: {  	[tilespmem:s24+$0x4130] =	vst v1  }
0x30: {  	[tilespmem:s24+$0x4140] =	vst v1  }
0x31: {  	[tilespmem:s24+$0x4150] =	vst v1  }
0x32: {  	[tilespmem:s24+$0x4160] =	vst v1  }
0x33: {  	[spmem:s5] =	stream.linear.scatter [tilespmem:s16], [sflag:$0x4], $0x5000, $0x38;
	[tilespmem:$0x1D100] =	vst v63  }
0x34: {  	_ =	swait.ge [sflag:s17], $0x5000  }
0x35: {  	[sflag:s17] =	ssyncset.done $0x0  }
0x36: {  	[sflag:s17] =	ssyncadd.s32 $0xFFFFB000  }
0x37: {  	[spmem:s6] =	stream.linear.scatter [tilespmem:s16], [sflag:$0x4], $0x5000, $0x38;
	[tilespmem:$0x1D100] =	vst v63  }
0x38: {  	_ =	swait.ge [sflag:s17], $0x5000  }
0x39: {  	[sflag:s17] =	ssyncset.done $0x0  }
0x3a: {  	[sflag:s17] =	ssyncadd.s32 $0xFFFFB000  }
0x3b: {  	[spmem:s7] =	stream.linear.scatter [tilespmem:s16], [sflag:$0x4], $0x5000, $0x38;
	[tilespmem:$0x1D100] =	vst v63  }
0x3c: {  	_ =	swait.ge [sflag:s17], $0x5000  }
0x3d: {  	[sflag:s17] =	ssyncset.done $0x0  }
0x3e: {  	[sflag:s17] =	ssyncadd.s32 $0xFFFFB000  }
0x3f: {  	[spmem:s8] =	stream.linear.scatter [tilespmem:s16], [sflag:$0x4], $0x5000, $0x38;
	[tilespmem:$0x1D100] =	vst v63  }
0x40: {  	_ =	swait.ge [sflag:s17], $0x5000  }
0x41: {  	[sflag:s17] =	ssyncset.done $0x0  }
0x42: {  	[sflag:s17] =	ssyncadd.s32 $0xFFFFB000  }
0x43: {  	s29 =	simm.s32 $0x0;
	[bflag:$0x0] =	sbarrier.arrive $0xFFFF  }
0x44: {  	[tilespmem:s29], [sflag:$0x1] =	stream.linear.gather [hbm4b:s9+s29], $0x80, $0x38;
	[tilespmem:$0x1D100] =	vst v63  }
0x45: {  	_ =	swait.ge [sflag:s18], $0x80  }
0x46: {  	[sflag:s18] =	ssyncset.done $0x0  }
0x47: {  	[sflag:s18] =	ssyncadd.s32 $0xFFFFFF80  }
0x48: {  	[tilespmem:s19], [sflag:$0x2] =	stream.linear.gather [hbm4b:s10+s29], $0x80, $0x38;
	[tilespmem:$0x1D100] =	vst v63  }
0x49: {  	_ = 	snop  }
0x4a: {  	[spmem:s3] =	stream.indirect.scatter.add.f32 [tilespmem:s20], [sflag:$0x3], $0x80, s29, s19, $0xb8;
	[tilespmem:$0x1D100] =	vst v63  }
0x4b: {  	_ =	swait.ge [sflag:s21], $0x80  }
0x4c: {  	[sflag:s21] =	ssyncset.done $0x0  }
0x4d: {  	[sflag:s21] =	ssyncadd.s32 $0xFFFFFF80  }
0x4e: {  	_ =	swait.ge [sflag:s22], $0x4000  }
0x4f: {  	s30 =	sshrl.u32 s15, $0x3;
	[sflag:s22] =	ssyncset.done $0x0  }
0x50: {  	s24 =	sadd.s32 s0, s30;
	[sflag:s22] =	ssyncadd.s32 $0xFFFFC000  }
0x51: {  	[tilespmem:s4], [sflag:$0x1] =	stream.linear.gather [hbm4b:s24+s4], $0x80, $0x38;
	[tilespmem:$0x1D100] =	vst v63  }
0x52: {  	_ = 	snop  }
0x53: {  	[spmem:s3] =	stream.indirect.scatter.add.f32 [tilespmem:s20], [sflag:$0x3], $0x80, s19, s19, $0xb8;
	[tilespmem:$0x1D100] =	vst v63  }
0x54: {  	_ =	swait.ge [sflag:s18], $0x80  }
0x55: {  	[sflag:s18] =	ssyncset.done $0x0  }
0x56: {  	[sflag:s18] =	ssyncadd.s32 $0xFFFFFF80  }
0x57: {  	_ =	swait.ge [sflag:s22], $0x4000  }
0x58: {  	s31 =	sadd.s32 $0x0, s14;
	[sflag:s22] =	ssyncset.done $0x0  }
0x59: {  	s25 =	sadd.s32 $0x100, s15;
	s24 =	simm.s32 $0x20;
	[sflag:s22] =	ssyncadd.s32 $0xFFFFC000  }
0x5a: {  	[tilespmem:s19], [sflag:$0x2] =	stream.linear.gather [hbm4b:s31+s4], $0x80, $0x38;
	[tilespmem:$0x1D100] =	vst v63  }
.LBB2_6:
0x5b: {  	[spmem:s3] =	stream.indirect.scatter.add.f32 [tilespmem:s20], [sflag:$0x3], $0x80, s4, s19, $0xb8;
	[tilespmem:$0x1D100] =	vst v63  }
0x5c: {  	s26 =	smov.u32 s24  }
0x5d: {  	p0 =	sne.s32 s24, $0x4A0;
	s24 =	sadd.s32 $0x20, s24;
	_ =	swait.ge [sflag:s21], $0x80  }
0x5e: {  	[sflag:s21] =	ssyncset.done $0x0  }
0x5f: {  	[sflag:s21] =	ssyncadd.s32 $0xFFFFFF80  }
0x60: {  	_ =	swait.ge [sflag:s22], $0x4000  }
0x61: {  	s28 =	sshrl.u32 s25, $0x3;
	[sflag:s22] =	ssyncset.done $0x0  }
0x62: {  	s28 =	sadd.s32 s0, s28;
	[sflag:s22] =	ssyncadd.s32 $0xFFFFC000  }
0x63: {  	[tilespmem:s4], [sflag:$0x1] =	stream.linear.gather [hbm4b:s28+s4], $0x80, $0x38;
	[tilespmem:$0x1D100] =	vst v63  }
0x64: {  	_ = 	snop  }
0x65: {  	[spmem:s3] =	stream.indirect.scatter.add.f32 [tilespmem:s20], [sflag:$0x3], $0x80, s19, s19, $0xb8;
	[tilespmem:$0x1D100] =	vst v63  }
0x66: {  	_ =	swait.ge [sflag:s18], $0x80  }
0x67: {  	[sflag:s18] =	ssyncset.done $0x0  }
0x68: {  	[sflag:s18] =	ssyncadd.s32 $0xFFFFFF80  }
.Ltmp2:
0x69: {  	_ =	swait.ge [sflag:s22], $0x4000;
	(pc) =	sbr.rel @p0 .LBB2_6-.Ltmp2, $4  }
0x6a: {  	[sflag:s22] =	ssyncset.done $0x0  }
0x6b: {  	s26 =	sadd.s32 s26, s14;
	[sflag:s22] =	ssyncadd.s32 $0xFFFFC000  }
0x6c: {  	[tilespmem:s19], [sflag:$0x2] =	stream.linear.gather [hbm4b:s26+s4], $0x80, $0x38;
	[tilespmem:$0x1D100] =	vst v63  }
0x6d: {  	s25 =	sadd.s32 $0x100, s25  }
0x6e: {  	[spmem:s3] =	stream.indirect.scatter.add.f32 [tilespmem:s20], [sflag:$0x3], $0x80, s4, s19, $0xb8;
	[tilespmem:$0x1D100] =	vst v63  }
0x6f: {  	_ =	swait.ge [sflag:s21], $0x80  }
0x70: {  	[sflag:s21] =	ssyncset.done $0x0  }
0x71: {  	[sflag:s21] =	ssyncadd.s32 $0xFFFFFF80  }
0x72: {  	_ =	swait.ge [sflag:s22], $0x4000  }
0x73: {  	[sflag:s22] =	ssyncset.done $0x0  }
0x74: {  	[sflag:s22] =	ssyncadd.s32 $0xFFFFC000  }
0x75: {  	[tilespmem:s4], [sflag:$0x1] =	stream.linear.gather [hbm4b:s11+s4], $0x80, $0x38;
	[tilespmem:$0x1D100] =	vst v63  }
0x76: {  	_ = 	snop  }
0x77: {  	[spmem:s3] =	stream.indirect.scatter.add.f32 [tilespmem:s20], [sflag:$0x3], $0x80, s19, s19, $0xb8;
	[tilespmem:$0x1D100] =	vst v63  }
0x78: {  	_ =	swait.ge [sflag:s18], $0x80  }
0x79: {  	[sflag:s18] =	ssyncset.done $0x0  }
0x7a: {  	[sflag:s18] =	ssyncadd.s32 $0xFFFFFF80  }
0x7b: {  	_ =	swait.ge [sflag:s22], $0x4000  }
0x7c: {  	[sflag:s22] =	ssyncset.done $0x0  }
0x7d: {  	[sflag:s22] =	ssyncadd.s32 $0xFFFFC000  }
0x7e: {  	[spmem:s3] =	stream.indirect.scatter.add.f32 [tilespmem:s20], [sflag:$0x3], $0x80, s4, s19, $0xb8;
	[tilespmem:$0x1D100] =	vst v63  }
0x7f: {  	_ =	swait.ge [sflag:s22], $0x4000  }
0x80: {  	s24 =	sshll.u32 s2, $0x6;
	s23 =	sadd.s32 $0x1, s23;
	[sflag:s22] =	ssyncset.done $0x0  }
0x81: {  	s25 =	sshrl.u32 s5, $0x3;
	p0 =	sne.s32 s23, s13;
	[sflag:s22] =	ssyncadd.s32 $0xFFFFC000  }
.Ltmp3:
0x82: {  	s24 =	sor.u32 $0x1C04, s24;
	[bflag:$0x0] =	sbarrier.arrive $0xFFFF;
	(pc) =	sbr.rel @p0 .LBB2_1-.Ltmp3, $4  }
0x83: {  	[hbm:s12], [sflag:s24] =	dma.local [spmem:s25], $0x2800  }
0x84: {  	_ =	swait.ge [sflag:s17], $0x2800  }
0x85: {  	[sflag:s17] =	ssyncset.done $0x0  }
0x86: {  	[sflag:s17] =	ssyncadd.s32 $0xFFFFD800  }
0x87: {  	_ =	sfence.sel $0x180000  }
0x88: {  	[bflag:$0x0] =	sbarrier.arrive $0xFFFF  }
0x89: {  	p0 =	sne.s32 s2, $0x0;
	_ =	strace $0x9000004D  }
0x8a: {  	s0 =	sadd.s32 @!p0 $0x100000, s1;
	[bflag:$0x2] =	sbarrier.arrive $0xFFFF  }
0x8b: {  	[sflag:s0] =	ssyncadd.tile.s32 @!p0 $0x1;
	_ =	shalt  }
.Lfunc_end2:
_tile_overlayer_lowered:
.L_overlay_start_2:
0x8c: {  	(tag) =	ssettag $0x2  }
0x8d: {  	s0 =	rddreg [dreg:$0x0];
	s2 =	stileid.u32  }
0x8e: {  	s1 =	rddreg [dreg:$0x1];
	p0 =	sne.s32 s2, $0x0  }
0x8f: {  	s3 =	rddreg [dreg:$0x2];
	[bflag:$0x3] =	sbarrier.arrive $0xFFFF;
	s2 =	simm.s32 @!p0 $0x1C04  }
0x90: {  	[timem:s3], [sflag:s2] =	dma.local @!p0 [hbm:s0], s1  }
0x91: {  	s0 =	simm.s32 @!p0 $0x4  }
0x92: {  	_ =	swait.ge @!p0 [sflag:s0], s1  }
0x93: {  	s1 =	ssub.s32 @!p0 $0x0, s1;
	[sflag:s0] =	ssyncset.done @!p0 $0x0  }
0x94: {  	[sflag:s0] =	ssyncadd.s32 @!p0 s1  }
0x95: {  	[bflag:$0x3] =	sbarrier.arrive $0xFFFF  }
0x96: {  	_ =	shalt  }

// kernel: kernel.24.cloned.1.call-start
scs
__scs_entry_jumppad:
0x0: {  	(pc) =	sbr.rel $0x88, $3  }
0x1: {  	(tag) =	ssettag $0x0;
	lr =	simm.s32 $0x1  }
0x2: {  	[smem:$0x3F8A] =	sst lr;
	_ =	strace $0xD0000000  }
0x3: {  	_ = 	snop  }
0x4: {  	_ = 	snop  }
0x5: {  	_ = 	snop  }
0x6: {  	_ = 	snop  }
0x7: {  	_ = 	snop  }
__scs_overlays_trampoline_lowered:
0x8: {  	[smem:$0x3F99] =	sst s0  }
0x9: {  	[smem:$0x3F9A] =	sst s1  }
0xa: {  	[smem:$0x3F9B] =	sst s2  }
0xb: {  	[smem:$0x3F9C] =	sst s3  }
0xc: {  	[smem:$0x3F9D] =	sst s4  }
0xd: {  	[smem:$0x3F9E] =	sst s5  }
0xe: {  	[smem:$0x3F9F] =	sst s6  }
0xf: {  	[smem:$0x3FA0] =	sst s7  }
0x10: {  	[smem:$0x3FA1] =	sst s8  }
0x11: {  	[smem:$0x3FA2] =	sst s9;
	s0 =	simm.s32 @!p0 $0x0  }
0x12: {  	s1 =	sld [smem:$0x3F88];
	s0 =	simm.s32 @p0 $0x1  }
0x13: {  	[smem:$0x3FA3] =	sst s0;
	s0 =	simm.s32 @!p1 $0x0  }
0x14: {  	s2 =	sld [smem:$0x3F87];
	s0 =	simm.s32 @p1 $0x1  }
0x15: {  	[smem:$0x3FA4] =	sst s0;
	s0 =	simm.s32 @!p2 $0x0  }
0x16: {  	s3 =	sld [smem:$0x3FDB];
	s0 =	simm.s32 @p2 $0x1  }
0x17: {  	s4 =	simm.s32 $0x1BF5;
	[smem:$0x3FA6] =	sst s0  }
0x18: {  	s0 =	sld [smem:$0x3F89];
	_ =	swait.ge [sflag:s4], $0x0  }
0x19: {  	s7 =	sld [smem:$0x3F8A]  }
0x1a: {  	s8 =	sadd.s32 $0xFFFFE003, lr  }
0x1b: {  	s9 =	sadd.s32 $0xFFFFFEF7, lr;
	s5 =	simm.s32 $0xFFFFFFFF;
	p2 =	slt.u32 s8, $0xFFFFF086  }
0x1c: {  	p1 =	slt.u32 s9, $0xF7A;
	s5 =	simm.s32 @!p2 $0x0  }
0x1d: {  	s5 =	simm.s32 @p1 $0x1;
	p0 =	seq.s32 s7, s2  }
0x1e: {  	s7 =	smul.u32 @!p0 $0xF7A, s2;
	p2 =	seq.s32 @!p0 s5, $0x0  }
0x1f: {  	s9 =	smul.u32 $0xF7A, s1;
	s8 =	simm.s32 @!p0 $0x1BF5;
	p2 =	por !p2, p0  }
0x20: {  	[sflag:s8] =	ssyncset.s32 @!p0 $0xFFFFF086;
	s6 =	sadd.s32 @!p0 s3, s7;
	s7 =	simm.s32 @!p0 $0x108  }
0x21: {  	s3 =	sadd.s32 s3, s9;
	s6 =	sadd.s32 @!p0 $0x88, s6;
	s7 =	simm.s32 @p2 $0x1082  }
0x22: {  	[simem:s7], [sflag:s8] =	dma.local @!p0 [hbm:s6], $0xF7A  }
0x23: {  	s9 =	sor.u32 $0xD0000000, s2;
	s6 =	simm.s32 $0x108;
	_ =	swait.ge @!p0 [sflag:s8], $0x0  }
0x24: {  	s3 =	sadd.s32 $0x88, s3;
	s6 =	simm.s32 @!p1 $0x1082;
	[sflag:s4] =	ssyncset.s32 $0xFFFFF086  }
0x25: {  	[simem:s6], [sflag:s4] =	dma.local [hbm:s3], $0xF7A  }
0x26: {  	[smem:$0x3F8A] =	sst s1;
	(tag) =	ssettag s2;
	_ =	strace s9  }
0x27: {  	s1 =	sld [smem:$0x3F9A]  }
0x28: {  	s2 =	sld [smem:$0x3F9B]  }
0x29: {  	s4 =	sld [smem:$0x3F9D]  }
0x2a: {  	p0 =	seq.s32 s5, $0x0;
	s5 =	sld [smem:$0x3F9E]  }
0x2b: {  	s6 =	sld [smem:$0x3F9F]  }
0x2c: {  	s7 =	sld [smem:$0x3FA0]  }
0x2d: {  	s3 =	simm.s32 $0x108;
	s8 =	sld [smem:$0x3FA1]  }
0x2e: {  	s3 =	simm.s32 @!p0 $0x1082;
	s9 =	sld [smem:$0x3FA2]  }
0x2f: {  	lr =	sadd.s32 s0, s3;
	s0 =	sld [smem:$0x3F99]  }
0x30: {  	s3 =	sld [smem:$0x3F9C]  }
0x31: {  	[smem:$0x3FA5] =	sst s10  }
0x32: {  	s10 =	sld [smem:$0x3FA3];
	_ =	sdelay $0x3  }
0x33: {  	p0 =	seq.s32 s10, $0x1;
	s10 =	sld [smem:$0x3FA5];
	_ =	sdelay $0x3  }
0x34: {  	[smem:$0x3FA5] =	sst s10  }
0x35: {  	s10 =	sld [smem:$0x3FA4];
	_ =	sdelay $0x3  }
0x36: {  	p1 =	seq.s32 s10, $0x1;
	s10 =	sld [smem:$0x3FA5];
	_ =	sdelay $0x3  }
0x37: {  	[smem:$0x3FA5] =	sst s10  }
0x38: {  	s10 =	sld [smem:$0x3FA6]  }
0x39: {  	_ = 	snop;
	(pc) =	sbr.ind lr, $3  }
0x3a: {  	_ = 	snop  }
0x3b: {  	_ = 	snop  }
0x3c: {  	p2 =	seq.s32 s10, $0x1;
	s10 =	sld [smem:$0x3FA5]  }
0x3d: {  	_ =	shalt  }
0x3e: {  	_ =	shalt  }
0x3f: {  	_ =	shalt  }
0x40: {  	_ =	shalt  }
0x41: {  	_ =	shalt  }
0x42: {  	_ =	shalt  }
0x43: {  	_ =	shalt  }
0x44: {  	_ =	shalt  }
0x45: {  	_ =	shalt  }
0x46: {  	_ =	shalt  }
0x47: {  	_ =	shalt  }
0x48: {  	_ =	shalt  }
0x49: {  	_ =	shalt  }
0x4a: {  	_ =	shalt  }
0x4b: {  	_ =	shalt  }
0x4c: {  	_ =	shalt  }
0x4d: {  	_ =	shalt  }
0x4e: {  	_ =	shalt  }
0x4f: {  	_ =	shalt  }
0x50: {  	_ =	shalt  }
0x51: {  	_ =	shalt  }
0x52: {  	_ =	shalt  }
0x53: {  	_ =	shalt  }
0x54: {  	_ =	shalt  }
0x55: {  	_ =	shalt  }
0x56: {  	_ =	shalt  }
0x57: {  	_ =	shalt  }
0x58: {  	_ =	shalt  }
0x59: {  	_ =	shalt  }
0x5a: {  	_ =	shalt  }
0x5b: {  	_ =	shalt  }
0x5c: {  	_ =	shalt  }
0x5d: {  	_ =	shalt  }
0x5e: {  	_ =	shalt  }
0x5f: {  	_ =	shalt  }
0x60: {  	_ =	shalt  }
0x61: {  	_ =	shalt  }
0x62: {  	_ =	shalt  }
0x63: {  	_ =	shalt  }
0x64: {  	_ =	shalt  }
0x65: {  	_ =	shalt  }
0x66: {  	_ =	shalt  }
0x67: {  	_ =	shalt  }
0x68: {  	_ =	shalt  }
0x69: {  	_ =	shalt  }
0x6a: {  	_ =	shalt  }
0x6b: {  	_ =	shalt  }
0x6c: {  	_ =	shalt  }
0x6d: {  	_ =	shalt  }
0x6e: {  	_ =	shalt  }
0x6f: {  	_ =	shalt  }
0x70: {  	_ =	shalt  }
0x71: {  	_ =	shalt  }
0x72: {  	_ =	shalt  }
0x73: {  	_ =	shalt  }
0x74: {  	_ =	shalt  }
0x75: {  	_ =	shalt  }
0x76: {  	_ =	shalt  }
0x77: {  	_ =	shalt  }
0x78: {  	_ =	shalt  }
0x79: {  	_ =	shalt  }
0x7a: {  	_ =	shalt  }
0x7b: {  	_ =	shalt  }
0x7c: {  	_ =	shalt  }
0x7d: {  	_ =	shalt  }
0x7e: {  	_ =	shalt  }
0x7f: {  	_ =	shalt  }
0x80: {  	_ =	shalt  }
0x81: {  	_ =	shalt  }
0x82: {  	_ =	shalt  }
0x83: {  	_ =	shalt  }
0x84: {  	_ =	shalt  }
0x85: {  	_ =	shalt  }
0x86: {  	_ =	shalt  }
0x87: {  	_ =	shalt  }
.Lfunc_end0:
.L_simem_size_0:
called_computation.2_lowered:
.L_overlay_start_0:
0x88: {  	s2 =	sld [smem:$0x3FD9]  }
0x89: {  	s3 =	sld [smem:$0x3FFE];
	_ =	sdelay $0x1  }
0x8a: {  	s1 =	srdreg.scid  }
0x8b: {  	s0 =	sand.u32 $0x1, s1  }
0x8c: {  	s15 =	sshll.u32 s0, $0xA;
	s2 =	sadd.s32 s3, s2  }
0x8d: {  	s2 =	sadd.s32 s2, s15  }
0x8e: {  	[smem:$0x3FB1] =	sst s2  }
0x8f: {  	_ = 	snop  }
0x90: {  	s16 =	sld [smem:$0x3FD0];
	_ =	sdelay $0x2  }
0x91: {  	s4 =	simm.s32 $0xC;
	s5 =	simm.s32 $0x10;
	s2 =	sld [smem:$0x3FC4]  }
0x92: {  	[smem:s5], [sflag:s4] =	dma.local [hbm:s16], $0x1  }
0x93: {  	_ =	swait.eq [sflag:s4], $0x1  }
0x94: {  	[sflag:s4] =	ssyncset.done $0x0  }
0x95: {  	[sflag:s4] =	ssyncadd.s32 $0xFFFFFFFF  }
0x96: {  	s17 =	sld [smem:$0x13];
	(tm) =	ssettm $0x1  }
0x97: {  	s18 =	sld [smem:$0x3FFB];
	_ =	sdelay $0x3  }
0x98: {  	_ =	strace s18  }
0x99: {  	s3 =	sld [smem:$0x3FFC];
	_ =	sdelay $0x3  }
0x9a: {  	_ =	strace s3  }
0x9b: {  	s3 =	sld [smem:$0x3FFD];
	_ =	sdelay $0x3  }
0x9c: {  	_ =	strace s3  }
0x9d: {  	_ =	strace $0x8FFFFFFF  }
0x9e: {  	s19 =	sld [smem:$0x3FDB];
	_ =	sdelay $0x1  }
0x9f: {  	s20 =	simm.s32 $_scs_section_size  }
0xa0: {  	s6 =	simm.s32 $_size__tile_overlayer_lowered;
	s7 =	simm.s32 $_tile_overlayer_lowered  }
0xa1: {  	s8 =	simm.s32 $0x1BFF;
	s21 =	sshll.u32 s7, $0x1;
	s5 =	sadd.s32 s20, s19  }
0xa2: {  	s22 =	simm.s32 $0x0;
	s6 =	sshll.u32 s6, $0x1;
	s7 =	sadd.s32 s21, s5  }
0xa3: {  	[timem:s22], [sflag:s8] =	dma.local [hbm:s7], s6  }
0xa4: {  	_ =	swait.ge [sflag:s8], s6  }
0xa5: {  	s6 =	ssub.s32 $0x0, s6;
	[sflag:s8] =	ssyncset.done $0x0  }
0xa6: {  	[sflag:s8] =	ssyncadd.s32 s6;
	_ =	sdelay $0x1  }
0xa7: {  	s23 =	simm.s32 $0x1B8B  }
0xa8: {  	_ =	swait.ge [sflag:s23], $0x1  }
0xa9: {  	[sflag:s23] =	ssyncset.done $0x0  }
0xaa: {  	[sflag:s23] =	ssyncadd.s32 $0xFFFFFFFF  }
0xab: {  	s6 =	sld [smem:$0x0]  }
0xac: {  	s7 =	sand.u32 $0xFFFFFFFE, s1  }
0xad: {  	p0 =	sne.s32 s1, s7  }
0xae: {  	s7 =	sshll.u32 @p0 s7, $0xE  }
0xaf: {  	s7 =	sadd.s32 @p0 $0x11B8D, s7;
	s8 =	sshll.u32 @p0 s6, $0x11  }
0xb0: {  	s7 =	sor.u32 @p0 s8, s7  }
0xb1: {  	[sflag:s7] =	ssyncadd.remote.s32 @p0 $0x1;
	_ =	sdelay $0x1  }
0xb2: {  	s7 =	simm.s32 @p0 $0x1B8D  }
0xb3: {  	_ =	swait.eq @p0 [sflag:s7], $0x1  }
0xb4: {  	[sflag:s7] =	ssyncadd.s32 @p0 $0xFFFFFFFF  }
0xb5: {  	s8 =	sshll.u32 @!p0 s1, $0xE  }
0xb6: {  	s8 =	sor.u32 @!p0 $0x4000, s8;
	s7 =	simm.s32 @!p0 $0x1B8D  }
0xb7: {  	s6 =	sshll.u32 @!p0 s6, $0x11;
	s8 =	sadd.s32 @!p0 $0x11B8D, s8;
	_ =	swait.eq @!p0 [sflag:s7], $0x1  }
0xb8: {  	s6 =	sor.u32 @!p0 s6, s8;
	[sflag:s7] =	ssyncadd.s32 @!p0 $0xFFFFFFFF  }
0xb9: {  	s25 =	simm.s32 $0x1B8E;
	s24 =	sld [smem:$0x3FFE];
	[sflag:s6] =	ssyncadd.remote.s32 @!p0 $0x1  }
0xba: {  	s26 =	simm.s32 $execute0_lowered;
	[smem:$0x3FD2] =	sst s25  }
0xbb: {  	s7 =	sshll.u32 s26, $0x1;
	_ =	strace $0x80000058;
	[dreg:$0x1] =	wrdreg $0xFFFFFFFF  }
0xbc: {  	s28 =	simm.s32 $_size_execute0_lowered;
	s5 =	sadd.s32 s5, s7;
	[dreg:$0x0] =	wrdreg $0x0  }
0xbd: {  	s7 =	sshll.u32 s28, $0x1;
	[dreg:$0x2] =	wrdreg s5  }
0xbe: {  	[dreg:$0x3] =	wrdreg s7  }
0xbf: {  	[dreg:$0x4] =	wrdreg $0xC0  }
0xc0: {  	_ =	task [dreg:s22], $0x5FFFF  }
0xc1: {  	[dreg:$0x1] =	wrdreg $0xFFFFFFFF  }
0xc2: {  	[dreg:$0x0] =	wrdreg $0x60  }
0xc3: {  	[dreg:$0x2] =	wrdreg s2  }
0xc4: {  	[dreg:$0x3] =	wrdreg s17  }
0xc5: {  	[dreg:$0x4] =	wrdreg s24  }
0xc6: {  	[dreg:$0x5] =	wrdreg $0x9  }
0xc7: {  	_ =	task.clear_ibuf [dreg:s22], $0x6FFFF;
	_ =	strace $0x90000058  }
0xc8: {  	s29 =	simm.s32 $0x9;
	_ =	strace $0x8000005A  }
0xc9: {  	_ =	swait.ge [sflag:s29], $0x1  }
0xca: {  	[sflag:s29] =	ssyncadd.s32 $0xFFFFFFFF  }
0xcb: {  	_ =	strace $0x9000005A  }
0xcc: {  	_ =	sfence  }
0xcd: {  	s30 =	sld [smem:$0x0];
	_ =	sdelay $0x2  }
0xce: {  	s31 =	sshll.u32 s1, $0xD;
	s1 =	sshrl.u32 s1, $0x2  }
0xcf: {  	s4 =	sand.u32 $0x4000, s31;
	s1 =	sadd.s32 s1, s30  }
0xd0: {  	s0 =	sor.u32 s4, s0;
	s1 =	sshll.u32 s1, $0x11  }
0xd1: {  	s0 =	sor.u32 s1, s0  }
0xd2: {  	s0 =	sadd.s32 $0x8F2B, s0  }
0xd3: {  	[sflag:s0] =	ssyncadd.remote.s32 $0x1  }
0xd4: {  	_ =	sfence.sel $0xFFFF  }
0xd5: {  	[dreg:$0x0] =	wrdreg $0xFFFFFFFF;
	(pc) =	sbr.abs _section_cstart, $3  }
0xd6: {  	[dreg:$0x1] =	wrdreg $0xFFFFFFFF  }
0xd7: {  	_ =	task.clear_ibuf [dreg:s22], $0x2FFFF;
	_ =	strace $0x9FFFFFFF  }
0xd8: {  	(tm) =	ssettm $0x7FFFFFFF  }
0xd9: {  	_ =	shalt  }
tec
execute0_lowered:
.L_overlay_start_1:
0x0: {  	(tag) =	ssettag $0x1  }
0x1: {  	s1 =	srdreg.scid;
	s0 =	stileid.u32  }
0x2: {  	s2 =	rddreg [dreg:$0x0];
	s14 =	sand.u32 $0x1, s1;
	s30 =	sshll.u32 s0, $0x1  }
0x3: {  	s4 =	rddreg [dreg:$0x1];
	s15 =	sor.u32 s14, s30  }
0x4: {  	s16 =	rddreg [dreg:$0x2];
	s5 =	smul.u32 $0x140, s15  }
0x5: {  	s3 =	simm.s32 $0x0;
	s1 =	rddreg [dreg:$0x3]  }
0x6: {  	[smem:$0x7FF] =	sst s3;
	s5 =	sshrl.u32 s5, $0x3  }
0x7: {  	_ =	strace $0x80000059;
	s5 =	sadd.s32 s4, s5;
	s4 =	simm.s32 $0x2  }
0x8: {  	[tilespmem:s3], [sflag:$0x2] =	stream.linear.gather [hbm4b:s5+s3], $0x50, $0x38;
	[tilespmem:$0xA080] =	vst v63  }
0x9: {  	_ =	swait.ge [sflag:s4], $0x50  }
0xa: {  	s6 =	simm.s32 $0x50;
	[sflag:s4] =	ssyncset.done $0x0  }
0xb: {  	s7 =	simm.s32 $0x80;
	s8 =	simm.s32 $0x1;
	[sflag:s4] =	ssyncadd.s32 $0xFFFFFFB0  }
0xc: {  	[tilespmem:s7], [sflag:$0x1] =	stream.indirect.gather [hbm4b:s2+s6], $0x80, s3, s6, $0xb8;
	[tilespmem:$0xA080] =	vst v63  }
0xd: {  	_ =	swait.ge [sflag:s8], $0x2800  }
0xe: {  	[sflag:s8] =	ssyncset.done $0x0  }
0xf: {  	s9 =	sadd.s32 $0xA, s5;
	[sflag:s8] =	ssyncadd.s32 $0xFFFFD800  }
0x10: {  	[tilespmem:s3], [sflag:$0x2] =	stream.linear.gather [hbm4b:s9+s3], $0x50, $0x38;
	[tilespmem:$0xA080] =	vst v63  }
0x11: {  	_ =	swait.ge [sflag:s4], $0x50  }
0x12: {  	[sflag:s4] =	ssyncset.done $0x0  }
0x13: {  	s10 =	simm.s32 $0x2880;
	[sflag:s4] =	ssyncadd.s32 $0xFFFFFFB0  }
0x14: {  	[tilespmem:s10], [sflag:$0x1] =	stream.indirect.gather [hbm4b:s2+s6], $0x80, s3, s6, $0xb8;
	[tilespmem:$0xA080] =	vst v63  }
0x15: {  	_ =	swait.ge [sflag:s8], $0x2800  }
0x16: {  	[sflag:s8] =	ssyncset.done $0x0  }
0x17: {  	s11 =	sadd.s32 $0x14, s5;
	[sflag:s8] =	ssyncadd.s32 $0xFFFFD800  }
0x18: {  	[tilespmem:s3], [sflag:$0x2] =	stream.linear.gather [hbm4b:s11+s3], $0x50, $0x38;
	[tilespmem:$0xA080] =	vst v63  }
0x19: {  	_ =	swait.ge [sflag:s4], $0x50  }
0x1a: {  	[sflag:s4] =	ssyncset.done $0x0  }
0x1b: {  	s12 =	simm.s32 $0x5080;
	[sflag:s4] =	ssyncadd.s32 $0xFFFFFFB0  }
0x1c: {  	[tilespmem:s12], [sflag:$0x1] =	stream.indirect.gather [hbm4b:s2+s6], $0x80, s3, s6, $0xb8;
	[tilespmem:$0xA080] =	vst v63  }
0x1d: {  	_ =	swait.ge [sflag:s8], $0x2800  }
0x1e: {  	[sflag:s8] =	ssyncset.done $0x0  }
0x1f: {  	s17 =	ssub.s32 $0x2, s14;
	s13 =	sadd.s32 $0x1E, s5;
	[sflag:s8] =	ssyncadd.s32 $0xFFFFD800  }
0x20: {  	[tilespmem:s3], [sflag:$0x2] =	stream.linear.gather [hbm4b:s13+s3], $0x50, $0x38;
	[tilespmem:$0xA080] =	vst v63  }
0x21: {  	s15 =	smul.u32 $0x1400, s15;
	s18 =	sshrl.u32 s17, $0x1;
	_ =	swait.ge [sflag:s4], $0x50  }
0x22: {  	s14 =	simm.s32 $0x7880;
	s31 =	ssub.s32 s17, s18;
	[sflag:s4] =	ssyncset.done $0x0  }
0x23: {  	s15 =	sadd.s32 s15, s16;
	s16 =	smax.u32 s31, $0x1;
	[sflag:s4] =	ssyncadd.s32 $0xFFFFFFB0  }
0x24: {  	[tilespmem:s14], [sflag:$0x1] =	stream.indirect.gather [hbm4b:s2+s6], $0x80, s3, s6, $0xb8;
	[tilespmem:$0xA080] =	vst v63  }
0x25: {  	p0 =	sne.s32 s16, $0x1;
	_ =	swait.ge [sflag:s8], $0x2800  }
.Ltmp0:
0x26: {  	[sflag:s8] =	ssyncset.done $0x0;
	(pc) =	sbr.rel @!p0 .LBB2_2-.Ltmp0, $4  }
0x27: {  	s15 =	sadd.s32 $0x57000, s15;
	[sflag:s8] =	ssyncadd.s32 $0xFFFFD800  }
0x28: {  	[hbm4b:s15+s3] =	stream.linear.scatter [tilespmem:s7], [sflag:$0x2], $0xA000, $0x38;
	[tilespmem:$0xA080] =	vst v63  }
0x29: {  	_ =	swait.ge [sflag:s4], $0xA000  }
0x2a: {  	s16 =	sadd.s32 $0xFFFFFFFF, s16;
	[sflag:s4] =	ssyncset.done $0x0  }
.LBB2_1:
0x2b: {  	p0 =	sne.s32 s16, $0x1;
	s16 =	sadd.s32 $0xFFFFFFFF, s16;
	[sflag:s4] =	ssyncadd.s32 $0xFFFF6000  }
0x2c: {  	[tilespmem:s3], [sflag:$0x2] =	stream.linear.gather [hbm4b:s5+s3], $0x50, $0x38;
	[tilespmem:$0xA080] =	vst v63  }
0x2d: {  	_ =	swait.ge [sflag:s4], $0x50  }
0x2e: {  	[sflag:s4] =	ssyncset.done $0x0  }
0x2f: {  	[sflag:s4] =	ssyncadd.s32 $0xFFFFFFB0  }
0x30: {  	[tilespmem:s7], [sflag:$0x1] =	stream.indirect.gather [hbm4b:s2+s6], $0x80, s3, s6, $0xb8;
	[tilespmem:$0xA080] =	vst v63  }
0x31: {  	_ =	swait.ge [sflag:s8], $0x2800  }
0x32: {  	[sflag:s8] =	ssyncset.done $0x0  }
0x33: {  	[sflag:s8] =	ssyncadd.s32 $0xFFFFD800  }
0x34: {  	[tilespmem:s3], [sflag:$0x2] =	stream.linear.gather [hbm4b:s9+s3], $0x50, $0x38;
	[tilespmem:$0xA080] =	vst v63  }
0x35: {  	_ =	swait.ge [sflag:s4], $0x50  }
0x36: {  	[sflag:s4] =	ssyncset.done $0x0  }
0x37: {  	[sflag:s4] =	ssyncadd.s32 $0xFFFFFFB0  }
0x38: {  	[tilespmem:s10], [sflag:$0x1] =	stream.indirect.gather [hbm4b:s2+s6], $0x80, s3, s6, $0xb8;
	[tilespmem:$0xA080] =	vst v63  }
0x39: {  	_ =	swait.ge [sflag:s8], $0x2800  }
0x3a: {  	[sflag:s8] =	ssyncset.done $0x0  }
0x3b: {  	[sflag:s8] =	ssyncadd.s32 $0xFFFFD800  }
0x3c: {  	[tilespmem:s3], [sflag:$0x2] =	stream.linear.gather [hbm4b:s11+s3], $0x50, $0x38;
	[tilespmem:$0xA080] =	vst v63  }
0x3d: {  	_ =	swait.ge [sflag:s4], $0x50  }
0x3e: {  	[sflag:s4] =	ssyncset.done $0x0  }
0x3f: {  	[sflag:s4] =	ssyncadd.s32 $0xFFFFFFB0  }
0x40: {  	[tilespmem:s12], [sflag:$0x1] =	stream.indirect.gather [hbm4b:s2+s6], $0x80, s3, s6, $0xb8;
	[tilespmem:$0xA080] =	vst v63  }
0x41: {  	_ =	swait.ge [sflag:s8], $0x2800  }
0x42: {  	[sflag:s8] =	ssyncset.done $0x0  }
0x43: {  	[sflag:s8] =	ssyncadd.s32 $0xFFFFD800  }
0x44: {  	[tilespmem:s3], [sflag:$0x2] =	stream.linear.gather [hbm4b:s13+s3], $0x50, $0x38;
	[tilespmem:$0xA080] =	vst v63  }
0x45: {  	_ =	swait.ge [sflag:s4], $0x50  }
0x46: {  	[sflag:s4] =	ssyncset.done $0x0  }
0x47: {  	[sflag:s4] =	ssyncadd.s32 $0xFFFFFFB0  }
0x48: {  	[tilespmem:s14], [sflag:$0x1] =	stream.indirect.gather [hbm4b:s2+s6], $0x80, s3, s6, $0xb8;
	[tilespmem:$0xA080] =	vst v63  }
0x49: {  	_ =	swait.ge [sflag:s8], $0x2800  }
.Ltmp1:
0x4a: {  	[sflag:s8] =	ssyncset.done $0x0;
	(pc) =	sbr.rel @p0 .LBB2_1-.Ltmp1, $4  }
0x4b: {  	[sflag:s8] =	ssyncadd.s32 $0xFFFFD800  }
0x4c: {  	[hbm4b:s15+s3] =	stream.linear.scatter [tilespmem:s7], [sflag:$0x2], $0xA000, $0x38;
	[tilespmem:$0xA080] =	vst v63  }
0x4d: {  	_ =	swait.ge [sflag:s4], $0xA000  }
0x4e: {  	[sflag:s4] =	ssyncset.done $0x0  }
.LBB2_2:
0x4f: {  	[sflag:s4] =	ssyncadd.s32 $0xFFFF6000  }
0x50: {  	_ =	sfence.sel $0x180000  }
0x51: {  	[bflag:$0x0] =	sbarrier.arrive $0xFFFF  }
0x52: {  	p0 =	sne.s32 s0, $0x0;
	_ =	strace $0x90000059  }
0x53: {  	s0 =	sadd.s32 @!p0 $0x100000, s1;
	[bflag:$0x2] =	sbarrier.arrive $0xFFFF  }
0x54: {  	[sflag:s0] =	ssyncadd.tile.s32 @!p0 $0x1;
	_ =	shalt  }
.Lfunc_end2:
_tile_overlayer_lowered:
.L_overlay_start_2:
0x55: {  	(tag) =	ssettag $0x2  }
0x56: {  	s0 =	rddreg [dreg:$0x0];
	s2 =	stileid.u32  }
0x57: {  	s1 =	rddreg [dreg:$0x1];
	p0 =	sne.s32 s2, $0x0  }
0x58: {  	s3 =	rddreg [dreg:$0x2];
	[bflag:$0x3] =	sbarrier.arrive $0xFFFF;
	s2 =	simm.s32 @!p0 $0x1C02  }
0x59: {  	[timem:s3], [sflag:s2] =	dma.local @!p0 [hbm:s0], s1  }
0x5a: {  	s0 =	simm.s32 @!p0 $0x2  }
0x5b: {  	_ =	swait.ge @!p0 [sflag:s0], s1  }
0x5c: {  	s1 =	ssub.s32 @!p0 $0x0, s1;
	[sflag:s0] =	ssyncset.done @!p0 $0x0  }
0x5d: {  	[sflag:s0] =	ssyncadd.s32 @!p0 s1  }
0x5e: {  	[bflag:$0x3] =	sbarrier.arrive $0xFFFF  }
0x5f: {  	_ =	shalt  }

// kernel: kernel.27.cloned.1.call-start
scs
__scs_entry_jumppad:
0x0: {  	(pc) =	sbr.rel $0x88, $3  }
0x1: {  	(tag) =	ssettag $0x0;
	lr =	simm.s32 $0x1  }
0x2: {  	[smem:$0x3F8A] =	sst lr;
	_ =	strace $0xD0000000  }
0x3: {  	_ = 	snop  }
0x4: {  	_ = 	snop  }
0x5: {  	_ = 	snop  }
0x6: {  	_ = 	snop  }
0x7: {  	_ = 	snop  }
__scs_overlays_trampoline_lowered:
0x8: {  	[smem:$0x3F99] =	sst s0  }
0x9: {  	[smem:$0x3F9A] =	sst s1  }
0xa: {  	[smem:$0x3F9B] =	sst s2  }
0xb: {  	[smem:$0x3F9C] =	sst s3  }
0xc: {  	[smem:$0x3F9D] =	sst s4  }
0xd: {  	[smem:$0x3F9E] =	sst s5  }
0xe: {  	[smem:$0x3F9F] =	sst s6  }
0xf: {  	[smem:$0x3FA0] =	sst s7  }
0x10: {  	[smem:$0x3FA1] =	sst s8  }
0x11: {  	[smem:$0x3FA2] =	sst s9;
	s0 =	simm.s32 @!p0 $0x0  }
0x12: {  	s1 =	sld [smem:$0x3F88];
	s0 =	simm.s32 @p0 $0x1  }
0x13: {  	[smem:$0x3FA3] =	sst s0;
	s0 =	simm.s32 @!p1 $0x0  }
0x14: {  	s2 =	sld [smem:$0x3F87];
	s0 =	simm.s32 @p1 $0x1  }
0x15: {  	[smem:$0x3FA4] =	sst s0;
	s0 =	simm.s32 @!p2 $0x0  }
0x16: {  	s3 =	sld [smem:$0x3FDB];
	s0 =	simm.s32 @p2 $0x1  }
0x17: {  	s4 =	simm.s32 $0x1BF5;
	[smem:$0x3FA6] =	sst s0  }
0x18: {  	s0 =	sld [smem:$0x3F89];
	_ =	swait.ge [sflag:s4], $0x0  }
0x19: {  	s7 =	sld [smem:$0x3F8A]  }
0x1a: {  	s8 =	sadd.s32 $0xFFFFE003, lr  }
0x1b: {  	s9 =	sadd.s32 $0xFFFFFEF7, lr;
	s5 =	simm.s32 $0xFFFFFFFF;
	p2 =	slt.u32 s8, $0xFFFFF086  }
0x1c: {  	p1 =	slt.u32 s9, $0xF7A;
	s5 =	simm.s32 @!p2 $0x0  }
0x1d: {  	s5 =	simm.s32 @p1 $0x1;
	p0 =	seq.s32 s7, s2  }
0x1e: {  	s7 =	smul.u32 @!p0 $0xF7A, s2;
	p2 =	seq.s32 @!p0 s5, $0x0  }
0x1f: {  	s9 =	smul.u32 $0xF7A, s1;
	s8 =	simm.s32 @!p0 $0x1BF5;
	p2 =	por !p2, p0  }
0x20: {  	[sflag:s8] =	ssyncset.s32 @!p0 $0xFFFFF086;
	s6 =	sadd.s32 @!p0 s3, s7;
	s7 =	simm.s32 @!p0 $0x108  }
0x21: {  	s3 =	sadd.s32 s3, s9;
	s6 =	sadd.s32 @!p0 $0x88, s6;
	s7 =	simm.s32 @p2 $0x1082  }
0x22: {  	[simem:s7], [sflag:s8] =	dma.local @!p0 [hbm:s6], $0xF7A  }
0x23: {  	s9 =	sor.u32 $0xD0000000, s2;
	s6 =	simm.s32 $0x108;
	_ =	swait.ge @!p0 [sflag:s8], $0x0  }
0x24: {  	s3 =	sadd.s32 $0x88, s3;
	s6 =	simm.s32 @!p1 $0x1082;
	[sflag:s4] =	ssyncset.s32 $0xFFFFF086  }
0x25: {  	[simem:s6], [sflag:s4] =	dma.local [hbm:s3], $0xF7A  }
0x26: {  	[smem:$0x3F8A] =	sst s1;
	(tag) =	ssettag s2;
	_ =	strace s9  }
0x27: {  	s1 =	sld [smem:$0x3F9A]  }
0x28: {  	s2 =	sld [smem:$0x3F9B]  }
0x29: {  	s4 =	sld [smem:$0x3F9D]  }
0x2a: {  	p0 =	seq.s32 s5, $0x0;
	s5 =	sld [smem:$0x3F9E]  }
0x2b: {  	s6 =	sld [smem:$0x3F9F]  }
0x2c: {  	s7 =	sld [smem:$0x3FA0]  }
0x2d: {  	s3 =	simm.s32 $0x108;
	s8 =	sld [smem:$0x3FA1]  }
0x2e: {  	s3 =	simm.s32 @!p0 $0x1082;
	s9 =	sld [smem:$0x3FA2]  }
0x2f: {  	lr =	sadd.s32 s0, s3;
	s0 =	sld [smem:$0x3F99]  }
0x30: {  	s3 =	sld [smem:$0x3F9C]  }
0x31: {  	[smem:$0x3FA5] =	sst s10  }
0x32: {  	s10 =	sld [smem:$0x3FA3];
	_ =	sdelay $0x3  }
0x33: {  	p0 =	seq.s32 s10, $0x1;
	s10 =	sld [smem:$0x3FA5];
	_ =	sdelay $0x3  }
0x34: {  	[smem:$0x3FA5] =	sst s10  }
0x35: {  	s10 =	sld [smem:$0x3FA4];
	_ =	sdelay $0x3  }
0x36: {  	p1 =	seq.s32 s10, $0x1;
	s10 =	sld [smem:$0x3FA5];
	_ =	sdelay $0x3  }
0x37: {  	[smem:$0x3FA5] =	sst s10  }
0x38: {  	s10 =	sld [smem:$0x3FA6]  }
0x39: {  	_ = 	snop;
	(pc) =	sbr.ind lr, $3  }
0x3a: {  	_ = 	snop  }
0x3b: {  	_ = 	snop  }
0x3c: {  	p2 =	seq.s32 s10, $0x1;
	s10 =	sld [smem:$0x3FA5]  }
0x3d: {  	_ =	shalt  }
0x3e: {  	_ =	shalt  }
0x3f: {  	_ =	shalt  }
0x40: {  	_ =	shalt  }
0x41: {  	_ =	shalt  }
0x42: {  	_ =	shalt  }
0x43: {  	_ =	shalt  }
0x44: {  	_ =	shalt  }
0x45: {  	_ =	shalt  }
0x46: {  	_ =	shalt  }
0x47: {  	_ =	shalt  }
0x48: {  	_ =	shalt  }
0x49: {  	_ =	shalt  }
0x4a: {  	_ =	shalt  }
0x4b: {  	_ =	shalt  }
0x4c: {  	_ =	shalt  }
0x4d: {  	_ =	shalt  }
0x4e: {  	_ =	shalt  }
0x4f: {  	_ =	shalt  }
0x50: {  	_ =	shalt  }
0x51: {  	_ =	shalt  }
0x52: {  	_ =	shalt  }
0x53: {  	_ =	shalt  }
0x54: {  	_ =	shalt  }
0x55: {  	_ =	shalt  }
0x56: {  	_ =	shalt  }
0x57: {  	_ =	shalt  }
0x58: {  	_ =	shalt  }
0x59: {  	_ =	shalt  }
0x5a: {  	_ =	shalt  }
0x5b: {  	_ =	shalt  }
0x5c: {  	_ =	shalt  }
0x5d: {  	_ =	shalt  }
0x5e: {  	_ =	shalt  }
0x5f: {  	_ =	shalt  }
0x60: {  	_ =	shalt  }
0x61: {  	_ =	shalt  }
0x62: {  	_ =	shalt  }
0x63: {  	_ =	shalt  }
0x64: {  	_ =	shalt  }
0x65: {  	_ =	shalt  }
0x66: {  	_ =	shalt  }
0x67: {  	_ =	shalt  }
0x68: {  	_ =	shalt  }
0x69: {  	_ =	shalt  }
0x6a: {  	_ =	shalt  }
0x6b: {  	_ =	shalt  }
0x6c: {  	_ =	shalt  }
0x6d: {  	_ =	shalt  }
0x6e: {  	_ =	shalt  }
0x6f: {  	_ =	shalt  }
0x70: {  	_ =	shalt  }
0x71: {  	_ =	shalt  }
0x72: {  	_ =	shalt  }
0x73: {  	_ =	shalt  }
0x74: {  	_ =	shalt  }
0x75: {  	_ =	shalt  }
0x76: {  	_ =	shalt  }
0x77: {  	_ =	shalt  }
0x78: {  	_ =	shalt  }
0x79: {  	_ =	shalt  }
0x7a: {  	_ =	shalt  }
0x7b: {  	_ =	shalt  }
0x7c: {  	_ =	shalt  }
0x7d: {  	_ =	shalt  }
0x7e: {  	_ =	shalt  }
0x7f: {  	_ =	shalt  }
0x80: {  	_ =	shalt  }
0x81: {  	_ =	shalt  }
0x82: {  	_ =	shalt  }
0x83: {  	_ =	shalt  }
0x84: {  	_ =	shalt  }
0x85: {  	_ =	shalt  }
0x86: {  	_ =	shalt  }
0x87: {  	_ =	shalt  }
.Lfunc_end0:
.L_simem_size_0:
called_computation.3_lowered:
.L_overlay_start_0:
0x88: {  	s2 =	sld [smem:$0x3FD9]  }
0x89: {  	s3 =	sld [smem:$0x3FFE];
	_ =	sdelay $0x1  }
0x8a: {  	s1 =	srdreg.scid  }
0x8b: {  	s0 =	sand.u32 $0x1, s1  }
0x8c: {  	s15 =	sshll.u32 s0, $0xA;
	s2 =	sadd.s32 s3, s2  }
0x8d: {  	s2 =	sadd.s32 s2, s15  }
0x8e: {  	[smem:$0x3FB1] =	sst s2  }
0x8f: {  	_ = 	snop  }
0x90: {  	s2 =	sld [smem:$0x3FD0];
	_ =	sdelay $0x2  }
0x91: {  	s4 =	simm.s32 $0xC;
	s16 =	simm.s32 $0x10  }
0x92: {  	[smem:s16], [sflag:s4] =	dma.local [hbm:s2], $0x1  }
0x93: {  	_ =	swait.eq [sflag:s4], $0x1  }
0x94: {  	[sflag:s4] =	ssyncset.done $0x0  }
0x95: {  	s17 =	sld [smem:$0x11];
	[sflag:s4] =	ssyncadd.s32 $0xFFFFFFFF  }
0x96: {  	s18 =	sld [smem:$0x12];
	(tm) =	ssettm $0x1  }
0x97: {  	s19 =	sld [smem:$0x3FFB];
	_ =	sdelay $0x3  }
0x98: {  	_ =	strace s19  }
0x99: {  	s2 =	sld [smem:$0x3FFC];
	_ =	sdelay $0x3  }
0x9a: {  	_ =	strace s2  }
0x9b: {  	s2 =	sld [smem:$0x3FFD];
	_ =	sdelay $0x3  }
0x9c: {  	_ =	strace s2  }
0x9d: {  	_ =	strace $0x8FFFFFFF  }
0x9e: {  	s20 =	sld [smem:$0x3FDB];
	_ =	sdelay $0x1  }
0x9f: {  	s5 =	simm.s32 $_scs_section_size  }
0xa0: {  	s6 =	simm.s32 $_size__tile_overlayer_lowered;
	s7 =	simm.s32 $_tile_overlayer_lowered  }
0xa1: {  	s8 =	simm.s32 $0x1BFF;
	s21 =	sshll.u32 s7, $0x1;
	s5 =	sadd.s32 s5, s20  }
0xa2: {  	s22 =	simm.s32 $0x0;
	s6 =	sshll.u32 s6, $0x1;
	s7 =	sadd.s32 s21, s5  }
0xa3: {  	[timem:s22], [sflag:s8] =	dma.local [hbm:s7], s6  }
0xa4: {  	_ =	swait.ge [sflag:s8], s6  }
0xa5: {  	s6 =	ssub.s32 $0x0, s6;
	[sflag:s8] =	ssyncset.done $0x0  }
0xa6: {  	[sflag:s8] =	ssyncadd.s32 s6;
	_ =	sdelay $0x1  }
0xa7: {  	s23 =	simm.s32 $0x1B8B  }
0xa8: {  	_ =	swait.ge [sflag:s23], $0x1  }
0xa9: {  	[sflag:s23] =	ssyncset.done $0x0  }
0xaa: {  	[sflag:s23] =	ssyncadd.s32 $0xFFFFFFFF  }
0xab: {  	s6 =	sld [smem:$0x0]  }
0xac: {  	s7 =	sand.u32 $0xFFFFFFFE, s1  }
0xad: {  	p0 =	sne.s32 s1, s7  }
0xae: {  	s7 =	sshll.u32 @p0 s7, $0xE  }
0xaf: {  	s7 =	sadd.s32 @p0 $0x11B8D, s7;
	s8 =	sshll.u32 @p0 s6, $0x11  }
0xb0: {  	s7 =	sor.u32 @p0 s8, s7  }
0xb1: {  	[sflag:s7] =	ssyncadd.remote.s32 @p0 $0x1;
	_ =	sdelay $0x1  }
0xb2: {  	s7 =	simm.s32 @p0 $0x1B8D  }
0xb3: {  	_ =	swait.eq @p0 [sflag:s7], $0x1  }
0xb4: {  	[sflag:s7] =	ssyncadd.s32 @p0 $0xFFFFFFFF  }
0xb5: {  	s8 =	sshll.u32 @!p0 s1, $0xE  }
0xb6: {  	s8 =	sor.u32 @!p0 $0x4000, s8;
	s7 =	simm.s32 @!p0 $0x1B8D  }
0xb7: {  	s6 =	sshll.u32 @!p0 s6, $0x11;
	s8 =	sadd.s32 @!p0 $0x11B8D, s8;
	_ =	swait.eq @!p0 [sflag:s7], $0x1  }
0xb8: {  	s6 =	sor.u32 @!p0 s6, s8;
	[sflag:s7] =	ssyncadd.s32 @!p0 $0xFFFFFFFF  }
0xb9: {  	s25 =	simm.s32 $0x1B8E;
	s24 =	sld [smem:$0x3FFE];
	[sflag:s6] =	ssyncadd.remote.s32 @!p0 $0x1  }
0xba: {  	s26 =	simm.s32 $execute0_lowered;
	[smem:$0x3FD2] =	sst s25  }
0xbb: {  	s7 =	sshll.u32 s26, $0x1;
	_ =	strace $0x80000049;
	[dreg:$0x1] =	wrdreg $0xFFFFFFFF  }
0xbc: {  	s28 =	simm.s32 $_size_execute0_lowered;
	s5 =	sadd.s32 s5, s7;
	[dreg:$0x0] =	wrdreg $0x0  }
0xbd: {  	s7 =	sshll.u32 s28, $0x1;
	[dreg:$0x2] =	wrdreg s5  }
0xbe: {  	[dreg:$0x3] =	wrdreg s7  }
0xbf: {  	[dreg:$0x4] =	wrdreg $0xC0  }
0xc0: {  	_ =	task [dreg:s22], $0x5FFFF  }
0xc1: {  	[dreg:$0x1] =	wrdreg $0xFFFFFFFF  }
0xc2: {  	[dreg:$0x0] =	wrdreg $0x60  }
0xc3: {  	[dreg:$0x2] =	wrdreg s24  }
0xc4: {  	[dreg:$0x3] =	wrdreg s18  }
0xc5: {  	[dreg:$0x4] =	wrdreg s17  }
0xc6: {  	[dreg:$0x5] =	wrdreg $0x96000  }
0xc7: {  	[dreg:$0x6] =	wrdreg $0xB  }
0xc8: {  	_ =	task.clear_ibuf [dreg:s22], $0x7FFFF;
	_ =	strace $0x90000049  }
0xc9: {  	s29 =	simm.s32 $0xB;
	_ =	strace $0x8000004B  }
0xca: {  	_ =	swait.ge [sflag:s29], $0x1  }
0xcb: {  	[sflag:s29] =	ssyncadd.s32 $0xFFFFFFFF  }
0xcc: {  	_ =	strace $0x9000004B  }
0xcd: {  	_ =	sfence  }
0xce: {  	s30 =	sld [smem:$0x0];
	_ =	sdelay $0x2  }
0xcf: {  	s31 =	sshll.u32 s1, $0xD;
	s1 =	sshrl.u32 s1, $0x2  }
0xd0: {  	s4 =	sand.u32 $0x4000, s31;
	s1 =	sadd.s32 s1, s30  }
0xd1: {  	s0 =	sor.u32 s4, s0;
	s1 =	sshll.u32 s1, $0x11  }
0xd2: {  	s0 =	sor.u32 s1, s0  }
0xd3: {  	s0 =	sadd.s32 $0x8F2B, s0  }
0xd4: {  	[sflag:s0] =	ssyncadd.remote.s32 $0x1  }
0xd5: {  	_ =	sfence.sel $0xFFFF  }
0xd6: {  	[dreg:$0x0] =	wrdreg $0xFFFFFFFF;
	(pc) =	sbr.abs _section_cstart, $3  }
0xd7: {  	[dreg:$0x1] =	wrdreg $0xFFFFFFFF  }
0xd8: {  	_ =	task.clear_ibuf [dreg:s22], $0x2FFFF;
	_ =	strace $0x9FFFFFFF  }
0xd9: {  	(tm) =	ssettm $0x7FFFFFFF  }
tec
execute0_lowered:
.L_overlay_start_1:
0x0: {  	(tag) =	ssettag $0x1  }
0x1: {  	s0 =	rddreg [dreg:$0x0]  }
0x2: {  	s1 =	rddreg [dreg:$0x1];
	s2 =	srdreg.scid  }
0x3: {  	s6 =	rddreg [dreg:$0x2];
	s11 =	stileid.u32;
	s3 =	simm.s32 $0x0  }
0x4: {  	s28 =	simm.s32 $0x100;
	s29 =	simm.s32 $0x3;
	s5 =	smul.u32 $0xA000, s11  }
0x5: {  	s30 =	simm.s32 $0x80;
	s31 =	simm.s32 $0x200;
	s8 =	smul.u32 $0x28000, s11  }
0x6: {  	s7 =	sand.u32 $0x1, s2;
	s2 =	rddreg [dreg:$0x3];
	s22 =	smul.u32 $0x4F00, s11  }
0x7: {  	[smem:$0x7FF] =	sst s3;
	s10 =	sshll.u32 s11, $0x1;
	s4 =	smul.u32 $0xA0000, s7  }
0x8: {  	_ =	strace $0x8000004A;
	s9 =	ssub.s32 $0x2, s7;
	s14 =	sor.u32 s7, s10  }
0x9: {  	s7 =	smul.u32 $0x2780, s7;
	s10 =	simm.s32 $0x0;
	s5 =	sadd.s32 s5, s4  }
0xa: {  	s12 =	sshrl.u32 s8, $0x2;
	s13 =	sshrl.u32 s9, $0x1;
	s5 =	sshrl.u32 s5, $0x3  }
0xb: {  	s4 =	sadd.s32 $0x2F000, s0;
	s0 =	sadd.s32 s5, s0;
	s5 =	sadd.s32 s12, s2  }
0xc: {  	s8 =	ssub.s32 s9, s13;
	s9 =	smul.u32 $0x2780, s14;
	s15 =	sadd.s32 $0x1400, s5  }
0xd: {  	s7 =	sadd.s32 s7, s22;
	s16 =	sadd.s32 $0x2800, s5;
	[dreg:$0x5] =	wrdreg s15  }
0xe: {  	s25 =	sadd.s32 $0x200, s7;
	s17 =	sadd.s32 $0x3C00, s5;
	[dreg:$0x6] =	wrdreg s16  }
0xf: {  	s7 =	sadd.s32 $0x180, s7;
	s18 =	sadd.s32 $0x5000, s5;
	[dreg:$0x7] =	wrdreg s17  }
0x10: {  	s9 =	sshrl.u32 s9, $0x3;
	s19 =	sadd.s32 $0x6400, s5;
	[dreg:$0x8] =	wrdreg s18  }
0x11: {  	s26 =	sshrl.u32 s7, $0x3;
	s20 =	sadd.s32 $0x7800, s5;
	[dreg:$0x9] =	wrdreg s19  }
0x12: {  	s7 =	simm.s32 $0x4200;
	s21 =	sadd.s32 $0x8C00, s5;
	[dreg:$0xa] =	wrdreg s20  }
0x13: {  	s23 =	sadd.s32 s1, s9;
	s24 =	sadd.s32 $0x10, s9;
	[dreg:$0xb] =	wrdreg s21  }
0x14: {  	s14 =	sadd.s32 s6, s9;
	s9 =	sadd.s32 $0x20, s9;
	[dreg:$0xc] =	wrdreg s23  }
0x15: {  	s15 =	sadd.s32 s1, s24;
	s16 =	sadd.s32 s6, s24;
	s17 =	sadd.s32 s1, s9  }
0x16: {  	s18 =	sadd.s32 s6, s9;
	s19 =	sadd.s32 $0x57000, s0;
	s20 =	smax.u32 s8, $0x1  }
0x17: {  	s0 =	sshrl.u32 s25, $0x3;
	s23 =	sadd.s32 s26, s6;
	s24 =	sadd.s32 s26, s1  }
0x18: {  	s25 =	simm.s32 $0x8200;
	s26 =	simm.s32 $0x6;
	s8 =	simm.s32 $0x2  }
0x19: {  	s9 =	simm.s32 $0x5;
	s21 =	sadd.s32 s0, s6;
	s22 =	sadd.s32 s0, s1  }
0x1a: {  	v0 =	vimm.f32 $0.0e+00;
	s1 =	simm.s32 $0x180;
	s0 =	simm.s32 $0x1;
	s6 =	simm.s32 $0x4  }
.LBB2_1:
0x1b: {  	s11 =	simm.s32 $0x0;
	s12 =	simm.s32 $0x200  }
.LBB2_2:
0x1c: {  	p0 =	sne.s32 s12, $0x4E00;
	[tilespmem:s11+$0x8270] =	vst v0  }
0x1d: {  	[tilespmem:s11+$0x8200] =	vst v0  }
0x1e: {  	[tilespmem:s11+$0x8210] =	vst v0  }
.Ltmp0:
0x1f: {  	[tilespmem:s11+$0x8220] =	vst v0;
	(pc) =	sbr.rel @p0 .LBB2_2-.Ltmp0, $4  }
0x20: {  	[tilespmem:s11+$0x8230] =	vst v0  }
0x21: {  	[tilespmem:s11+$0x8240] =	vst v0  }
0x22: {  	[tilespmem:s11+$0x8250] =	vst v0  }
0x23: {  	[tilespmem:s11+$0x8260] =	vst v0;
	s11 =	sshra.s32 s12, $0x2;
	s12 =	sadd.s32 $0x200, s12  }
0x24: {  	[tilespmem:s11+$0x8270] =	vst v0  }
0x25: {  	[tilespmem:s11+$0x8200] =	vst v0  }
0x26: {  	[tilespmem:s11+$0x8210] =	vst v0  }
0x27: {  	[tilespmem:s11+$0x8220] =	vst v0  }
0x28: {  	[tilespmem:s11+$0x8230] =	vst v0  }
0x29: {  	[tilespmem:s11+$0x8240] =	vst v0  }
0x2a: {  	[tilespmem:s11+$0x8250] =	vst v0  }
0x2b: {  	[tilespmem:s11+$0x8260] =	vst v0  }
0x2c: {  	[spmem:s5] =	stream.linear.scatter [tilespmem:s25], [sflag:$0x6], $0x1400, $0x38;
	[tilespmem:$0x13600] =	vst v63  }
0x2d: {  	_ =	swait.ge [sflag:s26], $0x1400  }
0x2e: {  	[sflag:s26] =	ssyncset.done $0x0  }
0x2f: {  	s12 =	rddreg [dreg:$0x5];
	[sflag:s26] =	ssyncadd.s32 $0xFFFFEC00  }
0x30: {  	[spmem:s12] =	stream.linear.scatter [tilespmem:s25], [sflag:$0x6], $0x1400, $0x38;
	[tilespmem:$0x13600] =	vst v63  }
0x31: {  	_ =	swait.ge [sflag:s26], $0x1400  }
0x32: {  	[sflag:s26] =	ssyncset.done $0x0  }
0x33: {  	s13 =	rddreg [dreg:$0x6];
	[sflag:s26] =	ssyncadd.s32 $0xFFFFEC00  }
0x34: {  	[spmem:s13] =	stream.linear.scatter [tilespmem:s25], [sflag:$0x6], $0x1400, $0x38;
	[tilespmem:$0x13600] =	vst v63  }
0x35: {  	_ =	swait.ge [sflag:s26], $0x1400  }
0x36: {  	[sflag:s26] =	ssyncset.done $0x0  }
0x37: {  	s12 =	rddreg [dreg:$0x7];
	[sflag:s26] =	ssyncadd.s32 $0xFFFFEC00  }
0x38: {  	[spmem:s12] =	stream.linear.scatter [tilespmem:s25], [sflag:$0x6], $0x1400, $0x38;
	[tilespmem:$0x13600] =	vst v63  }
0x39: {  	_ =	swait.ge [sflag:s26], $0x1400  }
0x3a: {  	[sflag:s26] =	ssyncset.done $0x0  }
0x3b: {  	s13 =	rddreg [dreg:$0x8];
	[sflag:s26] =	ssyncadd.s32 $0xFFFFEC00  }
0x3c: {  	[spmem:s13] =	stream.linear.scatter [tilespmem:s25], [sflag:$0x6], $0x1400, $0x38;
	[tilespmem:$0x13600] =	vst v63  }
0x3d: {  	_ =	swait.ge [sflag:s26], $0x1400  }
0x3e: {  	[sflag:s26] =	ssyncset.done $0x0  }
0x3f: {  	s12 =	rddreg [dreg:$0x9];
	[sflag:s26] =	ssyncadd.s32 $0xFFFFEC00  }
0x40: {  	[spmem:s12] =	stream.linear.scatter [tilespmem:s25], [sflag:$0x6], $0x1400, $0x38;
	[tilespmem:$0x13600] =	vst v63  }
0x41: {  	_ =	swait.ge [sflag:s26], $0x1400  }
0x42: {  	[sflag:s26] =	ssyncset.done $0x0  }
0x43: {  	s13 =	rddreg [dreg:$0xa];
	[sflag:s26] =	ssyncadd.s32 $0xFFFFEC00  }
0x44: {  	[spmem:s13] =	stream.linear.scatter [tilespmem:s25], [sflag:$0x6], $0x1400, $0x38;
	[tilespmem:$0x13600] =	vst v63  }
0x45: {  	_ =	swait.ge [sflag:s26], $0x1400  }
0x46: {  	[sflag:s26] =	ssyncset.done $0x0  }
0x47: {  	s12 =	rddreg [dreg:$0xb];
	[sflag:s26] =	ssyncadd.s32 $0xFFFFEC00  }
0x48: {  	[spmem:s12] =	stream.linear.scatter [tilespmem:s25], [sflag:$0x6], $0x1400, $0x38;
	[tilespmem:$0x13600] =	vst v63  }
0x49: {  	_ =	swait.ge [sflag:s26], $0x1400  }
0x4a: {  	[sflag:s26] =	ssyncset.done $0x0  }
0x4b: {  	[sflag:s26] =	ssyncadd.s32 $0xFFFFEC00  }
0x4c: {  	[bflag:$0x0] =	sbarrier.arrive $0xFFFF  }
0x4d: {  	s13 =	simm.s32 $0x0;
	s12 =	rddreg [dreg:$0xc]  }
0x4e: {  	[tilespmem:s13], [sflag:$0x3] =	stream.linear.gather [hbm4b:s12+s13], $0x80, $0x38;
	[tilespmem:$0x13600] =	vst v63  }
0x4f: {  	_ = 	snop  }
0x50: {  	[tilespmem:s28], [sflag:$0x3] =	stream.linear.gather [hbm4b:s14+s13], $0x80, $0x38;
	[tilespmem:$0x13600] =	vst v63  }
0x51: {  	_ =	swait.ge [sflag:s29], $0x80  }
0x52: {  	[sflag:s29] =	ssyncset.done $0x0  }
0x53: {  	[sflag:s29] =	ssyncadd.s32 $0xFFFFFF80  }
0x54: {  	_ =	swait.ge [sflag:s29], $0x80  }
0x55: {  	[sflag:s29] =	ssyncset.done $0x0  }
0x56: {  	[sflag:s29] =	ssyncadd.s32 $0xFFFFFF80  }
0x57: {  	[tilespmem:s31], [sflag:$0x1] =	stream.indirect.gather [hbm4b:s4+s30], $0x80, s13, s30, $0xb8;
	[tilespmem:$0x13600] =	vst v63  }
0x58: {  	_ = 	snop  }
0x59: {  	[tilespmem:s30], [sflag:$0x4] =	stream.linear.gather [hbm4b:s15+s13], $0x80, $0x38;
	[tilespmem:$0x13600] =	vst v63  }
0x5a: {  	_ = 	snop  }
0x5b: {  	[tilespmem:s1], [sflag:$0x4] =	stream.linear.gather [hbm4b:s16+s13], $0x80, $0x38;
	[tilespmem:$0x13600] =	vst v63  }
0x5c: {  	_ =	swait.ge [sflag:s0], $0x4000  }
0x5d: {  	[sflag:s0] =	ssyncset.done $0x0  }
0x5e: {  	[sflag:s0] =	ssyncadd.s32 $0xFFFFC000  }
0x5f: {  	[spmem:s2] =	stream.indirect.scatter.add.f32 [tilespmem:s31], [sflag:$0x5], $0x80, s28, s30, $0xb8;
	[tilespmem:$0x13600] =	vst v63  }
0x60: {  	_ =	swait.ge [sflag:s6], $0x80  }
0x61: {  	[sflag:s6] =	ssyncset.done $0x0  }
0x62: {  	[sflag:s6] =	ssyncadd.s32 $0xFFFFFF80  }
0x63: {  	_ =	swait.ge [sflag:s6], $0x80  }
0x64: {  	[sflag:s6] =	ssyncset.done $0x0  }
0x65: {  	[sflag:s6] =	ssyncadd.s32 $0xFFFFFF80  }
0x66: {  	[tilespmem:s7], [sflag:$0x2] =	stream.indirect.gather [hbm4b:s4+s30], $0x80, s30, s30, $0xb8;
	[tilespmem:$0x13600] =	vst v63  }
0x67: {  	_ = 	snop  }
0x68: {  	[tilespmem:s13], [sflag:$0x3] =	stream.linear.gather [hbm4b:s17+s13], $0x80, $0x38;
	[tilespmem:$0x13600] =	vst v63  }
0x69: {  	_ = 	snop  }
0x6a: {  	[tilespmem:s28], [sflag:$0x3] =	stream.linear.gather [hbm4b:s18+s13], $0x80, $0x38;
	[tilespmem:$0x13600] =	vst v63  }
0x6b: {  	_ =	swait.ge [sflag:s8], $0x4000  }
0x6c: {  	[sflag:s8] =	ssyncset.done $0x0  }
0x6d: {  	[sflag:s8] =	ssyncadd.s32 $0xFFFFC000  }
0x6e: {  	[spmem:s2] =	stream.indirect.scatter.add.f32 [tilespmem:s7], [sflag:$0x5], $0x80, s1, s30, $0xb8;
	[tilespmem:$0x13600] =	vst v63  }
0x6f: {  	_ =	swait.ge [sflag:s29], $0x80  }
0x70: {  	[sflag:s29] =	ssyncset.done $0x0  }
0x71: {  	[sflag:s29] =	ssyncadd.s32 $0xFFFFFF80  }
0x72: {  	_ =	swait.ge [sflag:s29], $0x80  }
0x73: {  	[sflag:s29] =	ssyncset.done $0x0  }
0x74: {  	[sflag:s29] =	ssyncadd.s32 $0xFFFFFF80  }
0x75: {  	_ =	swait.ge [sflag:s9], $0x4000  }
0x76: {  	[sflag:s9] =	ssyncset.done $0x0  }
0x77: {  	[sflag:s9] =	ssyncadd.s32 $0xFFFFC000  }
0x78: {  	[tilespmem:s31], [sflag:$0x1] =	stream.indirect.gather [hbm4b:s4+s30], $0x80, s3, s30, $0xb8;
	[tilespmem:$0x13600] =	vst v63  }
0x79: {  	s12 =	sadd.s32 $0x0, s24  }
0x7a: {  	[tilespmem:s30], [sflag:$0x4] =	stream.linear.gather [hbm4b:s12+s3], $0x80, $0x38;
	[tilespmem:$0x13600] =	vst v63  }
0x7b: {  	s13 =	sadd.s32 $0x0, s23  }
0x7c: {  	[tilespmem:s1], [sflag:$0x4] =	stream.linear.gather [hbm4b:s13+s3], $0x80, $0x38;
	[tilespmem:$0x13600] =	vst v63  }
0x7d: {  	_ =	swait.ge [sflag:s0], $0x4000  }
0x7e: {  	[sflag:s0] =	ssyncset.done $0x0  }
0x7f: {  	[sflag:s0] =	ssyncadd.s32 $0xFFFFC000  }
0x80: {  	[spmem:s2] =	stream.indirect.scatter.add.f32 [tilespmem:s31], [sflag:$0x5], $0x80, s28, s30, $0xb8;
	[tilespmem:$0x13600] =	vst v63  }
0x81: {  	_ =	swait.ge [sflag:s6], $0x80  }
0x82: {  	[sflag:s6] =	ssyncset.done $0x0  }
0x83: {  	[sflag:s6] =	ssyncadd.s32 $0xFFFFFF80  }
0x84: {  	_ =	swait.ge [sflag:s6], $0x80  }
0x85: {  	[sflag:s6] =	ssyncset.done $0x0  }
0x86: {  	[sflag:s6] =	ssyncadd.s32 $0xFFFFFF80  }
0x87: {  	_ =	swait.ge [sflag:s9], $0x4000  }
0x88: {  	[sflag:s9] =	ssyncset.done $0x0  }
0x89: {  	[sflag:s9] =	ssyncadd.s32 $0xFFFFC000  }
0x8a: {  	[tilespmem:s7], [sflag:$0x2] =	stream.indirect.gather [hbm4b:s4+s30], $0x80, s30, s30, $0xb8;
	[tilespmem:$0x13600] =	vst v63  }
0x8b: {  	s12 =	sadd.s32 $0x0, s22  }
0x8c: {  	[tilespmem:s3], [sflag:$0x3] =	stream.linear.gather [hbm4b:s12+s3], $0x80, $0x38;
	[tilespmem:$0x13600] =	vst v63  }
0x8d: {  	s13 =	sadd.s32 $0x0, s21  }
0x8e: {  	[tilespmem:s28], [sflag:$0x3] =	stream.linear.gather [hbm4b:s13+s3], $0x80, $0x38;
	[tilespmem:$0x13600] =	vst v63  }
0x8f: {  	_ =	swait.ge [sflag:s8], $0x4000  }
0x90: {  	[sflag:s8] =	ssyncset.done $0x0  }
0x91: {  	s11 =	simm.s32 $0x20;
	[sflag:s8] =	ssyncadd.s32 $0xFFFFC000  }
.LBB2_4:
0x92: {  	[spmem:s2] =	stream.indirect.scatter.add.f32 [tilespmem:s7], [sflag:$0x5], $0x80, s1, s30, $0xb8;
	[tilespmem:$0x13600] =	vst v63  }
0x93: {  	s12 =	smov.u32 s11  }
0x94: {  	p0 =	sne.s32 s11, $0x4A0;
	s11 =	sadd.s32 $0x20, s11;
	_ =	swait.ge [sflag:s29], $0x80  }
0x95: {  	[sflag:s29] =	ssyncset.done $0x0  }
0x96: {  	[sflag:s29] =	ssyncadd.s32 $0xFFFFFF80  }
0x97: {  	_ =	swait.ge [sflag:s29], $0x80  }
0x98: {  	[sflag:s29] =	ssyncset.done $0x0  }
0x99: {  	[sflag:s29] =	ssyncadd.s32 $0xFFFFFF80  }
0x9a: {  	_ =	swait.ge [sflag:s9], $0x4000  }
0x9b: {  	[sflag:s9] =	ssyncset.done $0x0  }
0x9c: {  	[sflag:s9] =	ssyncadd.s32 $0xFFFFC000  }
0x9d: {  	[tilespmem:s31], [sflag:$0x1] =	stream.indirect.gather [hbm4b:s4+s30], $0x80, s3, s30, $0xb8;
	[tilespmem:$0x13600] =	vst v63  }
0x9e: {  	s13 =	sadd.s32 s12, s24  }
0x9f: {  	[tilespmem:s30], [sflag:$0x4] =	stream.linear.gather [hbm4b:s13+s3], $0x80, $0x38;
	[tilespmem:$0x13600] =	vst v63  }
0xa0: {  	s13 =	sadd.s32 s12, s23  }
0xa1: {  	[tilespmem:s1], [sflag:$0x4] =	stream.linear.gather [hbm4b:s13+s3], $0x80, $0x38;
	[tilespmem:$0x13600] =	vst v63  }
0xa2: {  	_ =	swait.ge [sflag:s0], $0x4000  }
0xa3: {  	[sflag:s0] =	ssyncset.done $0x0  }
0xa4: {  	[sflag:s0] =	ssyncadd.s32 $0xFFFFC000  }
0xa5: {  	[spmem:s2] =	stream.indirect.scatter.add.f32 [tilespmem:s31], [sflag:$0x5], $0x80, s28, s30, $0xb8;
	[tilespmem:$0x13600] =	vst v63  }
0xa6: {  	_ =	swait.ge [sflag:s6], $0x80  }
0xa7: {  	[sflag:s6] =	ssyncset.done $0x0  }
0xa8: {  	[sflag:s6] =	ssyncadd.s32 $0xFFFFFF80  }
0xa9: {  	_ =	swait.ge [sflag:s6], $0x80  }
0xaa: {  	[sflag:s6] =	ssyncset.done $0x0  }
0xab: {  	[sflag:s6] =	ssyncadd.s32 $0xFFFFFF80  }
0xac: {  	_ =	swait.ge [sflag:s9], $0x4000  }
0xad: {  	[sflag:s9] =	ssyncset.done $0x0  }
0xae: {  	[sflag:s9] =	ssyncadd.s32 $0xFFFFC000  }
0xaf: {  	[tilespmem:s7], [sflag:$0x2] =	stream.indirect.gather [hbm4b:s4+s30], $0x80, s30, s30, $0xb8;
	[tilespmem:$0x13600] =	vst v63  }
0xb0: {  	s13 =	sadd.s32 s12, s22  }
0xb1: {  	[tilespmem:s3], [sflag:$0x3] =	stream.linear.gather [hbm4b:s13+s3], $0x80, $0x38;
	[tilespmem:$0x13600] =	vst v63  }
.Ltmp1:
0xb2: {  	s12 =	sadd.s32 s12, s21;
	(pc) =	sbr.rel @p0 .LBB2_4-.Ltmp1, $4  }
0xb3: {  	[tilespmem:s28], [sflag:$0x3] =	stream.linear.gather [hbm4b:s12+s3], $0x80, $0x38;
	[tilespmem:$0x13600] =	vst v63  }
0xb4: {  	_ =	swait.ge [sflag:s8], $0x4000  }
0xb5: {  	[sflag:s8] =	ssyncset.done $0x0  }
0xb6: {  	[sflag:s8] =	ssyncadd.s32 $0xFFFFC000  }
0xb7: {  	[spmem:s2] =	stream.indirect.scatter.add.f32 [tilespmem:s7], [sflag:$0x5], $0x80, s1, s30, $0xb8;
	[tilespmem:$0x13600] =	vst v63  }
0xb8: {  	_ =	swait.ge [sflag:s29], $0x80  }
0xb9: {  	[sflag:s29] =	ssyncset.done $0x0  }
0xba: {  	[sflag:s29] =	ssyncadd.s32 $0xFFFFFF80  }
0xbb: {  	_ =	swait.ge [sflag:s29], $0x80  }
0xbc: {  	[sflag:s29] =	ssyncset.done $0x0  }
0xbd: {  	[sflag:s29] =	ssyncadd.s32 $0xFFFFFF80  }
0xbe: {  	_ =	swait.ge [sflag:s9], $0x4000  }
0xbf: {  	[sflag:s9] =	ssyncset.done $0x0  }
0xc0: {  	[sflag:s9] =	ssyncadd.s32 $0xFFFFC000  }
0xc1: {  	[tilespmem:s31], [sflag:$0x1] =	stream.indirect.gather [hbm4b:s4+s30], $0x80, s3, s30, $0xb8;
	[tilespmem:$0x13600] =	vst v63  }
0xc2: {  	_ =	swait.ge [sflag:s0], $0x4000  }
0xc3: {  	[sflag:s0] =	ssyncset.done $0x0  }
0xc4: {  	[sflag:s0] =	ssyncadd.s32 $0xFFFFC000  }
0xc5: {  	[spmem:s2] =	stream.indirect.scatter.add.f32 [tilespmem:s31], [sflag:$0x5], $0x80, s28, s30, $0xb8;
	[tilespmem:$0x13600] =	vst v63  }
0xc6: {  	_ =	swait.ge [sflag:s9], $0x4000  }
0xc7: {  	[sflag:s9] =	ssyncset.done $0x0  }
0xc8: {  	[sflag:s9] =	ssyncadd.s32 $0xFFFFC000  }
0xc9: {  	s11 =	stileid.u32;
	_ =	swait.ge [sflag:s9], $0x4000  }
0xca: {  	s12 =	sshrl.u32 s5, $0x3;
	s10 =	sadd.s32 $0x1, s10;
	[sflag:s9] =	ssyncset.done $0x0  }
0xcb: {  	s11 =	sshll.u32 s11, $0x6;
	p0 =	sne.s32 s10, s20;
	[sflag:s9] =	ssyncadd.s32 $0xFFFFC000  }
.Ltmp2:
0xcc: {  	s11 =	sor.u32 $0x1C06, s11;
	[bflag:$0x0] =	sbarrier.arrive $0xFFFF;
	(pc) =	sbr.rel @p0 .LBB2_1-.Ltmp2, $4  }
0xcd: {  	[hbm:s19], [sflag:s11] =	dma.local [spmem:s12], $0x1400  }
0xce: {  	_ =	swait.ge [sflag:s26], $0x1400  }
0xcf: {  	[sflag:s26] =	ssyncset.done $0x0  }
0xd0: {  	[sflag:s26] =	ssyncadd.s32 $0xFFFFEC00  }
0xd1: {  	_ =	sfence.sel $0x180000  }
0xd2: {  	[bflag:$0x0] =	sbarrier.arrive $0xFFFF  }
0xd3: {  	_ =	strace $0x9000004A  }
0xd4: {  	s0 =	stileid.u32;
	[bflag:$0x2] =	sbarrier.arrive $0xFFFF  }
0xd5: {  	p0 =	sne.s32 s0, $0x0;
	s0 =	rddreg [dreg:$0x4]  }
0xd6: {  	s0 =	sadd.s32 @!p0 $0x100000, s0  }
0xd7: {  	[sflag:s0] =	ssyncadd.tile.s32 @!p0 $0x1;
	_ =	shalt  }
.Lfunc_end2:
_tile_overlayer_lowered:
.L_overlay_start_2:
0xd8: {  	(tag) =	ssettag $0x2  }
0xd9: {  	s0 =	rddreg [dreg:$0x0];
	s2 =	stileid.u32  }
0xda: {  	s1 =	rddreg [dreg:$0x1];
	p0 =	sne.s32 s2, $0x0  }
0xdb: {  	s3 =	rddreg [dreg:$0x2];
	[bflag:$0x3] =	sbarrier.arrive $0xFFFF;
	s2 =	simm.s32 @!p0 $0x1C06  }
0xdc: {  	[timem:s3], [sflag:s2] =	dma.local @!p0 [hbm:s0], s1  }
0xdd: {  	s0 =	simm.s32 @!p0 $0x6  }
0xde: {  	_ =	swait.ge @!p0 [sflag:s0], s1  }
0xdf: {  	s1 =	ssub.s32 @!p0 $0x0, s1;
	[sflag:s0] =	ssyncset.done @!p0 $0x0  }
0xe0: {  	[sflag:s0] =	ssyncadd.s32 @!p0 s1  }
0xe1: {  	[bflag:$0x3] =	sbarrier.arrive $0xFFFF  }
0xe2: {  	_ =	shalt  }

// kernel: kernel.30.cloned.1.call-start
scs
__scs_entry_jumppad:
0x0: {  	(pc) =	sbr.rel $0x88, $3  }
0x1: {  	(tag) =	ssettag $0x0;
	lr =	simm.s32 $0x1  }
0x2: {  	[smem:$0x3F8A] =	sst lr;
	_ =	strace $0xD0000000  }
0x3: {  	_ = 	snop  }
0x4: {  	_ = 	snop  }
0x5: {  	_ = 	snop  }
0x6: {  	_ = 	snop  }
0x7: {  	_ = 	snop  }
__scs_overlays_trampoline_lowered:
0x8: {  	[smem:$0x3F99] =	sst s0  }
0x9: {  	[smem:$0x3F9A] =	sst s1  }
0xa: {  	[smem:$0x3F9B] =	sst s2  }
0xb: {  	[smem:$0x3F9C] =	sst s3  }
0xc: {  	[smem:$0x3F9D] =	sst s4  }
0xd: {  	[smem:$0x3F9E] =	sst s5  }
0xe: {  	[smem:$0x3F9F] =	sst s6  }
0xf: {  	[smem:$0x3FA0] =	sst s7  }
0x10: {  	[smem:$0x3FA1] =	sst s8  }
0x11: {  	[smem:$0x3FA2] =	sst s9;
	s0 =	simm.s32 @!p0 $0x0  }
0x12: {  	s1 =	sld [smem:$0x3F88];
	s0 =	simm.s32 @p0 $0x1  }
0x13: {  	[smem:$0x3FA3] =	sst s0;
	s0 =	simm.s32 @!p1 $0x0  }
0x14: {  	s2 =	sld [smem:$0x3F87];
	s0 =	simm.s32 @p1 $0x1  }
0x15: {  	[smem:$0x3FA4] =	sst s0;
	s0 =	simm.s32 @!p2 $0x0  }
0x16: {  	s3 =	sld [smem:$0x3FDB];
	s0 =	simm.s32 @p2 $0x1  }
0x17: {  	s4 =	simm.s32 $0x1BF5;
	[smem:$0x3FA6] =	sst s0  }
0x18: {  	s0 =	sld [smem:$0x3F89];
	_ =	swait.ge [sflag:s4], $0x0  }
0x19: {  	s7 =	sld [smem:$0x3F8A]  }
0x1a: {  	s8 =	sadd.s32 $0xFFFFE003, lr  }
0x1b: {  	s9 =	sadd.s32 $0xFFFFFEF7, lr;
	s5 =	simm.s32 $0xFFFFFFFF;
	p2 =	slt.u32 s8, $0xFFFFF086  }
0x1c: {  	p1 =	slt.u32 s9, $0xF7A;
	s5 =	simm.s32 @!p2 $0x0  }
0x1d: {  	s5 =	simm.s32 @p1 $0x1;
	p0 =	seq.s32 s7, s2  }
0x1e: {  	s7 =	smul.u32 @!p0 $0xF7A, s2;
	p2 =	seq.s32 @!p0 s5, $0x0  }
0x1f: {  	s9 =	smul.u32 $0xF7A, s1;
	s8 =	simm.s32 @!p0 $0x1BF5;
	p2 =	por !p2, p0  }
0x20: {  	[sflag:s8] =	ssyncset.s32 @!p0 $0xFFFFF086;
	s6 =	sadd.s32 @!p0 s3, s7;
	s7 =	simm.s32 @!p0 $0x108  }
0x21: {  	s3 =	sadd.s32 s3, s9;
	s6 =	sadd.s32 @!p0 $0x88, s6;
	s7 =	simm.s32 @p2 $0x1082  }
0x22: {  	[simem:s7], [sflag:s8] =	dma.local @!p0 [hbm:s6], $0xF7A  }
0x23: {  	s9 =	sor.u32 $0xD0000000, s2;
	s6 =	simm.s32 $0x108;
	_ =	swait.ge @!p0 [sflag:s8], $0x0  }
0x24: {  	s3 =	sadd.s32 $0x88, s3;
	s6 =	simm.s32 @!p1 $0x1082;
	[sflag:s4] =	ssyncset.s32 $0xFFFFF086  }
0x25: {  	[simem:s6], [sflag:s4] =	dma.local [hbm:s3], $0xF7A  }
0x26: {  	[smem:$0x3F8A] =	sst s1;
	(tag) =	ssettag s2;
	_ =	strace s9  }
0x27: {  	s1 =	sld [smem:$0x3F9A]  }
0x28: {  	s2 =	sld [smem:$0x3F9B]  }
0x29: {  	s4 =	sld [smem:$0x3F9D]  }
0x2a: {  	p0 =	seq.s32 s5, $0x0;
	s5 =	sld [smem:$0x3F9E]  }
0x2b: {  	s6 =	sld [smem:$0x3F9F]  }
0x2c: {  	s7 =	sld [smem:$0x3FA0]  }
0x2d: {  	s3 =	simm.s32 $0x108;
	s8 =	sld [smem:$0x3FA1]  }
0x2e: {  	s3 =	simm.s32 @!p0 $0x1082;
	s9 =	sld [smem:$0x3FA2]  }
0x2f: {  	lr =	sadd.s32 s0, s3;
	s0 =	sld [smem:$0x3F99]  }
0x30: {  	s3 =	sld [smem:$0x3F9C]  }
0x31: {  	[smem:$0x3FA5] =	sst s10  }
0x32: {  	s10 =	sld [smem:$0x3FA3];
	_ =	sdelay $0x3  }
0x33: {  	p0 =	seq.s32 s10, $0x1;
	s10 =	sld [smem:$0x3FA5];
	_ =	sdelay $0x3  }
0x34: {  	[smem:$0x3FA5] =	sst s10  }
0x35: {  	s10 =	sld [smem:$0x3FA4];
	_ =	sdelay $0x3  }
0x36: {  	p1 =	seq.s32 s10, $0x1;
	s10 =	sld [smem:$0x3FA5];
	_ =	sdelay $0x3  }
0x37: {  	[smem:$0x3FA5] =	sst s10  }
0x38: {  	s10 =	sld [smem:$0x3FA6]  }
0x39: {  	_ = 	snop;
	(pc) =	sbr.ind lr, $3  }
0x3a: {  	_ = 	snop  }
0x3b: {  	_ = 	snop  }
0x3c: {  	p2 =	seq.s32 s10, $0x1;
	s10 =	sld [smem:$0x3FA5]  }
0x3d: {  	_ =	shalt  }
0x3e: {  	_ =	shalt  }
0x3f: {  	_ =	shalt  }
0x40: {  	_ =	shalt  }
0x41: {  	_ =	shalt  }
0x42: {  	_ =	shalt  }
0x43: {  	_ =	shalt  }
0x44: {  	_ =	shalt  }
0x45: {  	_ =	shalt  }
0x46: {  	_ =	shalt  }
0x47: {  	_ =	shalt  }
0x48: {  	_ =	shalt  }
0x49: {  	_ =	shalt  }
0x4a: {  	_ =	shalt  }
0x4b: {  	_ =	shalt  }
0x4c: {  	_ =	shalt  }
0x4d: {  	_ =	shalt  }
0x4e: {  	_ =	shalt  }
0x4f: {  	_ =	shalt  }
0x50: {  	_ =	shalt  }
0x51: {  	_ =	shalt  }
0x52: {  	_ =	shalt  }
0x53: {  	_ =	shalt  }
0x54: {  	_ =	shalt  }
0x55: {  	_ =	shalt  }
0x56: {  	_ =	shalt  }
0x57: {  	_ =	shalt  }
0x58: {  	_ =	shalt  }
0x59: {  	_ =	shalt  }
0x5a: {  	_ =	shalt  }
0x5b: {  	_ =	shalt  }
0x5c: {  	_ =	shalt  }
0x5d: {  	_ =	shalt  }
0x5e: {  	_ =	shalt  }
0x5f: {  	_ =	shalt  }
0x60: {  	_ =	shalt  }
0x61: {  	_ =	shalt  }
0x62: {  	_ =	shalt  }
0x63: {  	_ =	shalt  }
0x64: {  	_ =	shalt  }
0x65: {  	_ =	shalt  }
0x66: {  	_ =	shalt  }
0x67: {  	_ =	shalt  }
0x68: {  	_ =	shalt  }
0x69: {  	_ =	shalt  }
0x6a: {  	_ =	shalt  }
0x6b: {  	_ =	shalt  }
0x6c: {  	_ =	shalt  }
0x6d: {  	_ =	shalt  }
0x6e: {  	_ =	shalt  }
0x6f: {  	_ =	shalt  }
0x70: {  	_ =	shalt  }
0x71: {  	_ =	shalt  }
0x72: {  	_ =	shalt  }
0x73: {  	_ =	shalt  }
0x74: {  	_ =	shalt  }
0x75: {  	_ =	shalt  }
0x76: {  	_ =	shalt  }
0x77: {  	_ =	shalt  }
0x78: {  	_ =	shalt  }
0x79: {  	_ =	shalt  }
0x7a: {  	_ =	shalt  }
0x7b: {  	_ =	shalt  }
0x7c: {  	_ =	shalt  }
0x7d: {  	_ =	shalt  }
0x7e: {  	_ =	shalt  }
0x7f: {  	_ =	shalt  }
0x80: {  	_ =	shalt  }
0x81: {  	_ =	shalt  }
0x82: {  	_ =	shalt  }
0x83: {  	_ =	shalt  }
0x84: {  	_ =	shalt  }
0x85: {  	_ =	shalt  }
0x86: {  	_ =	shalt  }
0x87: {  	_ =	shalt  }
.Lfunc_end0:
.L_simem_size_0:
called_computation.4_lowered:
.L_overlay_start_0:
0x88: {  	s2 =	sld [smem:$0x3FD9]  }
0x89: {  	s3 =	sld [smem:$0x3FFE];
	_ =	sdelay $0x1  }
0x8a: {  	s1 =	srdreg.scid  }
0x8b: {  	s0 =	sand.u32 $0x1, s1  }
0x8c: {  	s15 =	sshll.u32 s0, $0xA;
	s2 =	sadd.s32 s3, s2  }
0x8d: {  	s2 =	sadd.s32 s2, s15  }
0x8e: {  	[smem:$0x3FB1] =	sst s2  }
0x8f: {  	_ = 	snop  }
0x90: {  	s2 =	sld [smem:$0x3FD0];
	_ =	sdelay $0x2  }
0x91: {  	s5 =	simm.s32 $0xC;
	s16 =	simm.s32 $0x10  }
0x92: {  	[smem:s16], [sflag:s5] =	dma.local [hbm:s2], $0x1  }
0x93: {  	_ =	swait.eq [sflag:s5], $0x1  }
0x94: {  	s17 =	sld [smem:$0x11];
	[sflag:s5] =	ssyncset.done $0x0  }
0x95: {  	s4 =	sld [smem:$0x12];
	[sflag:s5] =	ssyncadd.s32 $0xFFFFFFFF  }
0x96: {  	s18 =	sld [smem:$0x16];
	(tm) =	ssettm $0x1  }
0x97: {  	s19 =	sld [smem:$0x3FFB];
	_ =	sdelay $0x3  }
0x98: {  	_ =	strace s19  }
0x99: {  	s2 =	sld [smem:$0x3FFC];
	_ =	sdelay $0x3  }
0x9a: {  	_ =	strace s2  }
0x9b: {  	s2 =	sld [smem:$0x3FFD];
	_ =	sdelay $0x3  }
0x9c: {  	_ =	strace s2  }
0x9d: {  	_ =	strace $0x8FFFFFFF  }
0x9e: {  	s20 =	sld [smem:$0x3FDB];
	_ =	sdelay $0x1  }
0x9f: {  	s6 =	simm.s32 $_scs_section_size  }
0xa0: {  	s7 =	simm.s32 $_size__tile_overlayer_lowered;
	s8 =	simm.s32 $_tile_overlayer_lowered  }
0xa1: {  	s9 =	simm.s32 $0x1BFF;
	s21 =	sshll.u32 s8, $0x1;
	s6 =	sadd.s32 s6, s20  }
0xa2: {  	s22 =	simm.s32 $0x0;
	s7 =	sshll.u32 s7, $0x1;
	s8 =	sadd.s32 s21, s6  }
0xa3: {  	[timem:s22], [sflag:s9] =	dma.local [hbm:s8], s7  }
0xa4: {  	_ =	swait.ge [sflag:s9], s7  }
0xa5: {  	s7 =	ssub.s32 $0x0, s7;
	[sflag:s9] =	ssyncset.done $0x0  }
0xa6: {  	[sflag:s9] =	ssyncadd.s32 s7;
	_ =	sdelay $0x1  }
0xa7: {  	s23 =	simm.s32 $0x1B8B  }
0xa8: {  	_ =	swait.ge [sflag:s23], $0x1  }
0xa9: {  	[sflag:s23] =	ssyncset.done $0x0  }
0xaa: {  	[sflag:s23] =	ssyncadd.s32 $0xFFFFFFFF  }
0xab: {  	s7 =	sld [smem:$0x0]  }
0xac: {  	s8 =	sand.u32 $0xFFFFFFFE, s1  }
0xad: {  	p0 =	sne.s32 s1, s8  }
0xae: {  	s8 =	sshll.u32 @p0 s8, $0xE  }
0xaf: {  	s8 =	sadd.s32 @p0 $0x11B8D, s8;
	s9 =	sshll.u32 @p0 s7, $0x11  }
0xb0: {  	s8 =	sor.u32 @p0 s9, s8  }
0xb1: {  	[sflag:s8] =	ssyncadd.remote.s32 @p0 $0x1;
	_ =	sdelay $0x1  }
0xb2: {  	s8 =	simm.s32 @p0 $0x1B8D  }
0xb3: {  	_ =	swait.eq @p0 [sflag:s8], $0x1  }
0xb4: {  	[sflag:s8] =	ssyncadd.s32 @p0 $0xFFFFFFFF  }
0xb5: {  	s9 =	sshll.u32 @!p0 s1, $0xE  }
0xb6: {  	s9 =	sor.u32 @!p0 $0x4000, s9;
	s8 =	simm.s32 @!p0 $0x1B8D  }
0xb7: {  	s7 =	sshll.u32 @!p0 s7, $0x11;
	s9 =	sadd.s32 @!p0 $0x11B8D, s9;
	_ =	swait.eq @!p0 [sflag:s8], $0x1  }
0xb8: {  	s7 =	sor.u32 @!p0 s7, s9;
	[sflag:s8] =	ssyncadd.s32 @!p0 $0xFFFFFFFF  }
0xb9: {  	s25 =	simm.s32 $0x1B8E;
	s24 =	sld [smem:$0x3FFE];
	[sflag:s7] =	ssyncadd.remote.s32 @!p0 $0x1  }
0xba: {  	s26 =	simm.s32 $execute0_lowered;
	[smem:$0x3FD2] =	sst s25  }
0xbb: {  	s8 =	sshll.u32 s26, $0x1;
	_ =	strace $0x8000004F;
	[dreg:$0x1] =	wrdreg $0xFFFFFFFF  }
0xbc: {  	s28 =	simm.s32 $_size_execute0_lowered;
	s6 =	sadd.s32 s6, s8;
	[dreg:$0x0] =	wrdreg $0x0  }
0xbd: {  	s8 =	sshll.u32 s28, $0x1;
	[dreg:$0x2] =	wrdreg s6  }
0xbe: {  	[dreg:$0x3] =	wrdreg s8  }
0xbf: {  	[dreg:$0x4] =	wrdreg $0xC0  }
0xc0: {  	_ =	task [dreg:s22], $0x5FFFF  }
0xc1: {  	[dreg:$0x1] =	wrdreg $0xFFFFFFFF  }
0xc2: {  	[dreg:$0x0] =	wrdreg $0x60  }
0xc3: {  	[dreg:$0x2] =	wrdreg s18  }
0xc4: {  	[dreg:$0x3] =	wrdreg s17  }
0xc5: {  	[dreg:$0x4] =	wrdreg s4  }
0xc6: {  	[dreg:$0x5] =	wrdreg s24  }
0xc7: {  	[dreg:$0x6] =	wrdreg $0x96000  }
0xc8: {  	[dreg:$0x7] =	wrdreg $0xA  }
0xc9: {  	_ =	task.clear_ibuf [dreg:s22], $0x8FFFF;
	_ =	strace $0x9000004F  }
0xca: {  	s29 =	simm.s32 $0xA;
	_ =	strace $0x80000051  }
0xcb: {  	_ =	swait.ge [sflag:s29], $0x1  }
0xcc: {  	[sflag:s29] =	ssyncadd.s32 $0xFFFFFFFF  }
0xcd: {  	_ =	strace $0x90000051  }
0xce: {  	_ =	sfence  }
0xcf: {  	s30 =	sld [smem:$0x0];
	_ =	sdelay $0x2  }
0xd0: {  	s31 =	sshll.u32 s1, $0xD;
	s1 =	sshrl.u32 s1, $0x2  }
0xd1: {  	s4 =	sand.u32 $0x4000, s31;
	s1 =	sadd.s32 s1, s30  }
0xd2: {  	s0 =	sor.u32 s4, s0;
	s1 =	sshll.u32 s1, $0x11  }
0xd3: {  	s0 =	sor.u32 s1, s0  }
0xd4: {  	s0 =	sadd.s32 $0x8F2B, s0  }
0xd5: {  	[sflag:s0] =	ssyncadd.remote.s32 $0x1  }
0xd6: {  	_ =	sfence.sel $0xFFFF  }
0xd7: {  	[dreg:$0x0] =	wrdreg $0xFFFFFFFF;
	(pc) =	sbr.abs _section_cstart, $3  }
0xd8: {  	[dreg:$0x1] =	wrdreg $0xFFFFFFFF  }
0xd9: {  	_ =	task.clear_ibuf [dreg:s22], $0x2FFFF;
	_ =	strace $0x9FFFFFFF  }
0xda: {  	(tm) =	ssettm $0x7FFFFFFF  }
0xdb: {  	_ =	shalt  }
tec
execute0_lowered:
.L_overlay_start_1:
0x0: {  	(tag) =	ssettag $0x1  }
0x1: {  	s0 =	rddreg [dreg:$0x0]  }
0x2: {  	s1 =	rddreg [dreg:$0x1];
	s2 =	srdreg.scid  }
0x3: {  	s6 =	rddreg [dreg:$0x2];
	s11 =	stileid.u32  }
0x4: {  	s7 =	rddreg [dreg:$0x3];
	s8 =	smul.u32 $0x14000, s11  }
0x5: {  	s3 =	rddreg [dreg:$0x4];
	s4 =	simm.s32 $0x0;
	s23 =	smul.u32 $0x50000, s11  }
0x6: {  	s2 =	sand.u32 $0x1, s2;
	[smem:$0x7FF] =	sst s4;
	s16 =	smul.u32 $0x4F00, s11  }
0x7: {  	s10 =	sshll.u32 s11, $0x1;
	s5 =	smul.u32 $0x140000, s2;
	_ =	strace $0x80000050  }
0x8: {  	s24 =	ssub.s32 $0x2, s2;
	s10 =	sor.u32 s2, s10;
	s2 =	smul.u32 $0x2780, s2  }
0x9: {  	s9 =	sshrl.u32 s24, $0x1;
	s26 =	smul.u32 $0x2780, s10;
	s10 =	simm.s32 $0x80  }
0xa: {  	s5 =	sadd.s32 s8, s5;
	s8 =	sshrl.u32 s23, $0x2;
	s9 =	ssub.s32 s24, s9  }
0xb: {  	s2 =	sadd.s32 s2, s16;
	s16 =	simm.s32 $0x2;
	s5 =	sshrl.u32 s5, $0x3  }
0xc: {  	s22 =	sadd.s32 $0x200, s2;
	s7 =	sadd.s32 s5, s7;
	s5 =	sadd.s32 s8, s3  }
0xd: {  	s2 =	sadd.s32 $0x180, s2;
	s23 =	sshrl.u32 s22, $0x3;
	s8 =	sadd.s32 $0x1400, s5  }
0xe: {  	s2 =	sshrl.u32 s2, $0x3;
	s25 =	sadd.s32 $0x2800, s5;
	[dreg:$0x6] =	wrdreg s8  }
0xf: {  	s12 =	sadd.s32 $0x3C00, s5;
	s13 =	sadd.s32 $0x5000, s5;
	[dreg:$0x7] =	wrdreg s25  }
0x10: {  	s14 =	sadd.s32 $0x6400, s5;
	s15 =	sadd.s32 $0x7800, s5;
	[dreg:$0x8] =	wrdreg s12  }
0x11: {  	s17 =	sadd.s32 $0x8C00, s5;
	s22 =	sadd.s32 s2, s1;
	[dreg:$0x9] =	wrdreg s13  }
0x12: {  	s24 =	sadd.s32 $0xA000, s5;
	s28 =	sadd.s32 $0xC800, s5;
	[dreg:$0xa] =	wrdreg s14  }
0x13: {  	s29 =	sadd.s32 $0xDC00, s5;
	s30 =	sadd.s32 $0xF000, s5;
	[dreg:$0xb] =	wrdreg s15  }
0x14: {  	s31 =	sadd.s32 $0x10400, s5;
	s8 =	sshrl.u32 s26, $0x3;
	[dreg:$0xc] =	wrdreg s17  }
0x15: {  	[dreg:$0x13] =	wrdreg s24;
	s25 =	sadd.s32 $0x7000, s7;
	s26 =	smax.u32 s9, $0x1  }
0x16: {  	s7 =	simm.s32 $0x6;
	s9 =	simm.s32 $0x3;
	s13 =	simm.s32 $0x1  }
0x17: {  	s14 =	simm.s32 $0x4;
	s15 =	simm.s32 $0x4200;
	[dreg:$0x14] =	wrdreg s25  }
0x18: {  	s17 =	simm.s32 $0x5;
	s12 =	sadd.s32 s1, s8;
	[dreg:$0x15] =	wrdreg s26  }
0x19: {  	s18 =	sadd.s32 $0x10, s8;
	s19 =	sadd.s32 s6, s8;
	[dreg:$0xd] =	wrdreg s12  }
0x1a: {  	s8 =	sadd.s32 $0x20, s8;
	[dreg:$0xe] =	wrdreg s19;
	s20 =	sadd.s32 s1, s18  }
0x1b: {  	s26 =	sadd.s32 $0xB400, s5;
	s11 =	sadd.s32 s6, s18;
	[dreg:$0xf] =	wrdreg s20  }
0x1c: {  	s21 =	sadd.s32 s1, s8;
	s8 =	sadd.s32 s6, s8;
	[dreg:$0x10] =	wrdreg s11  }
0x1d: {  	s19 =	sadd.s32 s23, s6;
	s12 =	simm.s32 $0x180;
	[dreg:$0x11] =	wrdreg s21  }
0x1e: {  	s18 =	simm.s32 $0x0;
	[dreg:$0x12] =	wrdreg s8;
	s20 =	sadd.s32 s23, s1  }
0x1f: {  	s21 =	sadd.s32 s2, s6;
	s2 =	sadd.s32 $0x11800, s5;
	s1 =	sadd.s32 $0x12C00, s5  }
0x20: {  	v0 =	vimm.f32 $0.0e+00;
	s6 =	simm.s32 $0x8200;
	s8 =	simm.s32 $0x100;
	s11 =	simm.s32 $0x200  }
.LBB2_1:
0x21: {  	s23 =	simm.s32 $0x0;
	s24 =	simm.s32 $0x200  }
.LBB2_2:
0x22: {  	p0 =	sne.s32 s24, $0x4E00;
	[tilespmem:s23+$0x8270] =	vst v0  }
0x23: {  	[tilespmem:s23+$0x8200] =	vst v0  }
0x24: {  	[tilespmem:s23+$0x8210] =	vst v0  }
.Ltmp0:
0x25: {  	[tilespmem:s23+$0x8220] =	vst v0;
	(pc) =	sbr.rel @p0 .LBB2_2-.Ltmp0, $4  }
0x26: {  	[tilespmem:s23+$0x8230] =	vst v0  }
0x27: {  	[tilespmem:s23+$0x8240] =	vst v0  }
0x28: {  	[tilespmem:s23+$0x8250] =	vst v0  }
0x29: {  	[tilespmem:s23+$0x8260] =	vst v0;
	s23 =	sshra.s32 s24, $0x2;
	s24 =	sadd.s32 $0x200, s24  }
0x2a: {  	[tilespmem:s23+$0x8270] =	vst v0  }
0x2b: {  	[tilespmem:s23+$0x8200] =	vst v0  }
0x2c: {  	[tilespmem:s23+$0x8210] =	vst v0  }
0x2d: {  	[tilespmem:s23+$0x8220] =	vst v0  }
0x2e: {  	[tilespmem:s23+$0x8230] =	vst v0  }
0x2f: {  	[tilespmem:s23+$0x8240] =	vst v0  }
0x30: {  	[tilespmem:s23+$0x8250] =	vst v0  }
0x31: {  	[tilespmem:s23+$0x8260] =	vst v0  }
0x32: {  	[spmem:s5] =	stream.linear.scatter [tilespmem:s6], [sflag:$0x6], $0x1400, $0x38;
	[tilespmem:$0x1D600] =	vst v63  }
0x33: {  	_ =	swait.ge [sflag:s7], $0x1400  }
0x34: {  	[sflag:s7] =	ssyncset.done $0x0  }
0x35: {  	s25 =	rddreg [dreg:$0x6];
	[sflag:s7] =	ssyncadd.s32 $0xFFFFEC00  }
0x36: {  	[spmem:s25] =	stream.linear.scatter [tilespmem:s6], [sflag:$0x6], $0x1400, $0x38;
	[tilespmem:$0x1D600] =	vst v63  }
0x37: {  	_ =	swait.ge [sflag:s7], $0x1400  }
0x38: {  	[sflag:s7] =	ssyncset.done $0x0  }
0x39: {  	s24 =	rddreg [dreg:$0x7];
	[sflag:s7] =	ssyncadd.s32 $0xFFFFEC00  }
0x3a: {  	[spmem:s24] =	stream.linear.scatter [tilespmem:s6], [sflag:$0x6], $0x1400, $0x38;
	[tilespmem:$0x1D600] =	vst v63  }
0x3b: {  	_ =	swait.ge [sflag:s7], $0x1400  }
0x3c: {  	[sflag:s7] =	ssyncset.done $0x0  }
0x3d: {  	s25 =	rddreg [dreg:$0x8];
	[sflag:s7] =	ssyncadd.s32 $0xFFFFEC00  }
0x3e: {  	[spmem:s25] =	stream.linear.scatter [tilespmem:s6], [sflag:$0x6], $0x1400, $0x38;
	[tilespmem:$0x1D600] =	vst v63  }
0x3f: {  	_ =	swait.ge [sflag:s7], $0x1400  }
0x40: {  	[sflag:s7] =	ssyncset.done $0x0  }
0x41: {  	s24 =	rddreg [dreg:$0x9];
	[sflag:s7] =	ssyncadd.s32 $0xFFFFEC00  }
0x42: {  	[spmem:s24] =	stream.linear.scatter [tilespmem:s6], [sflag:$0x6], $0x1400, $0x38;
	[tilespmem:$0x1D600] =	vst v63  }
0x43: {  	_ =	swait.ge [sflag:s7], $0x1400  }
0x44: {  	[sflag:s7] =	ssyncset.done $0x0  }
0x45: {  	s25 =	rddreg [dreg:$0xa];
	[sflag:s7] =	ssyncadd.s32 $0xFFFFEC00  }
0x46: {  	[spmem:s25] =	stream.linear.scatter [tilespmem:s6], [sflag:$0x6], $0x1400, $0x38;
	[tilespmem:$0x1D600] =	vst v63  }
0x47: {  	_ =	swait.ge [sflag:s7], $0x1400  }
0x48: {  	[sflag:s7] =	ssyncset.done $0x0  }
0x49: {  	s24 =	rddreg [dreg:$0xb];
	[sflag:s7] =	ssyncadd.s32 $0xFFFFEC00  }
0x4a: {  	[spmem:s24] =	stream.linear.scatter [tilespmem:s6], [sflag:$0x6], $0x1400, $0x38;
	[tilespmem:$0x1D600] =	vst v63  }
0x4b: {  	_ =	swait.ge [sflag:s7], $0x1400  }
0x4c: {  	[sflag:s7] =	ssyncset.done $0x0  }
0x4d: {  	s25 =	rddreg [dreg:$0xc];
	[sflag:s7] =	ssyncadd.s32 $0xFFFFEC00  }
0x4e: {  	[spmem:s25] =	stream.linear.scatter [tilespmem:s6], [sflag:$0x6], $0x1400, $0x38;
	[tilespmem:$0x1D600] =	vst v63  }
0x4f: {  	_ =	swait.ge [sflag:s7], $0x1400  }
0x50: {  	[sflag:s7] =	ssyncset.done $0x0  }
0x51: {  	s24 =	rddreg [dreg:$0x13];
	[sflag:s7] =	ssyncadd.s32 $0xFFFFEC00  }
0x52: {  	[spmem:s24] =	stream.linear.scatter [tilespmem:s6], [sflag:$0x6], $0x1400, $0x38;
	[tilespmem:$0x1D600] =	vst v63  }
0x53: {  	_ =	swait.ge [sflag:s7], $0x1400  }
0x54: {  	[sflag:s7] =	ssyncset.done $0x0  }
0x55: {  	[sflag:s7] =	ssyncadd.s32 $0xFFFFEC00  }
0x56: {  	[spmem:s26] =	stream.linear.scatter [tilespmem:s6], [sflag:$0x6], $0x1400, $0x38;
	[tilespmem:$0x1D600] =	vst v63  }
0x57: {  	_ =	swait.ge [sflag:s7], $0x1400  }
0x58: {  	[sflag:s7] =	ssyncset.done $0x0  }
0x59: {  	[sflag:s7] =	ssyncadd.s32 $0xFFFFEC00  }
0x5a: {  	[spmem:s28] =	stream.linear.scatter [tilespmem:s6], [sflag:$0x6], $0x1400, $0x38;
	[tilespmem:$0x1D600] =	vst v63  }
0x5b: {  	_ =	swait.ge [sflag:s7], $0x1400  }
0x5c: {  	[sflag:s7] =	ssyncset.done $0x0  }
0x5d: {  	[sflag:s7] =	ssyncadd.s32 $0xFFFFEC00  }
0x5e: {  	[spmem:s29] =	stream.linear.scatter [tilespmem:s6], [sflag:$0x6], $0x1400, $0x38;
	[tilespmem:$0x1D600] =	vst v63  }
0x5f: {  	_ =	swait.ge [sflag:s7], $0x1400  }
0x60: {  	[sflag:s7] =	ssyncset.done $0x0  }
0x61: {  	[sflag:s7] =	ssyncadd.s32 $0xFFFFEC00  }
0x62: {  	[spmem:s30] =	stream.linear.scatter [tilespmem:s6], [sflag:$0x6], $0x1400, $0x38;
	[tilespmem:$0x1D600] =	vst v63  }
0x63: {  	_ =	swait.ge [sflag:s7], $0x1400  }
0x64: {  	[sflag:s7] =	ssyncset.done $0x0  }
0x65: {  	[sflag:s7] =	ssyncadd.s32 $0xFFFFEC00  }
0x66: {  	[spmem:s31] =	stream.linear.scatter [tilespmem:s6], [sflag:$0x6], $0x1400, $0x38;
	[tilespmem:$0x1D600] =	vst v63  }
0x67: {  	_ =	swait.ge [sflag:s7], $0x1400  }
0x68: {  	[sflag:s7] =	ssyncset.done $0x0  }
0x69: {  	[sflag:s7] =	ssyncadd.s32 $0xFFFFEC00  }
0x6a: {  	[spmem:s2] =	stream.linear.scatter [tilespmem:s6], [sflag:$0x6], $0x1400, $0x38;
	[tilespmem:$0x1D600] =	vst v63  }
0x6b: {  	_ =	swait.ge [sflag:s7], $0x1400  }
0x6c: {  	[sflag:s7] =	ssyncset.done $0x0  }
0x6d: {  	[sflag:s7] =	ssyncadd.s32 $0xFFFFEC00  }
0x6e: {  	[spmem:s1] =	stream.linear.scatter [tilespmem:s6], [sflag:$0x6], $0x1400, $0x38;
	[tilespmem:$0x1D600] =	vst v63  }
0x6f: {  	_ =	swait.ge [sflag:s7], $0x1400  }
0x70: {  	[sflag:s7] =	ssyncset.done $0x0  }
0x71: {  	[sflag:s7] =	ssyncadd.s32 $0xFFFFEC00  }
0x72: {  	[bflag:$0x0] =	sbarrier.arrive $0xFFFF  }
0x73: {  	s23 =	simm.s32 $0x0;
	s24 =	rddreg [dreg:$0xd]  }
0x74: {  	[tilespmem:s23], [sflag:$0x3] =	stream.linear.gather [hbm4b:s24+s23], $0x80, $0x38;
	[tilespmem:$0x1D600] =	vst v63  }
0x75: {  	s25 =	rddreg [dreg:$0xe]  }
0x76: {  	[tilespmem:s8], [sflag:$0x3] =	stream.linear.gather [hbm4b:s25+s23], $0x80, $0x38;
	[tilespmem:$0x1D600] =	vst v63  }
0x77: {  	_ =	swait.ge [sflag:s9], $0x80  }
0x78: {  	[sflag:s9] =	ssyncset.done $0x0  }
0x79: {  	[sflag:s9] =	ssyncadd.s32 $0xFFFFFF80  }
0x7a: {  	_ =	swait.ge [sflag:s9], $0x80  }
0x7b: {  	[sflag:s9] =	ssyncset.done $0x0  }
0x7c: {  	[sflag:s9] =	ssyncadd.s32 $0xFFFFFF80  }
0x7d: {  	[tilespmem:s11], [sflag:$0x1] =	stream.indirect.gather [hbm4b:s0+s10], $0x80, s23, s10, $0xb8;
	[tilespmem:$0x1D600] =	vst v63  }
0x7e: {  	s25 =	rddreg [dreg:$0xf]  }
0x7f: {  	[tilespmem:s10], [sflag:$0x4] =	stream.linear.gather [hbm4b:s25+s23], $0x80, $0x38;
	[tilespmem:$0x1D600] =	vst v63  }
0x80: {  	s25 =	rddreg [dreg:$0x10]  }
0x81: {  	[tilespmem:s12], [sflag:$0x4] =	stream.linear.gather [hbm4b:s25+s23], $0x80, $0x38;
	[tilespmem:$0x1D600] =	vst v63  }
0x82: {  	_ =	swait.ge [sflag:s13], $0x4000  }
0x83: {  	[sflag:s13] =	ssyncset.done $0x0  }
0x84: {  	[sflag:s13] =	ssyncadd.s32 $0xFFFFC000  }
0x85: {  	[spmem:s3] =	stream.indirect.scatter.add.f32 [tilespmem:s11], [sflag:$0x5], $0x80, s8, s10, $0xb8;
	[tilespmem:$0x1D600] =	vst v63  }
0x86: {  	_ =	swait.ge [sflag:s14], $0x80  }
0x87: {  	[sflag:s14] =	ssyncset.done $0x0  }
0x88: {  	[sflag:s14] =	ssyncadd.s32 $0xFFFFFF80  }
0x89: {  	_ =	swait.ge [sflag:s14], $0x80  }
0x8a: {  	[sflag:s14] =	ssyncset.done $0x0  }
0x8b: {  	[sflag:s14] =	ssyncadd.s32 $0xFFFFFF80  }
0x8c: {  	[tilespmem:s15], [sflag:$0x2] =	stream.indirect.gather [hbm4b:s0+s10], $0x80, s10, s10, $0xb8;
	[tilespmem:$0x1D600] =	vst v63  }
0x8d: {  	s25 =	rddreg [dreg:$0x11]  }
0x8e: {  	[tilespmem:s23], [sflag:$0x3] =	stream.linear.gather [hbm4b:s25+s23], $0x80, $0x38;
	[tilespmem:$0x1D600] =	vst v63  }
0x8f: {  	s25 =	rddreg [dreg:$0x12]  }
0x90: {  	[tilespmem:s8], [sflag:$0x3] =	stream.linear.gather [hbm4b:s25+s23], $0x80, $0x38;
	[tilespmem:$0x1D600] =	vst v63  }
0x91: {  	_ =	swait.ge [sflag:s16], $0x4000  }
0x92: {  	[sflag:s16] =	ssyncset.done $0x0  }
0x93: {  	[sflag:s16] =	ssyncadd.s32 $0xFFFFC000  }
0x94: {  	[spmem:s3] =	stream.indirect.scatter.add.f32 [tilespmem:s15], [sflag:$0x5], $0x80, s12, s10, $0xb8;
	[tilespmem:$0x1D600] =	vst v63  }
0x95: {  	_ =	swait.ge [sflag:s9], $0x80  }
0x96: {  	[sflag:s9] =	ssyncset.done $0x0  }
0x97: {  	[sflag:s9] =	ssyncadd.s32 $0xFFFFFF80  }
0x98: {  	_ =	swait.ge [sflag:s9], $0x80  }
0x99: {  	[sflag:s9] =	ssyncset.done $0x0  }
0x9a: {  	[sflag:s9] =	ssyncadd.s32 $0xFFFFFF80  }
0x9b: {  	_ =	swait.ge [sflag:s17], $0x4000  }
0x9c: {  	[sflag:s17] =	ssyncset.done $0x0  }
0x9d: {  	[sflag:s17] =	ssyncadd.s32 $0xFFFFC000  }
0x9e: {  	[tilespmem:s11], [sflag:$0x1] =	stream.indirect.gather [hbm4b:s0+s10], $0x80, s4, s10, $0xb8;
	[tilespmem:$0x1D600] =	vst v63  }
0x9f: {  	s24 =	sadd.s32 $0x0, s22  }
0xa0: {  	[tilespmem:s10], [sflag:$0x4] =	stream.linear.gather [hbm4b:s24+s4], $0x80, $0x38;
	[tilespmem:$0x1D600] =	vst v63  }
0xa1: {  	s25 =	sadd.s32 $0x0, s21  }
0xa2: {  	[tilespmem:s12], [sflag:$0x4] =	stream.linear.gather [hbm4b:s25+s4], $0x80, $0x38;
	[tilespmem:$0x1D600] =	vst v63  }
0xa3: {  	_ =	swait.ge [sflag:s13], $0x4000  }
0xa4: {  	[sflag:s13] =	ssyncset.done $0x0  }
0xa5: {  	[sflag:s13] =	ssyncadd.s32 $0xFFFFC000  }
0xa6: {  	[spmem:s3] =	stream.indirect.scatter.add.f32 [tilespmem:s11], [sflag:$0x5], $0x80, s8, s10, $0xb8;
	[tilespmem:$0x1D600] =	vst v63  }
0xa7: {  	_ =	swait.ge [sflag:s14], $0x80  }
0xa8: {  	[sflag:s14] =	ssyncset.done $0x0  }
0xa9: {  	[sflag:s14] =	ssyncadd.s32 $0xFFFFFF80  }
0xaa: {  	_ =	swait.ge [sflag:s14], $0x80  }
0xab: {  	[sflag:s14] =	ssyncset.done $0x0  }
0xac: {  	[sflag:s14] =	ssyncadd.s32 $0xFFFFFF80  }
0xad: {  	_ =	swait.ge [sflag:s17], $0x4000  }
0xae: {  	[sflag:s17] =	ssyncset.done $0x0  }
0xaf: {  	[sflag:s17] =	ssyncadd.s32 $0xFFFFC000  }
0xb0: {  	[tilespmem:s15], [sflag:$0x2] =	stream.indirect.gather [hbm4b:s0+s10], $0x80, s10, s10, $0xb8;
	[tilespmem:$0x1D600] =	vst v63  }
0xb1: {  	s24 =	sadd.s32 $0x0, s20  }
0xb2: {  	[tilespmem:s4], [sflag:$0x3] =	stream.linear.gather [hbm4b:s24+s4], $0x80, $0x38;
	[tilespmem:$0x1D600] =	vst v63  }
0xb3: {  	s25 =	sadd.s32 $0x0, s19  }
0xb4: {  	[tilespmem:s8], [sflag:$0x3] =	stream.linear.gather [hbm4b:s25+s4], $0x80, $0x38;
	[tilespmem:$0x1D600] =	vst v63  }
0xb5: {  	_ =	swait.ge [sflag:s16], $0x4000  }
0xb6: {  	[sflag:s16] =	ssyncset.done $0x0  }
0xb7: {  	s23 =	simm.s32 $0x20;
	[sflag:s16] =	ssyncadd.s32 $0xFFFFC000  }
.LBB2_4:
0xb8: {  	[spmem:s3] =	stream.indirect.scatter.add.f32 [tilespmem:s15], [sflag:$0x5], $0x80, s12, s10, $0xb8;
	[tilespmem:$0x1D600] =	vst v63  }
0xb9: {  	s24 =	smov.u32 s23  }
0xba: {  	p0 =	sne.s32 s23, $0x4A0;
	s23 =	sadd.s32 $0x20, s23;
	_ =	swait.ge [sflag:s9], $0x80  }
0xbb: {  	[sflag:s9] =	ssyncset.done $0x0  }
0xbc: {  	[sflag:s9] =	ssyncadd.s32 $0xFFFFFF80  }
0xbd: {  	_ =	swait.ge [sflag:s9], $0x80  }
0xbe: {  	[sflag:s9] =	ssyncset.done $0x0  }
0xbf: {  	[sflag:s9] =	ssyncadd.s32 $0xFFFFFF80  }
0xc0: {  	_ =	swait.ge [sflag:s17], $0x4000  }
0xc1: {  	[sflag:s17] =	ssyncset.done $0x0  }
0xc2: {  	[sflag:s17] =	ssyncadd.s32 $0xFFFFC000  }
0xc3: {  	[tilespmem:s11], [sflag:$0x1] =	stream.indirect.gather [hbm4b:s0+s10], $0x80, s4, s10, $0xb8;
	[tilespmem:$0x1D600] =	vst v63  }
0xc4: {  	s25 =	sadd.s32 s24, s22  }
0xc5: {  	[tilespmem:s10], [sflag:$0x4] =	stream.linear.gather [hbm4b:s25+s4], $0x80, $0x38;
	[tilespmem:$0x1D600] =	vst v63  }
0xc6: {  	s25 =	sadd.s32 s24, s21  }
0xc7: {  	[tilespmem:s12], [sflag:$0x4] =	stream.linear.gather [hbm4b:s25+s4], $0x80, $0x38;
	[tilespmem:$0x1D600] =	vst v63  }
0xc8: {  	_ =	swait.ge [sflag:s13], $0x4000  }
0xc9: {  	[sflag:s13] =	ssyncset.done $0x0  }
0xca: {  	[sflag:s13] =	ssyncadd.s32 $0xFFFFC000  }
0xcb: {  	[spmem:s3] =	stream.indirect.scatter.add.f32 [tilespmem:s11], [sflag:$0x5], $0x80, s8, s10, $0xb8;
	[tilespmem:$0x1D600] =	vst v63  }
0xcc: {  	_ =	swait.ge [sflag:s14], $0x80  }
0xcd: {  	[sflag:s14] =	ssyncset.done $0x0  }
0xce: {  	[sflag:s14] =	ssyncadd.s32 $0xFFFFFF80  }
0xcf: {  	_ =	swait.ge [sflag:s14], $0x80  }
0xd0: {  	[sflag:s14] =	ssyncset.done $0x0  }
0xd1: {  	[sflag:s14] =	ssyncadd.s32 $0xFFFFFF80  }
0xd2: {  	_ =	swait.ge [sflag:s17], $0x4000  }
0xd3: {  	[sflag:s17] =	ssyncset.done $0x0  }
0xd4: {  	[sflag:s17] =	ssyncadd.s32 $0xFFFFC000  }
0xd5: {  	[tilespmem:s15], [sflag:$0x2] =	stream.indirect.gather [hbm4b:s0+s10], $0x80, s10, s10, $0xb8;
	[tilespmem:$0x1D600] =	vst v63  }
0xd6: {  	s25 =	sadd.s32 s24, s20  }
0xd7: {  	[tilespmem:s4], [sflag:$0x3] =	stream.linear.gather [hbm4b:s25+s4], $0x80, $0x38;
	[tilespmem:$0x1D600] =	vst v63  }
.Ltmp1:
0xd8: {  	s24 =	sadd.s32 s24, s19;
	(pc) =	sbr.rel @p0 .LBB2_4-.Ltmp1, $4  }
0xd9: {  	[tilespmem:s8], [sflag:$0x3] =	stream.linear.gather [hbm4b:s24+s4], $0x80, $0x38;
	[tilespmem:$0x1D600] =	vst v63  }
0xda: {  	_ =	swait.ge [sflag:s16], $0x4000  }
0xdb: {  	[sflag:s16] =	ssyncset.done $0x0  }
0xdc: {  	[sflag:s16] =	ssyncadd.s32 $0xFFFFC000  }
0xdd: {  	[spmem:s3] =	stream.indirect.scatter.add.f32 [tilespmem:s15], [sflag:$0x5], $0x80, s12, s10, $0xb8;
	[tilespmem:$0x1D600] =	vst v63  }
0xde: {  	_ =	swait.ge [sflag:s9], $0x80  }
0xdf: {  	[sflag:s9] =	ssyncset.done $0x0  }
0xe0: {  	[sflag:s9] =	ssyncadd.s32 $0xFFFFFF80  }
0xe1: {  	_ =	swait.ge [sflag:s9], $0x80  }
0xe2: {  	[sflag:s9] =	ssyncset.done $0x0  }
0xe3: {  	[sflag:s9] =	ssyncadd.s32 $0xFFFFFF80  }
0xe4: {  	_ =	swait.ge [sflag:s17], $0x4000  }
0xe5: {  	[sflag:s17] =	ssyncset.done $0x0  }
0xe6: {  	[sflag:s17] =	ssyncadd.s32 $0xFFFFC000  }
0xe7: {  	[tilespmem:s11], [sflag:$0x1] =	stream.indirect.gather [hbm4b:s0+s10], $0x80, s4, s10, $0xb8;
	[tilespmem:$0x1D600] =	vst v63  }
0xe8: {  	_ =	swait.ge [sflag:s13], $0x4000  }
0xe9: {  	[sflag:s13] =	ssyncset.done $0x0  }
0xea: {  	[sflag:s13] =	ssyncadd.s32 $0xFFFFC000  }
0xeb: {  	[spmem:s3] =	stream.indirect.scatter.add.f32 [tilespmem:s11], [sflag:$0x5], $0x80, s8, s10, $0xb8;
	[tilespmem:$0x1D600] =	vst v63  }
0xec: {  	_ =	swait.ge [sflag:s17], $0x4000  }
0xed: {  	[sflag:s17] =	ssyncset.done $0x0  }
0xee: {  	[sflag:s17] =	ssyncadd.s32 $0xFFFFC000  }
0xef: {  	_ =	swait.ge [sflag:s17], $0x4000  }
0xf0: {  	[sflag:s17] =	ssyncset.done $0x0  }
0xf1: {  	s23 =	stileid.u32;
	[sflag:s17] =	ssyncadd.s32 $0xFFFFC000  }
0xf2: {  	s23 =	sshll.u32 s23, $0x6;
	[bflag:$0x0] =	sbarrier.arrive $0xFFFF  }
0xf3: {  	s24 =	sshrl.u32 s5, $0x3;
	s23 =	sor.u32 $0x1C06, s23;
	s25 =	rddreg [dreg:$0x14]  }
0xf4: {  	[hbm:s25], [sflag:s23] =	dma.local [spmem:s24], $0x2800  }
0xf5: {  	_ =	swait.ge [sflag:s7], $0x2800  }
0xf6: {  	s18 =	sadd.s32 $0x1, s18;
	s25 =	rddreg [dreg:$0x15]  }
0xf7: {  	p0 =	sne.s32 s18, s25  }
.Ltmp2:
0xf8: {  	_ = 	snop;
	(pc) =	sbr.rel @p0 .LBB2_1-.Ltmp2, $3  }
0xf9: {  	_ =	sdelay $0x1  }
0xfa: {  	[sflag:s7] =	ssyncset.done $0x0  }
0xfb: {  	[sflag:s7] =	ssyncadd.s32 $0xFFFFD800  }
0xfc: {  	_ =	sfence.sel $0x180000  }
0xfd: {  	[bflag:$0x0] =	sbarrier.arrive $0xFFFF  }
0xfe: {  	_ =	strace $0x90000050  }
0xff: {  	s0 =	stileid.u32;
	[bflag:$0x2] =	sbarrier.arrive $0xFFFF  }
0x100: {  	p0 =	sne.s32 s0, $0x0;
	s0 =	rddreg [dreg:$0x5]  }
0x101: {  	s0 =	sadd.s32 @!p0 $0x100000, s0  }
0x102: {  	[sflag:s0] =	ssyncadd.tile.s32 @!p0 $0x1;
	_ =	shalt  }
.Lfunc_end2:
_tile_overlayer_lowered:
.L_overlay_start_2:
0x103: {  	(tag) =	ssettag $0x2  }
0x104: {  	s0 =	rddreg [dreg:$0x0];
	s2 =	stileid.u32  }
0x105: {  	s1 =	rddreg [dreg:$0x1];
	p0 =	sne.s32 s2, $0x0  }
0x106: {  	s3 =	rddreg [dreg:$0x2];
	[bflag:$0x3] =	sbarrier.arrive $0xFFFF;
	s2 =	simm.s32 @!p0 $0x1C06  }
0x107: {  	[timem:s3], [sflag:s2] =	dma.local @!p0 [hbm:s0], s1  }
0x108: {  	s0 =	simm.s32 @!p0 $0x6  }
0x109: {  	_ =	swait.ge @!p0 [sflag:s0], s1  }
0x10a: {  	s1 =	ssub.s32 @!p0 $0x0, s1;
	[sflag:s0] =	ssyncset.done @!p0 $0x0  }
0x10b: {  	[sflag:s0] =	ssyncadd.s32 @!p0 s1  }
0x10c: {  	[bflag:$0x3] =	sbarrier.arrive $0xFFFF  }
0x10d: {  	_ =	shalt  }

// kernel: kernel.33.cloned.1.call-start
scs
__scs_entry_jumppad:
0x0: {  	(pc) =	sbr.rel $0x88, $3  }
0x1: {  	(tag) =	ssettag $0x0;
	lr =	simm.s32 $0x1  }
0x2: {  	[smem:$0x3F8A] =	sst lr;
	_ =	strace $0xD0000000  }
0x3: {  	_ = 	snop  }
0x4: {  	_ = 	snop  }
0x5: {  	_ = 	snop  }
0x6: {  	_ = 	snop  }
0x7: {  	_ = 	snop  }
__scs_overlays_trampoline_lowered:
0x8: {  	[smem:$0x3F99] =	sst s0  }
0x9: {  	[smem:$0x3F9A] =	sst s1  }
0xa: {  	[smem:$0x3F9B] =	sst s2  }
0xb: {  	[smem:$0x3F9C] =	sst s3  }
0xc: {  	[smem:$0x3F9D] =	sst s4  }
0xd: {  	[smem:$0x3F9E] =	sst s5  }
0xe: {  	[smem:$0x3F9F] =	sst s6  }
0xf: {  	[smem:$0x3FA0] =	sst s7  }
0x10: {  	[smem:$0x3FA1] =	sst s8  }
0x11: {  	[smem:$0x3FA2] =	sst s9;
	s0 =	simm.s32 @!p0 $0x0  }
0x12: {  	s1 =	sld [smem:$0x3F88];
	s0 =	simm.s32 @p0 $0x1  }
0x13: {  	[smem:$0x3FA3] =	sst s0;
	s0 =	simm.s32 @!p1 $0x0  }
0x14: {  	s2 =	sld [smem:$0x3F87];
	s0 =	simm.s32 @p1 $0x1  }
0x15: {  	[smem:$0x3FA4] =	sst s0;
	s0 =	simm.s32 @!p2 $0x0  }
0x16: {  	s3 =	sld [smem:$0x3FDB];
	s0 =	simm.s32 @p2 $0x1  }
0x17: {  	s4 =	simm.s32 $0x1BF5;
	[smem:$0x3FA6] =	sst s0  }
0x18: {  	s0 =	sld [smem:$0x3F89];
	_ =	swait.ge [sflag:s4], $0x0  }
0x19: {  	s7 =	sld [smem:$0x3F8A]  }
0x1a: {  	s8 =	sadd.s32 $0xFFFFE003, lr  }
0x1b: {  	s9 =	sadd.s32 $0xFFFFFEF7, lr;
	s5 =	simm.s32 $0xFFFFFFFF;
	p2 =	slt.u32 s8, $0xFFFFF086  }
0x1c: {  	p1 =	slt.u32 s9, $0xF7A;
	s5 =	simm.s32 @!p2 $0x0  }
0x1d: {  	s5 =	simm.s32 @p1 $0x1;
	p0 =	seq.s32 s7, s2  }
0x1e: {  	s7 =	smul.u32 @!p0 $0xF7A, s2;
	p2 =	seq.s32 @!p0 s5, $0x0  }
0x1f: {  	s9 =	smul.u32 $0xF7A, s1;
	s8 =	simm.s32 @!p0 $0x1BF5;
	p2 =	por !p2, p0  }
0x20: {  	[sflag:s8] =	ssyncset.s32 @!p0 $0xFFFFF086;
	s6 =	sadd.s32 @!p0 s3, s7;
	s7 =	simm.s32 @!p0 $0x108  }
0x21: {  	s3 =	sadd.s32 s3, s9;
	s6 =	sadd.s32 @!p0 $0x88, s6;
	s7 =	simm.s32 @p2 $0x1082  }
0x22: {  	[simem:s7], [sflag:s8] =	dma.local @!p0 [hbm:s6], $0xF7A  }
0x23: {  	s9 =	sor.u32 $0xD0000000, s2;
	s6 =	simm.s32 $0x108;
	_ =	swait.ge @!p0 [sflag:s8], $0x0  }
0x24: {  	s3 =	sadd.s32 $0x88, s3;
	s6 =	simm.s32 @!p1 $0x1082;
	[sflag:s4] =	ssyncset.s32 $0xFFFFF086  }
0x25: {  	[simem:s6], [sflag:s4] =	dma.local [hbm:s3], $0xF7A  }
0x26: {  	[smem:$0x3F8A] =	sst s1;
	(tag) =	ssettag s2;
	_ =	strace s9  }
0x27: {  	s1 =	sld [smem:$0x3F9A]  }
0x28: {  	s2 =	sld [smem:$0x3F9B]  }
0x29: {  	s4 =	sld [smem:$0x3F9D]  }
0x2a: {  	p0 =	seq.s32 s5, $0x0;
	s5 =	sld [smem:$0x3F9E]  }
0x2b: {  	s6 =	sld [smem:$0x3F9F]  }
0x2c: {  	s7 =	sld [smem:$0x3FA0]  }
0x2d: {  	s3 =	simm.s32 $0x108;
	s8 =	sld [smem:$0x3FA1]  }
0x2e: {  	s3 =	simm.s32 @!p0 $0x1082;
	s9 =	sld [smem:$0x3FA2]  }
0x2f: {  	lr =	sadd.s32 s0, s3;
	s0 =	sld [smem:$0x3F99]  }
0x30: {  	s3 =	sld [smem:$0x3F9C]  }
0x31: {  	[smem:$0x3FA5] =	sst s10  }
0x32: {  	s10 =	sld [smem:$0x3FA3];
	_ =	sdelay $0x3  }
0x33: {  	p0 =	seq.s32 s10, $0x1;
	s10 =	sld [smem:$0x3FA5];
	_ =	sdelay $0x3  }
0x34: {  	[smem:$0x3FA5] =	sst s10  }
0x35: {  	s10 =	sld [smem:$0x3FA4];
	_ =	sdelay $0x3  }
0x36: {  	p1 =	seq.s32 s10, $0x1;
	s10 =	sld [smem:$0x3FA5];
	_ =	sdelay $0x3  }
0x37: {  	[smem:$0x3FA5] =	sst s10  }
0x38: {  	s10 =	sld [smem:$0x3FA6]  }
0x39: {  	_ = 	snop;
	(pc) =	sbr.ind lr, $3  }
0x3a: {  	_ = 	snop  }
0x3b: {  	_ = 	snop  }
0x3c: {  	p2 =	seq.s32 s10, $0x1;
	s10 =	sld [smem:$0x3FA5]  }
0x3d: {  	_ =	shalt  }
0x3e: {  	_ =	shalt  }
0x3f: {  	_ =	shalt  }
0x40: {  	_ =	shalt  }
0x41: {  	_ =	shalt  }
0x42: {  	_ =	shalt  }
0x43: {  	_ =	shalt  }
0x44: {  	_ =	shalt  }
0x45: {  	_ =	shalt  }
0x46: {  	_ =	shalt  }
0x47: {  	_ =	shalt  }
0x48: {  	_ =	shalt  }
0x49: {  	_ =	shalt  }
0x4a: {  	_ =	shalt  }
0x4b: {  	_ =	shalt  }
0x4c: {  	_ =	shalt  }
0x4d: {  	_ =	shalt  }
0x4e: {  	_ =	shalt  }
0x4f: {  	_ =	shalt  }
0x50: {  	_ =	shalt  }
0x51: {  	_ =	shalt  }
0x52: {  	_ =	shalt  }
0x53: {  	_ =	shalt  }
0x54: {  	_ =	shalt  }
0x55: {  	_ =	shalt  }
0x56: {  	_ =	shalt  }
0x57: {  	_ =	shalt  }
0x58: {  	_ =	shalt  }
0x59: {  	_ =	shalt  }
0x5a: {  	_ =	shalt  }
0x5b: {  	_ =	shalt  }
0x5c: {  	_ =	shalt  }
0x5d: {  	_ =	shalt  }
0x5e: {  	_ =	shalt  }
0x5f: {  	_ =	shalt  }
0x60: {  	_ =	shalt  }
0x61: {  	_ =	shalt  }
0x62: {  	_ =	shalt  }
0x63: {  	_ =	shalt  }
0x64: {  	_ =	shalt  }
0x65: {  	_ =	shalt  }
0x66: {  	_ =	shalt  }
0x67: {  	_ =	shalt  }
0x68: {  	_ =	shalt  }
0x69: {  	_ =	shalt  }
0x6a: {  	_ =	shalt  }
0x6b: {  	_ =	shalt  }
0x6c: {  	_ =	shalt  }
0x6d: {  	_ =	shalt  }
0x6e: {  	_ =	shalt  }
0x6f: {  	_ =	shalt  }
0x70: {  	_ =	shalt  }
0x71: {  	_ =	shalt  }
0x72: {  	_ =	shalt  }
0x73: {  	_ =	shalt  }
0x74: {  	_ =	shalt  }
0x75: {  	_ =	shalt  }
0x76: {  	_ =	shalt  }
0x77: {  	_ =	shalt  }
0x78: {  	_ =	shalt  }
0x79: {  	_ =	shalt  }
0x7a: {  	_ =	shalt  }
0x7b: {  	_ =	shalt  }
0x7c: {  	_ =	shalt  }
0x7d: {  	_ =	shalt  }
0x7e: {  	_ =	shalt  }
0x7f: {  	_ =	shalt  }
0x80: {  	_ =	shalt  }
0x81: {  	_ =	shalt  }
0x82: {  	_ =	shalt  }
0x83: {  	_ =	shalt  }
0x84: {  	_ =	shalt  }
0x85: {  	_ =	shalt  }
0x86: {  	_ =	shalt  }
0x87: {  	_ =	shalt  }
.Lfunc_end0:
.L_simem_size_0:
called_computation.5_lowered:
.L_overlay_start_0:
0x88: {  	s2 =	sld [smem:$0x3FD9]  }
0x89: {  	s3 =	sld [smem:$0x3FFE];
	_ =	sdelay $0x1  }
0x8a: {  	s1 =	srdreg.scid  }
0x8b: {  	s0 =	sand.u32 $0x1, s1  }
0x8c: {  	s14 =	sshll.u32 s0, $0xA;
	s2 =	sadd.s32 s3, s2  }
0x8d: {  	s2 =	sadd.s32 s2, s14  }
0x8e: {  	[smem:$0x3FB1] =	sst s2  }
0x8f: {  	_ = 	snop  }
0x90: {  	s2 =	sld [smem:$0x3FD0];
	_ =	sdelay $0x2  }
0x91: {  	s15 =	simm.s32 $0xC;
	s4 =	simm.s32 $0x10  }
0x92: {  	[smem:s4], [sflag:s15] =	dma.local [hbm:s2], $0x1  }
0x93: {  	_ =	swait.eq [sflag:s15], $0x1  }
0x94: {  	[sflag:s15] =	ssyncset.done $0x0  }
0x95: {  	s16 =	sld [smem:$0x11];
	[sflag:s15] =	ssyncadd.s32 $0xFFFFFFFF  }
0x96: {  	s17 =	sld [smem:$0x12];
	(tm) =	ssettm $0x1  }
0x97: {  	s18 =	sld [smem:$0x3FFB];
	_ =	sdelay $0x3  }
0x98: {  	_ =	strace s18  }
0x99: {  	s4 =	sld [smem:$0x3FFC];
	_ =	sdelay $0x3  }
0x9a: {  	_ =	strace s4  }
0x9b: {  	s4 =	sld [smem:$0x3FFD];
	_ =	sdelay $0x3  }
0x9c: {  	_ =	strace s4  }
0x9d: {  	_ =	strace $0x8FFFFFFF  }
0x9e: {  	s19 =	sld [smem:$0x3FDB];
	_ =	sdelay $0x1  }
0x9f: {  	s5 =	simm.s32 $_scs_section_size  }
0xa0: {  	s6 =	simm.s32 $_size__tile_overlayer_lowered;
	s7 =	simm.s32 $_tile_overlayer_lowered  }
0xa1: {  	s22 =	simm.s32 $0x1BFF;
	s21 =	sshll.u32 s7, $0x1;
	s4 =	sadd.s32 s5, s19  }
0xa2: {  	s8 =	simm.s32 $0x0;
	s20 =	sshll.u32 s6, $0x1;
	s6 =	sadd.s32 s21, s4  }
0xa3: {  	[timem:s8], [sflag:s22] =	dma.local [hbm:s6], s20  }
0xa4: {  	_ =	swait.ge [sflag:s22], s20  }
0xa5: {  	s5 =	ssub.s32 $0x0, s20;
	[sflag:s22] =	ssyncset.done $0x0  }
0xa6: {  	[sflag:s22] =	ssyncadd.s32 s5;
	_ =	sdelay $0x1  }
0xa7: {  	s23 =	simm.s32 $0x1B8B  }
0xa8: {  	_ =	swait.ge [sflag:s23], $0x1  }
0xa9: {  	[sflag:s23] =	ssyncset.done $0x0  }
0xaa: {  	s25 =	simm.s32 $0x1B8E;
	s24 =	sld [smem:$0x3FFE];
	[sflag:s23] =	ssyncadd.s32 $0xFFFFFFFF  }
0xab: {  	s26 =	simm.s32 $execute0_lowered;
	[smem:$0x3FD2] =	sst s25  }
0xac: {  	s6 =	sshll.u32 s26, $0x1;
	_ =	strace $0x80000052;
	[dreg:$0x1] =	wrdreg $0xFFFFFFFF  }
0xad: {  	s28 =	simm.s32 $_size_execute0_lowered;
	s4 =	sadd.s32 s4, s6;
	[dreg:$0x0] =	wrdreg $0x0  }
0xae: {  	s6 =	sshll.u32 s28, $0x1;
	[dreg:$0x2] =	wrdreg s4  }
0xaf: {  	[dreg:$0x3] =	wrdreg s6  }
0xb0: {  	[dreg:$0x4] =	wrdreg $0xC0  }
0xb1: {  	_ =	task [dreg:s8], $0x5FFFF  }
0xb2: {  	[dreg:$0x1] =	wrdreg $0xFFFFFFFF  }
0xb3: {  	[dreg:$0x0] =	wrdreg $0x60  }
0xb4: {  	[dreg:$0x2] =	wrdreg s24  }
0xb5: {  	[dreg:$0x3] =	wrdreg s17  }
0xb6: {  	[dreg:$0x4] =	wrdreg s16  }
0xb7: {  	[dreg:$0x5] =	wrdreg $0x96000  }
0xb8: {  	[dreg:$0x6] =	wrdreg $0x9  }
0xb9: {  	_ =	task.clear_ibuf [dreg:s8], $0x7FFFF;
	_ =	strace $0x90000052  }
0xba: {  	s29 =	simm.s32 $0x9;
	_ =	strace $0x80000054  }
0xbb: {  	_ =	swait.ge [sflag:s29], $0x1  }
0xbc: {  	[sflag:s29] =	ssyncadd.s32 $0xFFFFFFFF  }
0xbd: {  	_ =	strace $0x90000054  }
0xbe: {  	_ =	sfence  }
0xbf: {  	s30 =	sld [smem:$0x0];
	_ =	sdelay $0x2  }
0xc0: {  	s31 =	sshll.u32 s1, $0xD;
	s1 =	sshrl.u32 s1, $0x2  }
0xc1: {  	s3 =	sand.u32 $0x4000, s31;
	s1 =	sadd.s32 s1, s30  }
0xc2: {  	s0 =	sor.u32 s3, s0;
	s1 =	sshll.u32 s1, $0x11  }
0xc3: {  	s0 =	sor.u32 s1, s0  }
0xc4: {  	s0 =	sadd.s32 $0x8F2B, s0  }
0xc5: {  	[sflag:s0] =	ssyncadd.remote.s32 $0x1  }
0xc6: {  	_ =	sfence.sel $0xFFFF  }
0xc7: {  	[dreg:$0x0] =	wrdreg $0xFFFFFFFF;
	(pc) =	sbr.abs _section_cstart, $3  }
0xc8: {  	[dreg:$0x1] =	wrdreg $0xFFFFFFFF  }
0xc9: {  	_ =	task.clear_ibuf [dreg:s8], $0x2FFFF;
	_ =	strace $0x9FFFFFFF  }
0xca: {  	(tm) =	ssettm $0x7FFFFFFF  }
0xcb: {  	_ =	shalt  }
tec
execute0_lowered:
.L_overlay_start_1:
0x0: {  	(tag) =	ssettag $0x1  }
0x1: {  	s0 =	rddreg [dreg:$0x0]  }
0x2: {  	s1 =	rddreg [dreg:$0x1];
	s2 =	srdreg.scid  }
0x3: {  	s6 =	rddreg [dreg:$0x2];
	s11 =	stileid.u32;
	s3 =	simm.s32 $0x0  }
0x4: {  	s28 =	simm.s32 $0x100;
	s29 =	simm.s32 $0x3;
	s5 =	smul.u32 $0xA000, s11  }
0x5: {  	s30 =	simm.s32 $0x80;
	s31 =	simm.s32 $0x200;
	s8 =	smul.u32 $0x28000, s11  }
0x6: {  	s7 =	sand.u32 $0x1, s2;
	s2 =	rddreg [dreg:$0x3];
	s22 =	smul.u32 $0x4F00, s11  }
0x7: {  	[smem:$0x7FF] =	sst s3;
	s10 =	sshll.u32 s11, $0x1;
	s4 =	smul.u32 $0xA0000, s7  }
0x8: {  	_ =	strace $0x80000053;
	s9 =	ssub.s32 $0x2, s7;
	s14 =	sor.u32 s7, s10  }
0x9: {  	s7 =	smul.u32 $0x2780, s7;
	s10 =	simm.s32 $0x0;
	s5 =	sadd.s32 s5, s4  }
0xa: {  	s12 =	sshrl.u32 s8, $0x2;
	s13 =	sshrl.u32 s9, $0x1;
	s5 =	sshrl.u32 s5, $0x3  }
0xb: {  	s4 =	sadd.s32 $0x7000, s0;
	s0 =	sadd.s32 s5, s0;
	s5 =	sadd.s32 s12, s2  }
0xc: {  	s8 =	ssub.s32 s9, s13;
	s9 =	smul.u32 $0x2780, s14;
	s15 =	sadd.s32 $0x1400, s5  }
0xd: {  	s7 =	sadd.s32 s7, s22;
	s16 =	sadd.s32 $0x2800, s5;
	[dreg:$0x5] =	wrdreg s15  }
0xe: {  	s25 =	sadd.s32 $0x200, s7;
	s17 =	sadd.s32 $0x3C00, s5;
	[dreg:$0x6] =	wrdreg s16  }
0xf: {  	s7 =	sadd.s32 $0x180, s7;
	s18 =	sadd.s32 $0x5000, s5;
	[dreg:$0x7] =	wrdreg s17  }
0x10: {  	s9 =	sshrl.u32 s9, $0x3;
	s19 =	sadd.s32 $0x6400, s5;
	[dreg:$0x8] =	wrdreg s18  }
0x11: {  	s26 =	sshrl.u32 s7, $0x3;
	s20 =	sadd.s32 $0x7800, s5;
	[dreg:$0x9] =	wrdreg s19  }
0x12: {  	s7 =	simm.s32 $0x4200;
	s21 =	sadd.s32 $0x8C00, s5;
	[dreg:$0xa] =	wrdreg s20  }
0x13: {  	s23 =	sadd.s32 s1, s9;
	s24 =	sadd.s32 $0x10, s9;
	[dreg:$0xb] =	wrdreg s21  }
0x14: {  	s14 =	sadd.s32 s6, s9;
	s9 =	sadd.s32 $0x20, s9;
	[dreg:$0xc] =	wrdreg s23  }
0x15: {  	s15 =	sadd.s32 s1, s24;
	s16 =	sadd.s32 s6, s24;
	s17 =	sadd.s32 s1, s9  }
0x16: {  	s18 =	sadd.s32 s6, s9;
	s19 =	sadd.s32 $0x2F000, s0;
	s20 =	smax.u32 s8, $0x1  }
0x17: {  	s0 =	sshrl.u32 s25, $0x3;
	s23 =	sadd.s32 s26, s6;
	s24 =	sadd.s32 s26, s1  }
0x18: {  	s25 =	simm.s32 $0x8200;
	s26 =	simm.s32 $0x6;
	s8 =	simm.s32 $0x2  }
0x19: {  	s9 =	simm.s32 $0x5;
	s21 =	sadd.s32 s0, s6;
	s22 =	sadd.s32 s0, s1  }
0x1a: {  	v0 =	vimm.f32 $0.0e+00;
	s1 =	simm.s32 $0x180;
	s0 =	simm.s32 $0x1;
	s6 =	simm.s32 $0x4  }
.LBB2_1:
0x1b: {  	s11 =	simm.s32 $0x0;
	s12 =	simm.s32 $0x200  }
.LBB2_2:
0x1c: {  	p0 =	sne.s32 s12, $0x4E00;
	[tilespmem:s11+$0x8270] =	vst v0  }
0x1d: {  	[tilespmem:s11+$0x8200] =	vst v0  }
0x1e: {  	[tilespmem:s11+$0x8210] =	vst v0  }
.Ltmp0:
0x1f: {  	[tilespmem:s11+$0x8220] =	vst v0;
	(pc) =	sbr.rel @p0 .LBB2_2-.Ltmp0, $4  }
0x20: {  	[tilespmem:s11+$0x8230] =	vst v0  }
0x21: {  	[tilespmem:s11+$0x8240] =	vst v0  }
0x22: {  	[tilespmem:s11+$0x8250] =	vst v0  }
0x23: {  	[tilespmem:s11+$0x8260] =	vst v0;
	s11 =	sshra.s32 s12, $0x2;
	s12 =	sadd.s32 $0x200, s12  }
0x24: {  	[tilespmem:s11+$0x8270] =	vst v0  }
0x25: {  	[tilespmem:s11+$0x8200] =	vst v0  }
0x26: {  	[tilespmem:s11+$0x8210] =	vst v0  }
0x27: {  	[tilespmem:s11+$0x8220] =	vst v0  }
0x28: {  	[tilespmem:s11+$0x8230] =	vst v0  }
0x29: {  	[tilespmem:s11+$0x8240] =	vst v0  }
0x2a: {  	[tilespmem:s11+$0x8250] =	vst v0  }
0x2b: {  	[tilespmem:s11+$0x8260] =	vst v0  }
0x2c: {  	[spmem:s5] =	stream.linear.scatter [tilespmem:s25], [sflag:$0x6], $0x1400, $0x38;
	[tilespmem:$0x13600] =	vst v63  }
0x2d: {  	_ =	swait.ge [sflag:s26], $0x1400  }
0x2e: {  	[sflag:s26] =	ssyncset.done $0x0  }
0x2f: {  	s12 =	rddreg [dreg:$0x5];
	[sflag:s26] =	ssyncadd.s32 $0xFFFFEC00  }
0x30: {  	[spmem:s12] =	stream.linear.scatter [tilespmem:s25], [sflag:$0x6], $0x1400, $0x38;
	[tilespmem:$0x13600] =	vst v63  }
0x31: {  	_ =	swait.ge [sflag:s26], $0x1400  }
0x32: {  	[sflag:s26] =	ssyncset.done $0x0  }
0x33: {  	s13 =	rddreg [dreg:$0x6];
	[sflag:s26] =	ssyncadd.s32 $0xFFFFEC00  }
0x34: {  	[spmem:s13] =	stream.linear.scatter [tilespmem:s25], [sflag:$0x6], $0x1400, $0x38;
	[tilespmem:$0x13600] =	vst v63  }
0x35: {  	_ =	swait.ge [sflag:s26], $0x1400  }
0x36: {  	[sflag:s26] =	ssyncset.done $0x0  }
0x37: {  	s12 =	rddreg [dreg:$0x7];
	[sflag:s26] =	ssyncadd.s32 $0xFFFFEC00  }
0x38: {  	[spmem:s12] =	stream.linear.scatter [tilespmem:s25], [sflag:$0x6], $0x1400, $0x38;
	[tilespmem:$0x13600] =	vst v63  }
0x39: {  	_ =	swait.ge [sflag:s26], $0x1400  }
0x3a: {  	[sflag:s26] =	ssyncset.done $0x0  }
0x3b: {  	s13 =	rddreg [dreg:$0x8];
	[sflag:s26] =	ssyncadd.s32 $0xFFFFEC00  }
0x3c: {  	[spmem:s13] =	stream.linear.scatter [tilespmem:s25], [sflag:$0x6], $0x1400, $0x38;
	[tilespmem:$0x13600] =	vst v63  }
0x3d: {  	_ =	swait.ge [sflag:s26], $0x1400  }
0x3e: {  	[sflag:s26] =	ssyncset.done $0x0  }
0x3f: {  	s12 =	rddreg [dreg:$0x9];
	[sflag:s26] =	ssyncadd.s32 $0xFFFFEC00  }
0x40: {  	[spmem:s12] =	stream.linear.scatter [tilespmem:s25], [sflag:$0x6], $0x1400, $0x38;
	[tilespmem:$0x13600] =	vst v63  }
0x41: {  	_ =	swait.ge [sflag:s26], $0x1400  }
0x42: {  	[sflag:s26] =	ssyncset.done $0x0  }
0x43: {  	s13 =	rddreg [dreg:$0xa];
	[sflag:s26] =	ssyncadd.s32 $0xFFFFEC00  }
0x44: {  	[spmem:s13] =	stream.linear.scatter [tilespmem:s25], [sflag:$0x6], $0x1400, $0x38;
	[tilespmem:$0x13600] =	vst v63  }
0x45: {  	_ =	swait.ge [sflag:s26], $0x1400  }
0x46: {  	[sflag:s26] =	ssyncset.done $0x0  }
0x47: {  	s12 =	rddreg [dreg:$0xb];
	[sflag:s26] =	ssyncadd.s32 $0xFFFFEC00  }
0x48: {  	[spmem:s12] =	stream.linear.scatter [tilespmem:s25], [sflag:$0x6], $0x1400, $0x38;
	[tilespmem:$0x13600] =	vst v63  }
0x49: {  	_ =	swait.ge [sflag:s26], $0x1400  }
0x4a: {  	[sflag:s26] =	ssyncset.done $0x0  }
0x4b: {  	[sflag:s26] =	ssyncadd.s32 $0xFFFFEC00  }
0x4c: {  	[bflag:$0x0] =	sbarrier.arrive $0xFFFF  }
0x4d: {  	s13 =	simm.s32 $0x0;
	s12 =	rddreg [dreg:$0xc]  }
0x4e: {  	[tilespmem:s13], [sflag:$0x3] =	stream.linear.gather [hbm4b:s12+s13], $0x80, $0x38;
	[tilespmem:$0x13600] =	vst v63  }
0x4f: {  	_ = 	snop  }
0x50: {  	[tilespmem:s28], [sflag:$0x3] =	stream.linear.gather [hbm4b:s14+s13], $0x80, $0x38;
	[tilespmem:$0x13600] =	vst v63  }
0x51: {  	_ =	swait.ge [sflag:s29], $0x80  }
0x52: {  	[sflag:s29] =	ssyncset.done $0x0  }
0x53: {  	[sflag:s29] =	ssyncadd.s32 $0xFFFFFF80  }
0x54: {  	_ =	swait.ge [sflag:s29], $0x80  }
0x55: {  	[sflag:s29] =	ssyncset.done $0x0  }
0x56: {  	[sflag:s29] =	ssyncadd.s32 $0xFFFFFF80  }
0x57: {  	[tilespmem:s31], [sflag:$0x1] =	stream.indirect.gather [hbm4b:s4+s30], $0x80, s13, s30, $0xb8;
	[tilespmem:$0x13600] =	vst v63  }
0x58: {  	_ = 	snop  }
0x59: {  	[tilespmem:s30], [sflag:$0x4] =	stream.linear.gather [hbm4b:s15+s13], $0x80, $0x38;
	[tilespmem:$0x13600] =	vst v63  }
0x5a: {  	_ = 	snop  }
0x5b: {  	[tilespmem:s1], [sflag:$0x4] =	stream.linear.gather [hbm4b:s16+s13], $0x80, $0x38;
	[tilespmem:$0x13600] =	vst v63  }
0x5c: {  	_ =	swait.ge [sflag:s0], $0x4000  }
0x5d: {  	[sflag:s0] =	ssyncset.done $0x0  }
0x5e: {  	[sflag:s0] =	ssyncadd.s32 $0xFFFFC000  }
0x5f: {  	[spmem:s2] =	stream.indirect.scatter.add.f32 [tilespmem:s31], [sflag:$0x5], $0x80, s28, s30, $0xb8;
	[tilespmem:$0x13600] =	vst v63  }
0x60: {  	_ =	swait.ge [sflag:s6], $0x80  }
0x61: {  	[sflag:s6] =	ssyncset.done $0x0  }
0x62: {  	[sflag:s6] =	ssyncadd.s32 $0xFFFFFF80  }
0x63: {  	_ =	swait.ge [sflag:s6], $0x80  }
0x64: {  	[sflag:s6] =	ssyncset.done $0x0  }
0x65: {  	[sflag:s6] =	ssyncadd.s32 $0xFFFFFF80  }
0x66: {  	[tilespmem:s7], [sflag:$0x2] =	stream.indirect.gather [hbm4b:s4+s30], $0x80, s30, s30, $0xb8;
	[tilespmem:$0x13600] =	vst v63  }
0x67: {  	_ = 	snop  }
0x68: {  	[tilespmem:s13], [sflag:$0x3] =	stream.linear.gather [hbm4b:s17+s13], $0x80, $0x38;
	[tilespmem:$0x13600] =	vst v63  }
0x69: {  	_ = 	snop  }
0x6a: {  	[tilespmem:s28], [sflag:$0x3] =	stream.linear.gather [hbm4b:s18+s13], $0x80, $0x38;
	[tilespmem:$0x13600] =	vst v63  }
0x6b: {  	_ =	swait.ge [sflag:s8], $0x4000  }
0x6c: {  	[sflag:s8] =	ssyncset.done $0x0  }
0x6d: {  	[sflag:s8] =	ssyncadd.s32 $0xFFFFC000  }
0x6e: {  	[spmem:s2] =	stream.indirect.scatter.add.f32 [tilespmem:s7], [sflag:$0x5], $0x80, s1, s30, $0xb8;
	[tilespmem:$0x13600] =	vst v63  }
0x6f: {  	_ =	swait.ge [sflag:s29], $0x80  }
0x70: {  	[sflag:s29] =	ssyncset.done $0x0  }
0x71: {  	[sflag:s29] =	ssyncadd.s32 $0xFFFFFF80  }
0x72: {  	_ =	swait.ge [sflag:s29], $0x80  }
0x73: {  	[sflag:s29] =	ssyncset.done $0x0  }
0x74: {  	[sflag:s29] =	ssyncadd.s32 $0xFFFFFF80  }
0x75: {  	_ =	swait.ge [sflag:s9], $0x4000  }
0x76: {  	[sflag:s9] =	ssyncset.done $0x0  }
0x77: {  	[sflag:s9] =	ssyncadd.s32 $0xFFFFC000  }
0x78: {  	[tilespmem:s31], [sflag:$0x1] =	stream.indirect.gather [hbm4b:s4+s30], $0x80, s3, s30, $0xb8;
	[tilespmem:$0x13600] =	vst v63  }
0x79: {  	s12 =	sadd.s32 $0x0, s24  }
0x7a: {  	[tilespmem:s30], [sflag:$0x4] =	stream.linear.gather [hbm4b:s12+s3], $0x80, $0x38;
	[tilespmem:$0x13600] =	vst v63  }
0x7b: {  	s13 =	sadd.s32 $0x0, s23  }
0x7c: {  	[tilespmem:s1], [sflag:$0x4] =	stream.linear.gather [hbm4b:s13+s3], $0x80, $0x38;
	[tilespmem:$0x13600] =	vst v63  }
0x7d: {  	_ =	swait.ge [sflag:s0], $0x4000  }
0x7e: {  	[sflag:s0] =	ssyncset.done $0x0  }
0x7f: {  	[sflag:s0] =	ssyncadd.s32 $0xFFFFC000  }
0x80: {  	[spmem:s2] =	stream.indirect.scatter.add.f32 [tilespmem:s31], [sflag:$0x5], $0x80, s28, s30, $0xb8;
	[tilespmem:$0x13600] =	vst v63  }
0x81: {  	_ =	swait.ge [sflag:s6], $0x80  }
0x82: {  	[sflag:s6] =	ssyncset.done $0x0  }
0x83: {  	[sflag:s6] =	ssyncadd.s32 $0xFFFFFF80  }
0x84: {  	_ =	swait.ge [sflag:s6], $0x80  }
0x85: {  	[sflag:s6] =	ssyncset.done $0x0  }
0x86: {  	[sflag:s6] =	ssyncadd.s32 $0xFFFFFF80  }
0x87: {  	_ =	swait.ge [sflag:s9], $0x4000  }
0x88: {  	[sflag:s9] =	ssyncset.done $0x0  }
0x89: {  	[sflag:s9] =	ssyncadd.s32 $0xFFFFC000  }
0x8a: {  	[tilespmem:s7], [sflag:$0x2] =	stream.indirect.gather [hbm4b:s4+s30], $0x80, s30, s30, $0xb8;
	[tilespmem:$0x13600] =	vst v63  }
0x8b: {  	s12 =	sadd.s32 $0x0, s22  }
0x8c: {  	[tilespmem:s3], [sflag:$0x3] =	stream.linear.gather [hbm4b:s12+s3], $0x80, $0x38;
	[tilespmem:$0x13600] =	vst v63  }
0x8d: {  	s13 =	sadd.s32 $0x0, s21  }
0x8e: {  	[tilespmem:s28], [sflag:$0x3] =	stream.linear.gather [hbm4b:s13+s3], $0x80, $0x38;
	[tilespmem:$0x13600] =	vst v63  }
0x8f: {  	_ =	swait.ge [sflag:s8], $0x4000  }
0x90: {  	[sflag:s8] =	ssyncset.done $0x0  }
0x91: {  	s11 =	simm.s32 $0x20;
	[sflag:s8] =	ssyncadd.s32 $0xFFFFC000  }
.LBB2_4:
0x92: {  	[spmem:s2] =	stream.indirect.scatter.add.f32 [tilespmem:s7], [sflag:$0x5], $0x80, s1, s30, $0xb8;
	[tilespmem:$0x13600] =	vst v63  }
0x93: {  	s12 =	smov.u32 s11  }
0x94: {  	p0 =	sne.s32 s11, $0x4A0;
	s11 =	sadd.s32 $0x20, s11;
	_ =	swait.ge [sflag:s29], $0x80  }
0x95: {  	[sflag:s29] =	ssyncset.done $0x0  }
0x96: {  	[sflag:s29] =	ssyncadd.s32 $0xFFFFFF80  }
0x97: {  	_ =	swait.ge [sflag:s29], $0x80  }
0x98: {  	[sflag:s29] =	ssyncset.done $0x0  }
0x99: {  	[sflag:s29] =	ssyncadd.s32 $0xFFFFFF80  }
0x9a: {  	_ =	swait.ge [sflag:s9], $0x4000  }
0x9b: {  	[sflag:s9] =	ssyncset.done $0x0  }
0x9c: {  	[sflag:s9] =	ssyncadd.s32 $0xFFFFC000  }
0x9d: {  	[tilespmem:s31], [sflag:$0x1] =	stream.indirect.gather [hbm4b:s4+s30], $0x80, s3, s30, $0xb8;
	[tilespmem:$0x13600] =	vst v63  }
0x9e: {  	s13 =	sadd.s32 s12, s24  }
0x9f: {  	[tilespmem:s30], [sflag:$0x4] =	stream.linear.gather [hbm4b:s13+s3], $0x80, $0x38;
	[tilespmem:$0x13600] =	vst v63  }
0xa0: {  	s13 =	sadd.s32 s12, s23  }
0xa1: {  	[tilespmem:s1], [sflag:$0x4] =	stream.linear.gather [hbm4b:s13+s3], $0x80, $0x38;
	[tilespmem:$0x13600] =	vst v63  }
0xa2: {  	_ =	swait.ge [sflag:s0], $0x4000  }
0xa3: {  	[sflag:s0] =	ssyncset.done $0x0  }
0xa4: {  	[sflag:s0] =	ssyncadd.s32 $0xFFFFC000  }
0xa5: {  	[spmem:s2] =	stream.indirect.scatter.add.f32 [tilespmem:s31], [sflag:$0x5], $0x80, s28, s30, $0xb8;
	[tilespmem:$0x13600] =	vst v63  }
0xa6: {  	_ =	swait.ge [sflag:s6], $0x80  }
0xa7: {  	[sflag:s6] =	ssyncset.done $0x0  }
0xa8: {  	[sflag:s6] =	ssyncadd.s32 $0xFFFFFF80  }
0xa9: {  	_ =	swait.ge [sflag:s6], $0x80  }
0xaa: {  	[sflag:s6] =	ssyncset.done $0x0  }
0xab: {  	[sflag:s6] =	ssyncadd.s32 $0xFFFFFF80  }
0xac: {  	_ =	swait.ge [sflag:s9], $0x4000  }
0xad: {  	[sflag:s9] =	ssyncset.done $0x0  }
0xae: {  	[sflag:s9] =	ssyncadd.s32 $0xFFFFC000  }
0xaf: {  	[tilespmem:s7], [sflag:$0x2] =	stream.indirect.gather [hbm4b:s4+s30], $0x80, s30, s30, $0xb8;
	[tilespmem:$0x13600] =	vst v63  }
0xb0: {  	s13 =	sadd.s32 s12, s22  }
0xb1: {  	[tilespmem:s3], [sflag:$0x3] =	stream.linear.gather [hbm4b:s13+s3], $0x80, $0x38;
	[tilespmem:$0x13600] =	vst v63  }
.Ltmp1:
0xb2: {  	s12 =	sadd.s32 s12, s21;
	(pc) =	sbr.rel @p0 .LBB2_4-.Ltmp1, $4  }
0xb3: {  	[tilespmem:s28], [sflag:$0x3] =	stream.linear.gather [hbm4b:s12+s3], $0x80, $0x38;
	[tilespmem:$0x13600] =	vst v63  }
0xb4: {  	_ =	swait.ge [sflag:s8], $0x4000  }
0xb5: {  	[sflag:s8] =	ssyncset.done $0x0  }
0xb6: {  	[sflag:s8] =	ssyncadd.s32 $0xFFFFC000  }
0xb7: {  	[spmem:s2] =	stream.indirect.scatter.add.f32 [tilespmem:s7], [sflag:$0x5], $0x80, s1, s30, $0xb8;
	[tilespmem:$0x13600] =	vst v63  }
0xb8: {  	_ =	swait.ge [sflag:s29], $0x80  }
0xb9: {  	[sflag:s29] =	ssyncset.done $0x0  }
0xba: {  	[sflag:s29] =	ssyncadd.s32 $0xFFFFFF80  }
0xbb: {  	_ =	swait.ge [sflag:s29], $0x80  }
0xbc: {  	[sflag:s29] =	ssyncset.done $0x0  }
0xbd: {  	[sflag:s29] =	ssyncadd.s32 $0xFFFFFF80  }
0xbe: {  	_ =	swait.ge [sflag:s9], $0x4000  }
0xbf: {  	[sflag:s9] =	ssyncset.done $0x0  }
0xc0: {  	[sflag:s9] =	ssyncadd.s32 $0xFFFFC000  }
0xc1: {  	[tilespmem:s31], [sflag:$0x1] =	stream.indirect.gather [hbm4b:s4+s30], $0x80, s3, s30, $0xb8;
	[tilespmem:$0x13600] =	vst v63  }
0xc2: {  	_ =	swait.ge [sflag:s0], $0x4000  }
0xc3: {  	[sflag:s0] =	ssyncset.done $0x0  }
0xc4: {  	[sflag:s0] =	ssyncadd.s32 $0xFFFFC000  }
0xc5: {  	[spmem:s2] =	stream.indirect.scatter.add.f32 [tilespmem:s31], [sflag:$0x5], $0x80, s28, s30, $0xb8;
	[tilespmem:$0x13600] =	vst v63  }
0xc6: {  	_ =	swait.ge [sflag:s9], $0x4000  }
0xc7: {  	[sflag:s9] =	ssyncset.done $0x0  }
0xc8: {  	[sflag:s9] =	ssyncadd.s32 $0xFFFFC000  }
0xc9: {  	s11 =	stileid.u32;
	_ =	swait.ge [sflag:s9], $0x4000  }
0xca: {  	s12 =	sshrl.u32 s5, $0x3;
	s10 =	sadd.s32 $0x1, s10;
	[sflag:s9] =	ssyncset.done $0x0  }
0xcb: {  	s11 =	sshll.u32 s11, $0x6;
	p0 =	sne.s32 s10, s20;
	[sflag:s9] =	ssyncadd.s32 $0xFFFFC000  }
.Ltmp2:
0xcc: {  	s11 =	sor.u32 $0x1C06, s11;
	[bflag:$0x0] =	sbarrier.arrive $0xFFFF;
	(pc) =	sbr.rel @p0 .LBB2_1-.Ltmp2, $4  }
0xcd: {  	[hbm:s19], [sflag:s11] =	dma.local [spmem:s12], $0x1400  }
0xce: {  	_ =	swait.ge [sflag:s26], $0x1400  }
0xcf: {  	[sflag:s26] =	ssyncset.done $0x0  }
0xd0: {  	[sflag:s26] =	ssyncadd.s32 $0xFFFFEC00  }
0xd1: {  	_ =	sfence.sel $0x180000  }
0xd2: {  	[bflag:$0x0] =	sbarrier.arrive $0xFFFF  }
0xd3: {  	_ =	strace $0x90000053  }
0xd4: {  	s0 =	stileid.u32;
	[bflag:$0x2] =	sbarrier.arrive $0xFFFF  }
0xd5: {  	p0 =	sne.s32 s0, $0x0;
	s0 =	rddreg [dreg:$0x4]  }
0xd6: {  	s0 =	sadd.s32 @!p0 $0x100000, s0  }
0xd7: {  	[sflag:s0] =	ssyncadd.tile.s32 @!p0 $0x1;
	_ =	shalt  }
.Lfunc_end2:
_tile_overlayer_lowered:
.L_overlay_start_2:
0xd8: {  	(tag) =	ssettag $0x2  }
0xd9: {  	s0 =	rddreg [dreg:$0x0];
	s2 =	stileid.u32  }
0xda: {  	s1 =	rddreg [dreg:$0x1];
	p0 =	sne.s32 s2, $0x0  }
0xdb: {  	s3 =	rddreg [dreg:$0x2];
	[bflag:$0x3] =	sbarrier.arrive $0xFFFF;
	s2 =	simm.s32 @!p0 $0x1C06  }
0xdc: {  	[timem:s3], [sflag:s2] =	dma.local @!p0 [hbm:s0], s1  }
0xdd: {  	s0 =	simm.s32 @!p0 $0x6  }
0xde: {  	_ =	swait.ge @!p0 [sflag:s0], s1  }
0xdf: {  	s1 =	ssub.s32 @!p0 $0x0, s1;
	[sflag:s0] =	ssyncset.done @!p0 $0x0  }
0xe0: {  	[sflag:s0] =	ssyncadd.s32 @!p0 s1  }
0xe1: {  	[bflag:$0x3] =	sbarrier.arrive $0xFFFF  }
0xe2: {  	_ =	shalt  }

// kernel: kernel.36.cloned.1.call-start
scs
__scs_entry_jumppad:
0x0: {  	(pc) =	sbr.rel $0x88, $3  }
0x1: {  	(tag) =	ssettag $0x0;
	lr =	simm.s32 $0x1  }
0x2: {  	[smem:$0x3F8A] =	sst lr;
	_ =	strace $0xD0000000  }
0x3: {  	_ = 	snop  }
0x4: {  	_ = 	snop  }
0x5: {  	_ = 	snop  }
0x6: {  	_ = 	snop  }
0x7: {  	_ = 	snop  }
__scs_overlays_trampoline_lowered:
0x8: {  	[smem:$0x3F99] =	sst s0  }
0x9: {  	[smem:$0x3F9A] =	sst s1  }
0xa: {  	[smem:$0x3F9B] =	sst s2  }
0xb: {  	[smem:$0x3F9C] =	sst s3  }
0xc: {  	[smem:$0x3F9D] =	sst s4  }
0xd: {  	[smem:$0x3F9E] =	sst s5  }
0xe: {  	[smem:$0x3F9F] =	sst s6  }
0xf: {  	[smem:$0x3FA0] =	sst s7  }
0x10: {  	[smem:$0x3FA1] =	sst s8  }
0x11: {  	[smem:$0x3FA2] =	sst s9;
	s0 =	simm.s32 @!p0 $0x0  }
0x12: {  	s1 =	sld [smem:$0x3F88];
	s0 =	simm.s32 @p0 $0x1  }
0x13: {  	[smem:$0x3FA3] =	sst s0;
	s0 =	simm.s32 @!p1 $0x0  }
0x14: {  	s2 =	sld [smem:$0x3F87];
	s0 =	simm.s32 @p1 $0x1  }
0x15: {  	[smem:$0x3FA4] =	sst s0;
	s0 =	simm.s32 @!p2 $0x0  }
0x16: {  	s3 =	sld [smem:$0x3FDB];
	s0 =	simm.s32 @p2 $0x1  }
0x17: {  	s4 =	simm.s32 $0x1BF5;
	[smem:$0x3FA6] =	sst s0  }
0x18: {  	s0 =	sld [smem:$0x3F89];
	_ =	swait.ge [sflag:s4], $0x0  }
0x19: {  	s7 =	sld [smem:$0x3F8A]  }
0x1a: {  	s8 =	sadd.s32 $0xFFFFE003, lr  }
0x1b: {  	s9 =	sadd.s32 $0xFFFFFEF7, lr;
	s5 =	simm.s32 $0xFFFFFFFF;
	p2 =	slt.u32 s8, $0xFFFFF086  }
0x1c: {  	p1 =	slt.u32 s9, $0xF7A;
	s5 =	simm.s32 @!p2 $0x0  }
0x1d: {  	s5 =	simm.s32 @p1 $0x1;
	p0 =	seq.s32 s7, s2  }
0x1e: {  	s7 =	smul.u32 @!p0 $0xF7A, s2;
	p2 =	seq.s32 @!p0 s5, $0x0  }
0x1f: {  	s9 =	smul.u32 $0xF7A, s1;
	s8 =	simm.s32 @!p0 $0x1BF5;
	p2 =	por !p2, p0  }
0x20: {  	[sflag:s8] =	ssyncset.s32 @!p0 $0xFFFFF086;
	s6 =	sadd.s32 @!p0 s3, s7;
	s7 =	simm.s32 @!p0 $0x108  }
0x21: {  	s3 =	sadd.s32 s3, s9;
	s6 =	sadd.s32 @!p0 $0x88, s6;
	s7 =	simm.s32 @p2 $0x1082  }
0x22: {  	[simem:s7], [sflag:s8] =	dma.local @!p0 [hbm:s6], $0xF7A  }
0x23: {  	s9 =	sor.u32 $0xD0000000, s2;
	s6 =	simm.s32 $0x108;
	_ =	swait.ge @!p0 [sflag:s8], $0x0  }
0x24: {  	s3 =	sadd.s32 $0x88, s3;
	s6 =	simm.s32 @!p1 $0x1082;
	[sflag:s4] =	ssyncset.s32 $0xFFFFF086  }
0x25: {  	[simem:s6], [sflag:s4] =	dma.local [hbm:s3], $0xF7A  }
0x26: {  	[smem:$0x3F8A] =	sst s1;
	(tag) =	ssettag s2;
	_ =	strace s9  }
0x27: {  	s1 =	sld [smem:$0x3F9A]  }
0x28: {  	s2 =	sld [smem:$0x3F9B]  }
0x29: {  	s4 =	sld [smem:$0x3F9D]  }
0x2a: {  	p0 =	seq.s32 s5, $0x0;
	s5 =	sld [smem:$0x3F9E]  }
0x2b: {  	s6 =	sld [smem:$0x3F9F]  }
0x2c: {  	s7 =	sld [smem:$0x3FA0]  }
0x2d: {  	s3 =	simm.s32 $0x108;
	s8 =	sld [smem:$0x3FA1]  }
0x2e: {  	s3 =	simm.s32 @!p0 $0x1082;
	s9 =	sld [smem:$0x3FA2]  }
0x2f: {  	lr =	sadd.s32 s0, s3;
	s0 =	sld [smem:$0x3F99]  }
0x30: {  	s3 =	sld [smem:$0x3F9C]  }
0x31: {  	[smem:$0x3FA5] =	sst s10  }
0x32: {  	s10 =	sld [smem:$0x3FA3];
	_ =	sdelay $0x3  }
0x33: {  	p0 =	seq.s32 s10, $0x1;
	s10 =	sld [smem:$0x3FA5];
	_ =	sdelay $0x3  }
0x34: {  	[smem:$0x3FA5] =	sst s10  }
0x35: {  	s10 =	sld [smem:$0x3FA4];
	_ =	sdelay $0x3  }
0x36: {  	p1 =	seq.s32 s10, $0x1;
	s10 =	sld [smem:$0x3FA5];
	_ =	sdelay $0x3  }
0x37: {  	[smem:$0x3FA5] =	sst s10  }
0x38: {  	s10 =	sld [smem:$0x3FA6]  }
0x39: {  	_ = 	snop;
	(pc) =	sbr.ind lr, $3  }
0x3a: {  	_ = 	snop  }
0x3b: {  	_ = 	snop  }
0x3c: {  	p2 =	seq.s32 s10, $0x1;
	s10 =	sld [smem:$0x3FA5]  }
0x3d: {  	_ =	shalt  }
0x3e: {  	_ =	shalt  }
0x3f: {  	_ =	shalt  }
0x40: {  	_ =	shalt  }
0x41: {  	_ =	shalt  }
0x42: {  	_ =	shalt  }
0x43: {  	_ =	shalt  }
0x44: {  	_ =	shalt  }
0x45: {  	_ =	shalt  }
0x46: {  	_ =	shalt  }
0x47: {  	_ =	shalt  }
0x48: {  	_ =	shalt  }
0x49: {  	_ =	shalt  }
0x4a: {  	_ =	shalt  }
0x4b: {  	_ =	shalt  }
0x4c: {  	_ =	shalt  }
0x4d: {  	_ =	shalt  }
0x4e: {  	_ =	shalt  }
0x4f: {  	_ =	shalt  }
0x50: {  	_ =	shalt  }
0x51: {  	_ =	shalt  }
0x52: {  	_ =	shalt  }
0x53: {  	_ =	shalt  }
0x54: {  	_ =	shalt  }
0x55: {  	_ =	shalt  }
0x56: {  	_ =	shalt  }
0x57: {  	_ =	shalt  }
0x58: {  	_ =	shalt  }
0x59: {  	_ =	shalt  }
0x5a: {  	_ =	shalt  }
0x5b: {  	_ =	shalt  }
0x5c: {  	_ =	shalt  }
0x5d: {  	_ =	shalt  }
0x5e: {  	_ =	shalt  }
0x5f: {  	_ =	shalt  }
0x60: {  	_ =	shalt  }
0x61: {  	_ =	shalt  }
0x62: {  	_ =	shalt  }
0x63: {  	_ =	shalt  }
0x64: {  	_ =	shalt  }
0x65: {  	_ =	shalt  }
0x66: {  	_ =	shalt  }
0x67: {  	_ =	shalt  }
0x68: {  	_ =	shalt  }
0x69: {  	_ =	shalt  }
0x6a: {  	_ =	shalt  }
0x6b: {  	_ =	shalt  }
0x6c: {  	_ =	shalt  }
0x6d: {  	_ =	shalt  }
0x6e: {  	_ =	shalt  }
0x6f: {  	_ =	shalt  }
0x70: {  	_ =	shalt  }
0x71: {  	_ =	shalt  }
0x72: {  	_ =	shalt  }
0x73: {  	_ =	shalt  }
0x74: {  	_ =	shalt  }
0x75: {  	_ =	shalt  }
0x76: {  	_ =	shalt  }
0x77: {  	_ =	shalt  }
0x78: {  	_ =	shalt  }
0x79: {  	_ =	shalt  }
0x7a: {  	_ =	shalt  }
0x7b: {  	_ =	shalt  }
0x7c: {  	_ =	shalt  }
0x7d: {  	_ =	shalt  }
0x7e: {  	_ =	shalt  }
0x7f: {  	_ =	shalt  }
0x80: {  	_ =	shalt  }
0x81: {  	_ =	shalt  }
0x82: {  	_ =	shalt  }
0x83: {  	_ =	shalt  }
0x84: {  	_ =	shalt  }
0x85: {  	_ =	shalt  }
0x86: {  	_ =	shalt  }
0x87: {  	_ =	shalt  }
.Lfunc_end0:
.L_simem_size_0:
called_computation.6_lowered:
.L_overlay_start_0:
0x88: {  	s2 =	sld [smem:$0x3FD9]  }
0x89: {  	s3 =	sld [smem:$0x3FFE];
	_ =	sdelay $0x1  }
0x8a: {  	s1 =	srdreg.scid  }
0x8b: {  	s0 =	sand.u32 $0x1, s1  }
0x8c: {  	s14 =	sshll.u32 s0, $0xA;
	s2 =	sadd.s32 s3, s2  }
0x8d: {  	s2 =	sadd.s32 s2, s14  }
0x8e: {  	[smem:$0x3FB1] =	sst s2  }
0x8f: {  	_ = 	snop  }
0x90: {  	s2 =	sld [smem:$0x3FD0];
	_ =	sdelay $0x2  }
0x91: {  	s15 =	simm.s32 $0xC;
	s4 =	simm.s32 $0x10  }
0x92: {  	[smem:s4], [sflag:s15] =	dma.local [hbm:s2], $0x1  }
0x93: {  	_ =	swait.eq [sflag:s15], $0x1  }
0x94: {  	s16 =	sld [smem:$0x11];
	[sflag:s15] =	ssyncset.done $0x0  }
0x95: {  	s17 =	sld [smem:$0x12];
	[sflag:s15] =	ssyncadd.s32 $0xFFFFFFFF  }
0x96: {  	s18 =	sld [smem:$0x16];
	(tm) =	ssettm $0x1  }
0x97: {  	s5 =	sld [smem:$0x3FFB];
	_ =	sdelay $0x3  }
0x98: {  	_ =	strace s5  }
0x99: {  	s5 =	sld [smem:$0x3FFC];
	_ =	sdelay $0x3  }
0x9a: {  	_ =	strace s5  }
0x9b: {  	s5 =	sld [smem:$0x3FFD];
	_ =	sdelay $0x3  }
0x9c: {  	_ =	strace s5  }
0x9d: {  	_ =	strace $0x8FFFFFFF  }
0x9e: {  	s19 =	sld [smem:$0x3FDB];
	_ =	sdelay $0x1  }
0x9f: {  	s6 =	simm.s32 $_scs_section_size  }
0xa0: {  	s7 =	simm.s32 $_size__tile_overlayer_lowered;
	s8 =	simm.s32 $_tile_overlayer_lowered  }
0xa1: {  	s22 =	simm.s32 $0x1BFF;
	s21 =	sshll.u32 s8, $0x1;
	s5 =	sadd.s32 s6, s19  }
0xa2: {  	s9 =	simm.s32 $0x0;
	s20 =	sshll.u32 s7, $0x1;
	s7 =	sadd.s32 s21, s5  }
0xa3: {  	[timem:s9], [sflag:s22] =	dma.local [hbm:s7], s20  }
0xa4: {  	_ =	swait.ge [sflag:s22], s20  }
0xa5: {  	s6 =	ssub.s32 $0x0, s20;
	[sflag:s22] =	ssyncset.done $0x0  }
0xa6: {  	[sflag:s22] =	ssyncadd.s32 s6;
	_ =	sdelay $0x1  }
0xa7: {  	s23 =	simm.s32 $0x1B8B  }
0xa8: {  	_ =	swait.ge [sflag:s23], $0x1  }
0xa9: {  	[sflag:s23] =	ssyncset.done $0x0  }
0xaa: {  	s25 =	simm.s32 $0x1B8E;
	s24 =	sld [smem:$0x3FFE];
	[sflag:s23] =	ssyncadd.s32 $0xFFFFFFFF  }
0xab: {  	s26 =	simm.s32 $execute0_lowered;
	[smem:$0x3FD2] =	sst s25  }
0xac: {  	s7 =	sshll.u32 s26, $0x1;
	_ =	strace $0x80000055;
	[dreg:$0x1] =	wrdreg $0xFFFFFFFF  }
0xad: {  	s28 =	simm.s32 $_size_execute0_lowered;
	s5 =	sadd.s32 s5, s7;
	[dreg:$0x0] =	wrdreg $0x0  }
0xae: {  	s7 =	sshll.u32 s28, $0x1;
	[dreg:$0x2] =	wrdreg s5  }
0xaf: {  	[dreg:$0x3] =	wrdreg s7  }
0xb0: {  	[dreg:$0x4] =	wrdreg $0xC0  }
0xb1: {  	_ =	task [dreg:s9], $0x5FFFF  }
0xb2: {  	[dreg:$0x1] =	wrdreg $0xFFFFFFFF  }
0xb3: {  	[dreg:$0x0] =	wrdreg $0x60  }
0xb4: {  	[dreg:$0x2] =	wrdreg s18  }
0xb5: {  	[dreg:$0x3] =	wrdreg s16  }
0xb6: {  	[dreg:$0x4] =	wrdreg s17  }
0xb7: {  	[dreg:$0x5] =	wrdreg s24  }
0xb8: {  	[dreg:$0x6] =	wrdreg $0x96000  }
0xb9: {  	[dreg:$0x7] =	wrdreg $0xA  }
0xba: {  	_ =	task.clear_ibuf [dreg:s9], $0x8FFFF;
	_ =	strace $0x90000055  }
0xbb: {  	s29 =	simm.s32 $0xA;
	_ =	strace $0x80000057  }
0xbc: {  	_ =	swait.ge [sflag:s29], $0x1  }
0xbd: {  	[sflag:s29] =	ssyncadd.s32 $0xFFFFFFFF  }
0xbe: {  	_ =	strace $0x90000057  }
0xbf: {  	_ =	sfence  }
0xc0: {  	s30 =	sld [smem:$0x0];
	_ =	sdelay $0x2  }
0xc1: {  	s31 =	sshll.u32 s1, $0xD;
	s1 =	sshrl.u32 s1, $0x2  }
0xc2: {  	s3 =	sand.u32 $0x4000, s31;
	s1 =	sadd.s32 s1, s30  }
0xc3: {  	s0 =	sor.u32 s3, s0;
	s1 =	sshll.u32 s1, $0x11  }
0xc4: {  	s0 =	sor.u32 s1, s0  }
0xc5: {  	s0 =	sadd.s32 $0x8F2B, s0  }
0xc6: {  	[sflag:s0] =	ssyncadd.remote.s32 $0x1  }
0xc7: {  	_ =	sfence.sel $0xFFFF  }
0xc8: {  	[dreg:$0x0] =	wrdreg $0xFFFFFFFF;
	(pc) =	sbr.abs _section_cstart, $3  }
0xc9: {  	[dreg:$0x1] =	wrdreg $0xFFFFFFFF  }
0xca: {  	_ =	task.clear_ibuf [dreg:s9], $0x2FFFF;
	_ =	strace $0x9FFFFFFF  }
0xcb: {  	(tm) =	ssettm $0x7FFFFFFF  }
tec
execute0_lowered:
.L_overlay_start_1:
0x0: {  	(tag) =	ssettag $0x1  }
0x1: {  	s0 =	rddreg [dreg:$0x0]  }
0x2: {  	s1 =	rddreg [dreg:$0x1];
	s2 =	srdreg.scid  }
0x3: {  	s6 =	rddreg [dreg:$0x2];
	s11 =	stileid.u32  }
0x4: {  	s7 =	rddreg [dreg:$0x3];
	s8 =	smul.u32 $0x14000, s11  }
0x5: {  	s3 =	rddreg [dreg:$0x4];
	s4 =	simm.s32 $0x0;
	s23 =	smul.u32 $0x50000, s11  }
0x6: {  	s2 =	sand.u32 $0x1, s2;
	[smem:$0x7FF] =	sst s4;
	s16 =	smul.u32 $0x4F00, s11  }
0x7: {  	s10 =	sshll.u32 s11, $0x1;
	s5 =	smul.u32 $0x140000, s2;
	_ =	strace $0x80000056  }
0x8: {  	s24 =	ssub.s32 $0x2, s2;
	s10 =	sor.u32 s2, s10;
	s2 =	smul.u32 $0x2780, s2  }
0x9: {  	s9 =	sshrl.u32 s24, $0x1;
	s26 =	smul.u32 $0x2780, s10;
	s10 =	simm.s32 $0x80  }
0xa: {  	s5 =	sadd.s32 s8, s5;
	s8 =	sshrl.u32 s23, $0x2;
	s9 =	ssub.s32 s24, s9  }
0xb: {  	s2 =	sadd.s32 s2, s16;
	s16 =	simm.s32 $0x2;
	s5 =	sshrl.u32 s5, $0x3  }
0xc: {  	s22 =	sadd.s32 $0x200, s2;
	s7 =	sadd.s32 s5, s7;
	s5 =	sadd.s32 s8, s3  }
0xd: {  	s2 =	sadd.s32 $0x180, s2;
	s23 =	sshrl.u32 s22, $0x3;
	s8 =	sadd.s32 $0x1400, s5  }
0xe: {  	s2 =	sshrl.u32 s2, $0x3;
	s25 =	sadd.s32 $0x2800, s5;
	[dreg:$0x6] =	wrdreg s8  }
0xf: {  	s12 =	sadd.s32 $0x3C00, s5;
	s13 =	sadd.s32 $0x5000, s5;
	[dreg:$0x7] =	wrdreg s25  }
0x10: {  	s14 =	sadd.s32 $0x6400, s5;
	s15 =	sadd.s32 $0x7800, s5;
	[dreg:$0x8] =	wrdreg s12  }
0x11: {  	s17 =	sadd.s32 $0x8C00, s5;
	s22 =	sadd.s32 s2, s1;
	[dreg:$0x9] =	wrdreg s13  }
0x12: {  	s24 =	sadd.s32 $0xA000, s5;
	s28 =	sadd.s32 $0xC800, s5;
	[dreg:$0xa] =	wrdreg s14  }
0x13: {  	s29 =	sadd.s32 $0xDC00, s5;
	s30 =	sadd.s32 $0xF000, s5;
	[dreg:$0xb] =	wrdreg s15  }
0x14: {  	s31 =	sadd.s32 $0x10400, s5;
	s8 =	sshrl.u32 s26, $0x3;
	[dreg:$0xc] =	wrdreg s17  }
0x15: {  	[dreg:$0x13] =	wrdreg s24;
	s25 =	sadd.s32 $0x7000, s7;
	s26 =	smax.u32 s9, $0x1  }
0x16: {  	s7 =	simm.s32 $0x6;
	s9 =	simm.s32 $0x3;
	s13 =	simm.s32 $0x1  }
0x17: {  	s14 =	simm.s32 $0x4;
	s15 =	simm.s32 $0x4200;
	[dreg:$0x14] =	wrdreg s25  }
0x18: {  	s17 =	simm.s32 $0x5;
	s12 =	sadd.s32 s1, s8;
	[dreg:$0x15] =	wrdreg s26  }
0x19: {  	s18 =	sadd.s32 $0x10, s8;
	s19 =	sadd.s32 s6, s8;
	[dreg:$0xd] =	wrdreg s12  }
0x1a: {  	s8 =	sadd.s32 $0x20, s8;
	[dreg:$0xe] =	wrdreg s19;
	s20 =	sadd.s32 s1, s18  }
0x1b: {  	s26 =	sadd.s32 $0xB400, s5;
	s11 =	sadd.s32 s6, s18;
	[dreg:$0xf] =	wrdreg s20  }
0x1c: {  	s21 =	sadd.s32 s1, s8;
	s8 =	sadd.s32 s6, s8;
	[dreg:$0x10] =	wrdreg s11  }
0x1d: {  	s19 =	sadd.s32 s23, s6;
	s12 =	simm.s32 $0x180;
	[dreg:$0x11] =	wrdreg s21  }
0x1e: {  	s18 =	simm.s32 $0x0;
	[dreg:$0x12] =	wrdreg s8;
	s20 =	sadd.s32 s23, s1  }
0x1f: {  	s21 =	sadd.s32 s2, s6;
	s2 =	sadd.s32 $0x11800, s5;
	s1 =	sadd.s32 $0x12C00, s5  }
0x20: {  	v0 =	vimm.f32 $0.0e+00;
	s6 =	simm.s32 $0x8200;
	s8 =	simm.s32 $0x100;
	s11 =	simm.s32 $0x200  }
.LBB2_1:
0x21: {  	s23 =	simm.s32 $0x0;
	s24 =	simm.s32 $0x200  }
.LBB2_2:
0x22: {  	p0 =	sne.s32 s24, $0x4E00;
	[tilespmem:s23+$0x8270] =	vst v0  }
0x23: {  	[tilespmem:s23+$0x8200] =	vst v0  }
0x24: {  	[tilespmem:s23+$0x8210] =	vst v0  }
.Ltmp0:
0x25: {  	[tilespmem:s23+$0x8220] =	vst v0;
	(pc) =	sbr.rel @p0 .LBB2_2-.Ltmp0, $4  }
0x26: {  	[tilespmem:s23+$0x8230] =	vst v0  }
0x27: {  	[tilespmem:s23+$0x8240] =	vst v0  }
0x28: {  	[tilespmem:s23+$0x8250] =	vst v0  }
0x29: {  	[tilespmem:s23+$0x8260] =	vst v0;
	s23 =	sshra.s32 s24, $0x2;
	s24 =	sadd.s32 $0x200, s24  }
0x2a: {  	[tilespmem:s23+$0x8270] =	vst v0  }
0x2b: {  	[tilespmem:s23+$0x8200] =	vst v0  }
0x2c: {  	[tilespmem:s23+$0x8210] =	vst v0  }
0x2d: {  	[tilespmem:s23+$0x8220] =	vst v0  }
0x2e: {  	[tilespmem:s23+$0x8230] =	vst v0  }
0x2f: {  	[tilespmem:s23+$0x8240] =	vst v0  }
0x30: {  	[tilespmem:s23+$0x8250] =	vst v0  }
0x31: {  	[tilespmem:s23+$0x8260] =	vst v0  }
0x32: {  	[spmem:s5] =	stream.linear.scatter [tilespmem:s6], [sflag:$0x6], $0x1400, $0x38;
	[tilespmem:$0x1D600] =	vst v63  }
0x33: {  	_ =	swait.ge [sflag:s7], $0x1400  }
0x34: {  	[sflag:s7] =	ssyncset.done $0x0  }
0x35: {  	s25 =	rddreg [dreg:$0x6];
	[sflag:s7] =	ssyncadd.s32 $0xFFFFEC00  }
0x36: {  	[spmem:s25] =	stream.linear.scatter [tilespmem:s6], [sflag:$0x6], $0x1400, $0x38;
	[tilespmem:$0x1D600] =	vst v63  }
0x37: {  	_ =	swait.ge [sflag:s7], $0x1400  }
0x38: {  	[sflag:s7] =	ssyncset.done $0x0  }
0x39: {  	s24 =	rddreg [dreg:$0x7];
	[sflag:s7] =	ssyncadd.s32 $0xFFFFEC00  }
0x3a: {  	[spmem:s24] =	stream.linear.scatter [tilespmem:s6], [sflag:$0x6], $0x1400, $0x38;
	[tilespmem:$0x1D600] =	vst v63  }
0x3b: {  	_ =	swait.ge [sflag:s7], $0x1400  }
0x3c: {  	[sflag:s7] =	ssyncset.done $0x0  }
0x3d: {  	s25 =	rddreg [dreg:$0x8];
	[sflag:s7] =	ssyncadd.s32 $0xFFFFEC00  }
0x3e: {  	[spmem:s25] =	stream.linear.scatter [tilespmem:s6], [sflag:$0x6], $0x1400, $0x38;
	[tilespmem:$0x1D600] =	vst v63  }
0x3f: {  	_ =	swait.ge [sflag:s7], $0x1400  }
0x40: {  	[sflag:s7] =	ssyncset.done $0x0  }
0x41: {  	s24 =	rddreg [dreg:$0x9];
	[sflag:s7] =	ssyncadd.s32 $0xFFFFEC00  }
0x42: {  	[spmem:s24] =	stream.linear.scatter [tilespmem:s6], [sflag:$0x6], $0x1400, $0x38;
	[tilespmem:$0x1D600] =	vst v63  }
0x43: {  	_ =	swait.ge [sflag:s7], $0x1400  }
0x44: {  	[sflag:s7] =	ssyncset.done $0x0  }
0x45: {  	s25 =	rddreg [dreg:$0xa];
	[sflag:s7] =	ssyncadd.s32 $0xFFFFEC00  }
0x46: {  	[spmem:s25] =	stream.linear.scatter [tilespmem:s6], [sflag:$0x6], $0x1400, $0x38;
	[tilespmem:$0x1D600] =	vst v63  }
0x47: {  	_ =	swait.ge [sflag:s7], $0x1400  }
0x48: {  	[sflag:s7] =	ssyncset.done $0x0  }
0x49: {  	s24 =	rddreg [dreg:$0xb];
	[sflag:s7] =	ssyncadd.s32 $0xFFFFEC00  }
0x4a: {  	[spmem:s24] =	stream.linear.scatter [tilespmem:s6], [sflag:$0x6], $0x1400, $0x38;
	[tilespmem:$0x1D600] =	vst v63  }
0x4b: {  	_ =	swait.ge [sflag:s7], $0x1400  }
0x4c: {  	[sflag:s7] =	ssyncset.done $0x0  }
0x4d: {  	s25 =	rddreg [dreg:$0xc];
	[sflag:s7] =	ssyncadd.s32 $0xFFFFEC00  }
0x4e: {  	[spmem:s25] =	stream.linear.scatter [tilespmem:s6], [sflag:$0x6], $0x1400, $0x38;
	[tilespmem:$0x1D600] =	vst v63  }
0x4f: {  	_ =	swait.ge [sflag:s7], $0x1400  }
0x50: {  	[sflag:s7] =	ssyncset.done $0x0  }
0x51: {  	s24 =	rddreg [dreg:$0x13];
	[sflag:s7] =	ssyncadd.s32 $0xFFFFEC00  }
0x52: {  	[spmem:s24] =	stream.linear.scatter [tilespmem:s6], [sflag:$0x6], $0x1400, $0x38;
	[tilespmem:$0x1D600] =	vst v63  }
0x53: {  	_ =	swait.ge [sflag:s7], $0x1400  }
0x54: {  	[sflag:s7] =	ssyncset.done $0x0  }
0x55: {  	[sflag:s7] =	ssyncadd.s32 $0xFFFFEC00  }
0x56: {  	[spmem:s26] =	stream.linear.scatter [tilespmem:s6], [sflag:$0x6], $0x1400, $0x38;
	[tilespmem:$0x1D600] =	vst v63  }
0x57: {  	_ =	swait.ge [sflag:s7], $0x1400  }
0x58: {  	[sflag:s7] =	ssyncset.done $0x0  }
0x59: {  	[sflag:s7] =	ssyncadd.s32 $0xFFFFEC00  }
0x5a: {  	[spmem:s28] =	stream.linear.scatter [tilespmem:s6], [sflag:$0x6], $0x1400, $0x38;
	[tilespmem:$0x1D600] =	vst v63  }
0x5b: {  	_ =	swait.ge [sflag:s7], $0x1400  }
0x5c: {  	[sflag:s7] =	ssyncset.done $0x0  }
0x5d: {  	[sflag:s7] =	ssyncadd.s32 $0xFFFFEC00  }
0x5e: {  	[spmem:s29] =	stream.linear.scatter [tilespmem:s6], [sflag:$0x6], $0x1400, $0x38;
	[tilespmem:$0x1D600] =	vst v63  }
0x5f: {  	_ =	swait.ge [sflag:s7], $0x1400  }
0x60: {  	[sflag:s7] =	ssyncset.done $0x0  }
0x61: {  	[sflag:s7] =	ssyncadd.s32 $0xFFFFEC00  }
0x62: {  	[spmem:s30] =	stream.linear.scatter [tilespmem:s6], [sflag:$0x6], $0x1400, $0x38;
	[tilespmem:$0x1D600] =	vst v63  }
0x63: {  	_ =	swait.ge [sflag:s7], $0x1400  }
0x64: {  	[sflag:s7] =	ssyncset.done $0x0  }
0x65: {  	[sflag:s7] =	ssyncadd.s32 $0xFFFFEC00  }
0x66: {  	[spmem:s31] =	stream.linear.scatter [tilespmem:s6], [sflag:$0x6], $0x1400, $0x38;
	[tilespmem:$0x1D600] =	vst v63  }
0x67: {  	_ =	swait.ge [sflag:s7], $0x1400  }
0x68: {  	[sflag:s7] =	ssyncset.done $0x0  }
0x69: {  	[sflag:s7] =	ssyncadd.s32 $0xFFFFEC00  }
0x6a: {  	[spmem:s2] =	stream.linear.scatter [tilespmem:s6], [sflag:$0x6], $0x1400, $0x38;
	[tilespmem:$0x1D600] =	vst v63  }
0x6b: {  	_ =	swait.ge [sflag:s7], $0x1400  }
0x6c: {  	[sflag:s7] =	ssyncset.done $0x0  }
0x6d: {  	[sflag:s7] =	ssyncadd.s32 $0xFFFFEC00  }
0x6e: {  	[spmem:s1] =	stream.linear.scatter [tilespmem:s6], [sflag:$0x6], $0x1400, $0x38;
	[tilespmem:$0x1D600] =	vst v63  }
0x6f: {  	_ =	swait.ge [sflag:s7], $0x1400  }
0x70: {  	[sflag:s7] =	ssyncset.done $0x0  }
0x71: {  	[sflag:s7] =	ssyncadd.s32 $0xFFFFEC00  }
0x72: {  	[bflag:$0x0] =	sbarrier.arrive $0xFFFF  }
0x73: {  	s23 =	simm.s32 $0x0;
	s24 =	rddreg [dreg:$0xd]  }
0x74: {  	[tilespmem:s23], [sflag:$0x3] =	stream.linear.gather [hbm4b:s24+s23], $0x80, $0x38;
	[tilespmem:$0x1D600] =	vst v63  }
0x75: {  	s25 =	rddreg [dreg:$0xe]  }
0x76: {  	[tilespmem:s8], [sflag:$0x3] =	stream.linear.gather [hbm4b:s25+s23], $0x80, $0x38;
	[tilespmem:$0x1D600] =	vst v63  }
0x77: {  	_ =	swait.ge [sflag:s9], $0x80  }
0x78: {  	[sflag:s9] =	ssyncset.done $0x0  }
0x79: {  	[sflag:s9] =	ssyncadd.s32 $0xFFFFFF80  }
0x7a: {  	_ =	swait.ge [sflag:s9], $0x80  }
0x7b: {  	[sflag:s9] =	ssyncset.done $0x0  }
0x7c: {  	[sflag:s9] =	ssyncadd.s32 $0xFFFFFF80  }
0x7d: {  	[tilespmem:s11], [sflag:$0x1] =	stream.indirect.gather [hbm4b:s0+s10], $0x80, s23, s10, $0xb8;
	[tilespmem:$0x1D600] =	vst v63  }
0x7e: {  	s25 =	rddreg [dreg:$0xf]  }
0x7f: {  	[tilespmem:s10], [sflag:$0x4] =	stream.linear.gather [hbm4b:s25+s23], $0x80, $0x38;
	[tilespmem:$0x1D600] =	vst v63  }
0x80: {  	s25 =	rddreg [dreg:$0x10]  }
0x81: {  	[tilespmem:s12], [sflag:$0x4] =	stream.linear.gather [hbm4b:s25+s23], $0x80, $0x38;
	[tilespmem:$0x1D600] =	vst v63  }
0x82: {  	_ =	swait.ge [sflag:s13], $0x4000  }
0x83: {  	[sflag:s13] =	ssyncset.done $0x0  }
0x84: {  	[sflag:s13] =	ssyncadd.s32 $0xFFFFC000  }
0x85: {  	[spmem:s3] =	stream.indirect.scatter.add.f32 [tilespmem:s11], [sflag:$0x5], $0x80, s8, s10, $0xb8;
	[tilespmem:$0x1D600] =	vst v63  }
0x86: {  	_ =	swait.ge [sflag:s14], $0x80  }
0x87: {  	[sflag:s14] =	ssyncset.done $0x0  }
0x88: {  	[sflag:s14] =	ssyncadd.s32 $0xFFFFFF80  }
0x89: {  	_ =	swait.ge [sflag:s14], $0x80  }
0x8a: {  	[sflag:s14] =	ssyncset.done $0x0  }
0x8b: {  	[sflag:s14] =	ssyncadd.s32 $0xFFFFFF80  }
0x8c: {  	[tilespmem:s15], [sflag:$0x2] =	stream.indirect.gather [hbm4b:s0+s10], $0x80, s10, s10, $0xb8;
	[tilespmem:$0x1D600] =	vst v63  }
0x8d: {  	s25 =	rddreg [dreg:$0x11]  }
0x8e: {  	[tilespmem:s23], [sflag:$0x3] =	stream.linear.gather [hbm4b:s25+s23], $0x80, $0x38;
	[tilespmem:$0x1D600] =	vst v63  }
0x8f: {  	s25 =	rddreg [dreg:$0x12]  }
0x90: {  	[tilespmem:s8], [sflag:$0x3] =	stream.linear.gather [hbm4b:s25+s23], $0x80, $0x38;
	[tilespmem:$0x1D600] =	vst v63  }
0x91: {  	_ =	swait.ge [sflag:s16], $0x4000  }
0x92: {  	[sflag:s16] =	ssyncset.done $0x0  }
0x93: {  	[sflag:s16] =	ssyncadd.s32 $0xFFFFC000  }
0x94: {  	[spmem:s3] =	stream.indirect.scatter.add.f32 [tilespmem:s15], [sflag:$0x5], $0x80, s12, s10, $0xb8;
	[tilespmem:$0x1D600] =	vst v63  }
0x95: {  	_ =	swait.ge [sflag:s9], $0x80  }
0x96: {  	[sflag:s9] =	ssyncset.done $0x0  }
0x97: {  	[sflag:s9] =	ssyncadd.s32 $0xFFFFFF80  }
0x98: {  	_ =	swait.ge [sflag:s9], $0x80  }
0x99: {  	[sflag:s9] =	ssyncset.done $0x0  }
0x9a: {  	[sflag:s9] =	ssyncadd.s32 $0xFFFFFF80  }
0x9b: {  	_ =	swait.ge [sflag:s17], $0x4000  }
0x9c: {  	[sflag:s17] =	ssyncset.done $0x0  }
0x9d: {  	[sflag:s17] =	ssyncadd.s32 $0xFFFFC000  }
0x9e: {  	[tilespmem:s11], [sflag:$0x1] =	stream.indirect.gather [hbm4b:s0+s10], $0x80, s4, s10, $0xb8;
	[tilespmem:$0x1D600] =	vst v63  }
0x9f: {  	s24 =	sadd.s32 $0x0, s22  }
0xa0: {  	[tilespmem:s10], [sflag:$0x4] =	stream.linear.gather [hbm4b:s24+s4], $0x80, $0x38;
	[tilespmem:$0x1D600] =	vst v63  }
0xa1: {  	s25 =	sadd.s32 $0x0, s21  }
0xa2: {  	[tilespmem:s12], [sflag:$0x4] =	stream.linear.gather [hbm4b:s25+s4], $0x80, $0x38;
	[tilespmem:$0x1D600] =	vst v63  }
0xa3: {  	_ =	swait.ge [sflag:s13], $0x4000  }
0xa4: {  	[sflag:s13] =	ssyncset.done $0x0  }
0xa5: {  	[sflag:s13] =	ssyncadd.s32 $0xFFFFC000  }
0xa6: {  	[spmem:s3] =	stream.indirect.scatter.add.f32 [tilespmem:s11], [sflag:$0x5], $0x80, s8, s10, $0xb8;
	[tilespmem:$0x1D600] =	vst v63  }
0xa7: {  	_ =	swait.ge [sflag:s14], $0x80  }
0xa8: {  	[sflag:s14] =	ssyncset.done $0x0  }
0xa9: {  	[sflag:s14] =	ssyncadd.s32 $0xFFFFFF80  }
0xaa: {  	_ =	swait.ge [sflag:s14], $0x80  }
0xab: {  	[sflag:s14] =	ssyncset.done $0x0  }
0xac: {  	[sflag:s14] =	ssyncadd.s32 $0xFFFFFF80  }
0xad: {  	_ =	swait.ge [sflag:s17], $0x4000  }
0xae: {  	[sflag:s17] =	ssyncset.done $0x0  }
0xaf: {  	[sflag:s17] =	ssyncadd.s32 $0xFFFFC000  }
0xb0: {  	[tilespmem:s15], [sflag:$0x2] =	stream.indirect.gather [hbm4b:s0+s10], $0x80, s10, s10, $0xb8;
	[tilespmem:$0x1D600] =	vst v63  }
0xb1: {  	s24 =	sadd.s32 $0x0, s20  }
0xb2: {  	[tilespmem:s4], [sflag:$0x3] =	stream.linear.gather [hbm4b:s24+s4], $0x80, $0x38;
	[tilespmem:$0x1D600] =	vst v63  }
0xb3: {  	s25 =	sadd.s32 $0x0, s19  }
0xb4: {  	[tilespmem:s8], [sflag:$0x3] =	stream.linear.gather [hbm4b:s25+s4], $0x80, $0x38;
	[tilespmem:$0x1D600] =	vst v63  }
0xb5: {  	_ =	swait.ge [sflag:s16], $0x4000  }
0xb6: {  	[sflag:s16] =	ssyncset.done $0x0  }
0xb7: {  	s23 =	simm.s32 $0x20;
	[sflag:s16] =	ssyncadd.s32 $0xFFFFC000  }
.LBB2_4:
0xb8: {  	[spmem:s3] =	stream.indirect.scatter.add.f32 [tilespmem:s15], [sflag:$0x5], $0x80, s12, s10, $0xb8;
	[tilespmem:$0x1D600] =	vst v63  }
0xb9: {  	s24 =	smov.u32 s23  }
0xba: {  	p0 =	sne.s32 s23, $0x4A0;
	s23 =	sadd.s32 $0x20, s23;
	_ =	swait.ge [sflag:s9], $0x80  }
0xbb: {  	[sflag:s9] =	ssyncset.done $0x0  }
0xbc: {  	[sflag:s9] =	ssyncadd.s32 $0xFFFFFF80  }
0xbd: {  	_ =	swait.ge [sflag:s9], $0x80  }
0xbe: {  	[sflag:s9] =	ssyncset.done $0x0  }
0xbf: {  	[sflag:s9] =	ssyncadd.s32 $0xFFFFFF80  }
0xc0: {  	_ =	swait.ge [sflag:s17], $0x4000  }
0xc1: {  	[sflag:s17] =	ssyncset.done $0x0  }
0xc2: {  	[sflag:s17] =	ssyncadd.s32 $0xFFFFC000  }
0xc3: {  	[tilespmem:s11], [sflag:$0x1] =	stream.indirect.gather [hbm4b:s0+s10], $0x80, s4, s10, $0xb8;
	[tilespmem:$0x1D600] =	vst v63  }
0xc4: {  	s25 =	sadd.s32 s24, s22  }
0xc5: {  	[tilespmem:s10], [sflag:$0x4] =	stream.linear.gather [hbm4b:s25+s4], $0x80, $0x38;
	[tilespmem:$0x1D600] =	vst v63  }
0xc6: {  	s25 =	sadd.s32 s24, s21  }
0xc7: {  	[tilespmem:s12], [sflag:$0x4] =	stream.linear.gather [hbm4b:s25+s4], $0x80, $0x38;
	[tilespmem:$0x1D600] =	vst v63  }
0xc8: {  	_ =	swait.ge [sflag:s13], $0x4000  }
0xc9: {  	[sflag:s13] =	ssyncset.done $0x0  }
0xca: {  	[sflag:s13] =	ssyncadd.s32 $0xFFFFC000  }
0xcb: {  	[spmem:s3] =	stream.indirect.scatter.add.f32 [tilespmem:s11], [sflag:$0x5], $0x80, s8, s10, $0xb8;
	[tilespmem:$0x1D600] =	vst v63  }
0xcc: {  	_ =	swait.ge [sflag:s14], $0x80  }
0xcd: {  	[sflag:s14] =	ssyncset.done $0x0  }
0xce: {  	[sflag:s14] =	ssyncadd.s32 $0xFFFFFF80  }
0xcf: {  	_ =	swait.ge [sflag:s14], $0x80  }
0xd0: {  	[sflag:s14] =	ssyncset.done $0x0  }
0xd1: {  	[sflag:s14] =	ssyncadd.s32 $0xFFFFFF80  }
0xd2: {  	_ =	swait.ge [sflag:s17], $0x4000  }
0xd3: {  	[sflag:s17] =	ssyncset.done $0x0  }
0xd4: {  	[sflag:s17] =	ssyncadd.s32 $0xFFFFC000  }
0xd5: {  	[tilespmem:s15], [sflag:$0x2] =	stream.indirect.gather [hbm4b:s0+s10], $0x80, s10, s10, $0xb8;
	[tilespmem:$0x1D600] =	vst v63  }
0xd6: {  	s25 =	sadd.s32 s24, s20  }
0xd7: {  	[tilespmem:s4], [sflag:$0x3] =	stream.linear.gather [hbm4b:s25+s4], $0x80, $0x38;
	[tilespmem:$0x1D600] =	vst v63  }
.Ltmp1:
0xd8: {  	s24 =	sadd.s32 s24, s19;
	(pc) =	sbr.rel @p0 .LBB2_4-.Ltmp1, $4  }
0xd9: {  	[tilespmem:s8], [sflag:$0x3] =	stream.linear.gather [hbm4b:s24+s4], $0x80, $0x38;
	[tilespmem:$0x1D600] =	vst v63  }
0xda: {  	_ =	swait.ge [sflag:s16], $0x4000  }
0xdb: {  	[sflag:s16] =	ssyncset.done $0x0  }
0xdc: {  	[sflag:s16] =	ssyncadd.s32 $0xFFFFC000  }
0xdd: {  	[spmem:s3] =	stream.indirect.scatter.add.f32 [tilespmem:s15], [sflag:$0x5], $0x80, s12, s10, $0xb8;
	[tilespmem:$0x1D600] =	vst v63  }
0xde: {  	_ =	swait.ge [sflag:s9], $0x80  }
0xdf: {  	[sflag:s9] =	ssyncset.done $0x0  }
0xe0: {  	[sflag:s9] =	ssyncadd.s32 $0xFFFFFF80  }
0xe1: {  	_ =	swait.ge [sflag:s9], $0x80  }
0xe2: {  	[sflag:s9] =	ssyncset.done $0x0  }
0xe3: {  	[sflag:s9] =	ssyncadd.s32 $0xFFFFFF80  }
0xe4: {  	_ =	swait.ge [sflag:s17], $0x4000  }
0xe5: {  	[sflag:s17] =	ssyncset.done $0x0  }
0xe6: {  	[sflag:s17] =	ssyncadd.s32 $0xFFFFC000  }
0xe7: {  	[tilespmem:s11], [sflag:$0x1] =	stream.indirect.gather [hbm4b:s0+s10], $0x80, s4, s10, $0xb8;
	[tilespmem:$0x1D600] =	vst v63  }
0xe8: {  	_ =	swait.ge [sflag:s13], $0x4000  }
0xe9: {  	[sflag:s13] =	ssyncset.done $0x0  }
0xea: {  	[sflag:s13] =	ssyncadd.s32 $0xFFFFC000  }
0xeb: {  	[spmem:s3] =	stream.indirect.scatter.add.f32 [tilespmem:s11], [sflag:$0x5], $0x80, s8, s10, $0xb8;
	[tilespmem:$0x1D600] =	vst v63  }
0xec: {  	_ =	swait.ge [sflag:s17], $0x4000  }
0xed: {  	[sflag:s17] =	ssyncset.done $0x0  }
0xee: {  	[sflag:s17] =	ssyncadd.s32 $0xFFFFC000  }
0xef: {  	_ =	swait.ge [sflag:s17], $0x4000  }
0xf0: {  	[sflag:s17] =	ssyncset.done $0x0  }
0xf1: {  	s23 =	stileid.u32;
	[sflag:s17] =	ssyncadd.s32 $0xFFFFC000  }
0xf2: {  	s23 =	sshll.u32 s23, $0x6;
	[bflag:$0x0] =	sbarrier.arrive $0xFFFF  }
0xf3: {  	s24 =	sshrl.u32 s5, $0x3;
	s23 =	sor.u32 $0x1C06, s23;
	s25 =	rddreg [dreg:$0x14]  }
0xf4: {  	[hbm:s25], [sflag:s23] =	dma.local [spmem:s24], $0x2800  }
0xf5: {  	_ =	swait.ge [sflag:s7], $0x2800  }
0xf6: {  	s18 =	sadd.s32 $0x1, s18;
	s25 =	rddreg [dreg:$0x15]  }
0xf7: {  	p0 =	sne.s32 s18, s25  }
.Ltmp2:
0xf8: {  	_ = 	snop;
	(pc) =	sbr.rel @p0 .LBB2_1-.Ltmp2, $3  }
0xf9: {  	_ =	sdelay $0x1  }
0xfa: {  	[sflag:s7] =	ssyncset.done $0x0  }
0xfb: {  	[sflag:s7] =	ssyncadd.s32 $0xFFFFD800  }
0xfc: {  	_ =	sfence.sel $0x180000  }
0xfd: {  	[bflag:$0x0] =	sbarrier.arrive $0xFFFF  }
0xfe: {  	_ =	strace $0x90000056  }
0xff: {  	s0 =	stileid.u32;
	[bflag:$0x2] =	sbarrier.arrive $0xFFFF  }
0x100: {  	p0 =	sne.s32 s0, $0x0;
	s0 =	rddreg [dreg:$0x5]  }
0x101: {  	s0 =	sadd.s32 @!p0 $0x100000, s0  }
0x102: {  	[sflag:s0] =	ssyncadd.tile.s32 @!p0 $0x1;
	_ =	shalt  }
.Lfunc_end2:
_tile_overlayer_lowered:
.L_overlay_start_2:
0x103: {  	(tag) =	ssettag $0x2  }
0x104: {  	s0 =	rddreg [dreg:$0x0];
	s2 =	stileid.u32  }
0x105: {  	s1 =	rddreg [dreg:$0x1];
	p0 =	sne.s32 s2, $0x0  }
0x106: {  	s3 =	rddreg [dreg:$0x2];
	[bflag:$0x3] =	sbarrier.arrive $0xFFFF;
	s2 =	simm.s32 @!p0 $0x1C06  }
0x107: {  	[timem:s3], [sflag:s2] =	dma.local @!p0 [hbm:s0], s1  }
0x108: {  	s0 =	simm.s32 @!p0 $0x6  }
0x109: {  	_ =	swait.ge @!p0 [sflag:s0], s1  }
0x10a: {  	s1 =	ssub.s32 @!p0 $0x0, s1;
	[sflag:s0] =	ssyncset.done @!p0 $0x0  }
0x10b: {  	[sflag:s0] =	ssyncadd.s32 @!p0 s1  }
0x10c: {  	[bflag:$0x3] =	sbarrier.arrive $0xFFFF  }
0x10d: {  	_ =	shalt  }

</sc_bundles>
